<compile_context>
chip_gen: v7x
topology: tpu7x:2x2x1
jax: 0.10.2.dev20260603
libtpu: 0.0.44.dev20260713+nightly
codegen_flags: <defaults>
</compile_context>

<pallas_src>
import jax
import jax.numpy as jnp
from jax import lax
from jax.experimental import pallas as pl
from jax.experimental.pallas import tpu as pltpu
from jax.experimental.pallas import tpu_sc as plsc

N = 10000
NPAD = 10240
E = 160000
EPAD = 163840
D_IN = 256
D_HID = 256
D_OUT = 40
D_OUT_PAD = 64
TRASH = 10016
NC = 2
NS = 16
NW = NC * NS
CHUNK = 128
RPT = NPAD // NS
EPW = EPAD // NW
EPT = EPAD // NS
BLK = 512
HALF = D_HID // 2

_MESH = plsc.VectorSubcoreMesh(
    core_axis_name="c", subcore_axis_name="s", num_cores=NC, num_subcores=NS)



def _deg_body(dst_ref, zero_ref, out_ref, hist_v, dst_v):
    c = lax.axis_index("c")
    s = lax.axis_index("s")
    wid = c * NS + s
    pltpu.sync_copy(zero_ref, hist_v)
    pltpu.sync_copy(dst_ref.at[pl.ds(wid * EPW, EPW)], dst_v)
    ones16 = jnp.full((16,), 1.0, jnp.float32)

    def step(i, carry):
        idx = dst_v[pl.ds(i * 16, 16)]
        plsc.addupdate_scatter(hist_v, [idx], ones16)
        return carry

    lax.fori_loop(0, EPW // 16, step, 0)
    pltpu.sync_copy(hist_v, out_ref.at[wid])


_deg_call = pl.kernel(
    _deg_body,
    out_type=jax.ShapeDtypeStruct((NW, NPAD), jnp.float32),
    mesh=_MESH,
    compiler_params=pltpu.CompilerParams(needs_layout_passes=False),
    scratch_types=[
        pltpu.VMEM((NPAD,), jnp.float32),
        pltpu.VMEM((EPW,), jnp.int32),
    ],
)


NCH = EPT // CHUNK
NPRE = NCH // 2
PROBE_SCATTER = False


def _agg_body(src_ref, dst_ref, h0_ref, h1_ref, out0_ref, out1_ref,
              acc_sp, srcv, dstv, rows0, rows1, sg0, sg1, ss0, ss1):
    c = lax.axis_index("c")
    s = lax.axis_index("s")
    row0 = s * RPT
    bufs = (rows0, rows1)
    gsems = (sg0, sg1)
    ssems = (ss0, ss1)

    arow0 = (s % 8) * RPT
    for cv, href, oref in ((0, h0_ref, out0_ref), (1, h1_ref, out1_ref)):
        @pl.when(c == cv)
        def _():
            plsc.subcore_barrier()

            for half in range(NCH // NPRE):
                pltpu.sync_copy(
                    src_ref.at[s, pl.ds(half * NPRE, NPRE)], srcv)
                pltpu.sync_copy(
                    dst_ref.at[s, pl.ds(half * NPRE, NPRE)], dstv)

                pltpu.async_copy(href.at[srcv.at[0]], rows0, sg0)

                def pair(j, carry):
                    for b in range(2):
                        k = 2 * j + b
                        nb = 1 - b

                        @pl.when(k + 1 < NPRE)
                        def _():
                            if PROBE_SCATTER:
                                @pl.when(k >= 1)
                                def _():
                                    pltpu.make_async_copy(
                                        bufs[nb], acc_sp.at[dstv.at[k - 1]],
                                        ssems[nb]).wait()
                            pltpu.async_copy(href.at[srcv.at[k + 1]],
                                             bufs[nb], gsems[nb])
                        pltpu.make_async_copy(href.at[srcv.at[k]],
                                              bufs[b], gsems[b]).wait()
                        PROBE_SCATTER and pltpu.async_copy(
                            bufs[b], acc_sp.at[dstv.at[k]],
                            ssems[b], add=True)
                    return carry

                lax.fori_loop(0, NPRE // 2, pair, 0)
                if PROBE_SCATTER:
                    pltpu.make_async_copy(bufs[0],
                                          acc_sp.at[dstv.at[NPRE - 2]],
                                          ssems[0]).wait()
                    pltpu.make_async_copy(bufs[1],
                                          acc_sp.at[dstv.at[NPRE - 1]],
                                          ssems[1]).wait()
            plsc.subcore_barrier()
            pltpu.sync_copy(acc_sp.at[pl.ds(arow0, RPT)],
                            oref.at[pl.ds(row0, RPT)])


_agg_call = pl.kernel(
    _agg_body,
    out_type=(jax.ShapeDtypeStruct((NPAD, HALF), jnp.float32),
              jax.ShapeDtypeStruct((NPAD, HALF), jnp.float32)),
    mesh=_MESH,
    scratch_types=[
        pltpu.VMEM_SHARED((NPAD // 2, HALF), jnp.float32),
        pltpu.VMEM((NPRE, CHUNK), jnp.int32),
        pltpu.VMEM((NPRE, CHUNK), jnp.int32),
        pltpu.VMEM((CHUNK, 2 * HALF), jnp.float32),
        pltpu.VMEM((CHUNK, 2 * HALF), jnp.float32),
        pltpu.SemaphoreType.DMA,
        pltpu.SemaphoreType.DMA,
        pltpu.SemaphoreType.DMA,
        pltpu.SemaphoreType.DMA,
    ],
)



def _mm1_body(x_ref, w_ref, deg_ref, h0_ref, h1_ref, dv_ref):
    deg = 1.0 + jnp.sum(deg_ref[...], axis=0)
    dv = lax.rsqrt(deg)[:, None]
    dv_ref[...] = jnp.broadcast_to(dv, (BLK, 16))
    h = jnp.dot(x_ref[...], w_ref[...], preferred_element_type=jnp.float32)
    hs = h * dv
    h0_ref[...] = hs
    h1_ref[...] = hs


_mm1_call = pl.pallas_call(
    _mm1_body,
    grid=(NPAD // BLK,),
    in_specs=[
        pl.BlockSpec((BLK, D_IN), lambda i: (i, 0)),
        pl.BlockSpec((D_IN, D_HID), lambda i: (0, 0)),
        pl.BlockSpec((NW, BLK), lambda i: (0, i)),
    ],
    out_specs=[
        pl.BlockSpec((BLK, 2 * HALF), lambda i: (i, 0)),
        pl.BlockSpec((BLK, 2 * HALF), lambda i: (i, 0)),
        pl.BlockSpec((BLK, 16), lambda i: (i, 0)),
    ],
    out_shape=[
        jax.ShapeDtypeStruct((NPAD, 2 * HALF), jnp.float32),
        jax.ShapeDtypeStruct((NPAD, 2 * HALF), jnp.float32),
        jax.ShapeDtypeStruct((NPAD, 16), jnp.float32),
    ],
)


def _mid_body(a0_ref, a1_ref, dv_ref, b1_ref, g0_ref, g1_ref):
    dv = dv_ref[:, :1]
    h = jnp.concatenate([a0_ref[...], a1_ref[...]], axis=1) * dv + b1_ref[...]
    g = jnp.maximum(h, 0.0) * dv
    g0_ref[...] = g
    g1_ref[...] = g


_mid_call = pl.pallas_call(
    _mid_body,
    grid=(NPAD // BLK,),
    in_specs=[
        pl.BlockSpec((BLK, HALF), lambda i: (i, 0)),
        pl.BlockSpec((BLK, HALF), lambda i: (i, 0)),
        pl.BlockSpec((BLK, 16), lambda i: (i, 0)),
        pl.BlockSpec((1, D_HID), lambda i: (0, 0)),
    ],
    out_specs=[
        pl.BlockSpec((BLK, 2 * HALF), lambda i: (i, 0)),
        pl.BlockSpec((BLK, 2 * HALF), lambda i: (i, 0)),
    ],
    out_shape=[
        jax.ShapeDtypeStruct((NPAD, 2 * HALF), jnp.float32),
        jax.ShapeDtypeStruct((NPAD, 2 * HALF), jnp.float32),
    ],
)


def _fin_body(a0_ref, a1_ref, dv_ref, w2_ref, b2_ref, o_ref):
    t = jnp.concatenate([a0_ref[...], a1_ref[...]], axis=1) * dv_ref[:, :1]
    o_ref[...] = (jnp.dot(t, w2_ref[...], preferred_element_type=jnp.float32)
                  + b2_ref[...])


_fin_call = pl.pallas_call(
    _fin_body,
    grid=(NPAD // BLK,),
    in_specs=[
        pl.BlockSpec((BLK, HALF), lambda i: (i, 0)),
        pl.BlockSpec((BLK, HALF), lambda i: (i, 0)),
        pl.BlockSpec((BLK, 16), lambda i: (i, 0)),
        pl.BlockSpec((D_HID, D_OUT_PAD), lambda i: (0, 0)),
        pl.BlockSpec((1, D_OUT_PAD), lambda i: (0, 0)),
    ],
    out_specs=pl.BlockSpec((BLK, D_OUT_PAD), lambda i: (i, 0)),
    out_shape=jax.ShapeDtypeStruct((NPAD, D_OUT_PAD), jnp.float32),
)



def kernel(x, edge_index, W1, b1, W2, b2):
    src = edge_index[0].astype(jnp.int32)
    dst = edge_index[1].astype(jnp.int32)
    srcp = jnp.concatenate([src, jnp.zeros((EPAD - E,), jnp.int32)])
    dstp = jnp.concatenate([dst, jnp.full((EPAD - E,), TRASH, jnp.int32)])
    xp = jnp.concatenate([x, jnp.zeros((NPAD - N, D_IN), x.dtype)])
    zeros_n = jnp.zeros((NPAD,), jnp.float32)
    W2p = jnp.concatenate(
        [W2, jnp.zeros((D_HID, D_OUT_PAD - D_OUT), W2.dtype)], axis=1)
    b1r = b1.reshape(1, D_HID)
    b2r = jnp.concatenate(
        [b2, jnp.zeros((D_OUT_PAD - D_OUT,), b2.dtype)]).reshape(1, D_OUT_PAD)

    src3 = srcp.reshape(NS, NCH, CHUNK)
    dst3 = dstp.reshape(NS, NCH, CHUNK)

    deg = _deg_call(dstp, zeros_n)
    h1s0, h1s1, dinv16 = _mm1_call(xp, W1, deg)
    a10, a11 = _agg_call(src3, dst3, h1s0, h1s1)
    g0, g1 = _mid_call(a10, a11, dinv16, b1r)
    a20, a21 = _agg_call(src3, dst3, g0, g1)
    out = _fin_call(a20, a21, dinv16, W2p, b2r)
    return out[:N, :D_OUT]

# --- scband reference (transcript-rebuilt; emitter-appended) ---
"""Pipeline reference for scband-gcn-11682311045663 (READ-ONLY COPY).

The authoritative reference and input builder live on the scoring server;
editing this copy changes nothing except your own understanding.
"""

import jax, jax.numpy as jnp
import numpy as np

N_NODES = 10000
N_EDGES = 160000
D_IN = 256
D_HID = 256
D_OUT = 40


def setup_inputs(seed: int = 0) -> dict:
    key = jax.random.key(seed)
    k1, k2, k3, k4, k5, k6 = jax.random.split(key, 6)
    x = jax.random.normal(k1, (N_NODES, D_IN), dtype=jnp.float32)
    edge_index = jax.random.randint(k2, (2, N_EDGES), 0, N_NODES, dtype=jnp.int64)
    # Glorot-initialized GCNConv weights, zero bias (PyG defaults)
    s1 = (6.0 / (D_IN + D_HID)) ** 0.5
    W1 = jax.random.uniform(k3, (D_IN, D_HID), dtype=jnp.float32, minval=-s1, maxval=s1)
    b1 = jnp.zeros((D_HID,), dtype=jnp.float32)
    s2 = (6.0 / (D_HID + D_OUT)) ** 0.5
    W2 = jax.random.uniform(k4, (D_HID, D_OUT), dtype=jnp.float32, minval=-s2, maxval=s2)
    b2 = jnp.zeros((D_OUT,), dtype=jnp.float32)
    return {"x": x, "edge_index": edge_index, "W1": W1, "b1": b1, "W2": W2, "b2": b2}


def _gcn_conv(x, src, dst, W, b, num_nodes):
    # GCNConv: add self-loops, symmetric D^{-1/2} (A+I) D^{-1/2} normalization
    loop = jnp.arange(num_nodes, dtype=src.dtype)
    src_l = jnp.concatenate([src, loop])
    dst_l = jnp.concatenate([dst, loop])
    deg = jnp.zeros((num_nodes,), dtype=x.dtype).at[dst_l].add(1.0)
    dinv = jnp.where(deg > 0, deg ** -0.5, 0.0)
    norm = dinv[src_l] * dinv[dst_l]
    h = x @ W
    msg = jnp.take(h, src_l, axis=0) * norm[:, None]
    out = jax.ops.segment_sum(msg, dst_l, num_segments=num_nodes)
    return out + b


def reference(x, edge_index, W1, b1, W2, b2):
    src = edge_index[0]
    dst = edge_index[1]
    h = _gcn_conv(x, src, dst, W1, b1, N_NODES)
    h = jax.nn.relu(h)
    # F.dropout(p=0.5, training=self.training): identity in eval mode
    out = _gcn_conv(h, src, dst, W2, b2, N_NODES)
    return out

if __name__ == "__main__":
    import jax
    _d = setup_inputs()
    print(jax.jit(kernel)(*tuple(_d.values())))

</pallas_src>

<mosaic_0001>
#map = affine_map<(d0, d1) -> (0)>
#map1 = affine_map<(d0, d1) -> (0, 0)>
module attributes {stable_mosaic.version = 14 : i64} {
  func.func @_deg_body(%arg0: i32, %arg1: i32, %arg2: memref<163840xi32, #tpu.memory_space<hbm>>, %arg3: memref<10240xf32, #tpu.memory_space<hbm>>, %arg4: memref<32x10240xf32, #tpu.memory_space<hbm>>, %arg5: memref<10240xf32, #tpu.memory_space<vmem>>, %arg6: memref<5120xi32, #tpu.memory_space<vmem>>) attributes {dimension_semantics = [#tpu.dimension_semantics<core_parallel>, #tpu.dimension_semantics<subcore_parallel>], iteration_bounds = array<i64: 2, 16>, scalar_prefetch = 0 : i64, scratch_operands = 2 : i64, tpu.core_type = #tpu.core_type<sc_vector_subcore>, window_params = [{transform_indices = #map}, {transform_indices = #map}, {transform_indices = #map1}]} {
    %mul3A = arith.constant 16 : i32
    %mul3A_0 = arith.muli %arg0, %mul3A : i32
    %add3A = arith.addi %mul3A_0, %arg1 : i32
    "tpu.region"() ({
      %run_scoped3A = tpu.sem_alloc : memref<!tpu.dma_semaphore, #tpu.memory_space<semaphore_mem>>
      tpu.enqueue_dma source(%arg3 : memref<10240xf32, #tpu.memory_space<hbm>>) target(%arg5 : memref<10240xf32, #tpu.memory_space<vmem>>) target_semaphore(%run_scoped3A : memref<!tpu.dma_semaphore, #tpu.memory_space<semaphore_mem>>)
      tpu.wait_dma2 semaphore(%run_scoped3A : memref<!tpu.dma_semaphore, #tpu.memory_space<semaphore_mem>>) src(%arg3 : memref<10240xf32, #tpu.memory_space<hbm>>) dst(%arg5 : memref<10240xf32, #tpu.memory_space<vmem>>)
      tpu.yield
    }) : () -> ()
    %mul3A_1 = arith.constant 5120 : i32
    %mul3A_2 = arith.muli %add3A, %mul3A_1 : i32
    "tpu.region"() ({
      %run_scoped3A = tpu.sem_alloc : memref<!tpu.dma_semaphore, #tpu.memory_space<semaphore_mem>>
      %dma_start3A = tpu.memref_slice %arg2[%mul3A_2] : memref<163840xi32, #tpu.memory_space<hbm>> -> memref<5120xi32, #tpu.memory_space<hbm>>
      %dma_start3A_9 = tpu.memref_slice %arg2[%mul3A_2] : memref<163840xi32, #tpu.memory_space<hbm>> -> memref<5120xi32, #tpu.memory_space<hbm>>
      tpu.enqueue_dma source(%dma_start3A_9 : memref<5120xi32, #tpu.memory_space<hbm>>) target(%arg6 : memref<5120xi32, #tpu.memory_space<vmem>>) target_semaphore(%run_scoped3A : memref<!tpu.dma_semaphore, #tpu.memory_space<semaphore_mem>>)
      %dma_wait3A = tpu.memref_slice %arg2[%mul3A_2] : memref<163840xi32, #tpu.memory_space<hbm>> -> memref<5120xi32, #tpu.memory_space<hbm>>
      %dma_wait3A_10 = tpu.memref_slice %arg2[%mul3A_2] : memref<163840xi32, #tpu.memory_space<hbm>> -> memref<5120xi32, #tpu.memory_space<hbm>>
      tpu.wait_dma2 semaphore(%run_scoped3A : memref<!tpu.dma_semaphore, #tpu.memory_space<semaphore_mem>>) src(%dma_wait3A_10 : memref<5120xi32, #tpu.memory_space<hbm>>) dst(%arg6 : memref<5120xi32, #tpu.memory_space<vmem>>)
      tpu.yield
    }) : () -> ()
    %broadcast_in_dim3A = arith.constant 1.000000e+00 : f32
    %broadcast_in_dim3A_3 = vector.broadcast %broadcast_in_dim3A : f32 to vector<16xf32>
    %scan3A = arith.constant 0 : i32
    %scan3A_4 = arith.constant 0 : i32
    %scan3A_5 = arith.constant 320 : i32
    %scan3A_6 = arith.addi %scan3A_4, %scan3A_5 : i32
    %scan3A_7 = arith.constant 1 : i32
    scf.for %scan3A_9 = %scan3A_4 to %scan3A_6 step %scan3A_7  : i32 {
      %mul3A_10 = arith.constant 16 : i32
      %mul3A_11 = arith.muli %scan3A_9, %mul3A_10 : i32
      %get3A = arith.index_cast %mul3A_11 : i32 to index
      %get3A_12 = tpu.vector_load %arg6[%get3A] {strides = array<i32>} : memref<5120xi32, #tpu.memory_space<vmem>>, vector<16xi32>,
      tpu.vector_store_idx %arg5[%get3A_12], %broadcast_in_dim3A_3 {add = true} : memref<10240xf32, #tpu.memory_space<vmem>>[vector<16xi32>], vector<16xf32>,
    }
    %scan3A_8 = arith.constant 320 : i32
    "tpu.region"() ({
      %run_scoped3A = tpu.sem_alloc : memref<!tpu.dma_semaphore, #tpu.memory_space<semaphore_mem>>
      %dma_start3A = arith.constant 0 : i32
      %dma_start3A_9 = tpu.memref_slice %arg4[%add3A, %dma_start3A] : memref<32x10240xf32, #tpu.memory_space<hbm>> -> memref<1x10240xf32, #tpu.memory_space<hbm>>
      %dma_start3A_10 = tpu.memref_squeeze %dma_start3A_9 : memref<1x10240xf32, #tpu.memory_space<hbm>> -> memref<10240xf32, #tpu.memory_space<hbm>>
      %dma_start3A_11 = arith.constant 0 : i32
      %dma_start3A_12 = tpu.memref_slice %arg4[%add3A, %dma_start3A_11] : memref<32x10240xf32, #tpu.memory_space<hbm>> -> memref<1x10240xf32, #tpu.memory_space<hbm>>
      %dma_start3A_13 = tpu.memref_squeeze %dma_start3A_12 : memref<1x10240xf32, #tpu.memory_space<hbm>> -> memref<10240xf32, #tpu.memory_space<hbm>>
      tpu.enqueue_dma source(%arg5 : memref<10240xf32, #tpu.memory_space<vmem>>) target(%dma_start3A_13 : memref<10240xf32, #tpu.memory_space<hbm>>) target_semaphore(%run_scoped3A : memref<!tpu.dma_semaphore, #tpu.memory_space<semaphore_mem>>)
      %dma_wait3A = arith.constant 0 : i32
      %dma_wait3A_14 = tpu.memref_slice %arg4[%add3A, %dma_wait3A] : memref<32x10240xf32, #tpu.memory_space<hbm>> -> memref<1x10240xf32, #tpu.memory_space<hbm>>
      %dma_wait3A_15 = tpu.memref_squeeze %dma_wait3A_14 : memref<1x10240xf32, #tpu.memory_space<hbm>> -> memref<10240xf32, #tpu.memory_space<hbm>>
      %dma_wait3A_16 = arith.constant 0 : i32
      %dma_wait3A_17 = tpu.memref_slice %arg4[%add3A, %dma_wait3A_16] : memref<32x10240xf32, #tpu.memory_space<hbm>> -> memref<1x10240xf32, #tpu.memory_space<hbm>>
      %dma_wait3A_18 = tpu.memref_squeeze %dma_wait3A_17 : memref<1x10240xf32, #tpu.memory_space<hbm>> -> memref<10240xf32, #tpu.memory_space<hbm>>
      tpu.wait_dma2 semaphore(%run_scoped3A : memref<!tpu.dma_semaphore, #tpu.memory_space<semaphore_mem>>) src(%arg5 : memref<10240xf32, #tpu.memory_space<vmem>>) dst(%dma_wait3A_18 : memref<10240xf32, #tpu.memory_space<hbm>>)
      tpu.yield
    }) : () -> ()
    return
  }
}

#map = affine_map<(d0, d1) -> (0, 0, 0)>
#map1 = affine_map<(d0, d1) -> (0, 0)>
module attributes {stable_mosaic.version = 14 : i64} {
  func.func @_agg_body(%arg0: i32, %arg1: i32, %arg2: memref<16x80x128xi32, #tpu.memory_space<hbm>>, %arg3: memref<16x80x128xi32, #tpu.memory_space<hbm>>, %arg4: memref<10240x256xf32, #tpu.memory_space<hbm>>, %arg5: memref<10240x256xf32, #tpu.memory_space<hbm>>, %arg6: memref<10240x128xf32, #tpu.memory_space<hbm>>, %arg7: memref<10240x128xf32, #tpu.memory_space<hbm>>, %arg8: memref<5120x128xf32, #tpu.memory_space<vmem_shared>>, %arg9: memref<40x128xi32, #tpu.memory_space<vmem>>, %arg10: memref<40x128xi32, #tpu.memory_space<vmem>>, %arg11: memref<128x256xf32, #tpu.memory_space<vmem>>, %arg12: memref<128x256xf32, #tpu.memory_space<vmem>>, %arg13: memref<!tpu.dma_semaphore, #tpu.memory_space<semaphore_mem>>, %arg14: memref<!tpu.dma_semaphore, #tpu.memory_space<semaphore_mem>>, %arg15: memref<!tpu.dma_semaphore, #tpu.memory_space<semaphore_mem>>, %arg16: memref<!tpu.dma_semaphore, #tpu.memory_space<semaphore_mem>>) attributes {dimension_semantics = [#tpu.dimension_semantics<core_parallel>, #tpu.dimension_semantics<subcore_parallel>], iteration_bounds = array<i64: 2, 16>, scalar_prefetch = 0 : i64, scratch_operands = 9 : i64, tpu.core_type = #tpu.core_type<sc_vector_subcore>, window_params = [{transform_indices = #map}, {transform_indices = #map}, {transform_indices = #map1}, {transform_indices = #map1}, {transform_indices = #map1}, {transform_indices = #map1}]} {
    %mul3A = arith.constant 640 : i32
    %mul3A_0 = arith.muli %arg1, %mul3A : i32
    %jit3A = arith.constant 8 : i32
    %eq3A = arith.constant 0 : i32
    %eq3A_1 = arith.cmpi eq, %jit3A, %eq3A : i32
    %jit3A_2 = arith.constant 1 : i32
    %select_n3A = arith.select %eq3A_1, %jit3A_2, %jit3A : i32
    %rem3A = arith.remsi %arg1, %select_n3A : i32
    %ne3A = arith.constant 0 : i32
    %ne3A_3 = arith.cmpi ne, %rem3A, %ne3A : i32
    %lt3A = arith.constant 0 : i32
    %lt3A_4 = arith.cmpi slt, %rem3A, %lt3A : i32
    %lt3A_5 = arith.constant 0 : i32
    %lt3A_6 = arith.cmpi slt, %select_n3A, %lt3A_5 : i32
    %ne3A_7 = arith.xori %lt3A_4, %lt3A_6 : i1
    %and3A = arith.andi %ne3A_7, %ne3A_3 : i1
    %add3A = arith.addi %rem3A, %select_n3A : i32
    %select_n3A_8 = arith.select %and3A, %add3A, %rem3A : i32
    %mul3A_9 = arith.constant 640 : i32
    %mul3A_10 = arith.muli %select_n3A_8, %mul3A_9 : i32
    %eq3A_11 = arith.constant 0 : i32
    %eq3A_12 = arith.cmpi eq, %arg0, %eq3A_11 : i32
    %convert_element_type3A = arith.extui %eq3A_12 : i1 to i32
    %cond3A = arith.constant 0 : i32
    %cond3A_13 = arith.cmpi ne, %convert_element_type3A, %cond3A : i32
    scf.if %cond3A_13 {
      %barrier3A = arith.constant 0 : index
      tpu.barrier barrier_id(%barrier3A)
      "tpu.region"() ({
        %run_scoped3A = tpu.sem_alloc : memref<!tpu.dma_semaphore, #tpu.memory_space<semaphore_mem>>
        %dma_start3A_44 = arith.constant 0 : i32
        %dma_start3A_45 = arith.constant 0 : i32
        %dma_start3A_46 = tpu.memref_slice %arg2[%arg1, %dma_start3A_44, %dma_start3A_45] : memref<16x80x128xi32, #tpu.memory_space<hbm>> -> memref<1x40x128xi32, #tpu.memory_space<hbm>>
        %dma_start3A_47 = tpu.memref_squeeze %dma_start3A_46 : memref<1x40x128xi32, #tpu.memory_space<hbm>> -> memref<40x128xi32, #tpu.memory_space<hbm>>
        %dma_start3A_48 = arith.constant 0 : i32
        %dma_start3A_49 = arith.constant 0 : i32
        %dma_start3A_50 = tpu.memref_slice %arg2[%arg1, %dma_start3A_48, %dma_start3A_49] : memref<16x80x128xi32, #tpu.memory_space<hbm>> -> memref<1x40x128xi32, #tpu.memory_space<hbm>>
        %dma_start3A_51 = tpu.memref_squeeze %dma_start3A_50 : memref<1x40x128xi32, #tpu.memory_space<hbm>> -> memref<40x128xi32, #tpu.memory_space<hbm>>
        tpu.enqueue_dma source(%dma_start3A_51 : memref<40x128xi32, #tpu.memory_space<hbm>>) target(%arg9 : memref<40x128xi32, #tpu.memory_space<vmem>>) target_semaphore(%run_scoped3A : memref<!tpu.dma_semaphore, #tpu.memory_space<semaphore_mem>>)
        %dma_wait3A = arith.constant 0 : i32
        %dma_wait3A_52 = arith.constant 0 : i32
        %dma_wait3A_53 = tpu.memref_slice %arg2[%arg1, %dma_wait3A, %dma_wait3A_52] : memref<16x80x128xi32, #tpu.memory_space<hbm>> -> memref<1x40x128xi32, #tpu.memory_space<hbm>>
        %dma_wait3A_54 = tpu.memref_squeeze %dma_wait3A_53 : memref<1x40x128xi32, #tpu.memory_space<hbm>> -> memref<40x128xi32, #tpu.memory_space<hbm>>
        %dma_wait3A_55 = arith.constant 0 : i32
        %dma_wait3A_56 = arith.constant 0 : i32
        %dma_wait3A_57 = tpu.memref_slice %arg2[%arg1, %dma_wait3A_55, %dma_wait3A_56] : memref<16x80x128xi32, #tpu.memory_space<hbm>> -> memref<1x40x128xi32, #tpu.memory_space<hbm>>
        %dma_wait3A_58 = tpu.memref_squeeze %dma_wait3A_57 : memref<1x40x128xi32, #tpu.memory_space<hbm>> -> memref<40x128xi32, #tpu.memory_space<hbm>>
        tpu.wait_dma2 semaphore(%run_scoped3A : memref<!tpu.dma_semaphore, #tpu.memory_space<semaphore_mem>>) src(%dma_wait3A_58 : memref<40x128xi32, #tpu.memory_space<hbm>>) dst(%arg9 : memref<40x128xi32, #tpu.memory_space<vmem>>)
        tpu.yield
      }) : () -> ()
      "tpu.region"() ({
        %run_scoped3A = tpu.sem_alloc : memref<!tpu.dma_semaphore, #tpu.memory_space<semaphore_mem>>
        %dma_start3A_44 = arith.constant 0 : i32
        %dma_start3A_45 = arith.constant 0 : i32
        %dma_start3A_46 = tpu.memref_slice %arg3[%arg1, %dma_start3A_44, %dma_start3A_45] : memref<16x80x128xi32, #tpu.memory_space<hbm>> -> memref<1x40x128xi32, #tpu.memory_space<hbm>>
        %dma_start3A_47 = tpu.memref_squeeze %dma_start3A_46 : memref<1x40x128xi32, #tpu.memory_space<hbm>> -> memref<40x128xi32, #tpu.memory_space<hbm>>
        %dma_start3A_48 = arith.constant 0 : i32
        %dma_start3A_49 = arith.constant 0 : i32
        %dma_start3A_50 = tpu.memref_slice %arg3[%arg1, %dma_start3A_48, %dma_start3A_49] : memref<16x80x128xi32, #tpu.memory_space<hbm>> -> memref<1x40x128xi32, #tpu.memory_space<hbm>>
        %dma_start3A_51 = tpu.memref_squeeze %dma_start3A_50 : memref<1x40x128xi32, #tpu.memory_space<hbm>> -> memref<40x128xi32, #tpu.memory_space<hbm>>
        tpu.enqueue_dma source(%dma_start3A_51 : memref<40x128xi32, #tpu.memory_space<hbm>>) target(%arg10 : memref<40x128xi32, #tpu.memory_space<vmem>>) target_semaphore(%run_scoped3A : memref<!tpu.dma_semaphore, #tpu.memory_space<semaphore_mem>>)
        %dma_wait3A = arith.constant 0 : i32
        %dma_wait3A_52 = arith.constant 0 : i32
        %dma_wait3A_53 = tpu.memref_slice %arg3[%arg1, %dma_wait3A, %dma_wait3A_52] : memref<16x80x128xi32, #tpu.memory_space<hbm>> -> memref<1x40x128xi32, #tpu.memory_space<hbm>>
        %dma_wait3A_54 = tpu.memref_squeeze %dma_wait3A_53 : memref<1x40x128xi32, #tpu.memory_space<hbm>> -> memref<40x128xi32, #tpu.memory_space<hbm>>
        %dma_wait3A_55 = arith.constant 0 : i32
        %dma_wait3A_56 = arith.constant 0 : i32
        %dma_wait3A_57 = tpu.memref_slice %arg3[%arg1, %dma_wait3A_55, %dma_wait3A_56] : memref<16x80x128xi32, #tpu.memory_space<hbm>> -> memref<1x40x128xi32, #tpu.memory_space<hbm>>
        %dma_wait3A_58 = tpu.memref_squeeze %dma_wait3A_57 : memref<1x40x128xi32, #tpu.memory_space<hbm>> -> memref<40x128xi32, #tpu.memory_space<hbm>>
        tpu.wait_dma2 semaphore(%run_scoped3A : memref<!tpu.dma_semaphore, #tpu.memory_space<semaphore_mem>>) src(%dma_wait3A_58 : memref<40x128xi32, #tpu.memory_space<hbm>>) dst(%arg10 : memref<40x128xi32, #tpu.memory_space<vmem>>)
        tpu.yield
      }) : () -> ()
      %dma_start3A = arith.constant 0 : i32
      %dma_start3A_19 = arith.constant 0 : i32
      %dma_start3A_20 = tpu.memref_slice %arg9[%dma_start3A, %dma_start3A_19] : memref<40x128xi32, #tpu.memory_space<vmem>> -> memref<1x128xi32, #tpu.memory_space<vmem>>
      %dma_start3A_21 = tpu.memref_squeeze %dma_start3A_20 : memref<1x128xi32, #tpu.memory_space<vmem>> -> memref<128xi32, #tpu.memory_space<vmem>>
      %dma_start3A_22 = arith.constant 0 : i32
      %dma_start3A_23 = arith.constant 0 : i32
      %dma_start3A_24 = tpu.memref_slice %arg4[%dma_start3A_22, %dma_start3A_23] : memref<10240x256xf32, #tpu.memory_space<hbm>> -> memref<10240x256xf32, #tpu.memory_space<hbm>>
      tpu.enqueue_indirect_dma source(%dma_start3A_24 : memref<10240x256xf32, #tpu.memory_space<hbm>>) target(%arg11 : memref<128x256xf32, #tpu.memory_space<vmem>>) offsets(%dma_start3A_21 : memref<128xi32, #tpu.memory_space<vmem>>) semaphore(%arg13 : memref<!tpu.dma_semaphore, #tpu.memory_space<semaphore_mem>>)
      %scan3A = arith.constant 0 : i32
      %scan3A_25 = arith.constant 0 : i32
      %scan3A_26 = arith.constant 20 : i32
      %scan3A_27 = arith.addi %scan3A_25, %scan3A_26 : i32
      %scan3A_28 = arith.constant 1 : i32
      scf.for %scan3A_44 = %scan3A_25 to %scan3A_27 step %scan3A_28  : i32 {
        %mul3A_45 = arith.constant 2 : i32
        %mul3A_46 = arith.muli %mul3A_45, %scan3A_44 : i32
        %add3A_47 = arith.constant 0 : i32
        %add3A_48 = arith.addi %mul3A_46, %add3A_47 : i32
        %add3A_49 = arith.constant 1 : i32
        %add3A_50 = arith.addi %add3A_48, %add3A_49 : i32
        %lt3A_51 = arith.constant 40 : i32
        %lt3A_52 = arith.cmpi slt, %add3A_50, %lt3A_51 : i32
        %convert_element_type3A_53 = arith.extui %lt3A_52 : i1 to i32
        %cond3A_54 = arith.constant 0 : i32
        %cond3A_55 = arith.cmpi ne, %convert_element_type3A_53, %cond3A_54 : i32
        scf.if %cond3A_55 {
          %add3A_78 = arith.constant 1 : i32
          %add3A_79 = arith.addi %add3A_48, %add3A_78 : i32
          %dma_start3A_80 = arith.constant 0 : i32
          %dma_start3A_81 = tpu.memref_slice %arg9[%add3A_79, %dma_start3A_80] : memref<40x128xi32, #tpu.memory_space<vmem>> -> memref<1x128xi32, #tpu.memory_space<vmem>>
          %dma_start3A_82 = tpu.memref_squeeze %dma_start3A_81 : memref<1x128xi32, #tpu.memory_space<vmem>> -> memref<128xi32, #tpu.memory_space<vmem>>
          %dma_start3A_83 = arith.constant 0 : i32
          %dma_start3A_84 = arith.constant 0 : i32
          %dma_start3A_85 = tpu.memref_slice %arg4[%dma_start3A_83, %dma_start3A_84] : memref<10240x256xf32, #tpu.memory_space<hbm>> -> memref<10240x256xf32, #tpu.memory_space<hbm>>
          tpu.enqueue_indirect_dma source(%dma_start3A_85 : memref<10240x256xf32, #tpu.memory_space<hbm>>) target(%arg12 : memref<128x256xf32, #tpu.memory_space<vmem>>) offsets(%dma_start3A_82 : memref<128xi32, #tpu.memory_space<vmem>>) semaphore(%arg14 : memref<!tpu.dma_semaphore, #tpu.memory_space<semaphore_mem>>)
        } else {
        }
        %dma_wait3A = arith.constant 0 : i32
        %dma_wait3A_56 = tpu.memref_slice %arg9[%add3A_48, %dma_wait3A] : memref<40x128xi32, #tpu.memory_space<vmem>> -> memref<1x128xi32, #tpu.memory_space<vmem>>
        %dma_wait3A_57 = tpu.memref_squeeze %dma_wait3A_56 : memref<1x128xi32, #tpu.memory_space<vmem>> -> memref<128xi32, #tpu.memory_space<vmem>>
        %dma_wait3A_58 = arith.constant 0 : i32
        %dma_wait3A_59 = arith.constant 0 : i32
        %dma_wait3A_60 = tpu.memref_slice %arg4[%dma_wait3A_58, %dma_wait3A_59] : memref<10240x256xf32, #tpu.memory_space<hbm>> -> memref<10240x256xf32, #tpu.memory_space<hbm>>
        tpu.wait_indirect_dma semaphore(%arg13 : memref<!tpu.dma_semaphore, #tpu.memory_space<semaphore_mem>>) src(%dma_wait3A_60 : memref<10240x256xf32, #tpu.memory_space<hbm>>) dst(%arg11 : memref<128x256xf32, #tpu.memory_space<vmem>>)
        %mul3A_61 = arith.constant 2 : i32
        %mul3A_62 = arith.muli %mul3A_61, %scan3A_44 : i32
        %add3A_63 = arith.constant 1 : i32
        %add3A_64 = arith.addi %mul3A_62, %add3A_63 : i32
        %add3A_65 = arith.constant 1 : i32
        %add3A_66 = arith.addi %add3A_64, %add3A_65 : i32
        %lt3A_67 = arith.constant 40 : i32
        %lt3A_68 = arith.cmpi slt, %add3A_66, %lt3A_67 : i32
        %convert_element_type3A_69 = arith.extui %lt3A_68 : i1 to i32
        %cond3A_70 = arith.constant 0 : i32
        %cond3A_71 = arith.cmpi ne, %convert_element_type3A_69, %cond3A_70 : i32
        scf.if %cond3A_71 {
          %add3A_78 = arith.constant 1 : i32
          %add3A_79 = arith.addi %add3A_64, %add3A_78 : i32
          %dma_start3A_80 = arith.constant 0 : i32
          %dma_start3A_81 = tpu.memref_slice %arg9[%add3A_79, %dma_start3A_80] : memref<40x128xi32, #tpu.memory_space<vmem>> -> memref<1x128xi32, #tpu.memory_space<vmem>>
          %dma_start3A_82 = tpu.memref_squeeze %dma_start3A_81 : memref<1x128xi32, #tpu.memory_space<vmem>> -> memref<128xi32, #tpu.memory_space<vmem>>
          %dma_start3A_83 = arith.constant 0 : i32
          %dma_start3A_84 = arith.constant 0 : i32
          %dma_start3A_85 = tpu.memref_slice %arg4[%dma_start3A_83, %dma_start3A_84] : memref<10240x256xf32, #tpu.memory_space<hbm>> -> memref<10240x256xf32, #tpu.memory_space<hbm>>
          tpu.enqueue_indirect_dma source(%dma_start3A_85 : memref<10240x256xf32, #tpu.memory_space<hbm>>) target(%arg11 : memref<128x256xf32, #tpu.memory_space<vmem>>) offsets(%dma_start3A_82 : memref<128xi32, #tpu.memory_space<vmem>>) semaphore(%arg13 : memref<!tpu.dma_semaphore, #tpu.memory_space<semaphore_mem>>)
        } else {
        }
        %dma_wait3A_72 = arith.constant 0 : i32
        %dma_wait3A_73 = tpu.memref_slice %arg9[%add3A_64, %dma_wait3A_72] : memref<40x128xi32, #tpu.memory_space<vmem>> -> memref<1x128xi32, #tpu.memory_space<vmem>>
        %dma_wait3A_74 = tpu.memref_squeeze %dma_wait3A_73 : memref<1x128xi32, #tpu.memory_space<vmem>> -> memref<128xi32, #tpu.memory_space<vmem>>
        %dma_wait3A_75 = arith.constant 0 : i32
        %dma_wait3A_76 = arith.constant 0 : i32
        %dma_wait3A_77 = tpu.memref_slice %arg4[%dma_wait3A_75, %dma_wait3A_76] : memref<10240x256xf32, #tpu.memory_space<hbm>> -> memref<10240x256xf32, #tpu.memory_space<hbm>>
        tpu.wait_indirect_dma semaphore(%arg14 : memref<!tpu.dma_semaphore, #tpu.memory_space<semaphore_mem>>) src(%dma_wait3A_77 : memref<10240x256xf32, #tpu.memory_space<hbm>>) dst(%arg12 : memref<128x256xf32, #tpu.memory_space<vmem>>)
      }
      %scan3A_29 = arith.constant 20 : i32
      "tpu.region"() ({
        %run_scoped3A = tpu.sem_alloc : memref<!tpu.dma_semaphore, #tpu.memory_space<semaphore_mem>>
        %dma_start3A_44 = arith.constant 40 : i32
        %dma_start3A_45 = arith.constant 0 : i32
        %dma_start3A_46 = tpu.memref_slice %arg2[%arg1, %dma_start3A_44, %dma_start3A_45] : memref<16x80x128xi32, #tpu.memory_space<hbm>> -> memref<1x40x128xi32, #tpu.memory_space<hbm>>
        %dma_start3A_47 = tpu.memref_squeeze %dma_start3A_46 : memref<1x40x128xi32, #tpu.memory_space<hbm>> -> memref<40x128xi32, #tpu.memory_space<hbm>>
        %dma_start3A_48 = arith.constant 40 : i32
        %dma_start3A_49 = arith.constant 0 : i32
        %dma_start3A_50 = tpu.memref_slice %arg2[%arg1, %dma_start3A_48, %dma_start3A_49] : memref<16x80x128xi32, #tpu.memory_space<hbm>> -> memref<1x40x128xi32, #tpu.memory_space<hbm>>
        %dma_start3A_51 = tpu.memref_squeeze %dma_start3A_50 : memref<1x40x128xi32, #tpu.memory_space<hbm>> -> memref<40x128xi32, #tpu.memory_space<hbm>>
        tpu.enqueue_dma source(%dma_start3A_51 : memref<40x128xi32, #tpu.memory_space<hbm>>) target(%arg9 : memref<40x128xi32, #tpu.memory_space<vmem>>) target_semaphore(%run_scoped3A : memref<!tpu.dma_semaphore, #tpu.memory_space<semaphore_mem>>)
        %dma_wait3A = arith.constant 40 : i32
        %dma_wait3A_52 = arith.constant 0 : i32
        %dma_wait3A_53 = tpu.memref_slice %arg2[%arg1, %dma_wait3A, %dma_wait3A_52] : memref<16x80x128xi32, #tpu.memory_space<hbm>> -> memref<1x40x128xi32, #tpu.memory_space<hbm>>
        %dma_wait3A_54 = tpu.memref_squeeze %dma_wait3A_53 : memref<1x40x128xi32, #tpu.memory_space<hbm>> -> memref<40x128xi32, #tpu.memory_space<hbm>>
        %dma_wait3A_55 = arith.constant 40 : i32
        %dma_wait3A_56 = arith.constant 0 : i32
        %dma_wait3A_57 = tpu.memref_slice %arg2[%arg1, %dma_wait3A_55, %dma_wait3A_56] : memref<16x80x128xi32, #tpu.memory_space<hbm>> -> memref<1x40x128xi32, #tpu.memory_space<hbm>>
        %dma_wait3A_58 = tpu.memref_squeeze %dma_wait3A_57 : memref<1x40x128xi32, #tpu.memory_space<hbm>> -> memref<40x128xi32, #tpu.memory_space<hbm>>
        tpu.wait_dma2 semaphore(%run_scoped3A : memref<!tpu.dma_semaphore, #tpu.memory_space<semaphore_mem>>) src(%dma_wait3A_58 : memref<40x128xi32, #tpu.memory_space<hbm>>) dst(%arg9 : memref<40x128xi32, #tpu.memory_space<vmem>>)
        tpu.yield
      }) : () -> ()
      "tpu.region"() ({
        %run_scoped3A = tpu.sem_alloc : memref<!tpu.dma_semaphore, #tpu.memory_space<semaphore_mem>>
        %dma_start3A_44 = arith.constant 40 : i32
        %dma_start3A_45 = arith.constant 0 : i32
        %dma_start3A_46 = tpu.memref_slice %arg3[%arg1, %dma_start3A_44, %dma_start3A_45] : memref<16x80x128xi32, #tpu.memory_space<hbm>> -> memref<1x40x128xi32, #tpu.memory_space<hbm>>
        %dma_start3A_47 = tpu.memref_squeeze %dma_start3A_46 : memref<1x40x128xi32, #tpu.memory_space<hbm>> -> memref<40x128xi32, #tpu.memory_space<hbm>>
        %dma_start3A_48 = arith.constant 40 : i32
        %dma_start3A_49 = arith.constant 0 : i32
        %dma_start3A_50 = tpu.memref_slice %arg3[%arg1, %dma_start3A_48, %dma_start3A_49] : memref<16x80x128xi32, #tpu.memory_space<hbm>> -> memref<1x40x128xi32, #tpu.memory_space<hbm>>
        %dma_start3A_51 = tpu.memref_squeeze %dma_start3A_50 : memref<1x40x128xi32, #tpu.memory_space<hbm>> -> memref<40x128xi32, #tpu.memory_space<hbm>>
        tpu.enqueue_dma source(%dma_start3A_51 : memref<40x128xi32, #tpu.memory_space<hbm>>) target(%arg10 : memref<40x128xi32, #tpu.memory_space<vmem>>) target_semaphore(%run_scoped3A : memref<!tpu.dma_semaphore, #tpu.memory_space<semaphore_mem>>)
        %dma_wait3A = arith.constant 40 : i32
        %dma_wait3A_52 = arith.constant 0 : i32
        %dma_wait3A_53 = tpu.memref_slice %arg3[%arg1, %dma_wait3A, %dma_wait3A_52] : memref<16x80x128xi32, #tpu.memory_space<hbm>> -> memref<1x40x128xi32, #tpu.memory_space<hbm>>
        %dma_wait3A_54 = tpu.memref_squeeze %dma_wait3A_53 : memref<1x40x128xi32, #tpu.memory_space<hbm>> -> memref<40x128xi32, #tpu.memory_space<hbm>>
        %dma_wait3A_55 = arith.constant 40 : i32
        %dma_wait3A_56 = arith.constant 0 : i32
        %dma_wait3A_57 = tpu.memref_slice %arg3[%arg1, %dma_wait3A_55, %dma_wait3A_56] : memref<16x80x128xi32, #tpu.memory_space<hbm>> -> memref<1x40x128xi32, #tpu.memory_space<hbm>>
        %dma_wait3A_58 = tpu.memref_squeeze %dma_wait3A_57 : memref<1x40x128xi32, #tpu.memory_space<hbm>> -> memref<40x128xi32, #tpu.memory_space<hbm>>
        tpu.wait_dma2 semaphore(%run_scoped3A : memref<!tpu.dma_semaphore, #tpu.memory_space<semaphore_mem>>) src(%dma_wait3A_58 : memref<40x128xi32, #tpu.memory_space<hbm>>) dst(%arg10 : memref<40x128xi32, #tpu.memory_space<vmem>>)
        tpu.yield
      }) : () -> ()
      %dma_start3A_30 = arith.constant 0 : i32
      %dma_start3A_31 = arith.constant 0 : i32
      %dma_start3A_32 = tpu.memref_slice %arg9[%dma_start3A_30, %dma_start3A_31] : memref<40x128xi32, #tpu.memory_space<vmem>> -> memref<1x128xi32, #tpu.memory_space<vmem>>
      %dma_start3A_33 = tpu.memref_squeeze %dma_start3A_32 : memref<1x128xi32, #tpu.memory_space<vmem>> -> memref<128xi32, #tpu.memory_space<vmem>>
      %dma_start3A_34 = arith.constant 0 : i32
      %dma_start3A_35 = arith.constant 0 : i32
      %dma_start3A_36 = tpu.memref_slice %arg4[%dma_start3A_34, %dma_start3A_35] : memref<10240x256xf32, #tpu.memory_space<hbm>> -> memref<10240x256xf32, #tpu.memory_space<hbm>>
      tpu.enqueue_indirect_dma source(%dma_start3A_36 : memref<10240x256xf32, #tpu.memory_space<hbm>>) target(%arg11 : memref<128x256xf32, #tpu.memory_space<vmem>>) offsets(%dma_start3A_33 : memref<128xi32, #tpu.memory_space<vmem>>) semaphore(%arg13 : memref<!tpu.dma_semaphore, #tpu.memory_space<semaphore_mem>>)
      %scan3A_37 = arith.constant 0 : i32
      %scan3A_38 = arith.constant 0 : i32
      %scan3A_39 = arith.constant 20 : i32
      %scan3A_40 = arith.addi %scan3A_38, %scan3A_39 : i32
      %scan3A_41 = arith.constant 1 : i32
      scf.for %scan3A_44 = %scan3A_38 to %scan3A_40 step %scan3A_41  : i32 {
        %mul3A_45 = arith.constant 2 : i32
        %mul3A_46 = arith.muli %mul3A_45, %scan3A_44 : i32
        %add3A_47 = arith.constant 0 : i32
        %add3A_48 = arith.addi %mul3A_46, %add3A_47 : i32
        %add3A_49 = arith.constant 1 : i32
        %add3A_50 = arith.addi %add3A_48, %add3A_49 : i32
        %lt3A_51 = arith.constant 40 : i32
        %lt3A_52 = arith.cmpi slt, %add3A_50, %lt3A_51 : i32
        %convert_element_type3A_53 = arith.extui %lt3A_52 : i1 to i32
        %cond3A_54 = arith.constant 0 : i32
        %cond3A_55 = arith.cmpi ne, %convert_element_type3A_53, %cond3A_54 : i32
        scf.if %cond3A_55 {
          %add3A_78 = arith.constant 1 : i32
          %add3A_79 = arith.addi %add3A_48, %add3A_78 : i32
          %dma_start3A_80 = arith.constant 0 : i32
          %dma_start3A_81 = tpu.memref_slice %arg9[%add3A_79, %dma_start3A_80] : memref<40x128xi32, #tpu.memory_space<vmem>> -> memref<1x128xi32, #tpu.memory_space<vmem>>
          %dma_start3A_82 = tpu.memref_squeeze %dma_start3A_81 : memref<1x128xi32, #tpu.memory_space<vmem>> -> memref<128xi32, #tpu.memory_space<vmem>>
          %dma_start3A_83 = arith.constant 0 : i32
          %dma_start3A_84 = arith.constant 0 : i32
          %dma_start3A_85 = tpu.memref_slice %arg4[%dma_start3A_83, %dma_start3A_84] : memref<10240x256xf32, #tpu.memory_space<hbm>> -> memref<10240x256xf32, #tpu.memory_space<hbm>>
          tpu.enqueue_indirect_dma source(%dma_start3A_85 : memref<10240x256xf32, #tpu.memory_space<hbm>>) target(%arg12 : memref<128x256xf32, #tpu.memory_space<vmem>>) offsets(%dma_start3A_82 : memref<128xi32, #tpu.memory_space<vmem>>) semaphore(%arg14 : memref<!tpu.dma_semaphore, #tpu.memory_space<semaphore_mem>>)
        } else {
        }
        %dma_wait3A = arith.constant 0 : i32
        %dma_wait3A_56 = tpu.memref_slice %arg9[%add3A_48, %dma_wait3A] : memref<40x128xi32, #tpu.memory_space<vmem>> -> memref<1x128xi32, #tpu.memory_space<vmem>>
        %dma_wait3A_57 = tpu.memref_squeeze %dma_wait3A_56 : memref<1x128xi32, #tpu.memory_space<vmem>> -> memref<128xi32, #tpu.memory_space<vmem>>
        %dma_wait3A_58 = arith.constant 0 : i32
        %dma_wait3A_59 = arith.constant 0 : i32
        %dma_wait3A_60 = tpu.memref_slice %arg4[%dma_wait3A_58, %dma_wait3A_59] : memref<10240x256xf32, #tpu.memory_space<hbm>> -> memref<10240x256xf32, #tpu.memory_space<hbm>>
        tpu.wait_indirect_dma semaphore(%arg13 : memref<!tpu.dma_semaphore, #tpu.memory_space<semaphore_mem>>) src(%dma_wait3A_60 : memref<10240x256xf32, #tpu.memory_space<hbm>>) dst(%arg11 : memref<128x256xf32, #tpu.memory_space<vmem>>)
        %mul3A_61 = arith.constant 2 : i32
        %mul3A_62 = arith.muli %mul3A_61, %scan3A_44 : i32
        %add3A_63 = arith.constant 1 : i32
        %add3A_64 = arith.addi %mul3A_62, %add3A_63 : i32
        %add3A_65 = arith.constant 1 : i32
        %add3A_66 = arith.addi %add3A_64, %add3A_65 : i32
        %lt3A_67 = arith.constant 40 : i32
        %lt3A_68 = arith.cmpi slt, %add3A_66, %lt3A_67 : i32
        %convert_element_type3A_69 = arith.extui %lt3A_68 : i1 to i32
        %cond3A_70 = arith.constant 0 : i32
        %cond3A_71 = arith.cmpi ne, %convert_element_type3A_69, %cond3A_70 : i32
        scf.if %cond3A_71 {
          %add3A_78 = arith.constant 1 : i32
          %add3A_79 = arith.addi %add3A_64, %add3A_78 : i32
          %dma_start3A_80 = arith.constant 0 : i32
          %dma_start3A_81 = tpu.memref_slice %arg9[%add3A_79, %dma_start3A_80] : memref<40x128xi32, #tpu.memory_space<vmem>> -> memref<1x128xi32, #tpu.memory_space<vmem>>
          %dma_start3A_82 = tpu.memref_squeeze %dma_start3A_81 : memref<1x128xi32, #tpu.memory_space<vmem>> -> memref<128xi32, #tpu.memory_space<vmem>>
          %dma_start3A_83 = arith.constant 0 : i32
          %dma_start3A_84 = arith.constant 0 : i32
          %dma_start3A_85 = tpu.memref_slice %arg4[%dma_start3A_83, %dma_start3A_84] : memref<10240x256xf32, #tpu.memory_space<hbm>> -> memref<10240x256xf32, #tpu.memory_space<hbm>>
          tpu.enqueue_indirect_dma source(%dma_start3A_85 : memref<10240x256xf32, #tpu.memory_space<hbm>>) target(%arg11 : memref<128x256xf32, #tpu.memory_space<vmem>>) offsets(%dma_start3A_82 : memref<128xi32, #tpu.memory_space<vmem>>) semaphore(%arg13 : memref<!tpu.dma_semaphore, #tpu.memory_space<semaphore_mem>>)
        } else {
        }
        %dma_wait3A_72 = arith.constant 0 : i32
        %dma_wait3A_73 = tpu.memref_slice %arg9[%add3A_64, %dma_wait3A_72] : memref<40x128xi32, #tpu.memory_space<vmem>> -> memref<1x128xi32, #tpu.memory_space<vmem>>
        %dma_wait3A_74 = tpu.memref_squeeze %dma_wait3A_73 : memref<1x128xi32, #tpu.memory_space<vmem>> -> memref<128xi32, #tpu.memory_space<vmem>>
        %dma_wait3A_75 = arith.constant 0 : i32
        %dma_wait3A_76 = arith.constant 0 : i32
        %dma_wait3A_77 = tpu.memref_slice %arg4[%dma_wait3A_75, %dma_wait3A_76] : memref<10240x256xf32, #tpu.memory_space<hbm>> -> memref<10240x256xf32, #tpu.memory_space<hbm>>
        tpu.wait_indirect_dma semaphore(%arg14 : memref<!tpu.dma_semaphore, #tpu.memory_space<semaphore_mem>>) src(%dma_wait3A_77 : memref<10240x256xf32, #tpu.memory_space<hbm>>) dst(%arg12 : memref<128x256xf32, #tpu.memory_space<vmem>>)
      }
      %scan3A_42 = arith.constant 20 : i32
      %barrier3A_43 = arith.constant 0 : index
      tpu.barrier barrier_id(%barrier3A_43)
      "tpu.region"() ({
        %run_scoped3A = tpu.sem_alloc : memref<!tpu.dma_semaphore, #tpu.memory_space<semaphore_mem>>
        %dma_start3A_44 = arith.constant 0 : i32
        %dma_start3A_45 = tpu.memref_slice %arg6[%mul3A_0, %dma_start3A_44] : memref<10240x128xf32, #tpu.memory_space<hbm>> -> memref<640x128xf32, #tpu.memory_space<hbm>>
        %dma_start3A_46 = arith.constant 0 : i32
        %dma_start3A_47 = tpu.memref_slice %arg8[%mul3A_10, %dma_start3A_46] : memref<5120x128xf32, #tpu.memory_space<vmem_shared>> -> memref<640x128xf32, #tpu.memory_space<vmem_shared>>
        tpu.enqueue_dma source(%dma_start3A_47 : memref<640x128xf32, #tpu.memory_space<vmem_shared>>) target(%dma_start3A_45 : memref<640x128xf32, #tpu.memory_space<hbm>>) target_semaphore(%run_scoped3A : memref<!tpu.dma_semaphore, #tpu.memory_space<semaphore_mem>>)
        %dma_wait3A = arith.constant 0 : i32
        %dma_wait3A_48 = tpu.memref_slice %arg6[%mul3A_0, %dma_wait3A] : memref<10240x128xf32, #tpu.memory_space<hbm>> -> memref<640x128xf32, #tpu.memory_space<hbm>>
        %dma_wait3A_49 = arith.constant 0 : i32
        %dma_wait3A_50 = tpu.memref_slice %arg8[%mul3A_10, %dma_wait3A_49] : memref<5120x128xf32, #tpu.memory_space<vmem_shared>> -> memref<640x128xf32, #tpu.memory_space<vmem_shared>>
        tpu.wait_dma2 semaphore(%run_scoped3A : memref<!tpu.dma_semaphore, #tpu.memory_space<semaphore_mem>>) src(%dma_wait3A_50 : memref<640x128xf32, #tpu.memory_space<vmem_shared>>) dst(%dma_wait3A_48 : memref<640x128xf32, #tpu.memory_space<hbm>>)
        tpu.yield
      }) : () -> ()
    } else {
    }
    %eq3A_14 = arith.constant 1 : i32
    %eq3A_15 = arith.cmpi eq, %arg0, %eq3A_14 : i32
    %convert_element_type3A_16 = arith.extui %eq3A_15 : i1 to i32
    %cond3A_17 = arith.constant 0 : i32
    %cond3A_18 = arith.cmpi ne, %convert_element_type3A_16, %cond3A_17 : i32
    scf.if %cond3A_18 {
      %barrier3A = arith.constant 0 : index
      tpu.barrier barrier_id(%barrier3A)
      "tpu.region"() ({
        %run_scoped3A = tpu.sem_alloc : memref<!tpu.dma_semaphore, #tpu.memory_space<semaphore_mem>>
        %dma_start3A_44 = arith.constant 0 : i32
        %dma_start3A_45 = arith.constant 0 : i32
        %dma_start3A_46 = tpu.memref_slice %arg2[%arg1, %dma_start3A_44, %dma_start3A_45] : memref<16x80x128xi32, #tpu.memory_space<hbm>> -> memref<1x40x128xi32, #tpu.memory_space<hbm>>
        %dma_start3A_47 = tpu.memref_squeeze %dma_start3A_46 : memref<1x40x128xi32, #tpu.memory_space<hbm>> -> memref<40x128xi32, #tpu.memory_space<hbm>>
        %dma_start3A_48 = arith.constant 0 : i32
        %dma_start3A_49 = arith.constant 0 : i32
        %dma_start3A_50 = tpu.memref_slice %arg2[%arg1, %dma_start3A_48, %dma_start3A_49] : memref<16x80x128xi32, #tpu.memory_space<hbm>> -> memref<1x40x128xi32, #tpu.memory_space<hbm>>
        %dma_start3A_51 = tpu.memref_squeeze %dma_start3A_50 : memref<1x40x128xi32, #tpu.memory_space<hbm>> -> memref<40x128xi32, #tpu.memory_space<hbm>>
        tpu.enqueue_dma source(%dma_start3A_51 : memref<40x128xi32, #tpu.memory_space<hbm>>) target(%arg9 : memref<40x128xi32, #tpu.memory_space<vmem>>) target_semaphore(%run_scoped3A : memref<!tpu.dma_semaphore, #tpu.memory_space<semaphore_mem>>)
        %dma_wait3A = arith.constant 0 : i32
        %dma_wait3A_52 = arith.constant 0 : i32
        %dma_wait3A_53 = tpu.memref_slice %arg2[%arg1, %dma_wait3A, %dma_wait3A_52] : memref<16x80x128xi32, #tpu.memory_space<hbm>> -> memref<1x40x128xi32, #tpu.memory_space<hbm>>
        %dma_wait3A_54 = tpu.memref_squeeze %dma_wait3A_53 : memref<1x40x128xi32, #tpu.memory_space<hbm>> -> memref<40x128xi32, #tpu.memory_space<hbm>>
        %dma_wait3A_55 = arith.constant 0 : i32
        %dma_wait3A_56 = arith.constant 0 : i32
        %dma_wait3A_57 = tpu.memref_slice %arg2[%arg1, %dma_wait3A_55, %dma_wait3A_56] : memref<16x80x128xi32, #tpu.memory_space<hbm>> -> memref<1x40x128xi32, #tpu.memory_space<hbm>>
        %dma_wait3A_58 = tpu.memref_squeeze %dma_wait3A_57 : memref<1x40x128xi32, #tpu.memory_space<hbm>> -> memref<40x128xi32, #tpu.memory_space<hbm>>
        tpu.wait_dma2 semaphore(%run_scoped3A : memref<!tpu.dma_semaphore, #tpu.memory_space<semaphore_mem>>) src(%dma_wait3A_58 : memref<40x128xi32, #tpu.memory_space<hbm>>) dst(%arg9 : memref<40x128xi32, #tpu.memory_space<vmem>>)
        tpu.yield
      }) : () -> ()
      "tpu.region"() ({
        %run_scoped3A = tpu.sem_alloc : memref<!tpu.dma_semaphore, #tpu.memory_space<semaphore_mem>>
        %dma_start3A_44 = arith.constant 0 : i32
        %dma_start3A_45 = arith.constant 0 : i32
        %dma_start3A_46 = tpu.memref_slice %arg3[%arg1, %dma_start3A_44, %dma_start3A_45] : memref<16x80x128xi32, #tpu.memory_space<hbm>> -> memref<1x40x128xi32, #tpu.memory_space<hbm>>
        %dma_start3A_47 = tpu.memref_squeeze %dma_start3A_46 : memref<1x40x128xi32, #tpu.memory_space<hbm>> -> memref<40x128xi32, #tpu.memory_space<hbm>>
        %dma_start3A_48 = arith.constant 0 : i32
        %dma_start3A_49 = arith.constant 0 : i32
        %dma_start3A_50 = tpu.memref_slice %arg3[%arg1, %dma_start3A_48, %dma_start3A_49] : memref<16x80x128xi32, #tpu.memory_space<hbm>> -> memref<1x40x128xi32, #tpu.memory_space<hbm>>
        %dma_start3A_51 = tpu.memref_squeeze %dma_start3A_50 : memref<1x40x128xi32, #tpu.memory_space<hbm>> -> memref<40x128xi32, #tpu.memory_space<hbm>>
        tpu.enqueue_dma source(%dma_start3A_51 : memref<40x128xi32, #tpu.memory_space<hbm>>) target(%arg10 : memref<40x128xi32, #tpu.memory_space<vmem>>) target_semaphore(%run_scoped3A : memref<!tpu.dma_semaphore, #tpu.memory_space<semaphore_mem>>)
        %dma_wait3A = arith.constant 0 : i32
        %dma_wait3A_52 = arith.constant 0 : i32
        %dma_wait3A_53 = tpu.memref_slice %arg3[%arg1, %dma_wait3A, %dma_wait3A_52] : memref<16x80x128xi32, #tpu.memory_space<hbm>> -> memref<1x40x128xi32, #tpu.memory_space<hbm>>
        %dma_wait3A_54 = tpu.memref_squeeze %dma_wait3A_53 : memref<1x40x128xi32, #tpu.memory_space<hbm>> -> memref<40x128xi32, #tpu.memory_space<hbm>>
        %dma_wait3A_55 = arith.constant 0 : i32
        %dma_wait3A_56 = arith.constant 0 : i32
        %dma_wait3A_57 = tpu.memref_slice %arg3[%arg1, %dma_wait3A_55, %dma_wait3A_56] : memref<16x80x128xi32, #tpu.memory_space<hbm>> -> memref<1x40x128xi32, #tpu.memory_space<hbm>>
        %dma_wait3A_58 = tpu.memref_squeeze %dma_wait3A_57 : memref<1x40x128xi32, #tpu.memory_space<hbm>> -> memref<40x128xi32, #tpu.memory_space<hbm>>
        tpu.wait_dma2 semaphore(%run_scoped3A : memref<!tpu.dma_semaphore, #tpu.memory_space<semaphore_mem>>) src(%dma_wait3A_58 : memref<40x128xi32, #tpu.memory_space<hbm>>) dst(%arg10 : memref<40x128xi32, #tpu.memory_space<vmem>>)
        tpu.yield
      }) : () -> ()
      %dma_start3A = arith.constant 0 : i32
      %dma_start3A_19 = arith.constant 0 : i32
      %dma_start3A_20 = tpu.memref_slice %arg9[%dma_start3A, %dma_start3A_19] : memref<40x128xi32, #tpu.memory_space<vmem>> -> memref<1x128xi32, #tpu.memory_space<vmem>>
      %dma_start3A_21 = tpu.memref_squeeze %dma_start3A_20 : memref<1x128xi32, #tpu.memory_space<vmem>> -> memref<128xi32, #tpu.memory_space<vmem>>
      %dma_start3A_22 = arith.constant 0 : i32
      %dma_start3A_23 = arith.constant 0 : i32
      %dma_start3A_24 = tpu.memref_slice %arg5[%dma_start3A_22, %dma_start3A_23] : memref<10240x256xf32, #tpu.memory_space<hbm>> -> memref<10240x256xf32, #tpu.memory_space<hbm>>
      tpu.enqueue_indirect_dma source(%dma_start3A_24 : memref<10240x256xf32, #tpu.memory_space<hbm>>) target(%arg11 : memref<128x256xf32, #tpu.memory_space<vmem>>) offsets(%dma_start3A_21 : memref<128xi32, #tpu.memory_space<vmem>>) semaphore(%arg13 : memref<!tpu.dma_semaphore, #tpu.memory_space<semaphore_mem>>)
      %scan3A = arith.constant 0 : i32
      %scan3A_25 = arith.constant 0 : i32
      %scan3A_26 = arith.constant 20 : i32
      %scan3A_27 = arith.addi %scan3A_25, %scan3A_26 : i32
      %scan3A_28 = arith.constant 1 : i32
      scf.for %scan3A_44 = %scan3A_25 to %scan3A_27 step %scan3A_28  : i32 {
        %mul3A_45 = arith.constant 2 : i32
        %mul3A_46 = arith.muli %mul3A_45, %scan3A_44 : i32
        %add3A_47 = arith.constant 0 : i32
        %add3A_48 = arith.addi %mul3A_46, %add3A_47 : i32
        %add3A_49 = arith.constant 1 : i32
        %add3A_50 = arith.addi %add3A_48, %add3A_49 : i32
        %lt3A_51 = arith.constant 40 : i32
        %lt3A_52 = arith.cmpi slt, %add3A_50, %lt3A_51 : i32
        %convert_element_type3A_53 = arith.extui %lt3A_52 : i1 to i32
        %cond3A_54 = arith.constant 0 : i32
        %cond3A_55 = arith.cmpi ne, %convert_element_type3A_53, %cond3A_54 : i32
        scf.if %cond3A_55 {
          %add3A_78 = arith.constant 1 : i32
          %add3A_79 = arith.addi %add3A_48, %add3A_78 : i32
          %dma_start3A_80 = arith.constant 0 : i32
          %dma_start3A_81 = tpu.memref_slice %arg9[%add3A_79, %dma_start3A_80] : memref<40x128xi32, #tpu.memory_space<vmem>> -> memref<1x128xi32, #tpu.memory_space<vmem>>
          %dma_start3A_82 = tpu.memref_squeeze %dma_start3A_81 : memref<1x128xi32, #tpu.memory_space<vmem>> -> memref<128xi32, #tpu.memory_space<vmem>>
          %dma_start3A_83 = arith.constant 0 : i32
          %dma_start3A_84 = arith.constant 0 : i32
          %dma_start3A_85 = tpu.memref_slice %arg5[%dma_start3A_83, %dma_start3A_84] : memref<10240x256xf32, #tpu.memory_space<hbm>> -> memref<10240x256xf32, #tpu.memory_space<hbm>>
          tpu.enqueue_indirect_dma source(%dma_start3A_85 : memref<10240x256xf32, #tpu.memory_space<hbm>>) target(%arg12 : memref<128x256xf32, #tpu.memory_space<vmem>>) offsets(%dma_start3A_82 : memref<128xi32, #tpu.memory_space<vmem>>) semaphore(%arg14 : memref<!tpu.dma_semaphore, #tpu.memory_space<semaphore_mem>>)
        } else {
        }
        %dma_wait3A = arith.constant 0 : i32
        %dma_wait3A_56 = tpu.memref_slice %arg9[%add3A_48, %dma_wait3A] : memref<40x128xi32, #tpu.memory_space<vmem>> -> memref<1x128xi32, #tpu.memory_space<vmem>>
        %dma_wait3A_57 = tpu.memref_squeeze %dma_wait3A_56 : memref<1x128xi32, #tpu.memory_space<vmem>> -> memref<128xi32, #tpu.memory_space<vmem>>
        %dma_wait3A_58 = arith.constant 0 : i32
        %dma_wait3A_59 = arith.constant 0 : i32
        %dma_wait3A_60 = tpu.memref_slice %arg5[%dma_wait3A_58, %dma_wait3A_59] : memref<10240x256xf32, #tpu.memory_space<hbm>> -> memref<10240x256xf32, #tpu.memory_space<hbm>>
        tpu.wait_indirect_dma semaphore(%arg13 : memref<!tpu.dma_semaphore, #tpu.memory_space<semaphore_mem>>) src(%dma_wait3A_60 : memref<10240x256xf32, #tpu.memory_space<hbm>>) dst(%arg11 : memref<128x256xf32, #tpu.memory_space<vmem>>)
        %mul3A_61 = arith.constant 2 : i32
        %mul3A_62 = arith.muli %mul3A_61, %scan3A_44 : i32
        %add3A_63 = arith.constant 1 : i32
        %add3A_64 = arith.addi %mul3A_62, %add3A_63 : i32
        %add3A_65 = arith.constant 1 : i32
        %add3A_66 = arith.addi %add3A_64, %add3A_65 : i32
        %lt3A_67 = arith.constant 40 : i32
        %lt3A_68 = arith.cmpi slt, %add3A_66, %lt3A_67 : i32
        %convert_element_type3A_69 = arith.extui %lt3A_68 : i1 to i32
        %cond3A_70 = arith.constant 0 : i32
        %cond3A_71 = arith.cmpi ne, %convert_element_type3A_69, %cond3A_70 : i32
        scf.if %cond3A_71 {
          %add3A_78 = arith.constant 1 : i32
          %add3A_79 = arith.addi %add3A_64, %add3A_78 : i32
          %dma_start3A_80 = arith.constant 0 : i32
          %dma_start3A_81 = tpu.memref_slice %arg9[%add3A_79, %dma_start3A_80] : memref<40x128xi32, #tpu.memory_space<vmem>> -> memref<1x128xi32, #tpu.memory_space<vmem>>
          %dma_start3A_82 = tpu.memref_squeeze %dma_start3A_81 : memref<1x128xi32, #tpu.memory_space<vmem>> -> memref<128xi32, #tpu.memory_space<vmem>>
          %dma_start3A_83 = arith.constant 0 : i32
          %dma_start3A_84 = arith.constant 0 : i32
          %dma_start3A_85 = tpu.memref_slice %arg5[%dma_start3A_83, %dma_start3A_84] : memref<10240x256xf32, #tpu.memory_space<hbm>> -> memref<10240x256xf32, #tpu.memory_space<hbm>>
          tpu.enqueue_indirect_dma source(%dma_start3A_85 : memref<10240x256xf32, #tpu.memory_space<hbm>>) target(%arg11 : memref<128x256xf32, #tpu.memory_space<vmem>>) offsets(%dma_start3A_82 : memref<128xi32, #tpu.memory_space<vmem>>) semaphore(%arg13 : memref<!tpu.dma_semaphore, #tpu.memory_space<semaphore_mem>>)
        } else {
        }
        %dma_wait3A_72 = arith.constant 0 : i32
        %dma_wait3A_73 = tpu.memref_slice %arg9[%add3A_64, %dma_wait3A_72] : memref<40x128xi32, #tpu.memory_space<vmem>> -> memref<1x128xi32, #tpu.memory_space<vmem>>
        %dma_wait3A_74 = tpu.memref_squeeze %dma_wait3A_73 : memref<1x128xi32, #tpu.memory_space<vmem>> -> memref<128xi32, #tpu.memory_space<vmem>>
        %dma_wait3A_75 = arith.constant 0 : i32
        %dma_wait3A_76 = arith.constant 0 : i32
        %dma_wait3A_77 = tpu.memref_slice %arg5[%dma_wait3A_75, %dma_wait3A_76] : memref<10240x256xf32, #tpu.memory_space<hbm>> -> memref<10240x256xf32, #tpu.memory_space<hbm>>
        tpu.wait_indirect_dma semaphore(%arg14 : memref<!tpu.dma_semaphore, #tpu.memory_space<semaphore_mem>>) src(%dma_wait3A_77 : memref<10240x256xf32, #tpu.memory_space<hbm>>) dst(%arg12 : memref<128x256xf32, #tpu.memory_space<vmem>>)
      }
      %scan3A_29 = arith.constant 20 : i32
      "tpu.region"() ({
        %run_scoped3A = tpu.sem_alloc : memref<!tpu.dma_semaphore, #tpu.memory_space<semaphore_mem>>
        %dma_start3A_44 = arith.constant 40 : i32
        %dma_start3A_45 = arith.constant 0 : i32
        %dma_start3A_46 = tpu.memref_slice %arg2[%arg1, %dma_start3A_44, %dma_start3A_45] : memref<16x80x128xi32, #tpu.memory_space<hbm>> -> memref<1x40x128xi32, #tpu.memory_space<hbm>>
        %dma_start3A_47 = tpu.memref_squeeze %dma_start3A_46 : memref<1x40x128xi32, #tpu.memory_space<hbm>> -> memref<40x128xi32, #tpu.memory_space<hbm>>
        %dma_start3A_48 = arith.constant 40 : i32
        %dma_start3A_49 = arith.constant 0 : i32
        %dma_start3A_50 = tpu.memref_slice %arg2[%arg1, %dma_start3A_48, %dma_start3A_49] : memref<16x80x128xi32, #tpu.memory_space<hbm>> -> memref<1x40x128xi32, #tpu.memory_space<hbm>>
        %dma_start3A_51 = tpu.memref_squeeze %dma_start3A_50 : memref<1x40x128xi32, #tpu.memory_space<hbm>> -> memref<40x128xi32, #tpu.memory_space<hbm>>
        tpu.enqueue_dma source(%dma_start3A_51 : memref<40x128xi32, #tpu.memory_space<hbm>>) target(%arg9 : memref<40x128xi32, #tpu.memory_space<vmem>>) target_semaphore(%run_scoped3A : memref<!tpu.dma_semaphore, #tpu.memory_space<semaphore_mem>>)
        %dma_wait3A = arith.constant 40 : i32
        %dma_wait3A_52 = arith.constant 0 : i32
        %dma_wait3A_53 = tpu.memref_slice %arg2[%arg1, %dma_wait3A, %dma_wait3A_52] : memref<16x80x128xi32, #tpu.memory_space<hbm>> -> memref<1x40x128xi32, #tpu.memory_space<hbm>>
        %dma_wait3A_54 = tpu.memref_squeeze %dma_wait3A_53 : memref<1x40x128xi32, #tpu.memory_space<hbm>> -> memref<40x128xi32, #tpu.memory_space<hbm>>
        %dma_wait3A_55 = arith.constant 40 : i32
        %dma_wait3A_56 = arith.constant 0 : i32
        %dma_wait3A_57 = tpu.memref_slice %arg2[%arg1, %dma_wait3A_55, %dma_wait3A_56] : memref<16x80x128xi32, #tpu.memory_space<hbm>> -> memref<1x40x128xi32, #tpu.memory_space<hbm>>
        %dma_wait3A_58 = tpu.memref_squeeze %dma_wait3A_57 : memref<1x40x128xi32, #tpu.memory_space<hbm>> -> memref<40x128xi32, #tpu.memory_space<hbm>>
        tpu.wait_dma2 semaphore(%run_scoped3A : memref<!tpu.dma_semaphore, #tpu.memory_space<semaphore_mem>>) src(%dma_wait3A_58 : memref<40x128xi32, #tpu.memory_space<hbm>>) dst(%arg9 : memref<40x128xi32, #tpu.memory_space<vmem>>)
        tpu.yield
      }) : () -> ()
      "tpu.region"() ({
        %run_scoped3A = tpu.sem_alloc : memref<!tpu.dma_semaphore, #tpu.memory_space<semaphore_mem>>
        %dma_start3A_44 = arith.constant 40 : i32
        %dma_start3A_45 = arith.constant 0 : i32
        %dma_start3A_46 = tpu.memref_slice %arg3[%arg1, %dma_start3A_44, %dma_start3A_45] : memref<16x80x128xi32, #tpu.memory_space<hbm>> -> memref<1x40x128xi32, #tpu.memory_space<hbm>>
        %dma_start3A_47 = tpu.memref_squeeze %dma_start3A_46 : memref<1x40x128xi32, #tpu.memory_space<hbm>> -> memref<40x128xi32, #tpu.memory_space<hbm>>
        %dma_start3A_48 = arith.constant 40 : i32
        %dma_start3A_49 = arith.constant 0 : i32
        %dma_start3A_50 = tpu.memref_slice %arg3[%arg1, %dma_start3A_48, %dma_start3A_49] : memref<16x80x128xi32, #tpu.memory_space<hbm>> -> memref<1x40x128xi32, #tpu.memory_space<hbm>>
        %dma_start3A_51 = tpu.memref_squeeze %dma_start3A_50 : memref<1x40x128xi32, #tpu.memory_space<hbm>> -> memref<40x128xi32, #tpu.memory_space<hbm>>
        tpu.enqueue_dma source(%dma_start3A_51 : memref<40x128xi32, #tpu.memory_space<hbm>>) target(%arg10 : memref<40x128xi32, #tpu.memory_space<vmem>>) target_semaphore(%run_scoped3A : memref<!tpu.dma_semaphore, #tpu.memory_space<semaphore_mem>>)
        %dma_wait3A = arith.constant 40 : i32
        %dma_wait3A_52 = arith.constant 0 : i32
        %dma_wait3A_53 = tpu.memref_slice %arg3[%arg1, %dma_wait3A, %dma_wait3A_52] : memref<16x80x128xi32, #tpu.memory_space<hbm>> -> memref<1x40x128xi32, #tpu.memory_space<hbm>>
        %dma_wait3A_54 = tpu.memref_squeeze %dma_wait3A_53 : memref<1x40x128xi32, #tpu.memory_space<hbm>> -> memref<40x128xi32, #tpu.memory_space<hbm>>
        %dma_wait3A_55 = arith.constant 40 : i32
        %dma_wait3A_56 = arith.constant 0 : i32
        %dma_wait3A_57 = tpu.memref_slice %arg3[%arg1, %dma_wait3A_55, %dma_wait3A_56] : memref<16x80x128xi32, #tpu.memory_space<hbm>> -> memref<1x40x128xi32, #tpu.memory_space<hbm>>
        %dma_wait3A_58 = tpu.memref_squeeze %dma_wait3A_57 : memref<1x40x128xi32, #tpu.memory_space<hbm>> -> memref<40x128xi32, #tpu.memory_space<hbm>>
        tpu.wait_dma2 semaphore(%run_scoped3A : memref<!tpu.dma_semaphore, #tpu.memory_space<semaphore_mem>>) src(%dma_wait3A_58 : memref<40x128xi32, #tpu.memory_space<hbm>>) dst(%arg10 : memref<40x128xi32, #tpu.memory_space<vmem>>)
        tpu.yield
      }) : () -> ()
      %dma_start3A_30 = arith.constant 0 : i32
      %dma_start3A_31 = arith.constant 0 : i32
      %dma_start3A_32 = tpu.memref_slice %arg9[%dma_start3A_30, %dma_start3A_31] : memref<40x128xi32, #tpu.memory_space<vmem>> -> memref<1x128xi32, #tpu.memory_space<vmem>>
      %dma_start3A_33 = tpu.memref_squeeze %dma_start3A_32 : memref<1x128xi32, #tpu.memory_space<vmem>> -> memref<128xi32, #tpu.memory_space<vmem>>
      %dma_start3A_34 = arith.constant 0 : i32
      %dma_start3A_35 = arith.constant 0 : i32
      %dma_start3A_36 = tpu.memref_slice %arg5[%dma_start3A_34, %dma_start3A_35] : memref<10240x256xf32, #tpu.memory_space<hbm>> -> memref<10240x256xf32, #tpu.memory_space<hbm>>
      tpu.enqueue_indirect_dma source(%dma_start3A_36 : memref<10240x256xf32, #tpu.memory_space<hbm>>) target(%arg11 : memref<128x256xf32, #tpu.memory_space<vmem>>) offsets(%dma_start3A_33 : memref<128xi32, #tpu.memory_space<vmem>>) semaphore(%arg13 : memref<!tpu.dma_semaphore, #tpu.memory_space<semaphore_mem>>)
      %scan3A_37 = arith.constant 0 : i32
      %scan3A_38 = arith.constant 0 : i32
      %scan3A_39 = arith.constant 20 : i32
      %scan3A_40 = arith.addi %scan3A_38, %scan3A_39 : i32
      %scan3A_41 = arith.constant 1 : i32
      scf.for %scan3A_44 = %scan3A_38 to %scan3A_40 step %scan3A_41  : i32 {
        %mul3A_45 = arith.constant 2 : i32
        %mul3A_46 = arith.muli %mul3A_45, %scan3A_44 : i32
        %add3A_47 = arith.constant 0 : i32
        %add3A_48 = arith.addi %mul3A_46, %add3A_47 : i32
        %add3A_49 = arith.constant 1 : i32
        %add3A_50 = arith.addi %add3A_48, %add3A_49 : i32
        %lt3A_51 = arith.constant 40 : i32
        %lt3A_52 = arith.cmpi slt, %add3A_50, %lt3A_51 : i32
        %convert_element_type3A_53 = arith.extui %lt3A_52 : i1 to i32
        %cond3A_54 = arith.constant 0 : i32
        %cond3A_55 = arith.cmpi ne, %convert_element_type3A_53, %cond3A_54 : i32
        scf.if %cond3A_55 {
          %add3A_78 = arith.constant 1 : i32
          %add3A_79 = arith.addi %add3A_48, %add3A_78 : i32
          %dma_start3A_80 = arith.constant 0 : i32
          %dma_start3A_81 = tpu.memref_slice %arg9[%add3A_79, %dma_start3A_80] : memref<40x128xi32, #tpu.memory_space<vmem>> -> memref<1x128xi32, #tpu.memory_space<vmem>>
          %dma_start3A_82 = tpu.memref_squeeze %dma_start3A_81 : memref<1x128xi32, #tpu.memory_space<vmem>> -> memref<128xi32, #tpu.memory_space<vmem>>
          %dma_start3A_83 = arith.constant 0 : i32
          %dma_start3A_84 = arith.constant 0 : i32
          %dma_start3A_85 = tpu.memref_slice %arg5[%dma_start3A_83, %dma_start3A_84] : memref<10240x256xf32, #tpu.memory_space<hbm>> -> memref<10240x256xf32, #tpu.memory_space<hbm>>
          tpu.enqueue_indirect_dma source(%dma_start3A_85 : memref<10240x256xf32, #tpu.memory_space<hbm>>) target(%arg12 : memref<128x256xf32, #tpu.memory_space<vmem>>) offsets(%dma_start3A_82 : memref<128xi32, #tpu.memory_space<vmem>>) semaphore(%arg14 : memref<!tpu.dma_semaphore, #tpu.memory_space<semaphore_mem>>)
        } else {
        }
        %dma_wait3A = arith.constant 0 : i32
        %dma_wait3A_56 = tpu.memref_slice %arg9[%add3A_48, %dma_wait3A] : memref<40x128xi32, #tpu.memory_space<vmem>> -> memref<1x128xi32, #tpu.memory_space<vmem>>
        %dma_wait3A_57 = tpu.memref_squeeze %dma_wait3A_56 : memref<1x128xi32, #tpu.memory_space<vmem>> -> memref<128xi32, #tpu.memory_space<vmem>>
        %dma_wait3A_58 = arith.constant 0 : i32
        %dma_wait3A_59 = arith.constant 0 : i32
        %dma_wait3A_60 = tpu.memref_slice %arg5[%dma_wait3A_58, %dma_wait3A_59] : memref<10240x256xf32, #tpu.memory_space<hbm>> -> memref<10240x256xf32, #tpu.memory_space<hbm>>
        tpu.wait_indirect_dma semaphore(%arg13 : memref<!tpu.dma_semaphore, #tpu.memory_space<semaphore_mem>>) src(%dma_wait3A_60 : memref<10240x256xf32, #tpu.memory_space<hbm>>) dst(%arg11 : memref<128x256xf32, #tpu.memory_space<vmem>>)
        %mul3A_61 = arith.constant 2 : i32
        %mul3A_62 = arith.muli %mul3A_61, %scan3A_44 : i32
        %add3A_63 = arith.constant 1 : i32
        %add3A_64 = arith.addi %mul3A_62, %add3A_63 : i32
        %add3A_65 = arith.constant 1 : i32
        %add3A_66 = arith.addi %add3A_64, %add3A_65 : i32
        %lt3A_67 = arith.constant 40 : i32
        %lt3A_68 = arith.cmpi slt, %add3A_66, %lt3A_67 : i32
        %convert_element_type3A_69 = arith.extui %lt3A_68 : i1 to i32
        %cond3A_70 = arith.constant 0 : i32
        %cond3A_71 = arith.cmpi ne, %convert_element_type3A_69, %cond3A_70 : i32
        scf.if %cond3A_71 {
          %add3A_78 = arith.constant 1 : i32
          %add3A_79 = arith.addi %add3A_64, %add3A_78 : i32
          %dma_start3A_80 = arith.constant 0 : i32
          %dma_start3A_81 = tpu.memref_slice %arg9[%add3A_79, %dma_start3A_80] : memref<40x128xi32, #tpu.memory_space<vmem>> -> memref<1x128xi32, #tpu.memory_space<vmem>>
          %dma_start3A_82 = tpu.memref_squeeze %dma_start3A_81 : memref<1x128xi32, #tpu.memory_space<vmem>> -> memref<128xi32, #tpu.memory_space<vmem>>
          %dma_start3A_83 = arith.constant 0 : i32
          %dma_start3A_84 = arith.constant 0 : i32
          %dma_start3A_85 = tpu.memref_slice %arg5[%dma_start3A_83, %dma_start3A_84] : memref<10240x256xf32, #tpu.memory_space<hbm>> -> memref<10240x256xf32, #tpu.memory_space<hbm>>
          tpu.enqueue_indirect_dma source(%dma_start3A_85 : memref<10240x256xf32, #tpu.memory_space<hbm>>) target(%arg11 : memref<128x256xf32, #tpu.memory_space<vmem>>) offsets(%dma_start3A_82 : memref<128xi32, #tpu.memory_space<vmem>>) semaphore(%arg13 : memref<!tpu.dma_semaphore, #tpu.memory_space<semaphore_mem>>)
        } else {
        }
        %dma_wait3A_72 = arith.constant 0 : i32
        %dma_wait3A_73 = tpu.memref_slice %arg9[%add3A_64, %dma_wait3A_72] : memref<40x128xi32, #tpu.memory_space<vmem>> -> memref<1x128xi32, #tpu.memory_space<vmem>>
        %dma_wait3A_74 = tpu.memref_squeeze %dma_wait3A_73 : memref<1x128xi32, #tpu.memory_space<vmem>> -> memref<128xi32, #tpu.memory_space<vmem>>
        %dma_wait3A_75 = arith.constant 0 : i32
        %dma_wait3A_76 = arith.constant 0 : i32
        %dma_wait3A_77 = tpu.memref_slice %arg5[%dma_wait3A_75, %dma_wait3A_76] : memref<10240x256xf32, #tpu.memory_space<hbm>> -> memref<10240x256xf32, #tpu.memory_space<hbm>>
        tpu.wait_indirect_dma semaphore(%arg14 : memref<!tpu.dma_semaphore, #tpu.memory_space<semaphore_mem>>) src(%dma_wait3A_77 : memref<10240x256xf32, #tpu.memory_space<hbm>>) dst(%arg12 : memref<128x256xf32, #tpu.memory_space<vmem>>)
      }
      %scan3A_42 = arith.constant 20 : i32
      %barrier3A_43 = arith.constant 0 : index
      tpu.barrier barrier_id(%barrier3A_43)
      "tpu.region"() ({
        %run_scoped3A = tpu.sem_alloc : memref<!tpu.dma_semaphore, #tpu.memory_space<semaphore_mem>>
        %dma_start3A_44 = arith.constant 0 : i32
        %dma_start3A_45 = tpu.memref_slice %arg7[%mul3A_0, %dma_start3A_44] : memref<10240x128xf32, #tpu.memory_space<hbm>> -> memref<640x128xf32, #tpu.memory_space<hbm>>
        %dma_start3A_46 = arith.constant 0 : i32
        %dma_start3A_47 = tpu.memref_slice %arg8[%mul3A_10, %dma_start3A_46] : memref<5120x128xf32, #tpu.memory_space<vmem_shared>> -> memref<640x128xf32, #tpu.memory_space<vmem_shared>>
        tpu.enqueue_dma source(%dma_start3A_47 : memref<640x128xf32, #tpu.memory_space<vmem_shared>>) target(%dma_start3A_45 : memref<640x128xf32, #tpu.memory_space<hbm>>) target_semaphore(%run_scoped3A : memref<!tpu.dma_semaphore, #tpu.memory_space<semaphore_mem>>)
        %dma_wait3A = arith.constant 0 : i32
        %dma_wait3A_48 = tpu.memref_slice %arg7[%mul3A_0, %dma_wait3A] : memref<10240x128xf32, #tpu.memory_space<hbm>> -> memref<640x128xf32, #tpu.memory_space<hbm>>
        %dma_wait3A_49 = arith.constant 0 : i32
        %dma_wait3A_50 = tpu.memref_slice %arg8[%mul3A_10, %dma_wait3A_49] : memref<5120x128xf32, #tpu.memory_space<vmem_shared>> -> memref<640x128xf32, #tpu.memory_space<vmem_shared>>
        tpu.wait_dma2 semaphore(%run_scoped3A : memref<!tpu.dma_semaphore, #tpu.memory_space<semaphore_mem>>) src(%dma_wait3A_50 : memref<640x128xf32, #tpu.memory_space<vmem_shared>>) dst(%dma_wait3A_48 : memref<640x128xf32, #tpu.memory_space<hbm>>)
        tpu.yield
      }) : () -> ()
    } else {
    }
    return
  }
}

#map = affine_map<(d0, d1) -> (0, 0, 0)>
#map1 = affine_map<(d0, d1) -> (0, 0)>
module attributes {stable_mosaic.version = 14 : i64} {
  func.func @_agg_body(%arg0: i32, %arg1: i32, %arg2: memref<16x80x128xi32, #tpu.memory_space<hbm>>, %arg3: memref<16x80x128xi32, #tpu.memory_space<hbm>>, %arg4: memref<10240x256xf32, #tpu.memory_space<hbm>>, %arg5: memref<10240x256xf32, #tpu.memory_space<hbm>>, %arg6: memref<10240x128xf32, #tpu.memory_space<hbm>>, %arg7: memref<10240x128xf32, #tpu.memory_space<hbm>>, %arg8: memref<5120x128xf32, #tpu.memory_space<vmem_shared>>, %arg9: memref<40x128xi32, #tpu.memory_space<vmem>>, %arg10: memref<40x128xi32, #tpu.memory_space<vmem>>, %arg11: memref<128x256xf32, #tpu.memory_space<vmem>>, %arg12: memref<128x256xf32, #tpu.memory_space<vmem>>, %arg13: memref<!tpu.dma_semaphore, #tpu.memory_space<semaphore_mem>>, %arg14: memref<!tpu.dma_semaphore, #tpu.memory_space<semaphore_mem>>, %arg15: memref<!tpu.dma_semaphore, #tpu.memory_space<semaphore_mem>>, %arg16: memref<!tpu.dma_semaphore, #tpu.memory_space<semaphore_mem>>) attributes {dimension_semantics = [#tpu.dimension_semantics<core_parallel>, #tpu.dimension_semantics<subcore_parallel>], iteration_bounds = array<i64: 2, 16>, scalar_prefetch = 0 : i64, scratch_operands = 9 : i64, tpu.core_type = #tpu.core_type<sc_vector_subcore>, window_params = [{transform_indices = #map}, {transform_indices = #map}, {transform_indices = #map1}, {transform_indices = #map1}, {transform_indices = #map1}, {transform_indices = #map1}]} {
    %mul3A = arith.constant 640 : i32
    %mul3A_0 = arith.muli %arg1, %mul3A : i32
    %jit3A = arith.constant 8 : i32
    %eq3A = arith.constant 0 : i32
    %eq3A_1 = arith.cmpi eq, %jit3A, %eq3A : i32
    %jit3A_2 = arith.constant 1 : i32
    %select_n3A = arith.select %eq3A_1, %jit3A_2, %jit3A : i32
    %rem3A = arith.remsi %arg1, %select_n3A : i32
    %ne3A = arith.constant 0 : i32
    %ne3A_3 = arith.cmpi ne, %rem3A, %ne3A : i32
    %lt3A = arith.constant 0 : i32
    %lt3A_4 = arith.cmpi slt, %rem3A, %lt3A : i32
    %lt3A_5 = arith.constant 0 : i32
    %lt3A_6 = arith.cmpi slt, %select_n3A, %lt3A_5 : i32
    %ne3A_7 = arith.xori %lt3A_4, %lt3A_6 : i1
    %and3A = arith.andi %ne3A_7, %ne3A_3 : i1
    %add3A = arith.addi %rem3A, %select_n3A : i32
    %select_n3A_8 = arith.select %and3A, %add3A, %rem3A : i32
    %mul3A_9 = arith.constant 640 : i32
    %mul3A_10 = arith.muli %select_n3A_8, %mul3A_9 : i32
    %eq3A_11 = arith.constant 0 : i32
    %eq3A_12 = arith.cmpi eq, %arg0, %eq3A_11 : i32
    %convert_element_type3A = arith.extui %eq3A_12 : i1 to i32
    %cond3A = arith.constant 0 : i32
    %cond3A_13 = arith.cmpi ne, %convert_element_type3A, %cond3A : i32
    scf.if %cond3A_13 {
      %barrier3A = arith.constant 0 : index
      tpu.barrier barrier_id(%barrier3A)
      "tpu.region"() ({
        %run_scoped3A = tpu.sem_alloc : memref<!tpu.dma_semaphore, #tpu.memory_space<semaphore_mem>>
        %dma_start3A_44 = arith.constant 0 : i32
        %dma_start3A_45 = arith.constant 0 : i32
        %dma_start3A_46 = tpu.memref_slice %arg2[%arg1, %dma_start3A_44, %dma_start3A_45] : memref<16x80x128xi32, #tpu.memory_space<hbm>> -> memref<1x40x128xi32, #tpu.memory_space<hbm>>
        %dma_start3A_47 = tpu.memref_squeeze %dma_start3A_46 : memref<1x40x128xi32, #tpu.memory_space<hbm>> -> memref<40x128xi32, #tpu.memory_space<hbm>>
        %dma_start3A_48 = arith.constant 0 : i32
        %dma_start3A_49 = arith.constant 0 : i32
        %dma_start3A_50 = tpu.memref_slice %arg2[%arg1, %dma_start3A_48, %dma_start3A_49] : memref<16x80x128xi32, #tpu.memory_space<hbm>> -> memref<1x40x128xi32, #tpu.memory_space<hbm>>
        %dma_start3A_51 = tpu.memref_squeeze %dma_start3A_50 : memref<1x40x128xi32, #tpu.memory_space<hbm>> -> memref<40x128xi32, #tpu.memory_space<hbm>>
        tpu.enqueue_dma source(%dma_start3A_51 : memref<40x128xi32, #tpu.memory_space<hbm>>) target(%arg9 : memref<40x128xi32, #tpu.memory_space<vmem>>) target_semaphore(%run_scoped3A : memref<!tpu.dma_semaphore, #tpu.memory_space<semaphore_mem>>)
        %dma_wait3A = arith.constant 0 : i32
        %dma_wait3A_52 = arith.constant 0 : i32
        %dma_wait3A_53 = tpu.memref_slice %arg2[%arg1, %dma_wait3A, %dma_wait3A_52] : memref<16x80x128xi32, #tpu.memory_space<hbm>> -> memref<1x40x128xi32, #tpu.memory_space<hbm>>
        %dma_wait3A_54 = tpu.memref_squeeze %dma_wait3A_53 : memref<1x40x128xi32, #tpu.memory_space<hbm>> -> memref<40x128xi32, #tpu.memory_space<hbm>>
        %dma_wait3A_55 = arith.constant 0 : i32
        %dma_wait3A_56 = arith.constant 0 : i32
        %dma_wait3A_57 = tpu.memref_slice %arg2[%arg1, %dma_wait3A_55, %dma_wait3A_56] : memref<16x80x128xi32, #tpu.memory_space<hbm>> -> memref<1x40x128xi32, #tpu.memory_space<hbm>>
        %dma_wait3A_58 = tpu.memref_squeeze %dma_wait3A_57 : memref<1x40x128xi32, #tpu.memory_space<hbm>> -> memref<40x128xi32, #tpu.memory_space<hbm>>
        tpu.wait_dma2 semaphore(%run_scoped3A : memref<!tpu.dma_semaphore, #tpu.memory_space<semaphore_mem>>) src(%dma_wait3A_58 : memref<40x128xi32, #tpu.memory_space<hbm>>) dst(%arg9 : memref<40x128xi32, #tpu.memory_space<vmem>>)
        tpu.yield
      }) : () -> ()
      "tpu.region"() ({
        %run_scoped3A = tpu.sem_alloc : memref<!tpu.dma_semaphore, #tpu.memory_space<semaphore_mem>>
        %dma_start3A_44 = arith.constant 0 : i32
        %dma_start3A_45 = arith.constant 0 : i32
        %dma_start3A_46 = tpu.memref_slice %arg3[%arg1, %dma_start3A_44, %dma_start3A_45] : memref<16x80x128xi32, #tpu.memory_space<hbm>> -> memref<1x40x128xi32, #tpu.memory_space<hbm>>
        %dma_start3A_47 = tpu.memref_squeeze %dma_start3A_46 : memref<1x40x128xi32, #tpu.memory_space<hbm>> -> memref<40x128xi32, #tpu.memory_space<hbm>>
        %dma_start3A_48 = arith.constant 0 : i32
        %dma_start3A_49 = arith.constant 0 : i32
        %dma_start3A_50 = tpu.memref_slice %arg3[%arg1, %dma_start3A_48, %dma_start3A_49] : memref<16x80x128xi32, #tpu.memory_space<hbm>> -> memref<1x40x128xi32, #tpu.memory_space<hbm>>
        %dma_start3A_51 = tpu.memref_squeeze %dma_start3A_50 : memref<1x40x128xi32, #tpu.memory_space<hbm>> -> memref<40x128xi32, #tpu.memory_space<hbm>>
        tpu.enqueue_dma source(%dma_start3A_51 : memref<40x128xi32, #tpu.memory_space<hbm>>) target(%arg10 : memref<40x128xi32, #tpu.memory_space<vmem>>) target_semaphore(%run_scoped3A : memref<!tpu.dma_semaphore, #tpu.memory_space<semaphore_mem>>)
        %dma_wait3A = arith.constant 0 : i32
        %dma_wait3A_52 = arith.constant 0 : i32
        %dma_wait3A_53 = tpu.memref_slice %arg3[%arg1, %dma_wait3A, %dma_wait3A_52] : memref<16x80x128xi32, #tpu.memory_space<hbm>> -> memref<1x40x128xi32, #tpu.memory_space<hbm>>
        %dma_wait3A_54 = tpu.memref_squeeze %dma_wait3A_53 : memref<1x40x128xi32, #tpu.memory_space<hbm>> -> memref<40x128xi32, #tpu.memory_space<hbm>>
        %dma_wait3A_55 = arith.constant 0 : i32
        %dma_wait3A_56 = arith.constant 0 : i32
        %dma_wait3A_57 = tpu.memref_slice %arg3[%arg1, %dma_wait3A_55, %dma_wait3A_56] : memref<16x80x128xi32, #tpu.memory_space<hbm>> -> memref<1x40x128xi32, #tpu.memory_space<hbm>>
        %dma_wait3A_58 = tpu.memref_squeeze %dma_wait3A_57 : memref<1x40x128xi32, #tpu.memory_space<hbm>> -> memref<40x128xi32, #tpu.memory_space<hbm>>
        tpu.wait_dma2 semaphore(%run_scoped3A : memref<!tpu.dma_semaphore, #tpu.memory_space<semaphore_mem>>) src(%dma_wait3A_58 : memref<40x128xi32, #tpu.memory_space<hbm>>) dst(%arg10 : memref<40x128xi32, #tpu.memory_space<vmem>>)
        tpu.yield
      }) : () -> ()
      %dma_start3A = arith.constant 0 : i32
      %dma_start3A_19 = arith.constant 0 : i32
      %dma_start3A_20 = tpu.memref_slice %arg9[%dma_start3A, %dma_start3A_19] : memref<40x128xi32, #tpu.memory_space<vmem>> -> memref<1x128xi32, #tpu.memory_space<vmem>>
      %dma_start3A_21 = tpu.memref_squeeze %dma_start3A_20 : memref<1x128xi32, #tpu.memory_space<vmem>> -> memref<128xi32, #tpu.memory_space<vmem>>
      %dma_start3A_22 = arith.constant 0 : i32
      %dma_start3A_23 = arith.constant 0 : i32
      %dma_start3A_24 = tpu.memref_slice %arg4[%dma_start3A_22, %dma_start3A_23] : memref<10240x256xf32, #tpu.memory_space<hbm>> -> memref<10240x256xf32, #tpu.memory_space<hbm>>
      tpu.enqueue_indirect_dma source(%dma_start3A_24 : memref<10240x256xf32, #tpu.memory_space<hbm>>) target(%arg11 : memref<128x256xf32, #tpu.memory_space<vmem>>) offsets(%dma_start3A_21 : memref<128xi32, #tpu.memory_space<vmem>>) semaphore(%arg13 : memref<!tpu.dma_semaphore, #tpu.memory_space<semaphore_mem>>)
      %scan3A = arith.constant 0 : i32
      %scan3A_25 = arith.constant 0 : i32
      %scan3A_26 = arith.constant 20 : i32
      %scan3A_27 = arith.addi %scan3A_25, %scan3A_26 : i32
      %scan3A_28 = arith.constant 1 : i32
      scf.for %scan3A_44 = %scan3A_25 to %scan3A_27 step %scan3A_28  : i32 {
        %mul3A_45 = arith.constant 2 : i32
        %mul3A_46 = arith.muli %mul3A_45, %scan3A_44 : i32
        %add3A_47 = arith.constant 0 : i32
        %add3A_48 = arith.addi %mul3A_46, %add3A_47 : i32
        %add3A_49 = arith.constant 1 : i32
        %add3A_50 = arith.addi %add3A_48, %add3A_49 : i32
        %lt3A_51 = arith.constant 40 : i32
        %lt3A_52 = arith.cmpi slt, %add3A_50, %lt3A_51 : i32
        %convert_element_type3A_53 = arith.extui %lt3A_52 : i1 to i32
        %cond3A_54 = arith.constant 0 : i32
        %cond3A_55 = arith.cmpi ne, %convert_element_type3A_53, %cond3A_54 : i32
        scf.if %cond3A_55 {
          %add3A_78 = arith.constant 1 : i32
          %add3A_79 = arith.addi %add3A_48, %add3A_78 : i32
          %dma_start3A_80 = arith.constant 0 : i32
          %dma_start3A_81 = tpu.memref_slice %arg9[%add3A_79, %dma_start3A_80] : memref<40x128xi32, #tpu.memory_space<vmem>> -> memref<1x128xi32, #tpu.memory_space<vmem>>
          %dma_start3A_82 = tpu.memref_squeeze %dma_start3A_81 : memref<1x128xi32, #tpu.memory_space<vmem>> -> memref<128xi32, #tpu.memory_space<vmem>>
          %dma_start3A_83 = arith.constant 0 : i32
          %dma_start3A_84 = arith.constant 0 : i32
          %dma_start3A_85 = tpu.memref_slice %arg4[%dma_start3A_83, %dma_start3A_84] : memref<10240x256xf32, #tpu.memory_space<hbm>> -> memref<10240x256xf32, #tpu.memory_space<hbm>>
          tpu.enqueue_indirect_dma source(%dma_start3A_85 : memref<10240x256xf32, #tpu.memory_space<hbm>>) target(%arg12 : memref<128x256xf32, #tpu.memory_space<vmem>>) offsets(%dma_start3A_82 : memref<128xi32, #tpu.memory_space<vmem>>) semaphore(%arg14 : memref<!tpu.dma_semaphore, #tpu.memory_space<semaphore_mem>>)
        } else {
        }
        %dma_wait3A = arith.constant 0 : i32
        %dma_wait3A_56 = tpu.memref_slice %arg9[%add3A_48, %dma_wait3A] : memref<40x128xi32, #tpu.memory_space<vmem>> -> memref<1x128xi32, #tpu.memory_space<vmem>>
        %dma_wait3A_57 = tpu.memref_squeeze %dma_wait3A_56 : memref<1x128xi32, #tpu.memory_space<vmem>> -> memref<128xi32, #tpu.memory_space<vmem>>
        %dma_wait3A_58 = arith.constant 0 : i32
        %dma_wait3A_59 = arith.constant 0 : i32
        %dma_wait3A_60 = tpu.memref_slice %arg4[%dma_wait3A_58, %dma_wait3A_59] : memref<10240x256xf32, #tpu.memory_space<hbm>> -> memref<10240x256xf32, #tpu.memory_space<hbm>>
        tpu.wait_indirect_dma semaphore(%arg13 : memref<!tpu.dma_semaphore, #tpu.memory_space<semaphore_mem>>) src(%dma_wait3A_60 : memref<10240x256xf32, #tpu.memory_space<hbm>>) dst(%arg11 : memref<128x256xf32, #tpu.memory_space<vmem>>)
        %mul3A_61 = arith.constant 2 : i32
        %mul3A_62 = arith.muli %mul3A_61, %scan3A_44 : i32
        %add3A_63 = arith.constant 1 : i32
        %add3A_64 = arith.addi %mul3A_62, %add3A_63 : i32
        %add3A_65 = arith.constant 1 : i32
        %add3A_66 = arith.addi %add3A_64, %add3A_65 : i32
        %lt3A_67 = arith.constant 40 : i32
        %lt3A_68 = arith.cmpi slt, %add3A_66, %lt3A_67 : i32
        %convert_element_type3A_69 = arith.extui %lt3A_68 : i1 to i32
        %cond3A_70 = arith.constant 0 : i32
        %cond3A_71 = arith.cmpi ne, %convert_element_type3A_69, %cond3A_70 : i32
        scf.if %cond3A_71 {
          %add3A_78 = arith.constant 1 : i32
          %add3A_79 = arith.addi %add3A_64, %add3A_78 : i32
          %dma_start3A_80 = arith.constant 0 : i32
          %dma_start3A_81 = tpu.memref_slice %arg9[%add3A_79, %dma_start3A_80] : memref<40x128xi32, #tpu.memory_space<vmem>> -> memref<1x128xi32, #tpu.memory_space<vmem>>
          %dma_start3A_82 = tpu.memref_squeeze %dma_start3A_81 : memref<1x128xi32, #tpu.memory_space<vmem>> -> memref<128xi32, #tpu.memory_space<vmem>>
          %dma_start3A_83 = arith.constant 0 : i32
          %dma_start3A_84 = arith.constant 0 : i32
          %dma_start3A_85 = tpu.memref_slice %arg4[%dma_start3A_83, %dma_start3A_84] : memref<10240x256xf32, #tpu.memory_space<hbm>> -> memref<10240x256xf32, #tpu.memory_space<hbm>>
          tpu.enqueue_indirect_dma source(%dma_start3A_85 : memref<10240x256xf32, #tpu.memory_space<hbm>>) target(%arg11 : memref<128x256xf32, #tpu.memory_space<vmem>>) offsets(%dma_start3A_82 : memref<128xi32, #tpu.memory_space<vmem>>) semaphore(%arg13 : memref<!tpu.dma_semaphore, #tpu.memory_space<semaphore_mem>>)
        } else {
        }
        %dma_wait3A_72 = arith.constant 0 : i32
        %dma_wait3A_73 = tpu.memref_slice %arg9[%add3A_64, %dma_wait3A_72] : memref<40x128xi32, #tpu.memory_space<vmem>> -> memref<1x128xi32, #tpu.memory_space<vmem>>
        %dma_wait3A_74 = tpu.memref_squeeze %dma_wait3A_73 : memref<1x128xi32, #tpu.memory_space<vmem>> -> memref<128xi32, #tpu.memory_space<vmem>>
        %dma_wait3A_75 = arith.constant 0 : i32
        %dma_wait3A_76 = arith.constant 0 : i32
        %dma_wait3A_77 = tpu.memref_slice %arg4[%dma_wait3A_75, %dma_wait3A_76] : memref<10240x256xf32, #tpu.memory_space<hbm>> -> memref<10240x256xf32, #tpu.memory_space<hbm>>
        tpu.wait_indirect_dma semaphore(%arg14 : memref<!tpu.dma_semaphore, #tpu.memory_space<semaphore_mem>>) src(%dma_wait3A_77 : memref<10240x256xf32, #tpu.memory_space<hbm>>) dst(%arg12 : memref<128x256xf32, #tpu.memory_space<vmem>>)
      }
      %scan3A_29 = arith.constant 20 : i32
      "tpu.region"() ({
        %run_scoped3A = tpu.sem_alloc : memref<!tpu.dma_semaphore, #tpu.memory_space<semaphore_mem>>
        %dma_start3A_44 = arith.constant 40 : i32
        %dma_start3A_45 = arith.constant 0 : i32
        %dma_start3A_46 = tpu.memref_slice %arg2[%arg1, %dma_start3A_44, %dma_start3A_45] : memref<16x80x128xi32, #tpu.memory_space<hbm>> -> memref<1x40x128xi32, #tpu.memory_space<hbm>>
        %dma_start3A_47 = tpu.memref_squeeze %dma_start3A_46 : memref<1x40x128xi32, #tpu.memory_space<hbm>> -> memref<40x128xi32, #tpu.memory_space<hbm>>
        %dma_start3A_48 = arith.constant 40 : i32
        %dma_start3A_49 = arith.constant 0 : i32
        %dma_start3A_50 = tpu.memref_slice %arg2[%arg1, %dma_start3A_48, %dma_start3A_49] : memref<16x80x128xi32, #tpu.memory_space<hbm>> -> memref<1x40x128xi32, #tpu.memory_space<hbm>>
        %dma_start3A_51 = tpu.memref_squeeze %dma_start3A_50 : memref<1x40x128xi32, #tpu.memory_space<hbm>> -> memref<40x128xi32, #tpu.memory_space<hbm>>
        tpu.enqueue_dma source(%dma_start3A_51 : memref<40x128xi32, #tpu.memory_space<hbm>>) target(%arg9 : memref<40x128xi32, #tpu.memory_space<vmem>>) target_semaphore(%run_scoped3A : memref<!tpu.dma_semaphore, #tpu.memory_space<semaphore_mem>>)
        %dma_wait3A = arith.constant 40 : i32
        %dma_wait3A_52 = arith.constant 0 : i32
        %dma_wait3A_53 = tpu.memref_slice %arg2[%arg1, %dma_wait3A, %dma_wait3A_52] : memref<16x80x128xi32, #tpu.memory_space<hbm>> -> memref<1x40x128xi32, #tpu.memory_space<hbm>>
        %dma_wait3A_54 = tpu.memref_squeeze %dma_wait3A_53 : memref<1x40x128xi32, #tpu.memory_space<hbm>> -> memref<40x128xi32, #tpu.memory_space<hbm>>
        %dma_wait3A_55 = arith.constant 40 : i32
        %dma_wait3A_56 = arith.constant 0 : i32
        %dma_wait3A_57 = tpu.memref_slice %arg2[%arg1, %dma_wait3A_55, %dma_wait3A_56] : memref<16x80x128xi32, #tpu.memory_space<hbm>> -> memref<1x40x128xi32, #tpu.memory_space<hbm>>
        %dma_wait3A_58 = tpu.memref_squeeze %dma_wait3A_57 : memref<1x40x128xi32, #tpu.memory_space<hbm>> -> memref<40x128xi32, #tpu.memory_space<hbm>>
        tpu.wait_dma2 semaphore(%run_scoped3A : memref<!tpu.dma_semaphore, #tpu.memory_space<semaphore_mem>>) src(%dma_wait3A_58 : memref<40x128xi32, #tpu.memory_space<hbm>>) dst(%arg9 : memref<40x128xi32, #tpu.memory_space<vmem>>)
        tpu.yield
      }) : () -> ()
      "tpu.region"() ({
        %run_scoped3A = tpu.sem_alloc : memref<!tpu.dma_semaphore, #tpu.memory_space<semaphore_mem>>
        %dma_start3A_44 = arith.constant 40 : i32
        %dma_start3A_45 = arith.constant 0 : i32
        %dma_start3A_46 = tpu.memref_slice %arg3[%arg1, %dma_start3A_44, %dma_start3A_45] : memref<16x80x128xi32, #tpu.memory_space<hbm>> -> memref<1x40x128xi32, #tpu.memory_space<hbm>>
        %dma_start3A_47 = tpu.memref_squeeze %dma_start3A_46 : memref<1x40x128xi32, #tpu.memory_space<hbm>> -> memref<40x128xi32, #tpu.memory_space<hbm>>
        %dma_start3A_48 = arith.constant 40 : i32
        %dma_start3A_49 = arith.constant 0 : i32
        %dma_start3A_50 = tpu.memref_slice %arg3[%arg1, %dma_start3A_48, %dma_start3A_49] : memref<16x80x128xi32, #tpu.memory_space<hbm>> -> memref<1x40x128xi32, #tpu.memory_space<hbm>>
        %dma_start3A_51 = tpu.memref_squeeze %dma_start3A_50 : memref<1x40x128xi32, #tpu.memory_space<hbm>> -> memref<40x128xi32, #tpu.memory_space<hbm>>
        tpu.enqueue_dma source(%dma_start3A_51 : memref<40x128xi32, #tpu.memory_space<hbm>>) target(%arg10 : memref<40x128xi32, #tpu.memory_space<vmem>>) target_semaphore(%run_scoped3A : memref<!tpu.dma_semaphore, #tpu.memory_space<semaphore_mem>>)
        %dma_wait3A = arith.constant 40 : i32
        %dma_wait3A_52 = arith.constant 0 : i32
        %dma_wait3A_53 = tpu.memref_slice %arg3[%arg1, %dma_wait3A, %dma_wait3A_52] : memref<16x80x128xi32, #tpu.memory_space<hbm>> -> memref<1x40x128xi32, #tpu.memory_space<hbm>>
        %dma_wait3A_54 = tpu.memref_squeeze %dma_wait3A_53 : memref<1x40x128xi32, #tpu.memory_space<hbm>> -> memref<40x128xi32, #tpu.memory_space<hbm>>
        %dma_wait3A_55 = arith.constant 40 : i32
        %dma_wait3A_56 = arith.constant 0 : i32
        %dma_wait3A_57 = tpu.memref_slice %arg3[%arg1, %dma_wait3A_55, %dma_wait3A_56] : memref<16x80x128xi32, #tpu.memory_space<hbm>> -> memref<1x40x128xi32, #tpu.memory_space<hbm>>
        %dma_wait3A_58 = tpu.memref_squeeze %dma_wait3A_57 : memref<1x40x128xi32, #tpu.memory_space<hbm>> -> memref<40x128xi32, #tpu.memory_space<hbm>>
        tpu.wait_dma2 semaphore(%run_scoped3A : memref<!tpu.dma_semaphore, #tpu.memory_space<semaphore_mem>>) src(%dma_wait3A_58 : memref<40x128xi32, #tpu.memory_space<hbm>>) dst(%arg10 : memref<40x128xi32, #tpu.memory_space<vmem>>)
        tpu.yield
      }) : () -> ()
      %dma_start3A_30 = arith.constant 0 : i32
      %dma_start3A_31 = arith.constant 0 : i32
      %dma_start3A_32 = tpu.memref_slice %arg9[%dma_start3A_30, %dma_start3A_31] : memref<40x128xi32, #tpu.memory_space<vmem>> -> memref<1x128xi32, #tpu.memory_space<vmem>>
      %dma_start3A_33 = tpu.memref_squeeze %dma_start3A_32 : memref<1x128xi32, #tpu.memory_space<vmem>> -> memref<128xi32, #tpu.memory_space<vmem>>
      %dma_start3A_34 = arith.constant 0 : i32
      %dma_start3A_35 = arith.constant 0 : i32
      %dma_start3A_36 = tpu.memref_slice %arg4[%dma_start3A_34, %dma_start3A_35] : memref<10240x256xf32, #tpu.memory_space<hbm>> -> memref<10240x256xf32, #tpu.memory_space<hbm>>
      tpu.enqueue_indirect_dma source(%dma_start3A_36 : memref<10240x256xf32, #tpu.memory_space<hbm>>) target(%arg11 : memref<128x256xf32, #tpu.memory_space<vmem>>) offsets(%dma_start3A_33 : memref<128xi32, #tpu.memory_space<vmem>>) semaphore(%arg13 : memref<!tpu.dma_semaphore, #tpu.memory_space<semaphore_mem>>)
      %scan3A_37 = arith.constant 0 : i32
      %scan3A_38 = arith.constant 0 : i32
      %scan3A_39 = arith.constant 20 : i32
      %scan3A_40 = arith.addi %scan3A_38, %scan3A_39 : i32
      %scan3A_41 = arith.constant 1 : i32
      scf.for %scan3A_44 = %scan3A_38 to %scan3A_40 step %scan3A_41  : i32 {
        %mul3A_45 = arith.constant 2 : i32
        %mul3A_46 = arith.muli %mul3A_45, %scan3A_44 : i32
        %add3A_47 = arith.constant 0 : i32
        %add3A_48 = arith.addi %mul3A_46, %add3A_47 : i32
        %add3A_49 = arith.constant 1 : i32
        %add3A_50 = arith.addi %add3A_48, %add3A_49 : i32
        %lt3A_51 = arith.constant 40 : i32
        %lt3A_52 = arith.cmpi slt, %add3A_50, %lt3A_51 : i32
        %convert_element_type3A_53 = arith.extui %lt3A_52 : i1 to i32
        %cond3A_54 = arith.constant 0 : i32
        %cond3A_55 = arith.cmpi ne, %convert_element_type3A_53, %cond3A_54 : i32
        scf.if %cond3A_55 {
          %add3A_78 = arith.constant 1 : i32
          %add3A_79 = arith.addi %add3A_48, %add3A_78 : i32
          %dma_start3A_80 = arith.constant 0 : i32
          %dma_start3A_81 = tpu.memref_slice %arg9[%add3A_79, %dma_start3A_80] : memref<40x128xi32, #tpu.memory_space<vmem>> -> memref<1x128xi32, #tpu.memory_space<vmem>>
          %dma_start3A_82 = tpu.memref_squeeze %dma_start3A_81 : memref<1x128xi32, #tpu.memory_space<vmem>> -> memref<128xi32, #tpu.memory_space<vmem>>
          %dma_start3A_83 = arith.constant 0 : i32
          %dma_start3A_84 = arith.constant 0 : i32
          %dma_start3A_85 = tpu.memref_slice %arg4[%dma_start3A_83, %dma_start3A_84] : memref<10240x256xf32, #tpu.memory_space<hbm>> -> memref<10240x256xf32, #tpu.memory_space<hbm>>
          tpu.enqueue_indirect_dma source(%dma_start3A_85 : memref<10240x256xf32, #tpu.memory_space<hbm>>) target(%arg12 : memref<128x256xf32, #tpu.memory_space<vmem>>) offsets(%dma_start3A_82 : memref<128xi32, #tpu.memory_space<vmem>>) semaphore(%arg14 : memref<!tpu.dma_semaphore, #tpu.memory_space<semaphore_mem>>)
        } else {
        }
        %dma_wait3A = arith.constant 0 : i32
        %dma_wait3A_56 = tpu.memref_slice %arg9[%add3A_48, %dma_wait3A] : memref<40x128xi32, #tpu.memory_space<vmem>> -> memref<1x128xi32, #tpu.memory_space<vmem>>
        %dma_wait3A_57 = tpu.memref_squeeze %dma_wait3A_56 : memref<1x128xi32, #tpu.memory_space<vmem>> -> memref<128xi32, #tpu.memory_space<vmem>>
        %dma_wait3A_58 = arith.constant 0 : i32
        %dma_wait3A_59 = arith.constant 0 : i32
        %dma_wait3A_60 = tpu.memref_slice %arg4[%dma_wait3A_58, %dma_wait3A_59] : memref<10240x256xf32, #tpu.memory_space<hbm>> -> memref<10240x256xf32, #tpu.memory_space<hbm>>
        tpu.wait_indirect_dma semaphore(%arg13 : memref<!tpu.dma_semaphore, #tpu.memory_space<semaphore_mem>>) src(%dma_wait3A_60 : memref<10240x256xf32, #tpu.memory_space<hbm>>) dst(%arg11 : memref<128x256xf32, #tpu.memory_space<vmem>>)
        %mul3A_61 = arith.constant 2 : i32
        %mul3A_62 = arith.muli %mul3A_61, %scan3A_44 : i32
        %add3A_63 = arith.constant 1 : i32
        %add3A_64 = arith.addi %mul3A_62, %add3A_63 : i32
        %add3A_65 = arith.constant 1 : i32
        %add3A_66 = arith.addi %add3A_64, %add3A_65 : i32
        %lt3A_67 = arith.constant 40 : i32
        %lt3A_68 = arith.cmpi slt, %add3A_66, %lt3A_67 : i32
        %convert_element_type3A_69 = arith.extui %lt3A_68 : i1 to i32
        %cond3A_70 = arith.constant 0 : i32
        %cond3A_71 = arith.cmpi ne, %convert_element_type3A_69, %cond3A_70 : i32
        scf.if %cond3A_71 {
          %add3A_78 = arith.constant 1 : i32
          %add3A_79 = arith.addi %add3A_64, %add3A_78 : i32
          %dma_start3A_80 = arith.constant 0 : i32
          %dma_start3A_81 = tpu.memref_slice %arg9[%add3A_79, %dma_start3A_80] : memref<40x128xi32, #tpu.memory_space<vmem>> -> memref<1x128xi32, #tpu.memory_space<vmem>>
          %dma_start3A_82 = tpu.memref_squeeze %dma_start3A_81 : memref<1x128xi32, #tpu.memory_space<vmem>> -> memref<128xi32, #tpu.memory_space<vmem>>
          %dma_start3A_83 = arith.constant 0 : i32
          %dma_start3A_84 = arith.constant 0 : i32
          %dma_start3A_85 = tpu.memref_slice %arg4[%dma_start3A_83, %dma_start3A_84] : memref<10240x256xf32, #tpu.memory_space<hbm>> -> memref<10240x256xf32, #tpu.memory_space<hbm>>
          tpu.enqueue_indirect_dma source(%dma_start3A_85 : memref<10240x256xf32, #tpu.memory_space<hbm>>) target(%arg11 : memref<128x256xf32, #tpu.memory_space<vmem>>) offsets(%dma_start3A_82 : memref<128xi32, #tpu.memory_space<vmem>>) semaphore(%arg13 : memref<!tpu.dma_semaphore, #tpu.memory_space<semaphore_mem>>)
        } else {
        }
        %dma_wait3A_72 = arith.constant 0 : i32
        %dma_wait3A_73 = tpu.memref_slice %arg9[%add3A_64, %dma_wait3A_72] : memref<40x128xi32, #tpu.memory_space<vmem>> -> memref<1x128xi32, #tpu.memory_space<vmem>>
        %dma_wait3A_74 = tpu.memref_squeeze %dma_wait3A_73 : memref<1x128xi32, #tpu.memory_space<vmem>> -> memref<128xi32, #tpu.memory_space<vmem>>
        %dma_wait3A_75 = arith.constant 0 : i32
        %dma_wait3A_76 = arith.constant 0 : i32
        %dma_wait3A_77 = tpu.memref_slice %arg4[%dma_wait3A_75, %dma_wait3A_76] : memref<10240x256xf32, #tpu.memory_space<hbm>> -> memref<10240x256xf32, #tpu.memory_space<hbm>>
        tpu.wait_indirect_dma semaphore(%arg14 : memref<!tpu.dma_semaphore, #tpu.memory_space<semaphore_mem>>) src(%dma_wait3A_77 : memref<10240x256xf32, #tpu.memory_space<hbm>>) dst(%arg12 : memref<128x256xf32, #tpu.memory_space<vmem>>)
      }
      %scan3A_42 = arith.constant 20 : i32
      %barrier3A_43 = arith.constant 0 : index
      tpu.barrier barrier_id(%barrier3A_43)
      "tpu.region"() ({
        %run_scoped3A = tpu.sem_alloc : memref<!tpu.dma_semaphore, #tpu.memory_space<semaphore_mem>>
        %dma_start3A_44 = arith.constant 0 : i32
        %dma_start3A_45 = tpu.memref_slice %arg6[%mul3A_0, %dma_start3A_44] : memref<10240x128xf32, #tpu.memory_space<hbm>> -> memref<640x128xf32, #tpu.memory_space<hbm>>
        %dma_start3A_46 = arith.constant 0 : i32
        %dma_start3A_47 = tpu.memref_slice %arg8[%mul3A_10, %dma_start3A_46] : memref<5120x128xf32, #tpu.memory_space<vmem_shared>> -> memref<640x128xf32, #tpu.memory_space<vmem_shared>>
        tpu.enqueue_dma source(%dma_start3A_47 : memref<640x128xf32, #tpu.memory_space<vmem_shared>>) target(%dma_start3A_45 : memref<640x128xf32, #tpu.memory_space<hbm>>) target_semaphore(%run_scoped3A : memref<!tpu.dma_semaphore, #tpu.memory_space<semaphore_mem>>)
        %dma_wait3A = arith.constant 0 : i32
        %dma_wait3A_48 = tpu.memref_slice %arg6[%mul3A_0, %dma_wait3A] : memref<10240x128xf32, #tpu.memory_space<hbm>> -> memref<640x128xf32, #tpu.memory_space<hbm>>
        %dma_wait3A_49 = arith.constant 0 : i32
        %dma_wait3A_50 = tpu.memref_slice %arg8[%mul3A_10, %dma_wait3A_49] : memref<5120x128xf32, #tpu.memory_space<vmem_shared>> -> memref<640x128xf32, #tpu.memory_space<vmem_shared>>
        tpu.wait_dma2 semaphore(%run_scoped3A : memref<!tpu.dma_semaphore, #tpu.memory_space<semaphore_mem>>) src(%dma_wait3A_50 : memref<640x128xf32, #tpu.memory_space<vmem_shared>>) dst(%dma_wait3A_48 : memref<640x128xf32, #tpu.memory_space<hbm>>)
        tpu.yield
      }) : () -> ()
    } else {
    }
    %eq3A_14 = arith.constant 1 : i32
    %eq3A_15 = arith.cmpi eq, %arg0, %eq3A_14 : i32
    %convert_element_type3A_16 = arith.extui %eq3A_15 : i1 to i32
    %cond3A_17 = arith.constant 0 : i32
    %cond3A_18 = arith.cmpi ne, %convert_element_type3A_16, %cond3A_17 : i32
    scf.if %cond3A_18 {
      %barrier3A = arith.constant 0 : index
      tpu.barrier barrier_id(%barrier3A)
      "tpu.region"() ({
        %run_scoped3A = tpu.sem_alloc : memref<!tpu.dma_semaphore, #tpu.memory_space<semaphore_mem>>
        %dma_start3A_44 = arith.constant 0 : i32
        %dma_start3A_45 = arith.constant 0 : i32
        %dma_start3A_46 = tpu.memref_slice %arg2[%arg1, %dma_start3A_44, %dma_start3A_45] : memref<16x80x128xi32, #tpu.memory_space<hbm>> -> memref<1x40x128xi32, #tpu.memory_space<hbm>>
        %dma_start3A_47 = tpu.memref_squeeze %dma_start3A_46 : memref<1x40x128xi32, #tpu.memory_space<hbm>> -> memref<40x128xi32, #tpu.memory_space<hbm>>
        %dma_start3A_48 = arith.constant 0 : i32
        %dma_start3A_49 = arith.constant 0 : i32
        %dma_start3A_50 = tpu.memref_slice %arg2[%arg1, %dma_start3A_48, %dma_start3A_49] : memref<16x80x128xi32, #tpu.memory_space<hbm>> -> memref<1x40x128xi32, #tpu.memory_space<hbm>>
        %dma_start3A_51 = tpu.memref_squeeze %dma_start3A_50 : memref<1x40x128xi32, #tpu.memory_space<hbm>> -> memref<40x128xi32, #tpu.memory_space<hbm>>
        tpu.enqueue_dma source(%dma_start3A_51 : memref<40x128xi32, #tpu.memory_space<hbm>>) target(%arg9 : memref<40x128xi32, #tpu.memory_space<vmem>>) target_semaphore(%run_scoped3A : memref<!tpu.dma_semaphore, #tpu.memory_space<semaphore_mem>>)
        %dma_wait3A = arith.constant 0 : i32
        %dma_wait3A_52 = arith.constant 0 : i32
        %dma_wait3A_53 = tpu.memref_slice %arg2[%arg1, %dma_wait3A, %dma_wait3A_52] : memref<16x80x128xi32, #tpu.memory_space<hbm>> -> memref<1x40x128xi32, #tpu.memory_space<hbm>>
        %dma_wait3A_54 = tpu.memref_squeeze %dma_wait3A_53 : memref<1x40x128xi32, #tpu.memory_space<hbm>> -> memref<40x128xi32, #tpu.memory_space<hbm>>
        %dma_wait3A_55 = arith.constant 0 : i32
        %dma_wait3A_56 = arith.constant 0 : i32
        %dma_wait3A_57 = tpu.memref_slice %arg2[%arg1, %dma_wait3A_55, %dma_wait3A_56] : memref<16x80x128xi32, #tpu.memory_space<hbm>> -> memref<1x40x128xi32, #tpu.memory_space<hbm>>
        %dma_wait3A_58 = tpu.memref_squeeze %dma_wait3A_57 : memref<1x40x128xi32, #tpu.memory_space<hbm>> -> memref<40x128xi32, #tpu.memory_space<hbm>>
        tpu.wait_dma2 semaphore(%run_scoped3A : memref<!tpu.dma_semaphore, #tpu.memory_space<semaphore_mem>>) src(%dma_wait3A_58 : memref<40x128xi32, #tpu.memory_space<hbm>>) dst(%arg9 : memref<40x128xi32, #tpu.memory_space<vmem>>)
        tpu.yield
      }) : () -> ()
      "tpu.region"() ({
        %run_scoped3A = tpu.sem_alloc : memref<!tpu.dma_semaphore, #tpu.memory_space<semaphore_mem>>
        %dma_start3A_44 = arith.constant 0 : i32
        %dma_start3A_45 = arith.constant 0 : i32
        %dma_start3A_46 = tpu.memref_slice %arg3[%arg1, %dma_start3A_44, %dma_start3A_45] : memref<16x80x128xi32, #tpu.memory_space<hbm>> -> memref<1x40x128xi32, #tpu.memory_space<hbm>>
        %dma_start3A_47 = tpu.memref_squeeze %dma_start3A_46 : memref<1x40x128xi32, #tpu.memory_space<hbm>> -> memref<40x128xi32, #tpu.memory_space<hbm>>
        %dma_start3A_48 = arith.constant 0 : i32
        %dma_start3A_49 = arith.constant 0 : i32
        %dma_start3A_50 = tpu.memref_slice %arg3[%arg1, %dma_start3A_48, %dma_start3A_49] : memref<16x80x128xi32, #tpu.memory_space<hbm>> -> memref<1x40x128xi32, #tpu.memory_space<hbm>>
        %dma_start3A_51 = tpu.memref_squeeze %dma_start3A_50 : memref<1x40x128xi32, #tpu.memory_space<hbm>> -> memref<40x128xi32, #tpu.memory_space<hbm>>
        tpu.enqueue_dma source(%dma_start3A_51 : memref<40x128xi32, #tpu.memory_space<hbm>>) target(%arg10 : memref<40x128xi32, #tpu.memory_space<vmem>>) target_semaphore(%run_scoped3A : memref<!tpu.dma_semaphore, #tpu.memory_space<semaphore_mem>>)
        %dma_wait3A = arith.constant 0 : i32
        %dma_wait3A_52 = arith.constant 0 : i32
        %dma_wait3A_53 = tpu.memref_slice %arg3[%arg1, %dma_wait3A, %dma_wait3A_52] : memref<16x80x128xi32, #tpu.memory_space<hbm>> -> memref<1x40x128xi32, #tpu.memory_space<hbm>>
        %dma_wait3A_54 = tpu.memref_squeeze %dma_wait3A_53 : memref<1x40x128xi32, #tpu.memory_space<hbm>> -> memref<40x128xi32, #tpu.memory_space<hbm>>
        %dma_wait3A_55 = arith.constant 0 : i32
        %dma_wait3A_56 = arith.constant 0 : i32
        %dma_wait3A_57 = tpu.memref_slice %arg3[%arg1, %dma_wait3A_55, %dma_wait3A_56] : memref<16x80x128xi32, #tpu.memory_space<hbm>> -> memref<1x40x128xi32, #tpu.memory_space<hbm>>
        %dma_wait3A_58 = tpu.memref_squeeze %dma_wait3A_57 : memref<1x40x128xi32, #tpu.memory_space<hbm>> -> memref<40x128xi32, #tpu.memory_space<hbm>>
        tpu.wait_dma2 semaphore(%run_scoped3A : memref<!tpu.dma_semaphore, #tpu.memory_space<semaphore_mem>>) src(%dma_wait3A_58 : memref<40x128xi32, #tpu.memory_space<hbm>>) dst(%arg10 : memref<40x128xi32, #tpu.memory_space<vmem>>)
        tpu.yield
      }) : () -> ()
      %dma_start3A = arith.constant 0 : i32
      %dma_start3A_19 = arith.constant 0 : i32
      %dma_start3A_20 = tpu.memref_slice %arg9[%dma_start3A, %dma_start3A_19] : memref<40x128xi32, #tpu.memory_space<vmem>> -> memref<1x128xi32, #tpu.memory_space<vmem>>
      %dma_start3A_21 = tpu.memref_squeeze %dma_start3A_20 : memref<1x128xi32, #tpu.memory_space<vmem>> -> memref<128xi32, #tpu.memory_space<vmem>>
      %dma_start3A_22 = arith.constant 0 : i32
      %dma_start3A_23 = arith.constant 0 : i32
      %dma_start3A_24 = tpu.memref_slice %arg5[%dma_start3A_22, %dma_start3A_23] : memref<10240x256xf32, #tpu.memory_space<hbm>> -> memref<10240x256xf32, #tpu.memory_space<hbm>>
      tpu.enqueue_indirect_dma source(%dma_start3A_24 : memref<10240x256xf32, #tpu.memory_space<hbm>>) target(%arg11 : memref<128x256xf32, #tpu.memory_space<vmem>>) offsets(%dma_start3A_21 : memref<128xi32, #tpu.memory_space<vmem>>) semaphore(%arg13 : memref<!tpu.dma_semaphore, #tpu.memory_space<semaphore_mem>>)
      %scan3A = arith.constant 0 : i32
      %scan3A_25 = arith.constant 0 : i32
      %scan3A_26 = arith.constant 20 : i32
      %scan3A_27 = arith.addi %scan3A_25, %scan3A_26 : i32
      %scan3A_28 = arith.constant 1 : i32
      scf.for %scan3A_44 = %scan3A_25 to %scan3A_27 step %scan3A_28  : i32 {
        %mul3A_45 = arith.constant 2 : i32
        %mul3A_46 = arith.muli %mul3A_45, %scan3A_44 : i32
        %add3A_47 = arith.constant 0 : i32
        %add3A_48 = arith.addi %mul3A_46, %add3A_47 : i32
        %add3A_49 = arith.constant 1 : i32
        %add3A_50 = arith.addi %add3A_48, %add3A_49 : i32
        %lt3A_51 = arith.constant 40 : i32
        %lt3A_52 = arith.cmpi slt, %add3A_50, %lt3A_51 : i32
        %convert_element_type3A_53 = arith.extui %lt3A_52 : i1 to i32
        %cond3A_54 = arith.constant 0 : i32
        %cond3A_55 = arith.cmpi ne, %convert_element_type3A_53, %cond3A_54 : i32
        scf.if %cond3A_55 {
          %add3A_78 = arith.constant 1 : i32
          %add3A_79 = arith.addi %add3A_48, %add3A_78 : i32
          %dma_start3A_80 = arith.constant 0 : i32
          %dma_start3A_81 = tpu.memref_slice %arg9[%add3A_79, %dma_start3A_80] : memref<40x128xi32, #tpu.memory_space<vmem>> -> memref<1x128xi32, #tpu.memory_space<vmem>>
          %dma_start3A_82 = tpu.memref_squeeze %dma_start3A_81 : memref<1x128xi32, #tpu.memory_space<vmem>> -> memref<128xi32, #tpu.memory_space<vmem>>
          %dma_start3A_83 = arith.constant 0 : i32
          %dma_start3A_84 = arith.constant 0 : i32
          %dma_start3A_85 = tpu.memref_slice %arg5[%dma_start3A_83, %dma_start3A_84] : memref<10240x256xf32, #tpu.memory_space<hbm>> -> memref<10240x256xf32, #tpu.memory_space<hbm>>
          tpu.enqueue_indirect_dma source(%dma_start3A_85 : memref<10240x256xf32, #tpu.memory_space<hbm>>) target(%arg12 : memref<128x256xf32, #tpu.memory_space<vmem>>) offsets(%dma_start3A_82 : memref<128xi32, #tpu.memory_space<vmem>>) semaphore(%arg14 : memref<!tpu.dma_semaphore, #tpu.memory_space<semaphore_mem>>)
        } else {
        }
        %dma_wait3A = arith.constant 0 : i32
        %dma_wait3A_56 = tpu.memref_slice %arg9[%add3A_48, %dma_wait3A] : memref<40x128xi32, #tpu.memory_space<vmem>> -> memref<1x128xi32, #tpu.memory_space<vmem>>
        %dma_wait3A_57 = tpu.memref_squeeze %dma_wait3A_56 : memref<1x128xi32, #tpu.memory_space<vmem>> -> memref<128xi32, #tpu.memory_space<vmem>>
        %dma_wait3A_58 = arith.constant 0 : i32
        %dma_wait3A_59 = arith.constant 0 : i32
        %dma_wait3A_60 = tpu.memref_slice %arg5[%dma_wait3A_58, %dma_wait3A_59] : memref<10240x256xf32, #tpu.memory_space<hbm>> -> memref<10240x256xf32, #tpu.memory_space<hbm>>
        tpu.wait_indirect_dma semaphore(%arg13 : memref<!tpu.dma_semaphore, #tpu.memory_space<semaphore_mem>>) src(%dma_wait3A_60 : memref<10240x256xf32, #tpu.memory_space<hbm>>) dst(%arg11 : memref<128x256xf32, #tpu.memory_space<vmem>>)
        %mul3A_61 = arith.constant 2 : i32
        %mul3A_62 = arith.muli %mul3A_61, %scan3A_44 : i32
        %add3A_63 = arith.constant 1 : i32
        %add3A_64 = arith.addi %mul3A_62, %add3A_63 : i32
        %add3A_65 = arith.constant 1 : i32
        %add3A_66 = arith.addi %add3A_64, %add3A_65 : i32
        %lt3A_67 = arith.constant 40 : i32
        %lt3A_68 = arith.cmpi slt, %add3A_66, %lt3A_67 : i32
        %convert_element_type3A_69 = arith.extui %lt3A_68 : i1 to i32
        %cond3A_70 = arith.constant 0 : i32
        %cond3A_71 = arith.cmpi ne, %convert_element_type3A_69, %cond3A_70 : i32
        scf.if %cond3A_71 {
          %add3A_78 = arith.constant 1 : i32
          %add3A_79 = arith.addi %add3A_64, %add3A_78 : i32
          %dma_start3A_80 = arith.constant 0 : i32
          %dma_start3A_81 = tpu.memref_slice %arg9[%add3A_79, %dma_start3A_80] : memref<40x128xi32, #tpu.memory_space<vmem>> -> memref<1x128xi32, #tpu.memory_space<vmem>>
          %dma_start3A_82 = tpu.memref_squeeze %dma_start3A_81 : memref<1x128xi32, #tpu.memory_space<vmem>> -> memref<128xi32, #tpu.memory_space<vmem>>
          %dma_start3A_83 = arith.constant 0 : i32
          %dma_start3A_84 = arith.constant 0 : i32
          %dma_start3A_85 = tpu.memref_slice %arg5[%dma_start3A_83, %dma_start3A_84] : memref<10240x256xf32, #tpu.memory_space<hbm>> -> memref<10240x256xf32, #tpu.memory_space<hbm>>
          tpu.enqueue_indirect_dma source(%dma_start3A_85 : memref<10240x256xf32, #tpu.memory_space<hbm>>) target(%arg11 : memref<128x256xf32, #tpu.memory_space<vmem>>) offsets(%dma_start3A_82 : memref<128xi32, #tpu.memory_space<vmem>>) semaphore(%arg13 : memref<!tpu.dma_semaphore, #tpu.memory_space<semaphore_mem>>)
        } else {
        }
        %dma_wait3A_72 = arith.constant 0 : i32
        %dma_wait3A_73 = tpu.memref_slice %arg9[%add3A_64, %dma_wait3A_72] : memref<40x128xi32, #tpu.memory_space<vmem>> -> memref<1x128xi32, #tpu.memory_space<vmem>>
        %dma_wait3A_74 = tpu.memref_squeeze %dma_wait3A_73 : memref<1x128xi32, #tpu.memory_space<vmem>> -> memref<128xi32, #tpu.memory_space<vmem>>
        %dma_wait3A_75 = arith.constant 0 : i32
        %dma_wait3A_76 = arith.constant 0 : i32
        %dma_wait3A_77 = tpu.memref_slice %arg5[%dma_wait3A_75, %dma_wait3A_76] : memref<10240x256xf32, #tpu.memory_space<hbm>> -> memref<10240x256xf32, #tpu.memory_space<hbm>>
        tpu.wait_indirect_dma semaphore(%arg14 : memref<!tpu.dma_semaphore, #tpu.memory_space<semaphore_mem>>) src(%dma_wait3A_77 : memref<10240x256xf32, #tpu.memory_space<hbm>>) dst(%arg12 : memref<128x256xf32, #tpu.memory_space<vmem>>)
      }
      %scan3A_29 = arith.constant 20 : i32
      "tpu.region"() ({
        %run_scoped3A = tpu.sem_alloc : memref<!tpu.dma_semaphore, #tpu.memory_space<semaphore_mem>>
        %dma_start3A_44 = arith.constant 40 : i32
        %dma_start3A_45 = arith.constant 0 : i32
        %dma_start3A_46 = tpu.memref_slice %arg2[%arg1, %dma_start3A_44, %dma_start3A_45] : memref<16x80x128xi32, #tpu.memory_space<hbm>> -> memref<1x40x128xi32, #tpu.memory_space<hbm>>
        %dma_start3A_47 = tpu.memref_squeeze %dma_start3A_46 : memref<1x40x128xi32, #tpu.memory_space<hbm>> -> memref<40x128xi32, #tpu.memory_space<hbm>>
        %dma_start3A_48 = arith.constant 40 : i32
        %dma_start3A_49 = arith.constant 0 : i32
        %dma_start3A_50 = tpu.memref_slice %arg2[%arg1, %dma_start3A_48, %dma_start3A_49] : memref<16x80x128xi32, #tpu.memory_space<hbm>> -> memref<1x40x128xi32, #tpu.memory_space<hbm>>
        %dma_start3A_51 = tpu.memref_squeeze %dma_start3A_50 : memref<1x40x128xi32, #tpu.memory_space<hbm>> -> memref<40x128xi32, #tpu.memory_space<hbm>>
        tpu.enqueue_dma source(%dma_start3A_51 : memref<40x128xi32, #tpu.memory_space<hbm>>) target(%arg9 : memref<40x128xi32, #tpu.memory_space<vmem>>) target_semaphore(%run_scoped3A : memref<!tpu.dma_semaphore, #tpu.memory_space<semaphore_mem>>)
        %dma_wait3A = arith.constant 40 : i32
        %dma_wait3A_52 = arith.constant 0 : i32
        %dma_wait3A_53 = tpu.memref_slice %arg2[%arg1, %dma_wait3A, %dma_wait3A_52] : memref<16x80x128xi32, #tpu.memory_space<hbm>> -> memref<1x40x128xi32, #tpu.memory_space<hbm>>
        %dma_wait3A_54 = tpu.memref_squeeze %dma_wait3A_53 : memref<1x40x128xi32, #tpu.memory_space<hbm>> -> memref<40x128xi32, #tpu.memory_space<hbm>>
        %dma_wait3A_55 = arith.constant 40 : i32
        %dma_wait3A_56 = arith.constant 0 : i32
        %dma_wait3A_57 = tpu.memref_slice %arg2[%arg1, %dma_wait3A_55, %dma_wait3A_56] : memref<16x80x128xi32, #tpu.memory_space<hbm>> -> memref<1x40x128xi32, #tpu.memory_space<hbm>>
        %dma_wait3A_58 = tpu.memref_squeeze %dma_wait3A_57 : memref<1x40x128xi32, #tpu.memory_space<hbm>> -> memref<40x128xi32, #tpu.memory_space<hbm>>
        tpu.wait_dma2 semaphore(%run_scoped3A : memref<!tpu.dma_semaphore, #tpu.memory_space<semaphore_mem>>) src(%dma_wait3A_58 : memref<40x128xi32, #tpu.memory_space<hbm>>) dst(%arg9 : memref<40x128xi32, #tpu.memory_space<vmem>>)
        tpu.yield
      }) : () -> ()
      "tpu.region"() ({
        %run_scoped3A = tpu.sem_alloc : memref<!tpu.dma_semaphore, #tpu.memory_space<semaphore_mem>>
        %dma_start3A_44 = arith.constant 40 : i32
        %dma_start3A_45 = arith.constant 0 : i32
        %dma_start3A_46 = tpu.memref_slice %arg3[%arg1, %dma_start3A_44, %dma_start3A_45] : memref<16x80x128xi32, #tpu.memory_space<hbm>> -> memref<1x40x128xi32, #tpu.memory_space<hbm>>
        %dma_start3A_47 = tpu.memref_squeeze %dma_start3A_46 : memref<1x40x128xi32, #tpu.memory_space<hbm>> -> memref<40x128xi32, #tpu.memory_space<hbm>>
        %dma_start3A_48 = arith.constant 40 : i32
        %dma_start3A_49 = arith.constant 0 : i32
        %dma_start3A_50 = tpu.memref_slice %arg3[%arg1, %dma_start3A_48, %dma_start3A_49] : memref<16x80x128xi32, #tpu.memory_space<hbm>> -> memref<1x40x128xi32, #tpu.memory_space<hbm>>
        %dma_start3A_51 = tpu.memref_squeeze %dma_start3A_50 : memref<1x40x128xi32, #tpu.memory_space<hbm>> -> memref<40x128xi32, #tpu.memory_space<hbm>>
        tpu.enqueue_dma source(%dma_start3A_51 : memref<40x128xi32, #tpu.memory_space<hbm>>) target(%arg10 : memref<40x128xi32, #tpu.memory_space<vmem>>) target_semaphore(%run_scoped3A : memref<!tpu.dma_semaphore, #tpu.memory_space<semaphore_mem>>)
        %dma_wait3A = arith.constant 40 : i32
        %dma_wait3A_52 = arith.constant 0 : i32
        %dma_wait3A_53 = tpu.memref_slice %arg3[%arg1, %dma_wait3A, %dma_wait3A_52] : memref<16x80x128xi32, #tpu.memory_space<hbm>> -> memref<1x40x128xi32, #tpu.memory_space<hbm>>
        %dma_wait3A_54 = tpu.memref_squeeze %dma_wait3A_53 : memref<1x40x128xi32, #tpu.memory_space<hbm>> -> memref<40x128xi32, #tpu.memory_space<hbm>>
        %dma_wait3A_55 = arith.constant 40 : i32
        %dma_wait3A_56 = arith.constant 0 : i32
        %dma_wait3A_57 = tpu.memref_slice %arg3[%arg1, %dma_wait3A_55, %dma_wait3A_56] : memref<16x80x128xi32, #tpu.memory_space<hbm>> -> memref<1x40x128xi32, #tpu.memory_space<hbm>>
        %dma_wait3A_58 = tpu.memref_squeeze %dma_wait3A_57 : memref<1x40x128xi32, #tpu.memory_space<hbm>> -> memref<40x128xi32, #tpu.memory_space<hbm>>
        tpu.wait_dma2 semaphore(%run_scoped3A : memref<!tpu.dma_semaphore, #tpu.memory_space<semaphore_mem>>) src(%dma_wait3A_58 : memref<40x128xi32, #tpu.memory_space<hbm>>) dst(%arg10 : memref<40x128xi32, #tpu.memory_space<vmem>>)
        tpu.yield
      }) : () -> ()
      %dma_start3A_30 = arith.constant 0 : i32
      %dma_start3A_31 = arith.constant 0 : i32
      %dma_start3A_32 = tpu.memref_slice %arg9[%dma_start3A_30, %dma_start3A_31] : memref<40x128xi32, #tpu.memory_space<vmem>> -> memref<1x128xi32, #tpu.memory_space<vmem>>
      %dma_start3A_33 = tpu.memref_squeeze %dma_start3A_32 : memref<1x128xi32, #tpu.memory_space<vmem>> -> memref<128xi32, #tpu.memory_space<vmem>>
      %dma_start3A_34 = arith.constant 0 : i32
      %dma_start3A_35 = arith.constant 0 : i32
      %dma_start3A_36 = tpu.memref_slice %arg5[%dma_start3A_34, %dma_start3A_35] : memref<10240x256xf32, #tpu.memory_space<hbm>> -> memref<10240x256xf32, #tpu.memory_space<hbm>>
      tpu.enqueue_indirect_dma source(%dma_start3A_36 : memref<10240x256xf32, #tpu.memory_space<hbm>>) target(%arg11 : memref<128x256xf32, #tpu.memory_space<vmem>>) offsets(%dma_start3A_33 : memref<128xi32, #tpu.memory_space<vmem>>) semaphore(%arg13 : memref<!tpu.dma_semaphore, #tpu.memory_space<semaphore_mem>>)
      %scan3A_37 = arith.constant 0 : i32
      %scan3A_38 = arith.constant 0 : i32
      %scan3A_39 = arith.constant 20 : i32
      %scan3A_40 = arith.addi %scan3A_38, %scan3A_39 : i32
      %scan3A_41 = arith.constant 1 : i32
      scf.for %scan3A_44 = %scan3A_38 to %scan3A_40 step %scan3A_41  : i32 {
        %mul3A_45 = arith.constant 2 : i32
        %mul3A_46 = arith.muli %mul3A_45, %scan3A_44 : i32
        %add3A_47 = arith.constant 0 : i32
        %add3A_48 = arith.addi %mul3A_46, %add3A_47 : i32
        %add3A_49 = arith.constant 1 : i32
        %add3A_50 = arith.addi %add3A_48, %add3A_49 : i32
        %lt3A_51 = arith.constant 40 : i32
        %lt3A_52 = arith.cmpi slt, %add3A_50, %lt3A_51 : i32
        %convert_element_type3A_53 = arith.extui %lt3A_52 : i1 to i32
        %cond3A_54 = arith.constant 0 : i32
        %cond3A_55 = arith.cmpi ne, %convert_element_type3A_53, %cond3A_54 : i32
        scf.if %cond3A_55 {
          %add3A_78 = arith.constant 1 : i32
          %add3A_79 = arith.addi %add3A_48, %add3A_78 : i32
          %dma_start3A_80 = arith.constant 0 : i32
          %dma_start3A_81 = tpu.memref_slice %arg9[%add3A_79, %dma_start3A_80] : memref<40x128xi32, #tpu.memory_space<vmem>> -> memref<1x128xi32, #tpu.memory_space<vmem>>
          %dma_start3A_82 = tpu.memref_squeeze %dma_start3A_81 : memref<1x128xi32, #tpu.memory_space<vmem>> -> memref<128xi32, #tpu.memory_space<vmem>>
          %dma_start3A_83 = arith.constant 0 : i32
          %dma_start3A_84 = arith.constant 0 : i32
          %dma_start3A_85 = tpu.memref_slice %arg5[%dma_start3A_83, %dma_start3A_84] : memref<10240x256xf32, #tpu.memory_space<hbm>> -> memref<10240x256xf32, #tpu.memory_space<hbm>>
          tpu.enqueue_indirect_dma source(%dma_start3A_85 : memref<10240x256xf32, #tpu.memory_space<hbm>>) target(%arg12 : memref<128x256xf32, #tpu.memory_space<vmem>>) offsets(%dma_start3A_82 : memref<128xi32, #tpu.memory_space<vmem>>) semaphore(%arg14 : memref<!tpu.dma_semaphore, #tpu.memory_space<semaphore_mem>>)
        } else {
        }
        %dma_wait3A = arith.constant 0 : i32
        %dma_wait3A_56 = tpu.memref_slice %arg9[%add3A_48, %dma_wait3A] : memref<40x128xi32, #tpu.memory_space<vmem>> -> memref<1x128xi32, #tpu.memory_space<vmem>>
        %dma_wait3A_57 = tpu.memref_squeeze %dma_wait3A_56 : memref<1x128xi32, #tpu.memory_space<vmem>> -> memref<128xi32, #tpu.memory_space<vmem>>
        %dma_wait3A_58 = arith.constant 0 : i32
        %dma_wait3A_59 = arith.constant 0 : i32
        %dma_wait3A_60 = tpu.memref_slice %arg5[%dma_wait3A_58, %dma_wait3A_59] : memref<10240x256xf32, #tpu.memory_space<hbm>> -> memref<10240x256xf32, #tpu.memory_space<hbm>>
        tpu.wait_indirect_dma semaphore(%arg13 : memref<!tpu.dma_semaphore, #tpu.memory_space<semaphore_mem>>) src(%dma_wait3A_60 : memref<10240x256xf32, #tpu.memory_space<hbm>>) dst(%arg11 : memref<128x256xf32, #tpu.memory_space<vmem>>)
        %mul3A_61 = arith.constant 2 : i32
        %mul3A_62 = arith.muli %mul3A_61, %scan3A_44 : i32
        %add3A_63 = arith.constant 1 : i32
        %add3A_64 = arith.addi %mul3A_62, %add3A_63 : i32
        %add3A_65 = arith.constant 1 : i32
        %add3A_66 = arith.addi %add3A_64, %add3A_65 : i32
        %lt3A_67 = arith.constant 40 : i32
        %lt3A_68 = arith.cmpi slt, %add3A_66, %lt3A_67 : i32
        %convert_element_type3A_69 = arith.extui %lt3A_68 : i1 to i32
        %cond3A_70 = arith.constant 0 : i32
        %cond3A_71 = arith.cmpi ne, %convert_element_type3A_69, %cond3A_70 : i32
        scf.if %cond3A_71 {
          %add3A_78 = arith.constant 1 : i32
          %add3A_79 = arith.addi %add3A_64, %add3A_78 : i32
          %dma_start3A_80 = arith.constant 0 : i32
          %dma_start3A_81 = tpu.memref_slice %arg9[%add3A_79, %dma_start3A_80] : memref<40x128xi32, #tpu.memory_space<vmem>> -> memref<1x128xi32, #tpu.memory_space<vmem>>
          %dma_start3A_82 = tpu.memref_squeeze %dma_start3A_81 : memref<1x128xi32, #tpu.memory_space<vmem>> -> memref<128xi32, #tpu.memory_space<vmem>>
          %dma_start3A_83 = arith.constant 0 : i32
          %dma_start3A_84 = arith.constant 0 : i32
          %dma_start3A_85 = tpu.memref_slice %arg5[%dma_start3A_83, %dma_start3A_84] : memref<10240x256xf32, #tpu.memory_space<hbm>> -> memref<10240x256xf32, #tpu.memory_space<hbm>>
          tpu.enqueue_indirect_dma source(%dma_start3A_85 : memref<10240x256xf32, #tpu.memory_space<hbm>>) target(%arg11 : memref<128x256xf32, #tpu.memory_space<vmem>>) offsets(%dma_start3A_82 : memref<128xi32, #tpu.memory_space<vmem>>) semaphore(%arg13 : memref<!tpu.dma_semaphore, #tpu.memory_space<semaphore_mem>>)
        } else {
        }
        %dma_wait3A_72 = arith.constant 0 : i32
        %dma_wait3A_73 = tpu.memref_slice %arg9[%add3A_64, %dma_wait3A_72] : memref<40x128xi32, #tpu.memory_space<vmem>> -> memref<1x128xi32, #tpu.memory_space<vmem>>
        %dma_wait3A_74 = tpu.memref_squeeze %dma_wait3A_73 : memref<1x128xi32, #tpu.memory_space<vmem>> -> memref<128xi32, #tpu.memory_space<vmem>>
        %dma_wait3A_75 = arith.constant 0 : i32
        %dma_wait3A_76 = arith.constant 0 : i32
        %dma_wait3A_77 = tpu.memref_slice %arg5[%dma_wait3A_75, %dma_wait3A_76] : memref<10240x256xf32, #tpu.memory_space<hbm>> -> memref<10240x256xf32, #tpu.memory_space<hbm>>
        tpu.wait_indirect_dma semaphore(%arg14 : memref<!tpu.dma_semaphore, #tpu.memory_space<semaphore_mem>>) src(%dma_wait3A_77 : memref<10240x256xf32, #tpu.memory_space<hbm>>) dst(%arg12 : memref<128x256xf32, #tpu.memory_space<vmem>>)
      }
      %scan3A_42 = arith.constant 20 : i32
      %barrier3A_43 = arith.constant 0 : index
      tpu.barrier barrier_id(%barrier3A_43)
      "tpu.region"() ({
        %run_scoped3A = tpu.sem_alloc : memref<!tpu.dma_semaphore, #tpu.memory_space<semaphore_mem>>
        %dma_start3A_44 = arith.constant 0 : i32
        %dma_start3A_45 = tpu.memref_slice %arg7[%mul3A_0, %dma_start3A_44] : memref<10240x128xf32, #tpu.memory_space<hbm>> -> memref<640x128xf32, #tpu.memory_space<hbm>>
        %dma_start3A_46 = arith.constant 0 : i32
        %dma_start3A_47 = tpu.memref_slice %arg8[%mul3A_10, %dma_start3A_46] : memref<5120x128xf32, #tpu.memory_space<vmem_shared>> -> memref<640x128xf32, #tpu.memory_space<vmem_shared>>
        tpu.enqueue_dma source(%dma_start3A_47 : memref<640x128xf32, #tpu.memory_space<vmem_shared>>) target(%dma_start3A_45 : memref<640x128xf32, #tpu.memory_space<hbm>>) target_semaphore(%run_scoped3A : memref<!tpu.dma_semaphore, #tpu.memory_space<semaphore_mem>>)
        %dma_wait3A = arith.constant 0 : i32
        %dma_wait3A_48 = tpu.memref_slice %arg7[%mul3A_0, %dma_wait3A] : memref<10240x128xf32, #tpu.memory_space<hbm>> -> memref<640x128xf32, #tpu.memory_space<hbm>>
        %dma_wait3A_49 = arith.constant 0 : i32
        %dma_wait3A_50 = tpu.memref_slice %arg8[%mul3A_10, %dma_wait3A_49] : memref<5120x128xf32, #tpu.memory_space<vmem_shared>> -> memref<640x128xf32, #tpu.memory_space<vmem_shared>>
        tpu.wait_dma2 semaphore(%run_scoped3A : memref<!tpu.dma_semaphore, #tpu.memory_space<semaphore_mem>>) src(%dma_wait3A_50 : memref<640x128xf32, #tpu.memory_space<vmem_shared>>) dst(%dma_wait3A_48 : memref<640x128xf32, #tpu.memory_space<hbm>>)
        tpu.yield
      }) : () -> ()
    } else {
    }
    return
  }
}

module attributes {stable_mosaic.version = 14 : i64} {
  func.func @_mm1_body(%arg0: i32, %arg1: memref<512x256xf32, #tpu.memory_space<vmem>>, %arg2: memref<256x256xf32, #tpu.memory_space<vmem>>, %arg3: memref<32x512xf32, #tpu.memory_space<vmem>>, %arg4: memref<512x256xf32, #tpu.memory_space<vmem>>, %arg5: memref<512x256xf32, #tpu.memory_space<vmem>>, %arg6: memref<512x16xf32, #tpu.memory_space<vmem>>) attributes {dimension_semantics = [#tpu.dimension_semantics<arbitrary>], iteration_bounds = array<i64: 20>, scalar_prefetch = 0 : i64, scratch_operands = 0 : i64, tpu.core_type = #tpu.core_type<tc>, window_params = [{transform_indices = @transform_0, window_bounds = array<i64: 512, 256>}, {pipeline_mode = #tpu.pipeline_mode<synchronous>, transform_indices = @transform_1, window_bounds = array<i64: 256, 256>}, {transform_indices = @transform_2, window_bounds = array<i64: 32, 512>}, {transform_indices = @transform_3, window_bounds = array<i64: 512, 256>}, {transform_indices = @transform_4, window_bounds = array<i64: 512, 256>}, {transform_indices = @transform_5, window_bounds = array<i64: 512, 16>}]} {
    %get3A = arith.constant 0 : index
    %get3A_0 = arith.constant 0 : index
    %get3A_1 = vector.load %arg3[%get3A, %get3A_0] : memref<32x512xf32, #tpu.memory_space<vmem>>, vector<32x512xf32>
    %reduce_sum3A = arith.constant dense<0.000000e+00> : vector<512xf32>
    %reduce_sum3A_2 = vector.multi_reduction <add>, %get3A_1, %reduce_sum3A [0] : vector<32x512xf32> to vector<512xf32>
    %add3A = arith.constant 1.000000e+00 : f32
    %add3A_3 = vector.broadcast %add3A : f32 to vector<512xf32>
    %add3A_4 = arith.addf %add3A_3, %reduce_sum3A_2 : vector<512xf32>
    %rsqrt3A = math.rsqrt %add3A_4 : vector<512xf32>
    %broadcast_in_dim3A = vector.shape_cast %rsqrt3A : vector<512xf32> to vector<512x1xf32>
    %broadcast_in_dim3A_5 = vector.shape_cast %broadcast_in_dim3A : vector<512x1xf32> to vector<512x1xf32>
    %broadcast_in_dim3A_6 = vector.broadcast %broadcast_in_dim3A_5 : vector<512x1xf32> to vector<512x16xf32>
    %swap3A = arith.constant 0 : index
    %swap3A_7 = arith.constant 0 : index
    %swap3A_8 = vector.load %arg6[%swap3A, %swap3A_7] : memref<512x16xf32, #tpu.memory_space<vmem>>, vector<512x16xf32>
    tpu.vector_store %arg6[%swap3A, %swap3A_7], %broadcast_in_dim3A_6 {strides = array<i32>} : memref<512x16xf32, #tpu.memory_space<vmem>>, vector<512x16xf32>,
    %get3A_9 = arith.constant 0 : index
    %get3A_10 = arith.constant 0 : index
    %get3A_11 = vector.load %arg1[%get3A_9, %get3A_10] : memref<512x256xf32, #tpu.memory_space<vmem>>, vector<512x256xf32>
    %get3A_12 = arith.constant 0 : index
    %get3A_13 = arith.constant 0 : index
    %get3A_14 = vector.load %arg2[%get3A_12, %get3A_13] : memref<256x256xf32, #tpu.memory_space<vmem>>, vector<256x256xf32>
    %dot_general3A = arith.constant dense<0.000000e+00> : vector<512x256xf32>
    %dot_general3A_15 = tpu.matmul %get3A_11, %get3A_14, %dot_general3A {dimension_numbers = #tpu.dot_dimension_numbers<[1], [0], [0], [1], [0, 0, 1, 1], [], []>, transpose_lhs_hint = false} : vector<512x256xf32>, vector<256x256xf32>, vector<512x256xf32> -> vector<512x256xf32>
    %mul3A = vector.broadcast %broadcast_in_dim3A : vector<512x1xf32> to vector<512x256xf32>
    %mul3A_16 = arith.mulf %dot_general3A_15, %mul3A : vector<512x256xf32>
    %swap3A_17 = arith.constant 0 : index
    %swap3A_18 = arith.constant 0 : index
    %swap3A_19 = vector.load %arg4[%swap3A_17, %swap3A_18] : memref<512x256xf32, #tpu.memory_space<vmem>>, vector<512x256xf32>
    tpu.vector_store %arg4[%swap3A_17, %swap3A_18], %mul3A_16 {strides = array<i32>} : memref<512x256xf32, #tpu.memory_space<vmem>>, vector<512x256xf32>,
    %swap3A_20 = arith.constant 0 : index
    %swap3A_21 = arith.constant 0 : index
    %swap3A_22 = vector.load %arg5[%swap3A_20, %swap3A_21] : memref<512x256xf32, #tpu.memory_space<vmem>>, vector<512x256xf32>
    tpu.vector_store %arg5[%swap3A_20, %swap3A_21], %mul3A_16 {strides = array<i32>} : memref<512x256xf32, #tpu.memory_space<vmem>>, vector<512x256xf32>,
    return
  }
  func.func @transform_0(%arg0: i32) -> (i32, i32) {
    %c0_i32 = arith.constant 0 : i32
    %c0_i32_0 = arith.constant 0 : i32
    return %arg0, %c0_i32 : i32, i32
  }
  func.func @transform_1(%arg0: i32) -> (i32, i32) {
    %c0_i32 = arith.constant 0 : i32
    %c0_i32_0 = arith.constant 0 : i32
    %c0_i32_1 = arith.constant 0 : i32
    return %c0_i32, %c0_i32_0 : i32, i32
  }
  func.func @transform_2(%arg0: i32) -> (i32, i32) {
    %c0_i32 = arith.constant 0 : i32
    %c0_i32_0 = arith.constant 0 : i32
    return %c0_i32, %arg0 : i32, i32
  }
  func.func @transform_3(%arg0: i32) -> (i32, i32) {
    %c0_i32 = arith.constant 0 : i32
    %c0_i32_0 = arith.constant 0 : i32
    return %arg0, %c0_i32 : i32, i32
  }
  func.func @transform_4(%arg0: i32) -> (i32, i32) {
    %c0_i32 = arith.constant 0 : i32
    %c0_i32_0 = arith.constant 0 : i32
    return %arg0, %c0_i32 : i32, i32
  }
  func.func @transform_5(%arg0: i32) -> (i32, i32) {
    %c0_i32 = arith.constant 0 : i32
    %c0_i32_0 = arith.constant 0 : i32
    return %arg0, %c0_i32 : i32, i32
  }
}

module attributes {stable_mosaic.version = 14 : i64} {
  func.func @_mid_body(%arg0: i32, %arg1: memref<512x128xf32, #tpu.memory_space<vmem>>, %arg2: memref<512x128xf32, #tpu.memory_space<vmem>>, %arg3: memref<512x16xf32, #tpu.memory_space<vmem>>, %arg4: memref<1x256xf32, #tpu.memory_space<vmem>>, %arg5: memref<512x256xf32, #tpu.memory_space<vmem>>, %arg6: memref<512x256xf32, #tpu.memory_space<vmem>>) attributes {dimension_semantics = [#tpu.dimension_semantics<arbitrary>], iteration_bounds = array<i64: 20>, scalar_prefetch = 0 : i64, scratch_operands = 0 : i64, tpu.core_type = #tpu.core_type<tc>, window_params = [{transform_indices = @transform_0, window_bounds = array<i64: 512, 128>}, {transform_indices = @transform_1, window_bounds = array<i64: 512, 128>}, {transform_indices = @transform_2, window_bounds = array<i64: 512, 16>}, {pipeline_mode = #tpu.pipeline_mode<synchronous>, transform_indices = @transform_3, window_bounds = array<i64: 1, 256>}, {transform_indices = @transform_4, window_bounds = array<i64: 512, 256>}, {transform_indices = @transform_5, window_bounds = array<i64: 512, 256>}]} {
    %get3A = arith.constant 0 : index
    %get3A_0 = arith.constant 0 : index
    %get3A_1 = vector.load %arg3[%get3A, %get3A_0] : memref<512x16xf32, #tpu.memory_space<vmem>>, vector<512x1xf32>
    %get3A_2 = arith.constant 0 : index
    %get3A_3 = arith.constant 0 : index
    %get3A_4 = vector.load %arg1[%get3A_2, %get3A_3] : memref<512x128xf32, #tpu.memory_space<vmem>>, vector<512x128xf32>
    %get3A_5 = arith.constant 0 : index
    %get3A_6 = arith.constant 0 : index
    %get3A_7 = vector.load %arg2[%get3A_5, %get3A_6] : memref<512x128xf32, #tpu.memory_space<vmem>>, vector<512x128xf32>
    %concatenate3A = tpu.concatenate %get3A_4, %get3A_7 in 1 : vector<512x128xf32>, vector<512x128xf32> -> vector<512x256xf32>
    %mul3A = vector.broadcast %get3A_1 : vector<512x1xf32> to vector<512x256xf32>
    %mul3A_8 = arith.mulf %concatenate3A, %mul3A : vector<512x256xf32>
    %get3A_9 = arith.constant 0 : index
    %get3A_10 = arith.constant 0 : index
    %get3A_11 = vector.load %arg4[%get3A_9, %get3A_10] : memref<1x256xf32, #tpu.memory_space<vmem>>, vector<1x256xf32>
    %add3A = vector.broadcast %get3A_11 : vector<1x256xf32> to vector<512x256xf32>
    %add3A_12 = arith.addf %mul3A_8, %add3A : vector<512x256xf32>
    %max3A = arith.constant 0.000000e+00 : f32
    %max3A_13 = vector.broadcast %max3A : f32 to vector<512x256xf32>
    %max3A_14 = arith.maximumf %add3A_12, %max3A_13 : vector<512x256xf32>
    %mul3A_15 = vector.broadcast %get3A_1 : vector<512x1xf32> to vector<512x256xf32>
    %mul3A_16 = arith.mulf %max3A_14, %mul3A_15 : vector<512x256xf32>
    %swap3A = arith.constant 0 : index
    %swap3A_17 = arith.constant 0 : index
    %swap3A_18 = vector.load %arg5[%swap3A, %swap3A_17] : memref<512x256xf32, #tpu.memory_space<vmem>>, vector<512x256xf32>
    tpu.vector_store %arg5[%swap3A, %swap3A_17], %mul3A_16 {strides = array<i32>} : memref<512x256xf32, #tpu.memory_space<vmem>>, vector<512x256xf32>,
    %swap3A_19 = arith.constant 0 : index
    %swap3A_20 = arith.constant 0 : index
    %swap3A_21 = vector.load %arg6[%swap3A_19, %swap3A_20] : memref<512x256xf32, #tpu.memory_space<vmem>>, vector<512x256xf32>
    tpu.vector_store %arg6[%swap3A_19, %swap3A_20], %mul3A_16 {strides = array<i32>} : memref<512x256xf32, #tpu.memory_space<vmem>>, vector<512x256xf32>,
    return
  }
  func.func @transform_0(%arg0: i32) -> (i32, i32) {
    %c0_i32 = arith.constant 0 : i32
    %c0_i32_0 = arith.constant 0 : i32
    return %arg0, %c0_i32 : i32, i32
  }
  func.func @transform_1(%arg0: i32) -> (i32, i32) {
    %c0_i32 = arith.constant 0 : i32
    %c0_i32_0 = arith.constant 0 : i32
    return %arg0, %c0_i32 : i32, i32
  }
  func.func @transform_2(%arg0: i32) -> (i32, i32) {
    %c0_i32 = arith.constant 0 : i32
    %c0_i32_0 = arith.constant 0 : i32
    return %arg0, %c0_i32 : i32, i32
  }
  func.func @transform_3(%arg0: i32) -> (i32, i32) {
    %c0_i32 = arith.constant 0 : i32
    %c0_i32_0 = arith.constant 0 : i32
    %c0_i32_1 = arith.constant 0 : i32
    return %c0_i32, %c0_i32_0 : i32, i32
  }
  func.func @transform_4(%arg0: i32) -> (i32, i32) {
    %c0_i32 = arith.constant 0 : i32
    %c0_i32_0 = arith.constant 0 : i32
    return %arg0, %c0_i32 : i32, i32
  }
  func.func @transform_5(%arg0: i32) -> (i32, i32) {
    %c0_i32 = arith.constant 0 : i32
    %c0_i32_0 = arith.constant 0 : i32
    return %arg0, %c0_i32 : i32, i32
  }
}

module attributes {stable_mosaic.version = 14 : i64} {
  func.func @_fin_body(%arg0: i32, %arg1: memref<512x128xf32, #tpu.memory_space<vmem>>, %arg2: memref<512x128xf32, #tpu.memory_space<vmem>>, %arg3: memref<512x16xf32, #tpu.memory_space<vmem>>, %arg4: memref<256x64xf32, #tpu.memory_space<vmem>>, %arg5: memref<1x64xf32, #tpu.memory_space<vmem>>, %arg6: memref<512x64xf32, #tpu.memory_space<vmem>>) attributes {dimension_semantics = [#tpu.dimension_semantics<arbitrary>], iteration_bounds = array<i64: 20>, scalar_prefetch = 0 : i64, scratch_operands = 0 : i64, tpu.core_type = #tpu.core_type<tc>, window_params = [{transform_indices = @transform_0, window_bounds = array<i64: 512, 128>}, {transform_indices = @transform_1, window_bounds = array<i64: 512, 128>}, {transform_indices = @transform_2, window_bounds = array<i64: 512, 16>}, {pipeline_mode = #tpu.pipeline_mode<synchronous>, transform_indices = @transform_3, window_bounds = array<i64: 256, 64>}, {pipeline_mode = #tpu.pipeline_mode<synchronous>, transform_indices = @transform_4, window_bounds = array<i64: 1, 64>}, {transform_indices = @transform_5, window_bounds = array<i64: 512, 64>}]} {
    %get3A = arith.constant 0 : index
    %get3A_0 = arith.constant 0 : index
    %get3A_1 = vector.load %arg1[%get3A, %get3A_0] : memref<512x128xf32, #tpu.memory_space<vmem>>, vector<512x128xf32>
    %get3A_2 = arith.constant 0 : index
    %get3A_3 = arith.constant 0 : index
    %get3A_4 = vector.load %arg2[%get3A_2, %get3A_3] : memref<512x128xf32, #tpu.memory_space<vmem>>, vector<512x128xf32>
    %concatenate3A = tpu.concatenate %get3A_1, %get3A_4 in 1 : vector<512x128xf32>, vector<512x128xf32> -> vector<512x256xf32>
    %get3A_5 = arith.constant 0 : index
    %get3A_6 = arith.constant 0 : index
    %get3A_7 = vector.load %arg3[%get3A_5, %get3A_6] : memref<512x16xf32, #tpu.memory_space<vmem>>, vector<512x1xf32>
    %mul3A = vector.broadcast %get3A_7 : vector<512x1xf32> to vector<512x256xf32>
    %mul3A_8 = arith.mulf %concatenate3A, %mul3A : vector<512x256xf32>
    %get3A_9 = arith.constant 0 : index
    %get3A_10 = arith.constant 0 : index
    %get3A_11 = vector.load %arg4[%get3A_9, %get3A_10] : memref<256x64xf32, #tpu.memory_space<vmem>>, vector<256x64xf32>
    %dot_general3A = arith.constant dense<0.000000e+00> : vector<512x64xf32>
    %dot_general3A_12 = tpu.matmul %mul3A_8, %get3A_11, %dot_general3A {dimension_numbers = #tpu.dot_dimension_numbers<[1], [0], [0], [1], [0, 0, 1, 1], [], []>, transpose_lhs_hint = false} : vector<512x256xf32>, vector<256x64xf32>, vector<512x64xf32> -> vector<512x64xf32>
    %get3A_13 = arith.constant 0 : index
    %get3A_14 = arith.constant 0 : index
    %get3A_15 = vector.load %arg5[%get3A_13, %get3A_14] : memref<1x64xf32, #tpu.memory_space<vmem>>, vector<1x64xf32>
    %add3A = vector.broadcast %get3A_15 : vector<1x64xf32> to vector<512x64xf32>
    %add3A_16 = arith.addf %dot_general3A_12, %add3A : vector<512x64xf32>
    %swap3A = arith.constant 0 : index
    %swap3A_17 = arith.constant 0 : index
    %swap3A_18 = vector.load %arg6[%swap3A, %swap3A_17] : memref<512x64xf32, #tpu.memory_space<vmem>>, vector<512x64xf32>
    tpu.vector_store %arg6[%swap3A, %swap3A_17], %add3A_16 {strides = array<i32>} : memref<512x64xf32, #tpu.memory_space<vmem>>, vector<512x64xf32>,
    return
  }
  func.func @transform_0(%arg0: i32) -> (i32, i32) {
    %c0_i32 = arith.constant 0 : i32
    %c0_i32_0 = arith.constant 0 : i32
    return %arg0, %c0_i32 : i32, i32
  }
  func.func @transform_1(%arg0: i32) -> (i32, i32) {
    %c0_i32 = arith.constant 0 : i32
    %c0_i32_0 = arith.constant 0 : i32
    return %arg0, %c0_i32 : i32, i32
  }
  func.func @transform_2(%arg0: i32) -> (i32, i32) {
    %c0_i32 = arith.constant 0 : i32
    %c0_i32_0 = arith.constant 0 : i32
    return %arg0, %c0_i32 : i32, i32
  }
  func.func @transform_3(%arg0: i32) -> (i32, i32) {
    %c0_i32 = arith.constant 0 : i32
    %c0_i32_0 = arith.constant 0 : i32
    %c0_i32_1 = arith.constant 0 : i32
    return %c0_i32, %c0_i32_0 : i32, i32
  }
  func.func @transform_4(%arg0: i32) -> (i32, i32) {
    %c0_i32 = arith.constant 0 : i32
    %c0_i32_0 = arith.constant 0 : i32
    %c0_i32_1 = arith.constant 0 : i32
    return %c0_i32, %c0_i32_0 : i32, i32
  }
  func.func @transform_5(%arg0: i32) -> (i32, i32) {
    %c0_i32 = arith.constant 0 : i32
    %c0_i32_0 = arith.constant 0 : i32
    return %arg0, %c0_i32 : i32, i32
  }
}

</mosaic_0001>

<sc_bundles>
// kernel: kernel.11.cloned.1.call-start
scs
__scs_entry_jumppad:
0x0: {  	(pc) =	sbr.rel $0x88, $3  }
0x1: {  	(tag) =	ssettag $0x0;
	lr =	simm.s32 $0x1  }
0x2: {  	[smem:$0x3F9B] =	sst lr;
	_ =	strace $0xD0000000  }
0x3: {  	_ = 	snop  }
0x4: {  	_ = 	snop  }
0x5: {  	_ = 	snop  }
0x6: {  	_ = 	snop  }
0x7: {  	_ = 	snop  }
__scs_overlays_trampoline_lowered:
0x8: {  	[smem:$0x3FAA] =	sst s0  }
0x9: {  	[smem:$0x3FAB] =	sst s1  }
0xa: {  	[smem:$0x3FAC] =	sst s2  }
0xb: {  	[smem:$0x3FAD] =	sst s3  }
0xc: {  	[smem:$0x3FAE] =	sst s4  }
0xd: {  	[smem:$0x3FAF] =	sst s5  }
0xe: {  	[smem:$0x3FB0] =	sst s6  }
0xf: {  	[smem:$0x3FB1] =	sst s7  }
0x10: {  	[smem:$0x3FB2] =	sst s8  }
0x11: {  	[smem:$0x3FB3] =	sst s9;
	s0 =	simm.s32 @!p0 $0x0  }
0x12: {  	s1 =	sld [smem:$0x3F99];
	s0 =	simm.s32 @p0 $0x1  }
0x13: {  	[smem:$0x3FB4] =	sst s0;
	s0 =	simm.s32 @!p1 $0x0  }
0x14: {  	s2 =	sld [smem:$0x3F98];
	s0 =	simm.s32 @p1 $0x1  }
0x15: {  	[smem:$0x3FB5] =	sst s0;
	s0 =	simm.s32 @!p2 $0x0  }
0x16: {  	s3 =	sld [smem:$0x3FDB];
	s0 =	simm.s32 @p2 $0x1  }
0x17: {  	s4 =	simm.s32 $0x1BF5;
	[smem:$0x3FB7] =	sst s0  }
0x18: {  	s0 =	sld [smem:$0x3F9A];
	_ =	swait.ge [sflag:s4], $0x0  }
0x19: {  	s7 =	sld [smem:$0x3F9B]  }
0x1a: {  	s8 =	sadd.s32 $0xFFFFE003, lr  }
0x1b: {  	s9 =	sadd.s32 $0xFFFFFEF7, lr;
	s5 =	simm.s32 $0xFFFFFFFF;
	p2 =	slt.u32 s8, $0xFFFFF086  }
0x1c: {  	p1 =	slt.u32 s9, $0xF7A;
	s5 =	simm.s32 @!p2 $0x0  }
0x1d: {  	s5 =	simm.s32 @p1 $0x1;
	p0 =	seq.s32 s7, s2  }
0x1e: {  	s7 =	smul.u32 @!p0 $0xF7A, s2;
	p2 =	seq.s32 @!p0 s5, $0x0  }
0x1f: {  	s9 =	smul.u32 $0xF7A, s1;
	s8 =	simm.s32 @!p0 $0x1BF5;
	p2 =	por !p2, p0  }
0x20: {  	[sflag:s8] =	ssyncset.s32 @!p0 $0xFFFFF086;
	s6 =	sadd.s32 @!p0 s3, s7;
	s7 =	simm.s32 @!p0 $0x108  }
0x21: {  	s3 =	sadd.s32 s3, s9;
	s6 =	sadd.s32 @!p0 $0x88, s6;
	s7 =	simm.s32 @p2 $0x1082  }
0x22: {  	[simem:s7], [sflag:s8] =	dma.local @!p0 [hbm:s6], $0xF7A  }
0x23: {  	s9 =	sor.u32 $0xD0000000, s2;
	s6 =	simm.s32 $0x108;
	_ =	swait.ge @!p0 [sflag:s8], $0x0  }
0x24: {  	s3 =	sadd.s32 $0x88, s3;
	s6 =	simm.s32 @!p1 $0x1082;
	[sflag:s4] =	ssyncset.s32 $0xFFFFF086  }
0x25: {  	[simem:s6], [sflag:s4] =	dma.local [hbm:s3], $0xF7A  }
0x26: {  	[smem:$0x3F9B] =	sst s1;
	(tag) =	ssettag s2;
	_ =	strace s9  }
0x27: {  	s1 =	sld [smem:$0x3FAB]  }
0x28: {  	s2 =	sld [smem:$0x3FAC]  }
0x29: {  	s4 =	sld [smem:$0x3FAE]  }
0x2a: {  	p0 =	seq.s32 s5, $0x0;
	s5 =	sld [smem:$0x3FAF]  }
0x2b: {  	s6 =	sld [smem:$0x3FB0]  }
0x2c: {  	s7 =	sld [smem:$0x3FB1]  }
0x2d: {  	s3 =	simm.s32 $0x108;
	s8 =	sld [smem:$0x3FB2]  }
0x2e: {  	s3 =	simm.s32 @!p0 $0x1082;
	s9 =	sld [smem:$0x3FB3]  }
0x2f: {  	lr =	sadd.s32 s0, s3;
	s0 =	sld [smem:$0x3FAA]  }
0x30: {  	s3 =	sld [smem:$0x3FAD]  }
0x31: {  	[smem:$0x3FB6] =	sst s10  }
0x32: {  	s10 =	sld [smem:$0x3FB4];
	_ =	sdelay $0x3  }
0x33: {  	p0 =	seq.s32 s10, $0x1;
	s10 =	sld [smem:$0x3FB6];
	_ =	sdelay $0x3  }
0x34: {  	[smem:$0x3FB6] =	sst s10  }
0x35: {  	s10 =	sld [smem:$0x3FB5];
	_ =	sdelay $0x3  }
0x36: {  	p1 =	seq.s32 s10, $0x1;
	s10 =	sld [smem:$0x3FB6];
	_ =	sdelay $0x3  }
0x37: {  	[smem:$0x3FB6] =	sst s10  }
0x38: {  	s10 =	sld [smem:$0x3FB7]  }
0x39: {  	_ = 	snop;
	(pc) =	sbr.ind lr, $3  }
0x3a: {  	_ = 	snop  }
0x3b: {  	_ = 	snop  }
0x3c: {  	p2 =	seq.s32 s10, $0x1;
	s10 =	sld [smem:$0x3FB6]  }
0x3d: {  	_ =	shalt  }
0x3e: {  	_ =	shalt  }
0x3f: {  	_ =	shalt  }
0x40: {  	_ =	shalt  }
0x41: {  	_ =	shalt  }
0x42: {  	_ =	shalt  }
0x43: {  	_ =	shalt  }
0x44: {  	_ =	shalt  }
0x45: {  	_ =	shalt  }
0x46: {  	_ =	shalt  }
0x47: {  	_ =	shalt  }
0x48: {  	_ =	shalt  }
0x49: {  	_ =	shalt  }
0x4a: {  	_ =	shalt  }
0x4b: {  	_ =	shalt  }
0x4c: {  	_ =	shalt  }
0x4d: {  	_ =	shalt  }
0x4e: {  	_ =	shalt  }
0x4f: {  	_ =	shalt  }
0x50: {  	_ =	shalt  }
0x51: {  	_ =	shalt  }
0x52: {  	_ =	shalt  }
0x53: {  	_ =	shalt  }
0x54: {  	_ =	shalt  }
0x55: {  	_ =	shalt  }
0x56: {  	_ =	shalt  }
0x57: {  	_ =	shalt  }
0x58: {  	_ =	shalt  }
0x59: {  	_ =	shalt  }
0x5a: {  	_ =	shalt  }
0x5b: {  	_ =	shalt  }
0x5c: {  	_ =	shalt  }
0x5d: {  	_ =	shalt  }
0x5e: {  	_ =	shalt  }
0x5f: {  	_ =	shalt  }
0x60: {  	_ =	shalt  }
0x61: {  	_ =	shalt  }
0x62: {  	_ =	shalt  }
0x63: {  	_ =	shalt  }
0x64: {  	_ =	shalt  }
0x65: {  	_ =	shalt  }
0x66: {  	_ =	shalt  }
0x67: {  	_ =	shalt  }
0x68: {  	_ =	shalt  }
0x69: {  	_ =	shalt  }
0x6a: {  	_ =	shalt  }
0x6b: {  	_ =	shalt  }
0x6c: {  	_ =	shalt  }
0x6d: {  	_ =	shalt  }
0x6e: {  	_ =	shalt  }
0x6f: {  	_ =	shalt  }
0x70: {  	_ =	shalt  }
0x71: {  	_ =	shalt  }
0x72: {  	_ =	shalt  }
0x73: {  	_ =	shalt  }
0x74: {  	_ =	shalt  }
0x75: {  	_ =	shalt  }
0x76: {  	_ =	shalt  }
0x77: {  	_ =	shalt  }
0x78: {  	_ =	shalt  }
0x79: {  	_ =	shalt  }
0x7a: {  	_ =	shalt  }
0x7b: {  	_ =	shalt  }
0x7c: {  	_ =	shalt  }
0x7d: {  	_ =	shalt  }
0x7e: {  	_ =	shalt  }
0x7f: {  	_ =	shalt  }
0x80: {  	_ =	shalt  }
0x81: {  	_ =	shalt  }
0x82: {  	_ =	shalt  }
0x83: {  	_ =	shalt  }
0x84: {  	_ =	shalt  }
0x85: {  	_ =	shalt  }
0x86: {  	_ =	shalt  }
0x87: {  	_ =	shalt  }
.Lfunc_end0:
.L_simem_size_0:
called_computation.1_lowered:
.L_overlay_start_0:
0x88: {  	s2 =	sld [smem:$0x3FD9]  }
0x89: {  	s3 =	sld [smem:$0x3FFE];
	_ =	sdelay $0x1  }
0x8a: {  	s1 =	srdreg.scid  }
0x8b: {  	s0 =	sand.u32 $0x1, s1  }
0x8c: {  	s16 =	sshll.u32 s0, $0xA;
	s2 =	sadd.s32 s3, s2  }
0x8d: {  	s2 =	sadd.s32 s2, s16  }
0x8e: {  	[smem:$0x3FC2] =	sst s2  }
0x8f: {  	_ = 	snop  }
0x90: {  	(tm) =	ssettm $0x1  }
0x91: {  	s17 =	sld [smem:$0x3FFB];
	_ =	sdelay $0x3  }
0x92: {  	_ =	strace s17  }
0x93: {  	s2 =	sld [smem:$0x3FFC];
	_ =	sdelay $0x3  }
0x94: {  	_ =	strace s2  }
0x95: {  	s2 =	sld [smem:$0x3FFD];
	_ =	sdelay $0x3  }
0x96: {  	_ =	strace s2  }
0x97: {  	_ =	strace $0x8FFFFFFF  }
0x98: {  	s18 =	sld [smem:$0x3FDB];
	_ =	sdelay $0x1  }
0x99: {  	s19 =	simm.s32 $_scs_section_size  }
0x9a: {  	s4 =	simm.s32 $_size__tile_overlayer_lowered;
	s5 =	simm.s32 $_tile_overlayer_lowered  }
0x9b: {  	s22 =	simm.s32 $0x1BFF;
	s21 =	sshll.u32 s5, $0x1;
	s2 =	sadd.s32 s19, s18  }
0x9c: {  	s6 =	simm.s32 $0x0;
	s20 =	sshll.u32 s4, $0x1;
	s4 =	sadd.s32 s21, s2  }
0x9d: {  	[timem:s6], [sflag:s22] =	dma.local [hbm:s4], s20  }
0x9e: {  	_ =	swait.ge [sflag:s22], s20  }
0x9f: {  	s3 =	ssub.s32 $0x0, s20;
	[sflag:s22] =	ssyncset.done $0x0  }
0xa0: {  	[sflag:s22] =	ssyncadd.s32 s3;
	_ =	sdelay $0x1  }
0xa1: {  	s23 =	simm.s32 $0x1B8B  }
0xa2: {  	_ =	swait.ge [sflag:s23], $0x1  }
0xa3: {  	[sflag:s23] =	ssyncset.done $0x0  }
0xa4: {  	s25 =	simm.s32 $0x1B8E;
	s24 =	sld [smem:$0x3FFE];
	[sflag:s23] =	ssyncadd.s32 $0xFFFFFFFF  }
0xa5: {  	s26 =	simm.s32 $execute0_lowered;
	[smem:$0x3FD2] =	sst s25  }
0xa6: {  	s4 =	sshll.u32 s26, $0x1;
	_ =	strace $0x80000049;
	[dreg:$0x1] =	wrdreg $0xFFFFFFFF  }
0xa7: {  	s28 =	simm.s32 $_size_execute0_lowered;
	s2 =	sadd.s32 s2, s4;
	[dreg:$0x0] =	wrdreg $0x0  }
0xa8: {  	s4 =	sshll.u32 s28, $0x1;
	[dreg:$0x2] =	wrdreg s2  }
0xa9: {  	[dreg:$0x3] =	wrdreg s4  }
0xaa: {  	[dreg:$0x4] =	wrdreg $0xC0  }
0xab: {  	_ =	task [dreg:s6], $0x5FFFF  }
0xac: {  	[dreg:$0x1] =	wrdreg $0xFFFFFFFF  }
0xad: {  	[dreg:$0x0] =	wrdreg $0x60  }
0xae: {  	[dreg:$0x2] =	wrdreg s24  }
0xaf: {  	[dreg:$0x3] =	wrdreg $0x0  }
0xb0: {  	[dreg:$0x4] =	wrdreg $0x9  }
0xb1: {  	_ =	task.clear_ibuf [dreg:s6], $0x5FFFF;
	_ =	strace $0x90000049  }
0xb2: {  	s29 =	simm.s32 $0x9;
	_ =	strace $0x8000004B  }
0xb3: {  	_ =	swait.ge [sflag:s29], $0x1  }
0xb4: {  	[sflag:s29] =	ssyncadd.s32 $0xFFFFFFFF  }
0xb5: {  	_ =	strace $0x9000004B  }
0xb6: {  	_ =	sfence  }
0xb7: {  	s30 =	sld [smem:$0x0];
	_ =	sdelay $0x2  }
0xb8: {  	s31 =	sshll.u32 s1, $0xD;
	s1 =	sshrl.u32 s1, $0x2  }
0xb9: {  	s3 =	sand.u32 $0x4000, s31;
	s1 =	sadd.s32 s1, s30  }
0xba: {  	s0 =	sor.u32 s3, s0;
	s1 =	sshll.u32 s1, $0x11  }
0xbb: {  	s0 =	sor.u32 s1, s0  }
0xbc: {  	s0 =	sadd.s32 $0x8F2B, s0  }
0xbd: {  	[sflag:s0] =	ssyncadd.remote.s32 $0x1  }
0xbe: {  	_ =	sfence.sel $0xFFFF  }
0xbf: {  	[dreg:$0x0] =	wrdreg $0xFFFFFFFF;
	(pc) =	sbr.abs _section_cstart, $3  }
0xc0: {  	[dreg:$0x1] =	wrdreg $0xFFFFFFFF  }
0xc1: {  	_ =	task.clear_ibuf [dreg:s6], $0x2FFFF;
	_ =	strace $0x9FFFFFFF  }
0xc2: {  	(tm) =	ssettm $0x7FFFFFFF  }
0xc3: {  	_ =	shalt  }
tec
execute0_lowered:
.L_overlay_start_1:
0x0: {  	(tag) =	ssettag $0x1  }
0x1: {  	s0 =	rddreg [dreg:$0x0]  }
0x2: {  	s2 =	rddreg [dreg:$0x1]  }
0x3: {  	s1 =	simm.s32 $0x0;
	s7 =	srdreg.scid;
	s9 =	stileid.u32  }
0x4: {  	s26 =	simm.s32 $0xC800;
	s29 =	simm.s32 $0x12000;
	s30 =	simm.s32 $0x12800  }
0x5: {  	s31 =	simm.s32 $0x13000;
	s13 =	simm.s32 $0x15800;
	s15 =	simm.s32 $0x16000  }
0x6: {  	s11 =	simm.s32 $0x18000;
	s12 =	simm.s32 $0x18800;
	s14 =	simm.s32 $0x1A000  }
0x7: {  	s16 =	simm.s32 $0x1A800;
	s17 =	simm.s32 $0x1B000;
	s18 =	simm.s32 $0x1B800  }
0x8: {  	s28 =	simm.s32 $0x0;
	[smem:$0x7FF] =	sst s1;
	s5 =	sadd.s32 $0x57C00, s0  }
0x9: {  	s6 =	sadd.s32 $0x2600, s0;
	s3 =	sadd.s32 $0x7600, s0;
	s4 =	sadd.s32 $0x5CC00, s0  }
0xa: {  	s7 =	sand.u32 $0x1, s7;
	s8 =	sadd.s32 $0xACC00, s0;
	s10 =	smul.u32 $0x2800, s9  }
0xb: {  	s0 =	sadd.s32 $0xD4C00, s0;
	_ =	strace $0x8000004A;
	[dreg:$0x3] =	wrdreg s8  }
0xc: {  	s9 =	sand.u32 $0x7, s9;
	s19 =	ssub.s32 $0x2, s7;
	[dreg:$0x5] =	wrdreg s0  }
0xd: {  	s9 =	smul.u32 $0x50000, s9;
	p0 =	seq.s32 s7, $0x1;
	s7 =	simm.s32 $0x14800  }
0xe: {  	s20 =	sshrl.u32 s19, $0x1;
	[dreg:$0x4] =	wrdreg s10;
	s21 =	sshrl.u32 s10, $0x3  }
0xf: {  	s10 =	simm.s32 $0x17800;
	s0 =	ssub.s32 s19, s20;
	s22 =	sadd.s32 s5, s21  }
0x10: {  	s23 =	sadd.s32 $0x280, s21;
	s8 =	sadd.s32 s6, s21;
	s24 =	sshrl.u32 s9, $0x2  }
0x11: {  	s9 =	simm.s32 $0x17000;
	s19 =	simm.s32 $0x1C000;
	[dreg:$0x6] =	wrdreg s22  }
0x12: {  	s20 =	simm.s32 $0x1;
	s21 =	simm.s32 $0x2;
	[dreg:$0x7] =	wrdreg s8  }
0x13: {  	s5 =	sadd.s32 s5, s23;
	s6 =	sadd.s32 s6, s23;
	s2 =	sadd.s32 s24, s2  }
.Ltmp0:
0x14: {  	s0 =	smax.u32 s0, $0x1;
	[dreg:$0x8] =	wrdreg s5;
	(pc) =	sbr.rel .LBB2_1-.Ltmp0, $4  }
0x15: {  	s24 =	simm.s32 $0xA000;
	s23 =	simm.s32 $0x3;
	[dreg:$0x9] =	wrdreg s6  }
0x16: {  	v3 =	vlaneseq.u32;
	s8 =	simm.s32 $0x16800;
	[dreg:$0xa] =	wrdreg s0;
	s25 =	sshrl.u32 s2, $0x3  }
0x17: {  	vm0 =	vmmov $0xffff;
	v1 =	vshrl.u32 v3, $0x3;
	v0 =	vand.u32 $0x7, v3;
	s0 =	simm.s32 $0x13800;
	s5 =	simm.s32 $0x14000;
	s2 =	simm.s32 $0x15000  }
0x18: {  	v3 =	vor.u32 $0x8, v3;
	v1 =	vmul.u32 $0x8, v1;
	v2 =	vor.u32 $0x8, v0;
	s6 =	simm.s32 $0x19800;
	[dreg:$0xb] =	wrdreg s25;
	s25 =	simm.s32 $0x19000  }
.LBB2_19:
0x19: {  	s22 =	rddreg [dreg:$0x5]  }
0x1a: {  	s28 =	rddreg [dreg:$0xc]  }
.LBB2_20:
0x1b: {  	s23 =	stileid.u32  }
0x1c: {  	s24 =	rddreg [dreg:$0x4];
	[bflag:$0x0] =	sbarrier.arrive $0xFFFF;
	s23 =	sshll.u32 s23, $0x6  }
0x1d: {  	s22 =	sadd.s32 s22, s24;
	s24 =	rddreg [dreg:$0xb];
	s23 =	sor.u32 $0x1C03, s23  }
0x1e: {  	[hbm:s22], [sflag:s23] =	dma.local [spmem:s24], $0x2800  }
0x1f: {  	s23 =	simm.s32 $0x3  }
0x20: {  	_ =	swait.ge [sflag:s23], $0x2800  }
0x21: {  	s28 =	sadd.s32 $0x1, s28;
	s24 =	rddreg [dreg:$0xa]  }
0x22: {  	p1 =	sne.s32 s28, s24  }
.Ltmp1:
0x23: {  	_ = 	snop;
	(pc) =	sbr.rel @!p1 .LBB2_21-.Ltmp1, $3  }
0x24: {  	_ =	sdelay $0x1  }
0x25: {  	[sflag:s23] =	ssyncset.done $0x0  }
0x26: {  	[sflag:s23] =	ssyncadd.s32 $0xFFFFD800;
	s24 =	simm.s32 $0xA000  }
.LBB2_1:
0x27: {  	[dreg:$0xc] =	wrdreg s28  }
0x28: {  	[bflag:$0x0] =	sbarrier.arrive $0xFFFF  }
0x29: {  	s22 =	rddreg [dreg:$0x6]  }
0x2a: {  	[tilespmem:s24], [sflag:$0x3] =	stream.linear.gather [hbm4b:s22+s1], $0x1400, $0x38;
	[tilespmem:$0x1C800] =	vst v63  }
0x2b: {  	_ =	swait.ge [sflag:s23], $0x1400  }
0x2c: {  	[sflag:s23] =	ssyncset.done $0x0  }
0x2d: {  	s28 =	simm.s32 $0xB400;
	s24 =	rddreg [dreg:$0x7];
	[sflag:s23] =	ssyncadd.s32 $0xFFFFEC00  }
0x2e: {  	[tilespmem:s28], [sflag:$0x3] =	stream.linear.gather [hbm4b:s24+s1], $0x1400, $0x38;
	[tilespmem:$0x1C800] =	vst v63  }
0x2f: {  	_ =	swait.ge [sflag:s23], $0x1400  }
0x30: {  	[sflag:s23] =	ssyncset.done $0x0  }
0x31: {  	[sflag:s23] =	ssyncadd.s32 $0xFFFFEC00  }
0x32: {  	v4 =	vld [tilespmem:$0xA000];
	_ =	sdelay $0x4  }
0x33: {  	v5 =	vshll.u32 v4, $0x1  }
.Ltmp2:
0x34: {  	v4 =	vand.u32 $0x7, v4;
	v5 =	vand.u32 $0xFFFFFFF0, v5;
	(pc) =	sbr.rel @!p0 .LBB2_2-.Ltmp2, $3  }
0x35: {  	v5 =	vor.u32 v4, v5  }
0x36: {  	v4 =	vperm.xlane v5, v0;
	v5 =	vperm.xlane v5, v2;
	_ =	sdelay $0x1  }
0x37: {  	s22 =	simm.s32 $0x0;
	v4 =	vadd.s32 v1, v4;
	v5 =	vadd.s32 v1, v5  }
0x38: {  	_ =	sdelay $0x3  }
0x39: {  	[tilespmem:s26], [sflag:$0x1] =	stream.indirect_vreg.gather [hbm4b:s4+s22], $0x80, v4, vm0, $0xb8;
	[tilespmem:$0x1C800] =	vst v63  }
0x3a: {  	s24 =	simm.s32 $0xD000  }
0x3b: {  	[tilespmem:s24], [sflag:$0x1] =	stream.indirect_vreg.gather [hbm4b:s4+s22], $0x80, v5, vm0, $0xb8;
	[tilespmem:$0x1C800] =	vst v63  }
0x3c: {  	v4 =	vld [tilespmem:$0xA010];
	_ =	sdelay $0x4  }
0x3d: {  	v5 =	vshll.u32 v4, $0x1  }
0x3e: {  	v4 =	vand.u32 $0x7, v4;
	v5 =	vand.u32 $0xFFFFFFF0, v5  }
0x3f: {  	v4 =	vor.u32 v4, v5  }
0x40: {  	v5 =	vperm.xlane v4, v0;
	_ =	sdelay $0x1  }
0x41: {  	v4 =	vperm.xlane v4, v2;
	v5 =	vadd.s32 v1, v5;
	_ =	sdelay $0x1  }
0x42: {  	v4 =	vadd.s32 v1, v4;
	_ =	sdelay $0x1  }
0x43: {  	s23 =	simm.s32 $0xD800  }
0x44: {  	[tilespmem:s23], [sflag:$0x1] =	stream.indirect_vreg.gather [hbm4b:s4+s22], $0x80, v5, vm0, $0xb8;
	[tilespmem:$0x1C800] =	vst v63  }
0x45: {  	s28 =	simm.s32 $0xE000  }
0x46: {  	[tilespmem:s28], [sflag:$0x1] =	stream.indirect_vreg.gather [hbm4b:s4+s22], $0x80, v4, vm0, $0xb8;
	[tilespmem:$0x1C800] =	vst v63  }
0x47: {  	v4 =	vld [tilespmem:$0xA020];
	_ =	sdelay $0x4  }
0x48: {  	v5 =	vshll.u32 v4, $0x1  }
0x49: {  	v4 =	vand.u32 $0x7, v4;
	v5 =	vand.u32 $0xFFFFFFF0, v5  }
0x4a: {  	v4 =	vor.u32 v4, v5  }
0x4b: {  	v5 =	vperm.xlane v4, v0;
	_ =	sdelay $0x1  }
0x4c: {  	v4 =	vperm.xlane v4, v2;
	v5 =	vadd.s32 v1, v5;
	_ =	sdelay $0x1  }
0x4d: {  	v4 =	vadd.s32 v1, v4;
	_ =	sdelay $0x1  }
0x4e: {  	s28 =	simm.s32 $0xE800  }
0x4f: {  	[tilespmem:s28], [sflag:$0x1] =	stream.indirect_vreg.gather [hbm4b:s4+s22], $0x80, v5, vm0, $0xb8;
	[tilespmem:$0x1C800] =	vst v63  }
0x50: {  	s28 =	simm.s32 $0xF000  }
0x51: {  	[tilespmem:s28], [sflag:$0x1] =	stream.indirect_vreg.gather [hbm4b:s4+s22], $0x80, v4, vm0, $0xb8;
	[tilespmem:$0x1C800] =	vst v63  }
0x52: {  	v4 =	vld [tilespmem:$0xA030];
	_ =	sdelay $0x4  }
0x53: {  	v5 =	vshll.u32 v4, $0x1  }
0x54: {  	v4 =	vand.u32 $0x7, v4;
	v5 =	vand.u32 $0xFFFFFFF0, v5  }
0x55: {  	v4 =	vor.u32 v4, v5  }
0x56: {  	v5 =	vperm.xlane v4, v0;
	_ =	sdelay $0x1  }
0x57: {  	v4 =	vperm.xlane v4, v2;
	v5 =	vadd.s32 v1, v5;
	_ =	sdelay $0x1  }
0x58: {  	v4 =	vadd.s32 v1, v4;
	_ =	sdelay $0x1  }
0x59: {  	s28 =	simm.s32 $0xF800  }
0x5a: {  	[tilespmem:s28], [sflag:$0x1] =	stream.indirect_vreg.gather [hbm4b:s4+s22], $0x80, v5, vm0, $0xb8;
	[tilespmem:$0x1C800] =	vst v63  }
0x5b: {  	s28 =	simm.s32 $0x10000  }
0x5c: {  	[tilespmem:s28], [sflag:$0x1] =	stream.indirect_vreg.gather [hbm4b:s4+s22], $0x80, v4, vm0, $0xb8;
	[tilespmem:$0x1C800] =	vst v63  }
0x5d: {  	v4 =	vld [tilespmem:$0xA040];
	_ =	sdelay $0x4  }
0x5e: {  	v5 =	vshll.u32 v4, $0x1  }
0x5f: {  	v4 =	vand.u32 $0x7, v4;
	v5 =	vand.u32 $0xFFFFFFF0, v5  }
0x60: {  	v4 =	vor.u32 v4, v5  }
0x61: {  	v5 =	vperm.xlane v4, v0;
	_ =	sdelay $0x1  }
0x62: {  	v4 =	vperm.xlane v4, v2;
	v5 =	vadd.s32 v1, v5;
	_ =	sdelay $0x1  }
0x63: {  	v4 =	vadd.s32 v1, v4;
	_ =	sdelay $0x1  }
0x64: {  	s28 =	simm.s32 $0x10800  }
0x65: {  	[tilespmem:s28], [sflag:$0x1] =	stream.indirect_vreg.gather [hbm4b:s4+s22], $0x80, v5, vm0, $0xb8;
	[tilespmem:$0x1C800] =	vst v63  }
0x66: {  	s28 =	simm.s32 $0x11000  }
0x67: {  	[tilespmem:s28], [sflag:$0x1] =	stream.indirect_vreg.gather [hbm4b:s4+s22], $0x80, v4, vm0, $0xb8;
	[tilespmem:$0x1C800] =	vst v63  }
0x68: {  	v4 =	vld [tilespmem:$0xA050];
	_ =	sdelay $0x4  }
0x69: {  	v5 =	vshll.u32 v4, $0x1  }
0x6a: {  	v4 =	vand.u32 $0x7, v4;
	v5 =	vand.u32 $0xFFFFFFF0, v5  }
0x6b: {  	v4 =	vor.u32 v4, v5  }
0x6c: {  	v5 =	vperm.xlane v4, v0;
	_ =	sdelay $0x1  }
0x6d: {  	v4 =	vperm.xlane v4, v2;
	v5 =	vadd.s32 v1, v5;
	_ =	sdelay $0x1  }
0x6e: {  	v4 =	vadd.s32 v1, v4;
	_ =	sdelay $0x1  }
0x6f: {  	s28 =	simm.s32 $0x11800  }
0x70: {  	[tilespmem:s28], [sflag:$0x1] =	stream.indirect_vreg.gather [hbm4b:s4+s22], $0x80, v5, vm0, $0xb8;
	[tilespmem:$0x1C800] =	vst v63  }
0x71: {  	_ = 	snop  }
0x72: {  	[tilespmem:s29], [sflag:$0x1] =	stream.indirect_vreg.gather [hbm4b:s4+s22], $0x80, v4, vm0, $0xb8;
	[tilespmem:$0x1C800] =	vst v63  }
0x73: {  	v4 =	vld [tilespmem:$0xA060];
	_ =	sdelay $0x4  }
0x74: {  	v5 =	vshll.u32 v4, $0x1  }
0x75: {  	v4 =	vand.u32 $0x7, v4;
	v5 =	vand.u32 $0xFFFFFFF0, v5  }
0x76: {  	v4 =	vor.u32 v4, v5  }
0x77: {  	v5 =	vperm.xlane v4, v0;
	_ =	sdelay $0x1  }
0x78: {  	v4 =	vperm.xlane v4, v2;
	v5 =	vadd.s32 v1, v5;
	_ =	sdelay $0x1  }
0x79: {  	v4 =	vadd.s32 v1, v4;
	_ =	sdelay $0x2  }
0x7a: {  	[tilespmem:s30], [sflag:$0x1] =	stream.indirect_vreg.gather [hbm4b:s4+s22], $0x80, v5, vm0, $0xb8;
	[tilespmem:$0x1C800] =	vst v63  }
0x7b: {  	_ = 	snop  }
0x7c: {  	[tilespmem:s31], [sflag:$0x1] =	stream.indirect_vreg.gather [hbm4b:s4+s22], $0x80, v4, vm0, $0xb8;
	[tilespmem:$0x1C800] =	vst v63  }
0x7d: {  	v4 =	vld [tilespmem:$0xA070];
	_ =	sdelay $0x4  }
0x7e: {  	v5 =	vshll.u32 v4, $0x1  }
0x7f: {  	v4 =	vand.u32 $0x7, v4;
	v5 =	vand.u32 $0xFFFFFFF0, v5  }
0x80: {  	v4 =	vor.u32 v4, v5  }
0x81: {  	v5 =	vperm.xlane v4, v0;
	_ =	sdelay $0x1  }
0x82: {  	v4 =	vperm.xlane v4, v2;
	v5 =	vadd.s32 v1, v5;
	_ =	sdelay $0x1  }
0x83: {  	v4 =	vadd.s32 v1, v4  }
.Ltmp3:
0x84: {  	_ = 	snop;
	(pc) =	sbr.rel .LBB2_12-.Ltmp3, $4  }
0x85: {  	_ = 	snop  }
0x86: {  	[tilespmem:s0], [sflag:$0x1] =	stream.indirect_vreg.gather [hbm4b:s4+s22], $0x80, v5, vm0, $0xb8;
	[tilespmem:$0x1C800] =	vst v63  }
0x87: {  	_ = 	snop  }
0x88: {  	[tilespmem:s5], [sflag:$0x1] =	stream.indirect_vreg.gather [hbm4b:s4+s22], $0x80, v4, vm0, $0xb8;
	[tilespmem:$0x1C800] =	vst v63  }
.LBB2_14:
0x89: {  	s22 =	sadd.s32 $0x400, s22  }
0x8a: {  	p1 =	sne.s32 s22, $0x5000  }
.Ltmp4:
0x8b: {  	_ = 	snop;
	(pc) =	sbr.rel @!p1 .LBB2_15-.Ltmp4, $4  }
0x8c: {  	_ = 	snop  }
0x8d: {  	_ =	swait.ge [sflag:s21], $0x8000  }
0x8e: {  	[sflag:s21] =	ssyncset.done $0x0  }
0x8f: {  	[sflag:s21] =	ssyncadd.s32 $0xFFFF8000  }
.LBB2_12:
0x90: {  	s23 =	sshra.s32 s22, $0x2  }
0x91: {  	v4 =	vld [tilespmem:s23+$0xA080];
	_ =	sdelay $0x4  }
0x92: {  	v5 =	vshll.u32 v4, $0x1  }
0x93: {  	v4 =	vand.u32 $0x7, v4;
	v5 =	vand.u32 $0xFFFFFFF0, v5  }
0x94: {  	v4 =	vor.u32 v4, v5  }
0x95: {  	v5 =	vperm.xlane v4, v0;
	_ =	sdelay $0x1  }
0x96: {  	v4 =	vperm.xlane v4, v3;
	v5 =	vadd.s32 v1, v5;
	_ =	sdelay $0x1  }
0x97: {  	v4 =	vadd.s32 v1, v4;
	_ =	sdelay $0x2  }
0x98: {  	[tilespmem:s7], [sflag:$0x2] =	stream.indirect_vreg.gather [hbm4b:s4+s1], $0x80, v5, vm0, $0xb8;
	[tilespmem:$0x1C800] =	vst v63  }
0x99: {  	_ = 	snop  }
0x9a: {  	[tilespmem:s2], [sflag:$0x2] =	stream.indirect_vreg.gather [hbm4b:s4+s1], $0x80, v4, vm0, $0xb8;
	[tilespmem:$0x1C800] =	vst v63  }
0x9b: {  	v4 =	vld [tilespmem:s23+$0xA090];
	_ =	sdelay $0x4  }
0x9c: {  	v5 =	vshll.u32 v4, $0x1  }
0x9d: {  	v4 =	vand.u32 $0x7, v4;
	v5 =	vand.u32 $0xFFFFFFF0, v5  }
0x9e: {  	v4 =	vor.u32 v4, v5  }
0x9f: {  	v5 =	vperm.xlane v4, v0;
	_ =	sdelay $0x1  }
0xa0: {  	v4 =	vperm.xlane v4, v3;
	v5 =	vadd.s32 v1, v5;
	_ =	sdelay $0x1  }
0xa1: {  	v4 =	vadd.s32 v1, v4;
	_ =	sdelay $0x2  }
0xa2: {  	[tilespmem:s13], [sflag:$0x2] =	stream.indirect_vreg.gather [hbm4b:s4+s1], $0x80, v5, vm0, $0xb8;
	[tilespmem:$0x1C800] =	vst v63  }
0xa3: {  	_ = 	snop  }
0xa4: {  	[tilespmem:s15], [sflag:$0x2] =	stream.indirect_vreg.gather [hbm4b:s4+s1], $0x80, v4, vm0, $0xb8;
	[tilespmem:$0x1C800] =	vst v63  }
0xa5: {  	v4 =	vld [tilespmem:s23+$0xA0A0];
	_ =	sdelay $0x4  }
0xa6: {  	v5 =	vshll.u32 v4, $0x1  }
0xa7: {  	v4 =	vand.u32 $0x7, v4;
	v5 =	vand.u32 $0xFFFFFFF0, v5  }
0xa8: {  	v4 =	vor.u32 v4, v5  }
0xa9: {  	v5 =	vperm.xlane v4, v0;
	_ =	sdelay $0x1  }
0xaa: {  	v4 =	vperm.xlane v4, v3;
	v5 =	vadd.s32 v1, v5;
	_ =	sdelay $0x1  }
0xab: {  	v4 =	vadd.s32 v1, v4;
	_ =	sdelay $0x2  }
0xac: {  	[tilespmem:s8], [sflag:$0x2] =	stream.indirect_vreg.gather [hbm4b:s4+s1], $0x80, v5, vm0, $0xb8;
	[tilespmem:$0x1C800] =	vst v63  }
0xad: {  	_ = 	snop  }
0xae: {  	[tilespmem:s9], [sflag:$0x2] =	stream.indirect_vreg.gather [hbm4b:s4+s1], $0x80, v4, vm0, $0xb8;
	[tilespmem:$0x1C800] =	vst v63  }
0xaf: {  	v4 =	vld [tilespmem:s23+$0xA0B0];
	_ =	sdelay $0x4  }
0xb0: {  	v5 =	vshll.u32 v4, $0x1  }
0xb1: {  	v4 =	vand.u32 $0x7, v4;
	v5 =	vand.u32 $0xFFFFFFF0, v5  }
0xb2: {  	v4 =	vor.u32 v4, v5  }
0xb3: {  	v5 =	vperm.xlane v4, v0;
	_ =	sdelay $0x1  }
0xb4: {  	v4 =	vperm.xlane v4, v3;
	v5 =	vadd.s32 v1, v5;
	_ =	sdelay $0x1  }
0xb5: {  	v4 =	vadd.s32 v1, v4;
	_ =	sdelay $0x2  }
0xb6: {  	[tilespmem:s10], [sflag:$0x2] =	stream.indirect_vreg.gather [hbm4b:s4+s1], $0x80, v5, vm0, $0xb8;
	[tilespmem:$0x1C800] =	vst v63  }
0xb7: {  	_ = 	snop  }
0xb8: {  	[tilespmem:s11], [sflag:$0x2] =	stream.indirect_vreg.gather [hbm4b:s4+s1], $0x80, v4, vm0, $0xb8;
	[tilespmem:$0x1C800] =	vst v63  }
0xb9: {  	v4 =	vld [tilespmem:s23+$0xA0C0];
	_ =	sdelay $0x4  }
0xba: {  	v5 =	vshll.u32 v4, $0x1  }
0xbb: {  	v4 =	vand.u32 $0x7, v4;
	v5 =	vand.u32 $0xFFFFFFF0, v5  }
0xbc: {  	v4 =	vor.u32 v4, v5  }
0xbd: {  	v5 =	vperm.xlane v4, v0;
	_ =	sdelay $0x1  }
0xbe: {  	v4 =	vperm.xlane v4, v3;
	v5 =	vadd.s32 v1, v5;
	_ =	sdelay $0x1  }
0xbf: {  	v4 =	vadd.s32 v1, v4;
	_ =	sdelay $0x2  }
0xc0: {  	[tilespmem:s12], [sflag:$0x2] =	stream.indirect_vreg.gather [hbm4b:s4+s1], $0x80, v5, vm0, $0xb8;
	[tilespmem:$0x1C800] =	vst v63  }
0xc1: {  	_ = 	snop  }
0xc2: {  	[tilespmem:s25], [sflag:$0x2] =	stream.indirect_vreg.gather [hbm4b:s4+s1], $0x80, v4, vm0, $0xb8;
	[tilespmem:$0x1C800] =	vst v63  }
0xc3: {  	v4 =	vld [tilespmem:s23+$0xA0D0];
	_ =	sdelay $0x4  }
0xc4: {  	v5 =	vshll.u32 v4, $0x1  }
0xc5: {  	v4 =	vand.u32 $0x7, v4;
	v5 =	vand.u32 $0xFFFFFFF0, v5  }
0xc6: {  	v4 =	vor.u32 v4, v5  }
0xc7: {  	v5 =	vperm.xlane v4, v0;
	_ =	sdelay $0x1  }
0xc8: {  	v4 =	vperm.xlane v4, v3;
	v5 =	vadd.s32 v1, v5;
	_ =	sdelay $0x1  }
0xc9: {  	v4 =	vadd.s32 v1, v4;
	_ =	sdelay $0x2  }
0xca: {  	[tilespmem:s6], [sflag:$0x2] =	stream.indirect_vreg.gather [hbm4b:s4+s1], $0x80, v5, vm0, $0xb8;
	[tilespmem:$0x1C800] =	vst v63  }
0xcb: {  	_ = 	snop  }
0xcc: {  	[tilespmem:s14], [sflag:$0x2] =	stream.indirect_vreg.gather [hbm4b:s4+s1], $0x80, v4, vm0, $0xb8;
	[tilespmem:$0x1C800] =	vst v63  }
0xcd: {  	v4 =	vld [tilespmem:s23+$0xA0E0];
	_ =	sdelay $0x4  }
0xce: {  	v5 =	vshll.u32 v4, $0x1  }
0xcf: {  	v4 =	vand.u32 $0x7, v4;
	v5 =	vand.u32 $0xFFFFFFF0, v5  }
0xd0: {  	v4 =	vor.u32 v4, v5  }
0xd1: {  	v5 =	vperm.xlane v4, v0;
	_ =	sdelay $0x1  }
0xd2: {  	v4 =	vperm.xlane v4, v3;
	v5 =	vadd.s32 v1, v5;
	_ =	sdelay $0x1  }
0xd3: {  	v4 =	vadd.s32 v1, v4;
	_ =	sdelay $0x2  }
0xd4: {  	[tilespmem:s16], [sflag:$0x2] =	stream.indirect_vreg.gather [hbm4b:s4+s1], $0x80, v5, vm0, $0xb8;
	[tilespmem:$0x1C800] =	vst v63  }
0xd5: {  	_ = 	snop  }
0xd6: {  	[tilespmem:s17], [sflag:$0x2] =	stream.indirect_vreg.gather [hbm4b:s4+s1], $0x80, v4, vm0, $0xb8;
	[tilespmem:$0x1C800] =	vst v63  }
0xd7: {  	v4 =	vld [tilespmem:s23+$0xA0F0];
	_ =	sdelay $0x4  }
0xd8: {  	v5 =	vshll.u32 v4, $0x1  }
0xd9: {  	v4 =	vand.u32 $0x7, v4;
	v5 =	vand.u32 $0xFFFFFFF0, v5  }
0xda: {  	v4 =	vor.u32 v4, v5  }
0xdb: {  	v5 =	vperm.xlane v4, v0;
	_ =	sdelay $0x1  }
0xdc: {  	v4 =	vperm.xlane v4, v3;
	v5 =	vadd.s32 v1, v5;
	_ =	sdelay $0x1  }
0xdd: {  	v4 =	vadd.s32 v1, v4;
	_ =	sdelay $0x1  }
0xde: {  	p1 =	seq.s32 s22, $0x4C00  }
0xdf: {  	[tilespmem:s18], [sflag:$0x2] =	stream.indirect_vreg.gather [hbm4b:s4+s1], $0x80, v5, vm0, $0xb8;
	[tilespmem:$0x1C800] =	vst v63  }
.Ltmp5:
0xe0: {  	_ = 	snop;
	(pc) =	sbr.rel @p1 .LBB2_14-.Ltmp5, $4  }
0xe1: {  	[tilespmem:s19], [sflag:$0x2] =	stream.indirect_vreg.gather [hbm4b:s4+s1], $0x80, v4, vm0, $0xb8;
	[tilespmem:$0x1C800] =	vst v63  }
0xe2: {  	_ =	swait.ge [sflag:s20], $0x8000  }
0xe3: {  	[sflag:s20] =	ssyncset.done $0x0  }
0xe4: {  	[sflag:s20] =	ssyncadd.s32 $0xFFFF8000  }
0xe5: {  	v4 =	vld [tilespmem:s23+$0xA100];
	_ =	sdelay $0x4  }
0xe6: {  	v5 =	vshll.u32 v4, $0x1  }
0xe7: {  	v4 =	vand.u32 $0x7, v4;
	v5 =	vand.u32 $0xFFFFFFF0, v5  }
0xe8: {  	v4 =	vor.u32 v4, v5  }
0xe9: {  	v5 =	vperm.xlane v4, v0;
	_ =	sdelay $0x1  }
0xea: {  	v4 =	vperm.xlane v4, v3;
	v5 =	vadd.s32 v1, v5;
	_ =	sdelay $0x1  }
0xeb: {  	v4 =	vadd.s32 v1, v4;
	_ =	sdelay $0x2  }
0xec: {  	[tilespmem:s26], [sflag:$0x1] =	stream.indirect_vreg.gather [hbm4b:s4+s1], $0x80, v5, vm0, $0xb8;
	[tilespmem:$0x1C800] =	vst v63  }
0xed: {  	_ = 	snop  }
0xee: {  	[tilespmem:s24], [sflag:$0x1] =	stream.indirect_vreg.gather [hbm4b:s4+s1], $0x80, v4, vm0, $0xb8;
	[tilespmem:$0x1C800] =	vst v63  }
0xef: {  	v4 =	vld [tilespmem:s23+$0xA110];
	_ =	sdelay $0x4  }
0xf0: {  	v5 =	vshll.u32 v4, $0x1  }
0xf1: {  	v4 =	vand.u32 $0x7, v4;
	v5 =	vand.u32 $0xFFFFFFF0, v5  }
0xf2: {  	v4 =	vor.u32 v4, v5  }
0xf3: {  	v5 =	vperm.xlane v4, v0;
	_ =	sdelay $0x1  }
0xf4: {  	v4 =	vperm.xlane v4, v3;
	v5 =	vadd.s32 v1, v5;
	_ =	sdelay $0x1  }
0xf5: {  	v4 =	vadd.s32 v1, v4;
	_ =	sdelay $0x1  }
0xf6: {  	s28 =	simm.s32 $0xD800  }
0xf7: {  	[tilespmem:s28], [sflag:$0x1] =	stream.indirect_vreg.gather [hbm4b:s4+s1], $0x80, v5, vm0, $0xb8;
	[tilespmem:$0x1C800] =	vst v63  }
0xf8: {  	s28 =	simm.s32 $0xE000  }
0xf9: {  	[tilespmem:s28], [sflag:$0x1] =	stream.indirect_vreg.gather [hbm4b:s4+s1], $0x80, v4, vm0, $0xb8;
	[tilespmem:$0x1C800] =	vst v63  }
0xfa: {  	v4 =	vld [tilespmem:s23+$0xA120];
	_ =	sdelay $0x4  }
0xfb: {  	v5 =	vshll.u32 v4, $0x1  }
0xfc: {  	v4 =	vand.u32 $0x7, v4;
	v5 =	vand.u32 $0xFFFFFFF0, v5  }
0xfd: {  	v4 =	vor.u32 v4, v5  }
0xfe: {  	v5 =	vperm.xlane v4, v0;
	_ =	sdelay $0x1  }
0xff: {  	v4 =	vperm.xlane v4, v3;
	v5 =	vadd.s32 v1, v5;
	_ =	sdelay $0x1  }
0x100: {  	v4 =	vadd.s32 v1, v4;
	_ =	sdelay $0x1  }
0x101: {  	s28 =	simm.s32 $0xE800  }
0x102: {  	[tilespmem:s28], [sflag:$0x1] =	stream.indirect_vreg.gather [hbm4b:s4+s1], $0x80, v5, vm0, $0xb8;
	[tilespmem:$0x1C800] =	vst v63  }
0x103: {  	s28 =	simm.s32 $0xF000  }
0x104: {  	[tilespmem:s28], [sflag:$0x1] =	stream.indirect_vreg.gather [hbm4b:s4+s1], $0x80, v4, vm0, $0xb8;
	[tilespmem:$0x1C800] =	vst v63  }
0x105: {  	v4 =	vld [tilespmem:s23+$0xA130];
	_ =	sdelay $0x4  }
0x106: {  	v5 =	vshll.u32 v4, $0x1  }
0x107: {  	v4 =	vand.u32 $0x7, v4;
	v5 =	vand.u32 $0xFFFFFFF0, v5  }
0x108: {  	v4 =	vor.u32 v4, v5  }
0x109: {  	v5 =	vperm.xlane v4, v0;
	_ =	sdelay $0x1  }
0x10a: {  	v4 =	vperm.xlane v4, v3;
	v5 =	vadd.s32 v1, v5;
	_ =	sdelay $0x1  }
0x10b: {  	v4 =	vadd.s32 v1, v4;
	_ =	sdelay $0x1  }
0x10c: {  	s28 =	simm.s32 $0xF800  }
0x10d: {  	[tilespmem:s28], [sflag:$0x1] =	stream.indirect_vreg.gather [hbm4b:s4+s1], $0x80, v5, vm0, $0xb8;
	[tilespmem:$0x1C800] =	vst v63  }
0x10e: {  	s28 =	simm.s32 $0x10000  }
0x10f: {  	[tilespmem:s28], [sflag:$0x1] =	stream.indirect_vreg.gather [hbm4b:s4+s1], $0x80, v4, vm0, $0xb8;
	[tilespmem:$0x1C800] =	vst v63  }
0x110: {  	v4 =	vld [tilespmem:s23+$0xA140];
	_ =	sdelay $0x4  }
0x111: {  	v5 =	vshll.u32 v4, $0x1  }
0x112: {  	v4 =	vand.u32 $0x7, v4;
	v5 =	vand.u32 $0xFFFFFFF0, v5  }
0x113: {  	v4 =	vor.u32 v4, v5  }
0x114: {  	v5 =	vperm.xlane v4, v0;
	_ =	sdelay $0x1  }
0x115: {  	v4 =	vperm.xlane v4, v3;
	v5 =	vadd.s32 v1, v5;
	_ =	sdelay $0x1  }
0x116: {  	v4 =	vadd.s32 v1, v4;
	_ =	sdelay $0x1  }
0x117: {  	s28 =	simm.s32 $0x10800  }
0x118: {  	[tilespmem:s28], [sflag:$0x1] =	stream.indirect_vreg.gather [hbm4b:s4+s1], $0x80, v5, vm0, $0xb8;
	[tilespmem:$0x1C800] =	vst v63  }
0x119: {  	s28 =	simm.s32 $0x11000  }
0x11a: {  	[tilespmem:s28], [sflag:$0x1] =	stream.indirect_vreg.gather [hbm4b:s4+s1], $0x80, v4, vm0, $0xb8;
	[tilespmem:$0x1C800] =	vst v63  }
0x11b: {  	v4 =	vld [tilespmem:s23+$0xA150];
	_ =	sdelay $0x4  }
0x11c: {  	v5 =	vshll.u32 v4, $0x1  }
0x11d: {  	v4 =	vand.u32 $0x7, v4;
	v5 =	vand.u32 $0xFFFFFFF0, v5  }
0x11e: {  	v4 =	vor.u32 v4, v5  }
0x11f: {  	v5 =	vperm.xlane v4, v0;
	_ =	sdelay $0x1  }
0x120: {  	v4 =	vperm.xlane v4, v3;
	v5 =	vadd.s32 v1, v5;
	_ =	sdelay $0x1  }
0x121: {  	v4 =	vadd.s32 v1, v4;
	_ =	sdelay $0x1  }
0x122: {  	s28 =	simm.s32 $0x11800  }
0x123: {  	[tilespmem:s28], [sflag:$0x1] =	stream.indirect_vreg.gather [hbm4b:s4+s1], $0x80, v5, vm0, $0xb8;
	[tilespmem:$0x1C800] =	vst v63  }
0x124: {  	_ = 	snop  }
0x125: {  	[tilespmem:s29], [sflag:$0x1] =	stream.indirect_vreg.gather [hbm4b:s4+s1], $0x80, v4, vm0, $0xb8;
	[tilespmem:$0x1C800] =	vst v63  }
0x126: {  	v4 =	vld [tilespmem:s23+$0xA160];
	_ =	sdelay $0x4  }
0x127: {  	v5 =	vshll.u32 v4, $0x1  }
0x128: {  	v4 =	vand.u32 $0x7, v4;
	v5 =	vand.u32 $0xFFFFFFF0, v5  }
0x129: {  	v4 =	vor.u32 v4, v5  }
0x12a: {  	v5 =	vperm.xlane v4, v0;
	_ =	sdelay $0x1  }
0x12b: {  	v4 =	vperm.xlane v4, v3;
	v5 =	vadd.s32 v1, v5;
	_ =	sdelay $0x1  }
0x12c: {  	v4 =	vadd.s32 v1, v4;
	_ =	sdelay $0x2  }
0x12d: {  	[tilespmem:s30], [sflag:$0x1] =	stream.indirect_vreg.gather [hbm4b:s4+s1], $0x80, v5, vm0, $0xb8;
	[tilespmem:$0x1C800] =	vst v63  }
0x12e: {  	_ = 	snop  }
0x12f: {  	[tilespmem:s31], [sflag:$0x1] =	stream.indirect_vreg.gather [hbm4b:s4+s1], $0x80, v4, vm0, $0xb8;
	[tilespmem:$0x1C800] =	vst v63  }
0x130: {  	v4 =	vld [tilespmem:s23+$0xA170];
	_ =	sdelay $0x4  }
0x131: {  	v5 =	vshll.u32 v4, $0x1  }
0x132: {  	v4 =	vand.u32 $0x7, v4;
	v5 =	vand.u32 $0xFFFFFFF0, v5  }
0x133: {  	v4 =	vor.u32 v4, v5  }
0x134: {  	v5 =	vperm.xlane v4, v0;
	_ =	sdelay $0x1  }
0x135: {  	v4 =	vperm.xlane v4, v3;
	v5 =	vadd.s32 v1, v5;
	_ =	sdelay $0x1  }
0x136: {  	v4 =	vadd.s32 v1, v4  }
.Ltmp6:
0x137: {  	_ = 	snop;
	(pc) =	sbr.rel .LBB2_14-.Ltmp6, $4  }
0x138: {  	_ = 	snop  }
0x139: {  	[tilespmem:s0], [sflag:$0x1] =	stream.indirect_vreg.gather [hbm4b:s4+s1], $0x80, v5, vm0, $0xb8;
	[tilespmem:$0x1C800] =	vst v63  }
0x13a: {  	_ = 	snop  }
0x13b: {  	[tilespmem:s5], [sflag:$0x1] =	stream.indirect_vreg.gather [hbm4b:s4+s1], $0x80, v4, vm0, $0xb8;
	[tilespmem:$0x1C800] =	vst v63  }
.LBB2_2:
0x13c: {  	_ =	sdelay $0x3  }
0x13d: {  	[tilespmem:s26], [sflag:$0x1] =	stream.indirect_vreg.gather [hbm4b:s3+s22], $0x80, v4, vm0, $0xb8;
	[tilespmem:$0x1C800] =	vst v63  }
0x13e: {  	s24 =	simm.s32 $0xD000  }
0x13f: {  	[tilespmem:s24], [sflag:$0x1] =	stream.indirect_vreg.gather [hbm4b:s3+s22], $0x80, v5, vm0, $0xb8;
	[tilespmem:$0x1C800] =	vst v63  }
0x140: {  	v4 =	vld [tilespmem:$0xA010];
	_ =	sdelay $0x4  }
0x141: {  	v5 =	vshll.u32 v4, $0x1  }
0x142: {  	v4 =	vand.u32 $0x7, v4;
	v5 =	vand.u32 $0xFFFFFFF0, v5  }
0x143: {  	v4 =	vor.u32 v4, v5  }
0x144: {  	v5 =	vperm.xlane v4, v0;
	_ =	sdelay $0x1  }
0x145: {  	v4 =	vperm.xlane v4, v2;
	v5 =	vadd.s32 v1, v5;
	_ =	sdelay $0x1  }
0x146: {  	v4 =	vadd.s32 v1, v4;
	_ =	sdelay $0x1  }
0x147: {  	s23 =	simm.s32 $0xD800  }
0x148: {  	[tilespmem:s23], [sflag:$0x1] =	stream.indirect_vreg.gather [hbm4b:s3+s22], $0x80, v5, vm0, $0xb8;
	[tilespmem:$0x1C800] =	vst v63  }
0x149: {  	s28 =	simm.s32 $0xE000  }
0x14a: {  	[tilespmem:s28], [sflag:$0x1] =	stream.indirect_vreg.gather [hbm4b:s3+s22], $0x80, v4, vm0, $0xb8;
	[tilespmem:$0x1C800] =	vst v63  }
0x14b: {  	v4 =	vld [tilespmem:$0xA020];
	_ =	sdelay $0x4  }
0x14c: {  	v5 =	vshll.u32 v4, $0x1  }
0x14d: {  	v4 =	vand.u32 $0x7, v4;
	v5 =	vand.u32 $0xFFFFFFF0, v5  }
0x14e: {  	v4 =	vor.u32 v4, v5  }
0x14f: {  	v5 =	vperm.xlane v4, v0;
	_ =	sdelay $0x1  }
0x150: {  	v4 =	vperm.xlane v4, v2;
	v5 =	vadd.s32 v1, v5;
	_ =	sdelay $0x1  }
0x151: {  	v4 =	vadd.s32 v1, v4;
	_ =	sdelay $0x1  }
0x152: {  	s28 =	simm.s32 $0xE800  }
0x153: {  	[tilespmem:s28], [sflag:$0x1] =	stream.indirect_vreg.gather [hbm4b:s3+s22], $0x80, v5, vm0, $0xb8;
	[tilespmem:$0x1C800] =	vst v63  }
0x154: {  	s28 =	simm.s32 $0xF000  }
0x155: {  	[tilespmem:s28], [sflag:$0x1] =	stream.indirect_vreg.gather [hbm4b:s3+s22], $0x80, v4, vm0, $0xb8;
	[tilespmem:$0x1C800] =	vst v63  }
0x156: {  	v4 =	vld [tilespmem:$0xA030];
	_ =	sdelay $0x4  }
0x157: {  	v5 =	vshll.u32 v4, $0x1  }
0x158: {  	v4 =	vand.u32 $0x7, v4;
	v5 =	vand.u32 $0xFFFFFFF0, v5  }
0x159: {  	v4 =	vor.u32 v4, v5  }
0x15a: {  	v5 =	vperm.xlane v4, v0;
	_ =	sdelay $0x1  }
0x15b: {  	v4 =	vperm.xlane v4, v2;
	v5 =	vadd.s32 v1, v5;
	_ =	sdelay $0x1  }
0x15c: {  	v4 =	vadd.s32 v1, v4;
	_ =	sdelay $0x1  }
0x15d: {  	s28 =	simm.s32 $0xF800  }
0x15e: {  	[tilespmem:s28], [sflag:$0x1] =	stream.indirect_vreg.gather [hbm4b:s3+s22], $0x80, v5, vm0, $0xb8;
	[tilespmem:$0x1C800] =	vst v63  }
0x15f: {  	s28 =	simm.s32 $0x10000  }
0x160: {  	[tilespmem:s28], [sflag:$0x1] =	stream.indirect_vreg.gather [hbm4b:s3+s22], $0x80, v4, vm0, $0xb8;
	[tilespmem:$0x1C800] =	vst v63  }
0x161: {  	v4 =	vld [tilespmem:$0xA040];
	_ =	sdelay $0x4  }
0x162: {  	v5 =	vshll.u32 v4, $0x1  }
0x163: {  	v4 =	vand.u32 $0x7, v4;
	v5 =	vand.u32 $0xFFFFFFF0, v5  }
0x164: {  	v4 =	vor.u32 v4, v5  }
0x165: {  	v5 =	vperm.xlane v4, v0;
	_ =	sdelay $0x1  }
0x166: {  	v4 =	vperm.xlane v4, v2;
	v5 =	vadd.s32 v1, v5;
	_ =	sdelay $0x1  }
0x167: {  	v4 =	vadd.s32 v1, v4;
	_ =	sdelay $0x1  }
0x168: {  	s28 =	simm.s32 $0x10800  }
0x169: {  	[tilespmem:s28], [sflag:$0x1] =	stream.indirect_vreg.gather [hbm4b:s3+s22], $0x80, v5, vm0, $0xb8;
	[tilespmem:$0x1C800] =	vst v63  }
0x16a: {  	s28 =	simm.s32 $0x11000  }
0x16b: {  	[tilespmem:s28], [sflag:$0x1] =	stream.indirect_vreg.gather [hbm4b:s3+s22], $0x80, v4, vm0, $0xb8;
	[tilespmem:$0x1C800] =	vst v63  }
0x16c: {  	v4 =	vld [tilespmem:$0xA050];
	_ =	sdelay $0x4  }
0x16d: {  	v5 =	vshll.u32 v4, $0x1  }
0x16e: {  	v4 =	vand.u32 $0x7, v4;
	v5 =	vand.u32 $0xFFFFFFF0, v5  }
0x16f: {  	v4 =	vor.u32 v4, v5  }
0x170: {  	v5 =	vperm.xlane v4, v0;
	_ =	sdelay $0x1  }
0x171: {  	v4 =	vperm.xlane v4, v2;
	v5 =	vadd.s32 v1, v5;
	_ =	sdelay $0x1  }
0x172: {  	v4 =	vadd.s32 v1, v4;
	_ =	sdelay $0x1  }
0x173: {  	s28 =	simm.s32 $0x11800  }
0x174: {  	[tilespmem:s28], [sflag:$0x1] =	stream.indirect_vreg.gather [hbm4b:s3+s22], $0x80, v5, vm0, $0xb8;
	[tilespmem:$0x1C800] =	vst v63  }
0x175: {  	_ = 	snop  }
0x176: {  	[tilespmem:s29], [sflag:$0x1] =	stream.indirect_vreg.gather [hbm4b:s3+s22], $0x80, v4, vm0, $0xb8;
	[tilespmem:$0x1C800] =	vst v63  }
0x177: {  	v4 =	vld [tilespmem:$0xA060];
	_ =	sdelay $0x4  }
0x178: {  	v5 =	vshll.u32 v4, $0x1  }
0x179: {  	v4 =	vand.u32 $0x7, v4;
	v5 =	vand.u32 $0xFFFFFFF0, v5  }
0x17a: {  	v4 =	vor.u32 v4, v5  }
0x17b: {  	v5 =	vperm.xlane v4, v0;
	_ =	sdelay $0x1  }
0x17c: {  	v4 =	vperm.xlane v4, v2;
	v5 =	vadd.s32 v1, v5;
	_ =	sdelay $0x1  }
0x17d: {  	v4 =	vadd.s32 v1, v4;
	_ =	sdelay $0x2  }
0x17e: {  	[tilespmem:s30], [sflag:$0x1] =	stream.indirect_vreg.gather [hbm4b:s3+s22], $0x80, v5, vm0, $0xb8;
	[tilespmem:$0x1C800] =	vst v63  }
0x17f: {  	_ = 	snop  }
0x180: {  	[tilespmem:s31], [sflag:$0x1] =	stream.indirect_vreg.gather [hbm4b:s3+s22], $0x80, v4, vm0, $0xb8;
	[tilespmem:$0x1C800] =	vst v63  }
0x181: {  	v4 =	vld [tilespmem:$0xA070];
	_ =	sdelay $0x4  }
0x182: {  	v5 =	vshll.u32 v4, $0x1  }
0x183: {  	v4 =	vand.u32 $0x7, v4;
	v5 =	vand.u32 $0xFFFFFFF0, v5  }
0x184: {  	v4 =	vor.u32 v4, v5  }
0x185: {  	v5 =	vperm.xlane v4, v0;
	_ =	sdelay $0x1  }
0x186: {  	v4 =	vperm.xlane v4, v2;
	v5 =	vadd.s32 v1, v5;
	_ =	sdelay $0x1  }
0x187: {  	v4 =	vadd.s32 v1, v4  }
.Ltmp7:
0x188: {  	_ = 	snop;
	(pc) =	sbr.rel .LBB2_3-.Ltmp7, $4  }
0x189: {  	_ = 	snop  }
0x18a: {  	[tilespmem:s0], [sflag:$0x1] =	stream.indirect_vreg.gather [hbm4b:s3+s22], $0x80, v5, vm0, $0xb8;
	[tilespmem:$0x1C800] =	vst v63  }
0x18b: {  	_ = 	snop  }
0x18c: {  	[tilespmem:s5], [sflag:$0x1] =	stream.indirect_vreg.gather [hbm4b:s3+s22], $0x80, v4, vm0, $0xb8;
	[tilespmem:$0x1C800] =	vst v63  }
.LBB2_5:
0x18d: {  	s22 =	sadd.s32 $0x400, s22  }
0x18e: {  	p1 =	sne.s32 s22, $0x5000  }
.Ltmp8:
0x18f: {  	_ = 	snop;
	(pc) =	sbr.rel @!p1 .LBB2_6-.Ltmp8, $4  }
0x190: {  	_ = 	snop  }
0x191: {  	_ =	swait.ge [sflag:s21], $0x8000  }
0x192: {  	[sflag:s21] =	ssyncset.done $0x0  }
0x193: {  	[sflag:s21] =	ssyncadd.s32 $0xFFFF8000  }
.LBB2_3:
0x194: {  	s23 =	sshra.s32 s22, $0x2  }
0x195: {  	v4 =	vld [tilespmem:s23+$0xA080];
	_ =	sdelay $0x4  }
0x196: {  	v5 =	vshll.u32 v4, $0x1  }
0x197: {  	v4 =	vand.u32 $0x7, v4;
	v5 =	vand.u32 $0xFFFFFFF0, v5  }
0x198: {  	v4 =	vor.u32 v4, v5  }
0x199: {  	v5 =	vperm.xlane v4, v0;
	_ =	sdelay $0x1  }
0x19a: {  	v4 =	vperm.xlane v4, v3;
	v5 =	vadd.s32 v1, v5;
	_ =	sdelay $0x1  }
0x19b: {  	v4 =	vadd.s32 v1, v4;
	_ =	sdelay $0x2  }
0x19c: {  	[tilespmem:s7], [sflag:$0x2] =	stream.indirect_vreg.gather [hbm4b:s3+s1], $0x80, v5, vm0, $0xb8;
	[tilespmem:$0x1C800] =	vst v63  }
0x19d: {  	_ = 	snop  }
0x19e: {  	[tilespmem:s2], [sflag:$0x2] =	stream.indirect_vreg.gather [hbm4b:s3+s1], $0x80, v4, vm0, $0xb8;
	[tilespmem:$0x1C800] =	vst v63  }
0x19f: {  	v4 =	vld [tilespmem:s23+$0xA090];
	_ =	sdelay $0x4  }
0x1a0: {  	v5 =	vshll.u32 v4, $0x1  }
0x1a1: {  	v4 =	vand.u32 $0x7, v4;
	v5 =	vand.u32 $0xFFFFFFF0, v5  }
0x1a2: {  	v4 =	vor.u32 v4, v5  }
0x1a3: {  	v5 =	vperm.xlane v4, v0;
	_ =	sdelay $0x1  }
0x1a4: {  	v4 =	vperm.xlane v4, v3;
	v5 =	vadd.s32 v1, v5;
	_ =	sdelay $0x1  }
0x1a5: {  	v4 =	vadd.s32 v1, v4;
	_ =	sdelay $0x2  }
0x1a6: {  	[tilespmem:s13], [sflag:$0x2] =	stream.indirect_vreg.gather [hbm4b:s3+s1], $0x80, v5, vm0, $0xb8;
	[tilespmem:$0x1C800] =	vst v63  }
0x1a7: {  	_ = 	snop  }
0x1a8: {  	[tilespmem:s15], [sflag:$0x2] =	stream.indirect_vreg.gather [hbm4b:s3+s1], $0x80, v4, vm0, $0xb8;
	[tilespmem:$0x1C800] =	vst v63  }
0x1a9: {  	v4 =	vld [tilespmem:s23+$0xA0A0];
	_ =	sdelay $0x4  }
0x1aa: {  	v5 =	vshll.u32 v4, $0x1  }
0x1ab: {  	v4 =	vand.u32 $0x7, v4;
	v5 =	vand.u32 $0xFFFFFFF0, v5  }
0x1ac: {  	v4 =	vor.u32 v4, v5  }
0x1ad: {  	v5 =	vperm.xlane v4, v0;
	_ =	sdelay $0x1  }
0x1ae: {  	v4 =	vperm.xlane v4, v3;
	v5 =	vadd.s32 v1, v5;
	_ =	sdelay $0x1  }
0x1af: {  	v4 =	vadd.s32 v1, v4;
	_ =	sdelay $0x2  }
0x1b0: {  	[tilespmem:s8], [sflag:$0x2] =	stream.indirect_vreg.gather [hbm4b:s3+s1], $0x80, v5, vm0, $0xb8;
	[tilespmem:$0x1C800] =	vst v63  }
0x1b1: {  	_ = 	snop  }
0x1b2: {  	[tilespmem:s9], [sflag:$0x2] =	stream.indirect_vreg.gather [hbm4b:s3+s1], $0x80, v4, vm0, $0xb8;
	[tilespmem:$0x1C800] =	vst v63  }
0x1b3: {  	v4 =	vld [tilespmem:s23+$0xA0B0];
	_ =	sdelay $0x4  }
0x1b4: {  	v5 =	vshll.u32 v4, $0x1  }
0x1b5: {  	v4 =	vand.u32 $0x7, v4;
	v5 =	vand.u32 $0xFFFFFFF0, v5  }
0x1b6: {  	v4 =	vor.u32 v4, v5  }
0x1b7: {  	v5 =	vperm.xlane v4, v0;
	_ =	sdelay $0x1  }
0x1b8: {  	v4 =	vperm.xlane v4, v3;
	v5 =	vadd.s32 v1, v5;
	_ =	sdelay $0x1  }
0x1b9: {  	v4 =	vadd.s32 v1, v4;
	_ =	sdelay $0x2  }
0x1ba: {  	[tilespmem:s10], [sflag:$0x2] =	stream.indirect_vreg.gather [hbm4b:s3+s1], $0x80, v5, vm0, $0xb8;
	[tilespmem:$0x1C800] =	vst v63  }
0x1bb: {  	_ = 	snop  }
0x1bc: {  	[tilespmem:s11], [sflag:$0x2] =	stream.indirect_vreg.gather [hbm4b:s3+s1], $0x80, v4, vm0, $0xb8;
	[tilespmem:$0x1C800] =	vst v63  }
0x1bd: {  	v4 =	vld [tilespmem:s23+$0xA0C0];
	_ =	sdelay $0x4  }
0x1be: {  	v5 =	vshll.u32 v4, $0x1  }
0x1bf: {  	v4 =	vand.u32 $0x7, v4;
	v5 =	vand.u32 $0xFFFFFFF0, v5  }
0x1c0: {  	v4 =	vor.u32 v4, v5  }
0x1c1: {  	v5 =	vperm.xlane v4, v0;
	_ =	sdelay $0x1  }
0x1c2: {  	v4 =	vperm.xlane v4, v3;
	v5 =	vadd.s32 v1, v5;
	_ =	sdelay $0x1  }
0x1c3: {  	v4 =	vadd.s32 v1, v4;
	_ =	sdelay $0x2  }
0x1c4: {  	[tilespmem:s12], [sflag:$0x2] =	stream.indirect_vreg.gather [hbm4b:s3+s1], $0x80, v5, vm0, $0xb8;
	[tilespmem:$0x1C800] =	vst v63  }
0x1c5: {  	_ = 	snop  }
0x1c6: {  	[tilespmem:s25], [sflag:$0x2] =	stream.indirect_vreg.gather [hbm4b:s3+s1], $0x80, v4, vm0, $0xb8;
	[tilespmem:$0x1C800] =	vst v63  }
0x1c7: {  	v4 =	vld [tilespmem:s23+$0xA0D0];
	_ =	sdelay $0x4  }
0x1c8: {  	v5 =	vshll.u32 v4, $0x1  }
0x1c9: {  	v4 =	vand.u32 $0x7, v4;
	v5 =	vand.u32 $0xFFFFFFF0, v5  }
0x1ca: {  	v4 =	vor.u32 v4, v5  }
0x1cb: {  	v5 =	vperm.xlane v4, v0;
	_ =	sdelay $0x1  }
0x1cc: {  	v4 =	vperm.xlane v4, v3;
	v5 =	vadd.s32 v1, v5;
	_ =	sdelay $0x1  }
0x1cd: {  	v4 =	vadd.s32 v1, v4;
	_ =	sdelay $0x2  }
0x1ce: {  	[tilespmem:s6], [sflag:$0x2] =	stream.indirect_vreg.gather [hbm4b:s3+s1], $0x80, v5, vm0, $0xb8;
	[tilespmem:$0x1C800] =	vst v63  }
0x1cf: {  	_ = 	snop  }
0x1d0: {  	[tilespmem:s14], [sflag:$0x2] =	stream.indirect_vreg.gather [hbm4b:s3+s1], $0x80, v4, vm0, $0xb8;
	[tilespmem:$0x1C800] =	vst v63  }
0x1d1: {  	v4 =	vld [tilespmem:s23+$0xA0E0];
	_ =	sdelay $0x4  }
0x1d2: {  	v5 =	vshll.u32 v4, $0x1  }
0x1d3: {  	v4 =	vand.u32 $0x7, v4;
	v5 =	vand.u32 $0xFFFFFFF0, v5  }
0x1d4: {  	v4 =	vor.u32 v4, v5  }
0x1d5: {  	v5 =	vperm.xlane v4, v0;
	_ =	sdelay $0x1  }
0x1d6: {  	v4 =	vperm.xlane v4, v3;
	v5 =	vadd.s32 v1, v5;
	_ =	sdelay $0x1  }
0x1d7: {  	v4 =	vadd.s32 v1, v4;
	_ =	sdelay $0x2  }
0x1d8: {  	[tilespmem:s16], [sflag:$0x2] =	stream.indirect_vreg.gather [hbm4b:s3+s1], $0x80, v5, vm0, $0xb8;
	[tilespmem:$0x1C800] =	vst v63  }
0x1d9: {  	_ = 	snop  }
0x1da: {  	[tilespmem:s17], [sflag:$0x2] =	stream.indirect_vreg.gather [hbm4b:s3+s1], $0x80, v4, vm0, $0xb8;
	[tilespmem:$0x1C800] =	vst v63  }
0x1db: {  	v4 =	vld [tilespmem:s23+$0xA0F0];
	_ =	sdelay $0x4  }
0x1dc: {  	v5 =	vshll.u32 v4, $0x1  }
0x1dd: {  	v4 =	vand.u32 $0x7, v4;
	v5 =	vand.u32 $0xFFFFFFF0, v5  }
0x1de: {  	v4 =	vor.u32 v4, v5  }
0x1df: {  	v5 =	vperm.xlane v4, v0;
	_ =	sdelay $0x1  }
0x1e0: {  	v4 =	vperm.xlane v4, v3;
	v5 =	vadd.s32 v1, v5;
	_ =	sdelay $0x1  }
0x1e1: {  	v4 =	vadd.s32 v1, v4;
	_ =	sdelay $0x1  }
0x1e2: {  	p1 =	seq.s32 s22, $0x4C00  }
0x1e3: {  	[tilespmem:s18], [sflag:$0x2] =	stream.indirect_vreg.gather [hbm4b:s3+s1], $0x80, v5, vm0, $0xb8;
	[tilespmem:$0x1C800] =	vst v63  }
.Ltmp9:
0x1e4: {  	_ = 	snop;
	(pc) =	sbr.rel @p1 .LBB2_5-.Ltmp9, $4  }
0x1e5: {  	[tilespmem:s19], [sflag:$0x2] =	stream.indirect_vreg.gather [hbm4b:s3+s1], $0x80, v4, vm0, $0xb8;
	[tilespmem:$0x1C800] =	vst v63  }
0x1e6: {  	_ =	swait.ge [sflag:s20], $0x8000  }
0x1e7: {  	[sflag:s20] =	ssyncset.done $0x0  }
0x1e8: {  	[sflag:s20] =	ssyncadd.s32 $0xFFFF8000  }
0x1e9: {  	v4 =	vld [tilespmem:s23+$0xA100];
	_ =	sdelay $0x4  }
0x1ea: {  	v5 =	vshll.u32 v4, $0x1  }
0x1eb: {  	v4 =	vand.u32 $0x7, v4;
	v5 =	vand.u32 $0xFFFFFFF0, v5  }
0x1ec: {  	v4 =	vor.u32 v4, v5  }
0x1ed: {  	v5 =	vperm.xlane v4, v0;
	_ =	sdelay $0x1  }
0x1ee: {  	v4 =	vperm.xlane v4, v3;
	v5 =	vadd.s32 v1, v5;
	_ =	sdelay $0x1  }
0x1ef: {  	v4 =	vadd.s32 v1, v4;
	_ =	sdelay $0x2  }
0x1f0: {  	[tilespmem:s26], [sflag:$0x1] =	stream.indirect_vreg.gather [hbm4b:s3+s1], $0x80, v5, vm0, $0xb8;
	[tilespmem:$0x1C800] =	vst v63  }
0x1f1: {  	_ = 	snop  }
0x1f2: {  	[tilespmem:s24], [sflag:$0x1] =	stream.indirect_vreg.gather [hbm4b:s3+s1], $0x80, v4, vm0, $0xb8;
	[tilespmem:$0x1C800] =	vst v63  }
0x1f3: {  	v4 =	vld [tilespmem:s23+$0xA110];
	_ =	sdelay $0x4  }
0x1f4: {  	v5 =	vshll.u32 v4, $0x1  }
0x1f5: {  	v4 =	vand.u32 $0x7, v4;
	v5 =	vand.u32 $0xFFFFFFF0, v5  }
0x1f6: {  	v4 =	vor.u32 v4, v5  }
0x1f7: {  	v5 =	vperm.xlane v4, v0;
	_ =	sdelay $0x1  }
0x1f8: {  	v4 =	vperm.xlane v4, v3;
	v5 =	vadd.s32 v1, v5;
	_ =	sdelay $0x1  }
0x1f9: {  	v4 =	vadd.s32 v1, v4;
	_ =	sdelay $0x1  }
0x1fa: {  	s28 =	simm.s32 $0xD800  }
0x1fb: {  	[tilespmem:s28], [sflag:$0x1] =	stream.indirect_vreg.gather [hbm4b:s3+s1], $0x80, v5, vm0, $0xb8;
	[tilespmem:$0x1C800] =	vst v63  }
0x1fc: {  	s28 =	simm.s32 $0xE000  }
0x1fd: {  	[tilespmem:s28], [sflag:$0x1] =	stream.indirect_vreg.gather [hbm4b:s3+s1], $0x80, v4, vm0, $0xb8;
	[tilespmem:$0x1C800] =	vst v63  }
0x1fe: {  	v4 =	vld [tilespmem:s23+$0xA120];
	_ =	sdelay $0x4  }
0x1ff: {  	v5 =	vshll.u32 v4, $0x1  }
0x200: {  	v4 =	vand.u32 $0x7, v4;
	v5 =	vand.u32 $0xFFFFFFF0, v5  }
0x201: {  	v4 =	vor.u32 v4, v5  }
0x202: {  	v5 =	vperm.xlane v4, v0;
	_ =	sdelay $0x1  }
0x203: {  	v4 =	vperm.xlane v4, v3;
	v5 =	vadd.s32 v1, v5;
	_ =	sdelay $0x1  }
0x204: {  	v4 =	vadd.s32 v1, v4;
	_ =	sdelay $0x1  }
0x205: {  	s28 =	simm.s32 $0xE800  }
0x206: {  	[tilespmem:s28], [sflag:$0x1] =	stream.indirect_vreg.gather [hbm4b:s3+s1], $0x80, v5, vm0, $0xb8;
	[tilespmem:$0x1C800] =	vst v63  }
0x207: {  	s28 =	simm.s32 $0xF000  }
0x208: {  	[tilespmem:s28], [sflag:$0x1] =	stream.indirect_vreg.gather [hbm4b:s3+s1], $0x80, v4, vm0, $0xb8;
	[tilespmem:$0x1C800] =	vst v63  }
0x209: {  	v4 =	vld [tilespmem:s23+$0xA130];
	_ =	sdelay $0x4  }
0x20a: {  	v5 =	vshll.u32 v4, $0x1  }
0x20b: {  	v4 =	vand.u32 $0x7, v4;
	v5 =	vand.u32 $0xFFFFFFF0, v5  }
0x20c: {  	v4 =	vor.u32 v4, v5  }
0x20d: {  	v5 =	vperm.xlane v4, v0;
	_ =	sdelay $0x1  }
0x20e: {  	v4 =	vperm.xlane v4, v3;
	v5 =	vadd.s32 v1, v5;
	_ =	sdelay $0x1  }
0x20f: {  	v4 =	vadd.s32 v1, v4;
	_ =	sdelay $0x1  }
0x210: {  	s28 =	simm.s32 $0xF800  }
0x211: {  	[tilespmem:s28], [sflag:$0x1] =	stream.indirect_vreg.gather [hbm4b:s3+s1], $0x80, v5, vm0, $0xb8;
	[tilespmem:$0x1C800] =	vst v63  }
0x212: {  	s28 =	simm.s32 $0x10000  }
0x213: {  	[tilespmem:s28], [sflag:$0x1] =	stream.indirect_vreg.gather [hbm4b:s3+s1], $0x80, v4, vm0, $0xb8;
	[tilespmem:$0x1C800] =	vst v63  }
0x214: {  	v4 =	vld [tilespmem:s23+$0xA140];
	_ =	sdelay $0x4  }
0x215: {  	v5 =	vshll.u32 v4, $0x1  }
0x216: {  	v4 =	vand.u32 $0x7, v4;
	v5 =	vand.u32 $0xFFFFFFF0, v5  }
0x217: {  	v4 =	vor.u32 v4, v5  }
0x218: {  	v5 =	vperm.xlane v4, v0;
	_ =	sdelay $0x1  }
0x219: {  	v4 =	vperm.xlane v4, v3;
	v5 =	vadd.s32 v1, v5;
	_ =	sdelay $0x1  }
0x21a: {  	v4 =	vadd.s32 v1, v4;
	_ =	sdelay $0x1  }
0x21b: {  	s28 =	simm.s32 $0x10800  }
0x21c: {  	[tilespmem:s28], [sflag:$0x1] =	stream.indirect_vreg.gather [hbm4b:s3+s1], $0x80, v5, vm0, $0xb8;
	[tilespmem:$0x1C800] =	vst v63  }
0x21d: {  	s28 =	simm.s32 $0x11000  }
0x21e: {  	[tilespmem:s28], [sflag:$0x1] =	stream.indirect_vreg.gather [hbm4b:s3+s1], $0x80, v4, vm0, $0xb8;
	[tilespmem:$0x1C800] =	vst v63  }
0x21f: {  	v4 =	vld [tilespmem:s23+$0xA150];
	_ =	sdelay $0x4  }
0x220: {  	v5 =	vshll.u32 v4, $0x1  }
0x221: {  	v4 =	vand.u32 $0x7, v4;
	v5 =	vand.u32 $0xFFFFFFF0, v5  }
0x222: {  	v4 =	vor.u32 v4, v5  }
0x223: {  	v5 =	vperm.xlane v4, v0;
	_ =	sdelay $0x1  }
0x224: {  	v4 =	vperm.xlane v4, v3;
	v5 =	vadd.s32 v1, v5;
	_ =	sdelay $0x1  }
0x225: {  	v4 =	vadd.s32 v1, v4;
	_ =	sdelay $0x1  }
0x226: {  	s28 =	simm.s32 $0x11800  }
0x227: {  	[tilespmem:s28], [sflag:$0x1] =	stream.indirect_vreg.gather [hbm4b:s3+s1], $0x80, v5, vm0, $0xb8;
	[tilespmem:$0x1C800] =	vst v63  }
0x228: {  	_ = 	snop  }
0x229: {  	[tilespmem:s29], [sflag:$0x1] =	stream.indirect_vreg.gather [hbm4b:s3+s1], $0x80, v4, vm0, $0xb8;
	[tilespmem:$0x1C800] =	vst v63  }
0x22a: {  	v4 =	vld [tilespmem:s23+$0xA160];
	_ =	sdelay $0x4  }
0x22b: {  	v5 =	vshll.u32 v4, $0x1  }
0x22c: {  	v4 =	vand.u32 $0x7, v4;
	v5 =	vand.u32 $0xFFFFFFF0, v5  }
0x22d: {  	v4 =	vor.u32 v4, v5  }
0x22e: {  	v5 =	vperm.xlane v4, v0;
	_ =	sdelay $0x1  }
0x22f: {  	v4 =	vperm.xlane v4, v3;
	v5 =	vadd.s32 v1, v5;
	_ =	sdelay $0x1  }
0x230: {  	v4 =	vadd.s32 v1, v4;
	_ =	sdelay $0x2  }
0x231: {  	[tilespmem:s30], [sflag:$0x1] =	stream.indirect_vreg.gather [hbm4b:s3+s1], $0x80, v5, vm0, $0xb8;
	[tilespmem:$0x1C800] =	vst v63  }
0x232: {  	_ = 	snop  }
0x233: {  	[tilespmem:s31], [sflag:$0x1] =	stream.indirect_vreg.gather [hbm4b:s3+s1], $0x80, v4, vm0, $0xb8;
	[tilespmem:$0x1C800] =	vst v63  }
0x234: {  	v4 =	vld [tilespmem:s23+$0xA170];
	_ =	sdelay $0x4  }
0x235: {  	v5 =	vshll.u32 v4, $0x1  }
0x236: {  	v4 =	vand.u32 $0x7, v4;
	v5 =	vand.u32 $0xFFFFFFF0, v5  }
0x237: {  	v4 =	vor.u32 v4, v5  }
0x238: {  	v5 =	vperm.xlane v4, v0;
	_ =	sdelay $0x1  }
0x239: {  	v4 =	vperm.xlane v4, v3;
	v5 =	vadd.s32 v1, v5;
	_ =	sdelay $0x1  }
0x23a: {  	v4 =	vadd.s32 v1, v4  }
.Ltmp10:
0x23b: {  	_ = 	snop;
	(pc) =	sbr.rel .LBB2_5-.Ltmp10, $4  }
0x23c: {  	_ = 	snop  }
0x23d: {  	[tilespmem:s0], [sflag:$0x1] =	stream.indirect_vreg.gather [hbm4b:s3+s1], $0x80, v5, vm0, $0xb8;
	[tilespmem:$0x1C800] =	vst v63  }
0x23e: {  	_ = 	snop  }
0x23f: {  	[tilespmem:s5], [sflag:$0x1] =	stream.indirect_vreg.gather [hbm4b:s3+s1], $0x80, v4, vm0, $0xb8;
	[tilespmem:$0x1C800] =	vst v63  }
.LBB2_15:
0x240: {  	s22 =	simm.s32 $0x0;
	s23 =	rddreg [dreg:$0x8];
	s24 =	simm.s32 $0xA000  }
0x241: {  	[tilespmem:s24], [sflag:$0x3] =	stream.linear.gather [hbm4b:s23+s22], $0x1400, $0x38;
	[tilespmem:$0x1C800] =	vst v63  }
0x242: {  	s24 =	simm.s32 $0x3  }
0x243: {  	_ =	swait.ge [sflag:s24], $0x1400  }
0x244: {  	[sflag:s24] =	ssyncset.done $0x0  }
0x245: {  	s26 =	simm.s32 $0xB400;
	s28 =	rddreg [dreg:$0x9];
	[sflag:s24] =	ssyncadd.s32 $0xFFFFEC00  }
0x246: {  	[tilespmem:s26], [sflag:$0x3] =	stream.linear.gather [hbm4b:s28+s22], $0x1400, $0x38;
	[tilespmem:$0x1C800] =	vst v63  }
0x247: {  	_ =	swait.ge [sflag:s24], $0x1400  }
0x248: {  	[sflag:s24] =	ssyncset.done $0x0  }
0x249: {  	[sflag:s24] =	ssyncadd.s32 $0xFFFFEC00  }
0x24a: {  	v4 =	vld [tilespmem:$0xA000];
	_ =	sdelay $0x4  }
0x24b: {  	v5 =	vshll.u32 v4, $0x1  }
0x24c: {  	v4 =	vand.u32 $0x7, v4;
	v5 =	vand.u32 $0xFFFFFFF0, v5  }
0x24d: {  	v4 =	vor.u32 v4, v5  }
0x24e: {  	v5 =	vperm.xlane v4, v0;
	_ =	sdelay $0x1  }
0x24f: {  	v4 =	vperm.xlane v4, v3;
	v5 =	vadd.s32 v1, v5;
	_ =	sdelay $0x1  }
0x250: {  	v4 =	vadd.s32 v1, v4;
	_ =	sdelay $0x1  }
0x251: {  	s26 =	simm.s32 $0xC800  }
0x252: {  	[tilespmem:s26], [sflag:$0x1] =	stream.indirect_vreg.gather [hbm4b:s4+s22], $0x80, v5, vm0, $0xb8;
	[tilespmem:$0x1C800] =	vst v63  }
0x253: {  	s24 =	simm.s32 $0xD000  }
0x254: {  	[tilespmem:s24], [sflag:$0x1] =	stream.indirect_vreg.gather [hbm4b:s4+s22], $0x80, v4, vm0, $0xb8;
	[tilespmem:$0x1C800] =	vst v63  }
0x255: {  	v4 =	vld [tilespmem:$0xA010];
	_ =	sdelay $0x4  }
0x256: {  	v5 =	vshll.u32 v4, $0x1  }
0x257: {  	v4 =	vand.u32 $0x7, v4;
	v5 =	vand.u32 $0xFFFFFFF0, v5  }
0x258: {  	v4 =	vor.u32 v4, v5  }
0x259: {  	v5 =	vperm.xlane v4, v0;
	_ =	sdelay $0x1  }
0x25a: {  	v4 =	vperm.xlane v4, v3;
	v5 =	vadd.s32 v1, v5;
	_ =	sdelay $0x1  }
0x25b: {  	v4 =	vadd.s32 v1, v4;
	_ =	sdelay $0x1  }
0x25c: {  	s28 =	simm.s32 $0xD800  }
0x25d: {  	[tilespmem:s28], [sflag:$0x1] =	stream.indirect_vreg.gather [hbm4b:s4+s22], $0x80, v5, vm0, $0xb8;
	[tilespmem:$0x1C800] =	vst v63  }
0x25e: {  	s28 =	simm.s32 $0xE000  }
0x25f: {  	[tilespmem:s28], [sflag:$0x1] =	stream.indirect_vreg.gather [hbm4b:s4+s22], $0x80, v4, vm0, $0xb8;
	[tilespmem:$0x1C800] =	vst v63  }
0x260: {  	v4 =	vld [tilespmem:$0xA020];
	_ =	sdelay $0x4  }
0x261: {  	v5 =	vshll.u32 v4, $0x1  }
0x262: {  	v4 =	vand.u32 $0x7, v4;
	v5 =	vand.u32 $0xFFFFFFF0, v5  }
0x263: {  	v4 =	vor.u32 v4, v5  }
0x264: {  	v5 =	vperm.xlane v4, v0;
	_ =	sdelay $0x1  }
0x265: {  	v4 =	vperm.xlane v4, v3;
	v5 =	vadd.s32 v1, v5;
	_ =	sdelay $0x1  }
0x266: {  	v4 =	vadd.s32 v1, v4;
	_ =	sdelay $0x1  }
0x267: {  	s28 =	simm.s32 $0xE800  }
0x268: {  	[tilespmem:s28], [sflag:$0x1] =	stream.indirect_vreg.gather [hbm4b:s4+s22], $0x80, v5, vm0, $0xb8;
	[tilespmem:$0x1C800] =	vst v63  }
0x269: {  	s28 =	simm.s32 $0xF000  }
0x26a: {  	[tilespmem:s28], [sflag:$0x1] =	stream.indirect_vreg.gather [hbm4b:s4+s22], $0x80, v4, vm0, $0xb8;
	[tilespmem:$0x1C800] =	vst v63  }
0x26b: {  	v4 =	vld [tilespmem:$0xA030];
	_ =	sdelay $0x4  }
0x26c: {  	v5 =	vshll.u32 v4, $0x1  }
0x26d: {  	v4 =	vand.u32 $0x7, v4;
	v5 =	vand.u32 $0xFFFFFFF0, v5  }
0x26e: {  	v4 =	vor.u32 v4, v5  }
0x26f: {  	v5 =	vperm.xlane v4, v0;
	_ =	sdelay $0x1  }
0x270: {  	v4 =	vperm.xlane v4, v3;
	v5 =	vadd.s32 v1, v5;
	_ =	sdelay $0x1  }
0x271: {  	v4 =	vadd.s32 v1, v4;
	_ =	sdelay $0x1  }
0x272: {  	s28 =	simm.s32 $0xF800  }
0x273: {  	[tilespmem:s28], [sflag:$0x1] =	stream.indirect_vreg.gather [hbm4b:s4+s22], $0x80, v5, vm0, $0xb8;
	[tilespmem:$0x1C800] =	vst v63  }
0x274: {  	s28 =	simm.s32 $0x10000  }
0x275: {  	[tilespmem:s28], [sflag:$0x1] =	stream.indirect_vreg.gather [hbm4b:s4+s22], $0x80, v4, vm0, $0xb8;
	[tilespmem:$0x1C800] =	vst v63  }
0x276: {  	v4 =	vld [tilespmem:$0xA040];
	_ =	sdelay $0x4  }
0x277: {  	v5 =	vshll.u32 v4, $0x1  }
0x278: {  	v4 =	vand.u32 $0x7, v4;
	v5 =	vand.u32 $0xFFFFFFF0, v5  }
0x279: {  	v4 =	vor.u32 v4, v5  }
0x27a: {  	v5 =	vperm.xlane v4, v0;
	_ =	sdelay $0x1  }
0x27b: {  	v4 =	vperm.xlane v4, v3;
	v5 =	vadd.s32 v1, v5;
	_ =	sdelay $0x1  }
0x27c: {  	v4 =	vadd.s32 v1, v4;
	_ =	sdelay $0x1  }
0x27d: {  	s28 =	simm.s32 $0x10800  }
0x27e: {  	[tilespmem:s28], [sflag:$0x1] =	stream.indirect_vreg.gather [hbm4b:s4+s22], $0x80, v5, vm0, $0xb8;
	[tilespmem:$0x1C800] =	vst v63  }
0x27f: {  	s28 =	simm.s32 $0x11000  }
0x280: {  	[tilespmem:s28], [sflag:$0x1] =	stream.indirect_vreg.gather [hbm4b:s4+s22], $0x80, v4, vm0, $0xb8;
	[tilespmem:$0x1C800] =	vst v63  }
0x281: {  	v4 =	vld [tilespmem:$0xA050];
	_ =	sdelay $0x4  }
0x282: {  	v5 =	vshll.u32 v4, $0x1  }
0x283: {  	v4 =	vand.u32 $0x7, v4;
	v5 =	vand.u32 $0xFFFFFFF0, v5  }
0x284: {  	v4 =	vor.u32 v4, v5  }
0x285: {  	v5 =	vperm.xlane v4, v0;
	_ =	sdelay $0x1  }
0x286: {  	v4 =	vperm.xlane v4, v3;
	v5 =	vadd.s32 v1, v5;
	_ =	sdelay $0x1  }
0x287: {  	v4 =	vadd.s32 v1, v4;
	_ =	sdelay $0x1  }
0x288: {  	s28 =	simm.s32 $0x11800  }
0x289: {  	[tilespmem:s28], [sflag:$0x1] =	stream.indirect_vreg.gather [hbm4b:s4+s22], $0x80, v5, vm0, $0xb8;
	[tilespmem:$0x1C800] =	vst v63  }
0x28a: {  	_ = 	snop  }
0x28b: {  	[tilespmem:s29], [sflag:$0x1] =	stream.indirect_vreg.gather [hbm4b:s4+s22], $0x80, v4, vm0, $0xb8;
	[tilespmem:$0x1C800] =	vst v63  }
0x28c: {  	v4 =	vld [tilespmem:$0xA060];
	_ =	sdelay $0x4  }
0x28d: {  	v5 =	vshll.u32 v4, $0x1  }
0x28e: {  	v4 =	vand.u32 $0x7, v4;
	v5 =	vand.u32 $0xFFFFFFF0, v5  }
0x28f: {  	v4 =	vor.u32 v4, v5  }
0x290: {  	v5 =	vperm.xlane v4, v0;
	_ =	sdelay $0x1  }
0x291: {  	v4 =	vperm.xlane v4, v3;
	v5 =	vadd.s32 v1, v5;
	_ =	sdelay $0x1  }
0x292: {  	v4 =	vadd.s32 v1, v4;
	_ =	sdelay $0x2  }
0x293: {  	[tilespmem:s30], [sflag:$0x1] =	stream.indirect_vreg.gather [hbm4b:s4+s22], $0x80, v5, vm0, $0xb8;
	[tilespmem:$0x1C800] =	vst v63  }
0x294: {  	_ = 	snop  }
0x295: {  	[tilespmem:s31], [sflag:$0x1] =	stream.indirect_vreg.gather [hbm4b:s4+s22], $0x80, v4, vm0, $0xb8;
	[tilespmem:$0x1C800] =	vst v63  }
0x296: {  	v4 =	vld [tilespmem:$0xA070];
	_ =	sdelay $0x4  }
0x297: {  	v5 =	vshll.u32 v4, $0x1  }
0x298: {  	v4 =	vand.u32 $0x7, v4;
	v5 =	vand.u32 $0xFFFFFFF0, v5  }
0x299: {  	v4 =	vor.u32 v4, v5  }
0x29a: {  	v5 =	vperm.xlane v4, v0;
	_ =	sdelay $0x1  }
0x29b: {  	v4 =	vperm.xlane v4, v3;
	v5 =	vadd.s32 v1, v5;
	_ =	sdelay $0x1  }
0x29c: {  	v4 =	vadd.s32 v1, v4  }
.Ltmp11:
0x29d: {  	_ = 	snop;
	(pc) =	sbr.rel .LBB2_16-.Ltmp11, $4  }
0x29e: {  	_ = 	snop  }
0x29f: {  	[tilespmem:s0], [sflag:$0x1] =	stream.indirect_vreg.gather [hbm4b:s4+s22], $0x80, v5, vm0, $0xb8;
	[tilespmem:$0x1C800] =	vst v63  }
0x2a0: {  	_ = 	snop  }
0x2a1: {  	[tilespmem:s5], [sflag:$0x1] =	stream.indirect_vreg.gather [hbm4b:s4+s22], $0x80, v4, vm0, $0xb8;
	[tilespmem:$0x1C800] =	vst v63  }
.LBB2_18:
0x2a2: {  	s22 =	sadd.s32 $0x400, s22  }
0x2a3: {  	p1 =	sne.s32 s22, $0x5000  }
.Ltmp12:
0x2a4: {  	_ = 	snop;
	(pc) =	sbr.rel @!p1 .LBB2_19-.Ltmp12, $4  }
0x2a5: {  	_ = 	snop  }
0x2a6: {  	_ =	swait.ge [sflag:s21], $0x8000  }
0x2a7: {  	[sflag:s21] =	ssyncset.done $0x0  }
0x2a8: {  	[sflag:s21] =	ssyncadd.s32 $0xFFFF8000  }
.LBB2_16:
0x2a9: {  	s23 =	sshra.s32 s22, $0x2  }
0x2aa: {  	v4 =	vld [tilespmem:s23+$0xA080];
	_ =	sdelay $0x4  }
0x2ab: {  	v5 =	vshll.u32 v4, $0x1  }
0x2ac: {  	v4 =	vand.u32 $0x7, v4;
	v5 =	vand.u32 $0xFFFFFFF0, v5  }
0x2ad: {  	v4 =	vor.u32 v4, v5  }
0x2ae: {  	v5 =	vperm.xlane v4, v0;
	_ =	sdelay $0x1  }
0x2af: {  	v4 =	vperm.xlane v4, v3;
	v5 =	vadd.s32 v1, v5;
	_ =	sdelay $0x1  }
0x2b0: {  	v4 =	vadd.s32 v1, v4;
	_ =	sdelay $0x2  }
0x2b1: {  	[tilespmem:s7], [sflag:$0x2] =	stream.indirect_vreg.gather [hbm4b:s4+s1], $0x80, v5, vm0, $0xb8;
	[tilespmem:$0x1C800] =	vst v63  }
0x2b2: {  	_ = 	snop  }
0x2b3: {  	[tilespmem:s2], [sflag:$0x2] =	stream.indirect_vreg.gather [hbm4b:s4+s1], $0x80, v4, vm0, $0xb8;
	[tilespmem:$0x1C800] =	vst v63  }
0x2b4: {  	v4 =	vld [tilespmem:s23+$0xA090];
	_ =	sdelay $0x4  }
0x2b5: {  	v5 =	vshll.u32 v4, $0x1  }
0x2b6: {  	v4 =	vand.u32 $0x7, v4;
	v5 =	vand.u32 $0xFFFFFFF0, v5  }
0x2b7: {  	v4 =	vor.u32 v4, v5  }
0x2b8: {  	v5 =	vperm.xlane v4, v0;
	_ =	sdelay $0x1  }
0x2b9: {  	v4 =	vperm.xlane v4, v3;
	v5 =	vadd.s32 v1, v5;
	_ =	sdelay $0x1  }
0x2ba: {  	v4 =	vadd.s32 v1, v4;
	_ =	sdelay $0x2  }
0x2bb: {  	[tilespmem:s13], [sflag:$0x2] =	stream.indirect_vreg.gather [hbm4b:s4+s1], $0x80, v5, vm0, $0xb8;
	[tilespmem:$0x1C800] =	vst v63  }
0x2bc: {  	_ = 	snop  }
0x2bd: {  	[tilespmem:s15], [sflag:$0x2] =	stream.indirect_vreg.gather [hbm4b:s4+s1], $0x80, v4, vm0, $0xb8;
	[tilespmem:$0x1C800] =	vst v63  }
0x2be: {  	v4 =	vld [tilespmem:s23+$0xA0A0];
	_ =	sdelay $0x4  }
0x2bf: {  	v5 =	vshll.u32 v4, $0x1  }
0x2c0: {  	v4 =	vand.u32 $0x7, v4;
	v5 =	vand.u32 $0xFFFFFFF0, v5  }
0x2c1: {  	v4 =	vor.u32 v4, v5  }
0x2c2: {  	v5 =	vperm.xlane v4, v0;
	_ =	sdelay $0x1  }
0x2c3: {  	v4 =	vperm.xlane v4, v3;
	v5 =	vadd.s32 v1, v5;
	_ =	sdelay $0x1  }
0x2c4: {  	v4 =	vadd.s32 v1, v4;
	_ =	sdelay $0x2  }
0x2c5: {  	[tilespmem:s8], [sflag:$0x2] =	stream.indirect_vreg.gather [hbm4b:s4+s1], $0x80, v5, vm0, $0xb8;
	[tilespmem:$0x1C800] =	vst v63  }
0x2c6: {  	_ = 	snop  }
0x2c7: {  	[tilespmem:s9], [sflag:$0x2] =	stream.indirect_vreg.gather [hbm4b:s4+s1], $0x80, v4, vm0, $0xb8;
	[tilespmem:$0x1C800] =	vst v63  }
0x2c8: {  	v4 =	vld [tilespmem:s23+$0xA0B0];
	_ =	sdelay $0x4  }
0x2c9: {  	v5 =	vshll.u32 v4, $0x1  }
0x2ca: {  	v4 =	vand.u32 $0x7, v4;
	v5 =	vand.u32 $0xFFFFFFF0, v5  }
0x2cb: {  	v4 =	vor.u32 v4, v5  }
0x2cc: {  	v5 =	vperm.xlane v4, v0;
	_ =	sdelay $0x1  }
0x2cd: {  	v4 =	vperm.xlane v4, v3;
	v5 =	vadd.s32 v1, v5;
	_ =	sdelay $0x1  }
0x2ce: {  	v4 =	vadd.s32 v1, v4;
	_ =	sdelay $0x2  }
0x2cf: {  	[tilespmem:s10], [sflag:$0x2] =	stream.indirect_vreg.gather [hbm4b:s4+s1], $0x80, v5, vm0, $0xb8;
	[tilespmem:$0x1C800] =	vst v63  }
0x2d0: {  	_ = 	snop  }
0x2d1: {  	[tilespmem:s11], [sflag:$0x2] =	stream.indirect_vreg.gather [hbm4b:s4+s1], $0x80, v4, vm0, $0xb8;
	[tilespmem:$0x1C800] =	vst v63  }
0x2d2: {  	v4 =	vld [tilespmem:s23+$0xA0C0];
	_ =	sdelay $0x4  }
0x2d3: {  	v5 =	vshll.u32 v4, $0x1  }
0x2d4: {  	v4 =	vand.u32 $0x7, v4;
	v5 =	vand.u32 $0xFFFFFFF0, v5  }
0x2d5: {  	v4 =	vor.u32 v4, v5  }
0x2d6: {  	v5 =	vperm.xlane v4, v0;
	_ =	sdelay $0x1  }
0x2d7: {  	v4 =	vperm.xlane v4, v3;
	v5 =	vadd.s32 v1, v5;
	_ =	sdelay $0x1  }
0x2d8: {  	v4 =	vadd.s32 v1, v4;
	_ =	sdelay $0x2  }
0x2d9: {  	[tilespmem:s12], [sflag:$0x2] =	stream.indirect_vreg.gather [hbm4b:s4+s1], $0x80, v5, vm0, $0xb8;
	[tilespmem:$0x1C800] =	vst v63  }
0x2da: {  	_ = 	snop  }
0x2db: {  	[tilespmem:s25], [sflag:$0x2] =	stream.indirect_vreg.gather [hbm4b:s4+s1], $0x80, v4, vm0, $0xb8;
	[tilespmem:$0x1C800] =	vst v63  }
0x2dc: {  	v4 =	vld [tilespmem:s23+$0xA0D0];
	_ =	sdelay $0x4  }
0x2dd: {  	v5 =	vshll.u32 v4, $0x1  }
0x2de: {  	v4 =	vand.u32 $0x7, v4;
	v5 =	vand.u32 $0xFFFFFFF0, v5  }
0x2df: {  	v4 =	vor.u32 v4, v5  }
0x2e0: {  	v5 =	vperm.xlane v4, v0;
	_ =	sdelay $0x1  }
0x2e1: {  	v4 =	vperm.xlane v4, v3;
	v5 =	vadd.s32 v1, v5;
	_ =	sdelay $0x1  }
0x2e2: {  	v4 =	vadd.s32 v1, v4;
	_ =	sdelay $0x2  }
0x2e3: {  	[tilespmem:s6], [sflag:$0x2] =	stream.indirect_vreg.gather [hbm4b:s4+s1], $0x80, v5, vm0, $0xb8;
	[tilespmem:$0x1C800] =	vst v63  }
0x2e4: {  	_ = 	snop  }
0x2e5: {  	[tilespmem:s14], [sflag:$0x2] =	stream.indirect_vreg.gather [hbm4b:s4+s1], $0x80, v4, vm0, $0xb8;
	[tilespmem:$0x1C800] =	vst v63  }
0x2e6: {  	v4 =	vld [tilespmem:s23+$0xA0E0];
	_ =	sdelay $0x4  }
0x2e7: {  	v5 =	vshll.u32 v4, $0x1  }
0x2e8: {  	v4 =	vand.u32 $0x7, v4;
	v5 =	vand.u32 $0xFFFFFFF0, v5  }
0x2e9: {  	v4 =	vor.u32 v4, v5  }
0x2ea: {  	v5 =	vperm.xlane v4, v0;
	_ =	sdelay $0x1  }
0x2eb: {  	v4 =	vperm.xlane v4, v3;
	v5 =	vadd.s32 v1, v5;
	_ =	sdelay $0x1  }
0x2ec: {  	v4 =	vadd.s32 v1, v4;
	_ =	sdelay $0x2  }
0x2ed: {  	[tilespmem:s16], [sflag:$0x2] =	stream.indirect_vreg.gather [hbm4b:s4+s1], $0x80, v5, vm0, $0xb8;
	[tilespmem:$0x1C800] =	vst v63  }
0x2ee: {  	_ = 	snop  }
0x2ef: {  	[tilespmem:s17], [sflag:$0x2] =	stream.indirect_vreg.gather [hbm4b:s4+s1], $0x80, v4, vm0, $0xb8;
	[tilespmem:$0x1C800] =	vst v63  }
0x2f0: {  	v4 =	vld [tilespmem:s23+$0xA0F0];
	_ =	sdelay $0x4  }
0x2f1: {  	v5 =	vshll.u32 v4, $0x1  }
0x2f2: {  	v4 =	vand.u32 $0x7, v4;
	v5 =	vand.u32 $0xFFFFFFF0, v5  }
0x2f3: {  	v4 =	vor.u32 v4, v5  }
0x2f4: {  	v5 =	vperm.xlane v4, v0;
	_ =	sdelay $0x1  }
0x2f5: {  	v4 =	vperm.xlane v4, v3;
	v5 =	vadd.s32 v1, v5;
	_ =	sdelay $0x1  }
0x2f6: {  	v4 =	vadd.s32 v1, v4;
	_ =	sdelay $0x1  }
0x2f7: {  	p1 =	seq.s32 s22, $0x4C00  }
0x2f8: {  	[tilespmem:s18], [sflag:$0x2] =	stream.indirect_vreg.gather [hbm4b:s4+s1], $0x80, v5, vm0, $0xb8;
	[tilespmem:$0x1C800] =	vst v63  }
.Ltmp13:
0x2f9: {  	_ = 	snop;
	(pc) =	sbr.rel @p1 .LBB2_18-.Ltmp13, $4  }
0x2fa: {  	[tilespmem:s19], [sflag:$0x2] =	stream.indirect_vreg.gather [hbm4b:s4+s1], $0x80, v4, vm0, $0xb8;
	[tilespmem:$0x1C800] =	vst v63  }
0x2fb: {  	_ =	swait.ge [sflag:s20], $0x8000  }
0x2fc: {  	[sflag:s20] =	ssyncset.done $0x0  }
0x2fd: {  	[sflag:s20] =	ssyncadd.s32 $0xFFFF8000  }
0x2fe: {  	v4 =	vld [tilespmem:s23+$0xA100];
	_ =	sdelay $0x4  }
0x2ff: {  	v5 =	vshll.u32 v4, $0x1  }
0x300: {  	v4 =	vand.u32 $0x7, v4;
	v5 =	vand.u32 $0xFFFFFFF0, v5  }
0x301: {  	v4 =	vor.u32 v4, v5  }
0x302: {  	v5 =	vperm.xlane v4, v0;
	_ =	sdelay $0x1  }
0x303: {  	v4 =	vperm.xlane v4, v3;
	v5 =	vadd.s32 v1, v5;
	_ =	sdelay $0x1  }
0x304: {  	v4 =	vadd.s32 v1, v4;
	_ =	sdelay $0x2  }
0x305: {  	[tilespmem:s26], [sflag:$0x1] =	stream.indirect_vreg.gather [hbm4b:s4+s1], $0x80, v5, vm0, $0xb8;
	[tilespmem:$0x1C800] =	vst v63  }
0x306: {  	_ = 	snop  }
0x307: {  	[tilespmem:s24], [sflag:$0x1] =	stream.indirect_vreg.gather [hbm4b:s4+s1], $0x80, v4, vm0, $0xb8;
	[tilespmem:$0x1C800] =	vst v63  }
0x308: {  	v4 =	vld [tilespmem:s23+$0xA110];
	_ =	sdelay $0x4  }
0x309: {  	v5 =	vshll.u32 v4, $0x1  }
0x30a: {  	v4 =	vand.u32 $0x7, v4;
	v5 =	vand.u32 $0xFFFFFFF0, v5  }
0x30b: {  	v4 =	vor.u32 v4, v5  }
0x30c: {  	v5 =	vperm.xlane v4, v0;
	_ =	sdelay $0x1  }
0x30d: {  	v4 =	vperm.xlane v4, v3;
	v5 =	vadd.s32 v1, v5;
	_ =	sdelay $0x1  }
0x30e: {  	v4 =	vadd.s32 v1, v4;
	_ =	sdelay $0x1  }
0x30f: {  	s28 =	simm.s32 $0xD800  }
0x310: {  	[tilespmem:s28], [sflag:$0x1] =	stream.indirect_vreg.gather [hbm4b:s4+s1], $0x80, v5, vm0, $0xb8;
	[tilespmem:$0x1C800] =	vst v63  }
0x311: {  	s28 =	simm.s32 $0xE000  }
0x312: {  	[tilespmem:s28], [sflag:$0x1] =	stream.indirect_vreg.gather [hbm4b:s4+s1], $0x80, v4, vm0, $0xb8;
	[tilespmem:$0x1C800] =	vst v63  }
0x313: {  	v4 =	vld [tilespmem:s23+$0xA120];
	_ =	sdelay $0x4  }
0x314: {  	v5 =	vshll.u32 v4, $0x1  }
0x315: {  	v4 =	vand.u32 $0x7, v4;
	v5 =	vand.u32 $0xFFFFFFF0, v5  }
0x316: {  	v4 =	vor.u32 v4, v5  }
0x317: {  	v5 =	vperm.xlane v4, v0;
	_ =	sdelay $0x1  }
0x318: {  	v4 =	vperm.xlane v4, v3;
	v5 =	vadd.s32 v1, v5;
	_ =	sdelay $0x1  }
0x319: {  	v4 =	vadd.s32 v1, v4;
	_ =	sdelay $0x1  }
0x31a: {  	s28 =	simm.s32 $0xE800  }
0x31b: {  	[tilespmem:s28], [sflag:$0x1] =	stream.indirect_vreg.gather [hbm4b:s4+s1], $0x80, v5, vm0, $0xb8;
	[tilespmem:$0x1C800] =	vst v63  }
0x31c: {  	s28 =	simm.s32 $0xF000  }
0x31d: {  	[tilespmem:s28], [sflag:$0x1] =	stream.indirect_vreg.gather [hbm4b:s4+s1], $0x80, v4, vm0, $0xb8;
	[tilespmem:$0x1C800] =	vst v63  }
0x31e: {  	v4 =	vld [tilespmem:s23+$0xA130];
	_ =	sdelay $0x4  }
0x31f: {  	v5 =	vshll.u32 v4, $0x1  }
0x320: {  	v4 =	vand.u32 $0x7, v4;
	v5 =	vand.u32 $0xFFFFFFF0, v5  }
0x321: {  	v4 =	vor.u32 v4, v5  }
0x322: {  	v5 =	vperm.xlane v4, v0;
	_ =	sdelay $0x1  }
0x323: {  	v4 =	vperm.xlane v4, v3;
	v5 =	vadd.s32 v1, v5;
	_ =	sdelay $0x1  }
0x324: {  	v4 =	vadd.s32 v1, v4;
	_ =	sdelay $0x1  }
0x325: {  	s28 =	simm.s32 $0xF800  }
0x326: {  	[tilespmem:s28], [sflag:$0x1] =	stream.indirect_vreg.gather [hbm4b:s4+s1], $0x80, v5, vm0, $0xb8;
	[tilespmem:$0x1C800] =	vst v63  }
0x327: {  	s28 =	simm.s32 $0x10000  }
0x328: {  	[tilespmem:s28], [sflag:$0x1] =	stream.indirect_vreg.gather [hbm4b:s4+s1], $0x80, v4, vm0, $0xb8;
	[tilespmem:$0x1C800] =	vst v63  }
0x329: {  	v4 =	vld [tilespmem:s23+$0xA140];
	_ =	sdelay $0x4  }
0x32a: {  	v5 =	vshll.u32 v4, $0x1  }
0x32b: {  	v4 =	vand.u32 $0x7, v4;
	v5 =	vand.u32 $0xFFFFFFF0, v5  }
0x32c: {  	v4 =	vor.u32 v4, v5  }
0x32d: {  	v5 =	vperm.xlane v4, v0;
	_ =	sdelay $0x1  }
0x32e: {  	v4 =	vperm.xlane v4, v3;
	v5 =	vadd.s32 v1, v5;
	_ =	sdelay $0x1  }
0x32f: {  	v4 =	vadd.s32 v1, v4;
	_ =	sdelay $0x1  }
0x330: {  	s28 =	simm.s32 $0x10800  }
0x331: {  	[tilespmem:s28], [sflag:$0x1] =	stream.indirect_vreg.gather [hbm4b:s4+s1], $0x80, v5, vm0, $0xb8;
	[tilespmem:$0x1C800] =	vst v63  }
0x332: {  	s28 =	simm.s32 $0x11000  }
0x333: {  	[tilespmem:s28], [sflag:$0x1] =	stream.indirect_vreg.gather [hbm4b:s4+s1], $0x80, v4, vm0, $0xb8;
	[tilespmem:$0x1C800] =	vst v63  }
0x334: {  	v4 =	vld [tilespmem:s23+$0xA150];
	_ =	sdelay $0x4  }
0x335: {  	v5 =	vshll.u32 v4, $0x1  }
0x336: {  	v4 =	vand.u32 $0x7, v4;
	v5 =	vand.u32 $0xFFFFFFF0, v5  }
0x337: {  	v4 =	vor.u32 v4, v5  }
0x338: {  	v5 =	vperm.xlane v4, v0;
	_ =	sdelay $0x1  }
0x339: {  	v4 =	vperm.xlane v4, v3;
	v5 =	vadd.s32 v1, v5;
	_ =	sdelay $0x1  }
0x33a: {  	v4 =	vadd.s32 v1, v4;
	_ =	sdelay $0x1  }
0x33b: {  	s28 =	simm.s32 $0x11800  }
0x33c: {  	[tilespmem:s28], [sflag:$0x1] =	stream.indirect_vreg.gather [hbm4b:s4+s1], $0x80, v5, vm0, $0xb8;
	[tilespmem:$0x1C800] =	vst v63  }
0x33d: {  	_ = 	snop  }
0x33e: {  	[tilespmem:s29], [sflag:$0x1] =	stream.indirect_vreg.gather [hbm4b:s4+s1], $0x80, v4, vm0, $0xb8;
	[tilespmem:$0x1C800] =	vst v63  }
0x33f: {  	v4 =	vld [tilespmem:s23+$0xA160];
	_ =	sdelay $0x4  }
0x340: {  	v5 =	vshll.u32 v4, $0x1  }
0x341: {  	v4 =	vand.u32 $0x7, v4;
	v5 =	vand.u32 $0xFFFFFFF0, v5  }
0x342: {  	v4 =	vor.u32 v4, v5  }
0x343: {  	v5 =	vperm.xlane v4, v0;
	_ =	sdelay $0x1  }
0x344: {  	v4 =	vperm.xlane v4, v3;
	v5 =	vadd.s32 v1, v5;
	_ =	sdelay $0x1  }
0x345: {  	v4 =	vadd.s32 v1, v4;
	_ =	sdelay $0x2  }
0x346: {  	[tilespmem:s30], [sflag:$0x1] =	stream.indirect_vreg.gather [hbm4b:s4+s1], $0x80, v5, vm0, $0xb8;
	[tilespmem:$0x1C800] =	vst v63  }
0x347: {  	_ = 	snop  }
0x348: {  	[tilespmem:s31], [sflag:$0x1] =	stream.indirect_vreg.gather [hbm4b:s4+s1], $0x80, v4, vm0, $0xb8;
	[tilespmem:$0x1C800] =	vst v63  }
0x349: {  	v4 =	vld [tilespmem:s23+$0xA170];
	_ =	sdelay $0x4  }
0x34a: {  	v5 =	vshll.u32 v4, $0x1  }
0x34b: {  	v4 =	vand.u32 $0x7, v4;
	v5 =	vand.u32 $0xFFFFFFF0, v5  }
0x34c: {  	v4 =	vor.u32 v4, v5  }
0x34d: {  	v5 =	vperm.xlane v4, v0;
	_ =	sdelay $0x1  }
0x34e: {  	v4 =	vperm.xlane v4, v3;
	v5 =	vadd.s32 v1, v5;
	_ =	sdelay $0x1  }
0x34f: {  	v4 =	vadd.s32 v1, v4  }
.Ltmp14:
0x350: {  	_ = 	snop;
	(pc) =	sbr.rel .LBB2_18-.Ltmp14, $4  }
0x351: {  	_ = 	snop  }
0x352: {  	[tilespmem:s0], [sflag:$0x1] =	stream.indirect_vreg.gather [hbm4b:s4+s1], $0x80, v5, vm0, $0xb8;
	[tilespmem:$0x1C800] =	vst v63  }
0x353: {  	_ = 	snop  }
0x354: {  	[tilespmem:s5], [sflag:$0x1] =	stream.indirect_vreg.gather [hbm4b:s4+s1], $0x80, v4, vm0, $0xb8;
	[tilespmem:$0x1C800] =	vst v63  }
.LBB2_6:
0x355: {  	s22 =	simm.s32 $0x0;
	s23 =	rddreg [dreg:$0x8];
	s24 =	simm.s32 $0xA000  }
0x356: {  	[tilespmem:s24], [sflag:$0x3] =	stream.linear.gather [hbm4b:s23+s22], $0x1400, $0x38;
	[tilespmem:$0x1C800] =	vst v63  }
0x357: {  	s24 =	simm.s32 $0x3  }
0x358: {  	_ =	swait.ge [sflag:s24], $0x1400  }
0x359: {  	[sflag:s24] =	ssyncset.done $0x0  }
0x35a: {  	s26 =	simm.s32 $0xB400;
	s28 =	rddreg [dreg:$0x9];
	[sflag:s24] =	ssyncadd.s32 $0xFFFFEC00  }
0x35b: {  	[tilespmem:s26], [sflag:$0x3] =	stream.linear.gather [hbm4b:s28+s22], $0x1400, $0x38;
	[tilespmem:$0x1C800] =	vst v63  }
0x35c: {  	_ =	swait.ge [sflag:s24], $0x1400  }
0x35d: {  	[sflag:s24] =	ssyncset.done $0x0  }
0x35e: {  	[sflag:s24] =	ssyncadd.s32 $0xFFFFEC00  }
0x35f: {  	v4 =	vld [tilespmem:$0xA000];
	_ =	sdelay $0x4  }
0x360: {  	v5 =	vshll.u32 v4, $0x1  }
0x361: {  	v4 =	vand.u32 $0x7, v4;
	v5 =	vand.u32 $0xFFFFFFF0, v5  }
0x362: {  	v4 =	vor.u32 v4, v5  }
0x363: {  	v5 =	vperm.xlane v4, v0;
	_ =	sdelay $0x1  }
0x364: {  	v4 =	vperm.xlane v4, v3;
	v5 =	vadd.s32 v1, v5;
	_ =	sdelay $0x1  }
0x365: {  	v4 =	vadd.s32 v1, v4;
	_ =	sdelay $0x1  }
0x366: {  	s26 =	simm.s32 $0xC800  }
0x367: {  	[tilespmem:s26], [sflag:$0x1] =	stream.indirect_vreg.gather [hbm4b:s3+s22], $0x80, v5, vm0, $0xb8;
	[tilespmem:$0x1C800] =	vst v63  }
0x368: {  	s24 =	simm.s32 $0xD000  }
0x369: {  	[tilespmem:s24], [sflag:$0x1] =	stream.indirect_vreg.gather [hbm4b:s3+s22], $0x80, v4, vm0, $0xb8;
	[tilespmem:$0x1C800] =	vst v63  }
0x36a: {  	v4 =	vld [tilespmem:$0xA010];
	_ =	sdelay $0x4  }
0x36b: {  	v5 =	vshll.u32 v4, $0x1  }
0x36c: {  	v4 =	vand.u32 $0x7, v4;
	v5 =	vand.u32 $0xFFFFFFF0, v5  }
0x36d: {  	v4 =	vor.u32 v4, v5  }
0x36e: {  	v5 =	vperm.xlane v4, v0;
	_ =	sdelay $0x1  }
0x36f: {  	v4 =	vperm.xlane v4, v3;
	v5 =	vadd.s32 v1, v5;
	_ =	sdelay $0x1  }
0x370: {  	v4 =	vadd.s32 v1, v4;
	_ =	sdelay $0x1  }
0x371: {  	s28 =	simm.s32 $0xD800  }
0x372: {  	[tilespmem:s28], [sflag:$0x1] =	stream.indirect_vreg.gather [hbm4b:s3+s22], $0x80, v5, vm0, $0xb8;
	[tilespmem:$0x1C800] =	vst v63  }
0x373: {  	s28 =	simm.s32 $0xE000  }
0x374: {  	[tilespmem:s28], [sflag:$0x1] =	stream.indirect_vreg.gather [hbm4b:s3+s22], $0x80, v4, vm0, $0xb8;
	[tilespmem:$0x1C800] =	vst v63  }
0x375: {  	v4 =	vld [tilespmem:$0xA020];
	_ =	sdelay $0x4  }
0x376: {  	v5 =	vshll.u32 v4, $0x1  }
0x377: {  	v4 =	vand.u32 $0x7, v4;
	v5 =	vand.u32 $0xFFFFFFF0, v5  }
0x378: {  	v4 =	vor.u32 v4, v5  }
0x379: {  	v5 =	vperm.xlane v4, v0;
	_ =	sdelay $0x1  }
0x37a: {  	v4 =	vperm.xlane v4, v3;
	v5 =	vadd.s32 v1, v5;
	_ =	sdelay $0x1  }
0x37b: {  	v4 =	vadd.s32 v1, v4;
	_ =	sdelay $0x1  }
0x37c: {  	s28 =	simm.s32 $0xE800  }
0x37d: {  	[tilespmem:s28], [sflag:$0x1] =	stream.indirect_vreg.gather [hbm4b:s3+s22], $0x80, v5, vm0, $0xb8;
	[tilespmem:$0x1C800] =	vst v63  }
0x37e: {  	s28 =	simm.s32 $0xF000  }
0x37f: {  	[tilespmem:s28], [sflag:$0x1] =	stream.indirect_vreg.gather [hbm4b:s3+s22], $0x80, v4, vm0, $0xb8;
	[tilespmem:$0x1C800] =	vst v63  }
0x380: {  	v4 =	vld [tilespmem:$0xA030];
	_ =	sdelay $0x4  }
0x381: {  	v5 =	vshll.u32 v4, $0x1  }
0x382: {  	v4 =	vand.u32 $0x7, v4;
	v5 =	vand.u32 $0xFFFFFFF0, v5  }
0x383: {  	v4 =	vor.u32 v4, v5  }
0x384: {  	v5 =	vperm.xlane v4, v0;
	_ =	sdelay $0x1  }
0x385: {  	v4 =	vperm.xlane v4, v3;
	v5 =	vadd.s32 v1, v5;
	_ =	sdelay $0x1  }
0x386: {  	v4 =	vadd.s32 v1, v4;
	_ =	sdelay $0x1  }
0x387: {  	s28 =	simm.s32 $0xF800  }
0x388: {  	[tilespmem:s28], [sflag:$0x1] =	stream.indirect_vreg.gather [hbm4b:s3+s22], $0x80, v5, vm0, $0xb8;
	[tilespmem:$0x1C800] =	vst v63  }
0x389: {  	s28 =	simm.s32 $0x10000  }
0x38a: {  	[tilespmem:s28], [sflag:$0x1] =	stream.indirect_vreg.gather [hbm4b:s3+s22], $0x80, v4, vm0, $0xb8;
	[tilespmem:$0x1C800] =	vst v63  }
0x38b: {  	v4 =	vld [tilespmem:$0xA040];
	_ =	sdelay $0x4  }
0x38c: {  	v5 =	vshll.u32 v4, $0x1  }
0x38d: {  	v4 =	vand.u32 $0x7, v4;
	v5 =	vand.u32 $0xFFFFFFF0, v5  }
0x38e: {  	v4 =	vor.u32 v4, v5  }
0x38f: {  	v5 =	vperm.xlane v4, v0;
	_ =	sdelay $0x1  }
0x390: {  	v4 =	vperm.xlane v4, v3;
	v5 =	vadd.s32 v1, v5;
	_ =	sdelay $0x1  }
0x391: {  	v4 =	vadd.s32 v1, v4;
	_ =	sdelay $0x1  }
0x392: {  	s28 =	simm.s32 $0x10800  }
0x393: {  	[tilespmem:s28], [sflag:$0x1] =	stream.indirect_vreg.gather [hbm4b:s3+s22], $0x80, v5, vm0, $0xb8;
	[tilespmem:$0x1C800] =	vst v63  }
0x394: {  	s28 =	simm.s32 $0x11000  }
0x395: {  	[tilespmem:s28], [sflag:$0x1] =	stream.indirect_vreg.gather [hbm4b:s3+s22], $0x80, v4, vm0, $0xb8;
	[tilespmem:$0x1C800] =	vst v63  }
0x396: {  	v4 =	vld [tilespmem:$0xA050];
	_ =	sdelay $0x4  }
0x397: {  	v5 =	vshll.u32 v4, $0x1  }
0x398: {  	v4 =	vand.u32 $0x7, v4;
	v5 =	vand.u32 $0xFFFFFFF0, v5  }
0x399: {  	v4 =	vor.u32 v4, v5  }
0x39a: {  	v5 =	vperm.xlane v4, v0;
	_ =	sdelay $0x1  }
0x39b: {  	v4 =	vperm.xlane v4, v3;
	v5 =	vadd.s32 v1, v5;
	_ =	sdelay $0x1  }
0x39c: {  	v4 =	vadd.s32 v1, v4;
	_ =	sdelay $0x1  }
0x39d: {  	s28 =	simm.s32 $0x11800  }
0x39e: {  	[tilespmem:s28], [sflag:$0x1] =	stream.indirect_vreg.gather [hbm4b:s3+s22], $0x80, v5, vm0, $0xb8;
	[tilespmem:$0x1C800] =	vst v63  }
0x39f: {  	_ = 	snop  }
0x3a0: {  	[tilespmem:s29], [sflag:$0x1] =	stream.indirect_vreg.gather [hbm4b:s3+s22], $0x80, v4, vm0, $0xb8;
	[tilespmem:$0x1C800] =	vst v63  }
0x3a1: {  	v4 =	vld [tilespmem:$0xA060];
	_ =	sdelay $0x4  }
0x3a2: {  	v5 =	vshll.u32 v4, $0x1  }
0x3a3: {  	v4 =	vand.u32 $0x7, v4;
	v5 =	vand.u32 $0xFFFFFFF0, v5  }
0x3a4: {  	v4 =	vor.u32 v4, v5  }
0x3a5: {  	v5 =	vperm.xlane v4, v0;
	_ =	sdelay $0x1  }
0x3a6: {  	v4 =	vperm.xlane v4, v3;
	v5 =	vadd.s32 v1, v5;
	_ =	sdelay $0x1  }
0x3a7: {  	v4 =	vadd.s32 v1, v4;
	_ =	sdelay $0x2  }
0x3a8: {  	[tilespmem:s30], [sflag:$0x1] =	stream.indirect_vreg.gather [hbm4b:s3+s22], $0x80, v5, vm0, $0xb8;
	[tilespmem:$0x1C800] =	vst v63  }
0x3a9: {  	_ = 	snop  }
0x3aa: {  	[tilespmem:s31], [sflag:$0x1] =	stream.indirect_vreg.gather [hbm4b:s3+s22], $0x80, v4, vm0, $0xb8;
	[tilespmem:$0x1C800] =	vst v63  }
0x3ab: {  	v4 =	vld [tilespmem:$0xA070];
	_ =	sdelay $0x4  }
0x3ac: {  	v5 =	vshll.u32 v4, $0x1  }
0x3ad: {  	v4 =	vand.u32 $0x7, v4;
	v5 =	vand.u32 $0xFFFFFFF0, v5  }
0x3ae: {  	v4 =	vor.u32 v4, v5  }
0x3af: {  	v5 =	vperm.xlane v4, v0;
	_ =	sdelay $0x1  }
0x3b0: {  	v4 =	vperm.xlane v4, v3;
	v5 =	vadd.s32 v1, v5;
	_ =	sdelay $0x1  }
0x3b1: {  	v4 =	vadd.s32 v1, v4  }
.Ltmp15:
0x3b2: {  	_ = 	snop;
	(pc) =	sbr.rel .LBB2_7-.Ltmp15, $4  }
0x3b3: {  	_ = 	snop  }
0x3b4: {  	[tilespmem:s0], [sflag:$0x1] =	stream.indirect_vreg.gather [hbm4b:s3+s22], $0x80, v5, vm0, $0xb8;
	[tilespmem:$0x1C800] =	vst v63  }
0x3b5: {  	_ = 	snop  }
0x3b6: {  	[tilespmem:s5], [sflag:$0x1] =	stream.indirect_vreg.gather [hbm4b:s3+s22], $0x80, v4, vm0, $0xb8;
	[tilespmem:$0x1C800] =	vst v63  }
.LBB2_9:
0x3b7: {  	s22 =	sadd.s32 $0x400, s22  }
0x3b8: {  	p1 =	seq.s32 s22, $0x5000  }
.Ltmp16:
0x3b9: {  	_ = 	snop;
	(pc) =	sbr.rel @p1 .LBB2_10-.Ltmp16, $4  }
0x3ba: {  	_ = 	snop  }
0x3bb: {  	_ =	swait.ge [sflag:s21], $0x8000  }
0x3bc: {  	[sflag:s21] =	ssyncset.done $0x0  }
0x3bd: {  	[sflag:s21] =	ssyncadd.s32 $0xFFFF8000  }
.LBB2_7:
0x3be: {  	s23 =	sshra.s32 s22, $0x2  }
0x3bf: {  	v4 =	vld [tilespmem:s23+$0xA080];
	_ =	sdelay $0x4  }
0x3c0: {  	v5 =	vshll.u32 v4, $0x1  }
0x3c1: {  	v4 =	vand.u32 $0x7, v4;
	v5 =	vand.u32 $0xFFFFFFF0, v5  }
0x3c2: {  	v4 =	vor.u32 v4, v5  }
0x3c3: {  	v5 =	vperm.xlane v4, v0;
	_ =	sdelay $0x1  }
0x3c4: {  	v4 =	vperm.xlane v4, v3;
	v5 =	vadd.s32 v1, v5;
	_ =	sdelay $0x1  }
0x3c5: {  	v4 =	vadd.s32 v1, v4;
	_ =	sdelay $0x2  }
0x3c6: {  	[tilespmem:s7], [sflag:$0x2] =	stream.indirect_vreg.gather [hbm4b:s3+s1], $0x80, v5, vm0, $0xb8;
	[tilespmem:$0x1C800] =	vst v63  }
0x3c7: {  	_ = 	snop  }
0x3c8: {  	[tilespmem:s2], [sflag:$0x2] =	stream.indirect_vreg.gather [hbm4b:s3+s1], $0x80, v4, vm0, $0xb8;
	[tilespmem:$0x1C800] =	vst v63  }
0x3c9: {  	v4 =	vld [tilespmem:s23+$0xA090];
	_ =	sdelay $0x4  }
0x3ca: {  	v5 =	vshll.u32 v4, $0x1  }
0x3cb: {  	v4 =	vand.u32 $0x7, v4;
	v5 =	vand.u32 $0xFFFFFFF0, v5  }
0x3cc: {  	v4 =	vor.u32 v4, v5  }
0x3cd: {  	v5 =	vperm.xlane v4, v0;
	_ =	sdelay $0x1  }
0x3ce: {  	v4 =	vperm.xlane v4, v3;
	v5 =	vadd.s32 v1, v5;
	_ =	sdelay $0x1  }
0x3cf: {  	v4 =	vadd.s32 v1, v4;
	_ =	sdelay $0x2  }
0x3d0: {  	[tilespmem:s13], [sflag:$0x2] =	stream.indirect_vreg.gather [hbm4b:s3+s1], $0x80, v5, vm0, $0xb8;
	[tilespmem:$0x1C800] =	vst v63  }
0x3d1: {  	_ = 	snop  }
0x3d2: {  	[tilespmem:s15], [sflag:$0x2] =	stream.indirect_vreg.gather [hbm4b:s3+s1], $0x80, v4, vm0, $0xb8;
	[tilespmem:$0x1C800] =	vst v63  }
0x3d3: {  	v4 =	vld [tilespmem:s23+$0xA0A0];
	_ =	sdelay $0x4  }
0x3d4: {  	v5 =	vshll.u32 v4, $0x1  }
0x3d5: {  	v4 =	vand.u32 $0x7, v4;
	v5 =	vand.u32 $0xFFFFFFF0, v5  }
0x3d6: {  	v4 =	vor.u32 v4, v5  }
0x3d7: {  	v5 =	vperm.xlane v4, v0;
	_ =	sdelay $0x1  }
0x3d8: {  	v4 =	vperm.xlane v4, v3;
	v5 =	vadd.s32 v1, v5;
	_ =	sdelay $0x1  }
0x3d9: {  	v4 =	vadd.s32 v1, v4;
	_ =	sdelay $0x2  }
0x3da: {  	[tilespmem:s8], [sflag:$0x2] =	stream.indirect_vreg.gather [hbm4b:s3+s1], $0x80, v5, vm0, $0xb8;
	[tilespmem:$0x1C800] =	vst v63  }
0x3db: {  	_ = 	snop  }
0x3dc: {  	[tilespmem:s9], [sflag:$0x2] =	stream.indirect_vreg.gather [hbm4b:s3+s1], $0x80, v4, vm0, $0xb8;
	[tilespmem:$0x1C800] =	vst v63  }
0x3dd: {  	v4 =	vld [tilespmem:s23+$0xA0B0];
	_ =	sdelay $0x4  }
0x3de: {  	v5 =	vshll.u32 v4, $0x1  }
0x3df: {  	v4 =	vand.u32 $0x7, v4;
	v5 =	vand.u32 $0xFFFFFFF0, v5  }
0x3e0: {  	v4 =	vor.u32 v4, v5  }
0x3e1: {  	v5 =	vperm.xlane v4, v0;
	_ =	sdelay $0x1  }
0x3e2: {  	v4 =	vperm.xlane v4, v3;
	v5 =	vadd.s32 v1, v5;
	_ =	sdelay $0x1  }
0x3e3: {  	v4 =	vadd.s32 v1, v4;
	_ =	sdelay $0x2  }
0x3e4: {  	[tilespmem:s10], [sflag:$0x2] =	stream.indirect_vreg.gather [hbm4b:s3+s1], $0x80, v5, vm0, $0xb8;
	[tilespmem:$0x1C800] =	vst v63  }
0x3e5: {  	_ = 	snop  }
0x3e6: {  	[tilespmem:s11], [sflag:$0x2] =	stream.indirect_vreg.gather [hbm4b:s3+s1], $0x80, v4, vm0, $0xb8;
	[tilespmem:$0x1C800] =	vst v63  }
0x3e7: {  	v4 =	vld [tilespmem:s23+$0xA0C0];
	_ =	sdelay $0x4  }
0x3e8: {  	v5 =	vshll.u32 v4, $0x1  }
0x3e9: {  	v4 =	vand.u32 $0x7, v4;
	v5 =	vand.u32 $0xFFFFFFF0, v5  }
0x3ea: {  	v4 =	vor.u32 v4, v5  }
0x3eb: {  	v5 =	vperm.xlane v4, v0;
	_ =	sdelay $0x1  }
0x3ec: {  	v4 =	vperm.xlane v4, v3;
	v5 =	vadd.s32 v1, v5;
	_ =	sdelay $0x1  }
0x3ed: {  	v4 =	vadd.s32 v1, v4;
	_ =	sdelay $0x2  }
0x3ee: {  	[tilespmem:s12], [sflag:$0x2] =	stream.indirect_vreg.gather [hbm4b:s3+s1], $0x80, v5, vm0, $0xb8;
	[tilespmem:$0x1C800] =	vst v63  }
0x3ef: {  	_ = 	snop  }
0x3f0: {  	[tilespmem:s25], [sflag:$0x2] =	stream.indirect_vreg.gather [hbm4b:s3+s1], $0x80, v4, vm0, $0xb8;
	[tilespmem:$0x1C800] =	vst v63  }
0x3f1: {  	v4 =	vld [tilespmem:s23+$0xA0D0];
	_ =	sdelay $0x4  }
0x3f2: {  	v5 =	vshll.u32 v4, $0x1  }
0x3f3: {  	v4 =	vand.u32 $0x7, v4;
	v5 =	vand.u32 $0xFFFFFFF0, v5  }
0x3f4: {  	v4 =	vor.u32 v4, v5  }
0x3f5: {  	v5 =	vperm.xlane v4, v0;
	_ =	sdelay $0x1  }
0x3f6: {  	v4 =	vperm.xlane v4, v3;
	v5 =	vadd.s32 v1, v5;
	_ =	sdelay $0x1  }
0x3f7: {  	v4 =	vadd.s32 v1, v4;
	_ =	sdelay $0x2  }
0x3f8: {  	[tilespmem:s6], [sflag:$0x2] =	stream.indirect_vreg.gather [hbm4b:s3+s1], $0x80, v5, vm0, $0xb8;
	[tilespmem:$0x1C800] =	vst v63  }
0x3f9: {  	_ = 	snop  }
0x3fa: {  	[tilespmem:s14], [sflag:$0x2] =	stream.indirect_vreg.gather [hbm4b:s3+s1], $0x80, v4, vm0, $0xb8;
	[tilespmem:$0x1C800] =	vst v63  }
0x3fb: {  	v4 =	vld [tilespmem:s23+$0xA0E0];
	_ =	sdelay $0x4  }
0x3fc: {  	v5 =	vshll.u32 v4, $0x1  }
0x3fd: {  	v4 =	vand.u32 $0x7, v4;
	v5 =	vand.u32 $0xFFFFFFF0, v5  }
0x3fe: {  	v4 =	vor.u32 v4, v5  }
0x3ff: {  	v5 =	vperm.xlane v4, v0;
	_ =	sdelay $0x1  }
0x400: {  	v4 =	vperm.xlane v4, v3;
	v5 =	vadd.s32 v1, v5;
	_ =	sdelay $0x1  }
0x401: {  	v4 =	vadd.s32 v1, v4;
	_ =	sdelay $0x2  }
0x402: {  	[tilespmem:s16], [sflag:$0x2] =	stream.indirect_vreg.gather [hbm4b:s3+s1], $0x80, v5, vm0, $0xb8;
	[tilespmem:$0x1C800] =	vst v63  }
0x403: {  	_ = 	snop  }
0x404: {  	[tilespmem:s17], [sflag:$0x2] =	stream.indirect_vreg.gather [hbm4b:s3+s1], $0x80, v4, vm0, $0xb8;
	[tilespmem:$0x1C800] =	vst v63  }
0x405: {  	v4 =	vld [tilespmem:s23+$0xA0F0];
	_ =	sdelay $0x4  }
0x406: {  	v5 =	vshll.u32 v4, $0x1  }
0x407: {  	v4 =	vand.u32 $0x7, v4;
	v5 =	vand.u32 $0xFFFFFFF0, v5  }
0x408: {  	v4 =	vor.u32 v4, v5  }
0x409: {  	v5 =	vperm.xlane v4, v0;
	_ =	sdelay $0x1  }
0x40a: {  	v4 =	vperm.xlane v4, v3;
	v5 =	vadd.s32 v1, v5;
	_ =	sdelay $0x1  }
0x40b: {  	v4 =	vadd.s32 v1, v4;
	_ =	sdelay $0x1  }
0x40c: {  	p1 =	seq.s32 s22, $0x4C00  }
0x40d: {  	[tilespmem:s18], [sflag:$0x2] =	stream.indirect_vreg.gather [hbm4b:s3+s1], $0x80, v5, vm0, $0xb8;
	[tilespmem:$0x1C800] =	vst v63  }
.Ltmp17:
0x40e: {  	_ = 	snop;
	(pc) =	sbr.rel @p1 .LBB2_9-.Ltmp17, $4  }
0x40f: {  	[tilespmem:s19], [sflag:$0x2] =	stream.indirect_vreg.gather [hbm4b:s3+s1], $0x80, v4, vm0, $0xb8;
	[tilespmem:$0x1C800] =	vst v63  }
0x410: {  	_ =	swait.ge [sflag:s20], $0x8000  }
0x411: {  	[sflag:s20] =	ssyncset.done $0x0  }
0x412: {  	[sflag:s20] =	ssyncadd.s32 $0xFFFF8000  }
0x413: {  	v4 =	vld [tilespmem:s23+$0xA100];
	_ =	sdelay $0x4  }
0x414: {  	v5 =	vshll.u32 v4, $0x1  }
0x415: {  	v4 =	vand.u32 $0x7, v4;
	v5 =	vand.u32 $0xFFFFFFF0, v5  }
0x416: {  	v4 =	vor.u32 v4, v5  }
0x417: {  	v5 =	vperm.xlane v4, v0;
	_ =	sdelay $0x1  }
0x418: {  	v4 =	vperm.xlane v4, v3;
	v5 =	vadd.s32 v1, v5;
	_ =	sdelay $0x1  }
0x419: {  	v4 =	vadd.s32 v1, v4;
	_ =	sdelay $0x2  }
0x41a: {  	[tilespmem:s26], [sflag:$0x1] =	stream.indirect_vreg.gather [hbm4b:s3+s1], $0x80, v5, vm0, $0xb8;
	[tilespmem:$0x1C800] =	vst v63  }
0x41b: {  	_ = 	snop  }
0x41c: {  	[tilespmem:s24], [sflag:$0x1] =	stream.indirect_vreg.gather [hbm4b:s3+s1], $0x80, v4, vm0, $0xb8;
	[tilespmem:$0x1C800] =	vst v63  }
0x41d: {  	v4 =	vld [tilespmem:s23+$0xA110];
	_ =	sdelay $0x4  }
0x41e: {  	v5 =	vshll.u32 v4, $0x1  }
0x41f: {  	v4 =	vand.u32 $0x7, v4;
	v5 =	vand.u32 $0xFFFFFFF0, v5  }
0x420: {  	v4 =	vor.u32 v4, v5  }
0x421: {  	v5 =	vperm.xlane v4, v0;
	_ =	sdelay $0x1  }
0x422: {  	v4 =	vperm.xlane v4, v3;
	v5 =	vadd.s32 v1, v5;
	_ =	sdelay $0x1  }
0x423: {  	v4 =	vadd.s32 v1, v4;
	_ =	sdelay $0x1  }
0x424: {  	s28 =	simm.s32 $0xD800  }
0x425: {  	[tilespmem:s28], [sflag:$0x1] =	stream.indirect_vreg.gather [hbm4b:s3+s1], $0x80, v5, vm0, $0xb8;
	[tilespmem:$0x1C800] =	vst v63  }
0x426: {  	s28 =	simm.s32 $0xE000  }
0x427: {  	[tilespmem:s28], [sflag:$0x1] =	stream.indirect_vreg.gather [hbm4b:s3+s1], $0x80, v4, vm0, $0xb8;
	[tilespmem:$0x1C800] =	vst v63  }
0x428: {  	v4 =	vld [tilespmem:s23+$0xA120];
	_ =	sdelay $0x4  }
0x429: {  	v5 =	vshll.u32 v4, $0x1  }
0x42a: {  	v4 =	vand.u32 $0x7, v4;
	v5 =	vand.u32 $0xFFFFFFF0, v5  }
0x42b: {  	v4 =	vor.u32 v4, v5  }
0x42c: {  	v5 =	vperm.xlane v4, v0;
	_ =	sdelay $0x1  }
0x42d: {  	v4 =	vperm.xlane v4, v3;
	v5 =	vadd.s32 v1, v5;
	_ =	sdelay $0x1  }
0x42e: {  	v4 =	vadd.s32 v1, v4;
	_ =	sdelay $0x1  }
0x42f: {  	s28 =	simm.s32 $0xE800  }
0x430: {  	[tilespmem:s28], [sflag:$0x1] =	stream.indirect_vreg.gather [hbm4b:s3+s1], $0x80, v5, vm0, $0xb8;
	[tilespmem:$0x1C800] =	vst v63  }
0x431: {  	s28 =	simm.s32 $0xF000  }
0x432: {  	[tilespmem:s28], [sflag:$0x1] =	stream.indirect_vreg.gather [hbm4b:s3+s1], $0x80, v4, vm0, $0xb8;
	[tilespmem:$0x1C800] =	vst v63  }
0x433: {  	v4 =	vld [tilespmem:s23+$0xA130];
	_ =	sdelay $0x4  }
0x434: {  	v5 =	vshll.u32 v4, $0x1  }
0x435: {  	v4 =	vand.u32 $0x7, v4;
	v5 =	vand.u32 $0xFFFFFFF0, v5  }
0x436: {  	v4 =	vor.u32 v4, v5  }
0x437: {  	v5 =	vperm.xlane v4, v0;
	_ =	sdelay $0x1  }
0x438: {  	v4 =	vperm.xlane v4, v3;
	v5 =	vadd.s32 v1, v5;
	_ =	sdelay $0x1  }
0x439: {  	v4 =	vadd.s32 v1, v4;
	_ =	sdelay $0x1  }
0x43a: {  	s28 =	simm.s32 $0xF800  }
0x43b: {  	[tilespmem:s28], [sflag:$0x1] =	stream.indirect_vreg.gather [hbm4b:s3+s1], $0x80, v5, vm0, $0xb8;
	[tilespmem:$0x1C800] =	vst v63  }
0x43c: {  	s28 =	simm.s32 $0x10000  }
0x43d: {  	[tilespmem:s28], [sflag:$0x1] =	stream.indirect_vreg.gather [hbm4b:s3+s1], $0x80, v4, vm0, $0xb8;
	[tilespmem:$0x1C800] =	vst v63  }
0x43e: {  	v4 =	vld [tilespmem:s23+$0xA140];
	_ =	sdelay $0x4  }
0x43f: {  	v5 =	vshll.u32 v4, $0x1  }
0x440: {  	v4 =	vand.u32 $0x7, v4;
	v5 =	vand.u32 $0xFFFFFFF0, v5  }
0x441: {  	v4 =	vor.u32 v4, v5  }
0x442: {  	v5 =	vperm.xlane v4, v0;
	_ =	sdelay $0x1  }
0x443: {  	v4 =	vperm.xlane v4, v3;
	v5 =	vadd.s32 v1, v5;
	_ =	sdelay $0x1  }
0x444: {  	v4 =	vadd.s32 v1, v4;
	_ =	sdelay $0x1  }
0x445: {  	s28 =	simm.s32 $0x10800  }
0x446: {  	[tilespmem:s28], [sflag:$0x1] =	stream.indirect_vreg.gather [hbm4b:s3+s1], $0x80, v5, vm0, $0xb8;
	[tilespmem:$0x1C800] =	vst v63  }
0x447: {  	s28 =	simm.s32 $0x11000  }
0x448: {  	[tilespmem:s28], [sflag:$0x1] =	stream.indirect_vreg.gather [hbm4b:s3+s1], $0x80, v4, vm0, $0xb8;
	[tilespmem:$0x1C800] =	vst v63  }
0x449: {  	v4 =	vld [tilespmem:s23+$0xA150];
	_ =	sdelay $0x4  }
0x44a: {  	v5 =	vshll.u32 v4, $0x1  }
0x44b: {  	v4 =	vand.u32 $0x7, v4;
	v5 =	vand.u32 $0xFFFFFFF0, v5  }
0x44c: {  	v4 =	vor.u32 v4, v5  }
0x44d: {  	v5 =	vperm.xlane v4, v0;
	_ =	sdelay $0x1  }
0x44e: {  	v4 =	vperm.xlane v4, v3;
	v5 =	vadd.s32 v1, v5;
	_ =	sdelay $0x1  }
0x44f: {  	v4 =	vadd.s32 v1, v4;
	_ =	sdelay $0x1  }
0x450: {  	s28 =	simm.s32 $0x11800  }
0x451: {  	[tilespmem:s28], [sflag:$0x1] =	stream.indirect_vreg.gather [hbm4b:s3+s1], $0x80, v5, vm0, $0xb8;
	[tilespmem:$0x1C800] =	vst v63  }
0x452: {  	_ = 	snop  }
0x453: {  	[tilespmem:s29], [sflag:$0x1] =	stream.indirect_vreg.gather [hbm4b:s3+s1], $0x80, v4, vm0, $0xb8;
	[tilespmem:$0x1C800] =	vst v63  }
0x454: {  	v4 =	vld [tilespmem:s23+$0xA160];
	_ =	sdelay $0x4  }
0x455: {  	v5 =	vshll.u32 v4, $0x1  }
0x456: {  	v4 =	vand.u32 $0x7, v4;
	v5 =	vand.u32 $0xFFFFFFF0, v5  }
0x457: {  	v4 =	vor.u32 v4, v5  }
0x458: {  	v5 =	vperm.xlane v4, v0;
	_ =	sdelay $0x1  }
0x459: {  	v4 =	vperm.xlane v4, v3;
	v5 =	vadd.s32 v1, v5;
	_ =	sdelay $0x1  }
0x45a: {  	v4 =	vadd.s32 v1, v4;
	_ =	sdelay $0x2  }
0x45b: {  	[tilespmem:s30], [sflag:$0x1] =	stream.indirect_vreg.gather [hbm4b:s3+s1], $0x80, v5, vm0, $0xb8;
	[tilespmem:$0x1C800] =	vst v63  }
0x45c: {  	_ = 	snop  }
0x45d: {  	[tilespmem:s31], [sflag:$0x1] =	stream.indirect_vreg.gather [hbm4b:s3+s1], $0x80, v4, vm0, $0xb8;
	[tilespmem:$0x1C800] =	vst v63  }
0x45e: {  	v4 =	vld [tilespmem:s23+$0xA170];
	_ =	sdelay $0x4  }
0x45f: {  	v5 =	vshll.u32 v4, $0x1  }
0x460: {  	v4 =	vand.u32 $0x7, v4;
	v5 =	vand.u32 $0xFFFFFFF0, v5  }
0x461: {  	v4 =	vor.u32 v4, v5  }
0x462: {  	v5 =	vperm.xlane v4, v0;
	_ =	sdelay $0x1  }
0x463: {  	v4 =	vperm.xlane v4, v3;
	v5 =	vadd.s32 v1, v5;
	_ =	sdelay $0x1  }
0x464: {  	v4 =	vadd.s32 v1, v4  }
.Ltmp18:
0x465: {  	_ = 	snop;
	(pc) =	sbr.rel .LBB2_9-.Ltmp18, $4  }
0x466: {  	_ = 	snop  }
0x467: {  	[tilespmem:s0], [sflag:$0x1] =	stream.indirect_vreg.gather [hbm4b:s3+s1], $0x80, v5, vm0, $0xb8;
	[tilespmem:$0x1C800] =	vst v63  }
0x468: {  	_ = 	snop  }
0x469: {  	[tilespmem:s5], [sflag:$0x1] =	stream.indirect_vreg.gather [hbm4b:s3+s1], $0x80, v4, vm0, $0xb8;
	[tilespmem:$0x1C800] =	vst v63  }
.LBB2_10:
.Ltmp19:
0x46a: {  	(pc) =	sbr.rel .LBB2_20-.Ltmp19, $3  }
0x46b: {  	_ =	sdelay $0x1  }
0x46c: {  	s22 =	rddreg [dreg:$0x3]  }
0x46d: {  	s28 =	rddreg [dreg:$0xc]  }
.LBB2_21:
0x46e: {  	_ =	sfence.sel $0x180000  }
0x46f: {  	[bflag:$0x0] =	sbarrier.arrive $0xFFFF  }
0x470: {  	_ =	strace $0x9000004A  }
0x471: {  	s0 =	stileid.u32;
	[bflag:$0x2] =	sbarrier.arrive $0xFFFF  }
0x472: {  	p0 =	sne.s32 s0, $0x0;
	s0 =	rddreg [dreg:$0x2]  }
0x473: {  	s0 =	sadd.s32 @!p0 $0x100000, s0  }
0x474: {  	[sflag:s0] =	ssyncadd.tile.s32 @!p0 $0x1;
	_ =	shalt  }
.Lfunc_end2:
_tile_overlayer_lowered:
.L_overlay_start_2:
0x475: {  	(tag) =	ssettag $0x2  }
0x476: {  	s0 =	rddreg [dreg:$0x0];
	s2 =	stileid.u32  }
0x477: {  	s1 =	rddreg [dreg:$0x1];
	p0 =	sne.s32 s2, $0x0  }
0x478: {  	s3 =	rddreg [dreg:$0x2];
	[bflag:$0x3] =	sbarrier.arrive $0xFFFF;
	s2 =	simm.s32 @!p0 $0x1C03  }
0x479: {  	[timem:s3], [sflag:s2] =	dma.local @!p0 [hbm:s0], s1  }
0x47a: {  	s0 =	simm.s32 @!p0 $0x3  }
0x47b: {  	_ =	swait.ge @!p0 [sflag:s0], s1  }
0x47c: {  	s1 =	ssub.s32 @!p0 $0x0, s1;
	[sflag:s0] =	ssyncset.done @!p0 $0x0  }
0x47d: {  	[sflag:s0] =	ssyncadd.s32 @!p0 s1  }
0x47e: {  	[bflag:$0x3] =	sbarrier.arrive $0xFFFF  }
0x47f: {  	_ =	shalt  }

// kernel: kernel.14.cloned.1.call-start
scs
__scs_entry_jumppad:
0x0: {  	(pc) =	sbr.rel $0x88, $3  }
0x1: {  	(tag) =	ssettag $0x0;
	lr =	simm.s32 $0x1  }
0x2: {  	[smem:$0x3F9B] =	sst lr;
	_ =	strace $0xD0000000  }
0x3: {  	_ = 	snop  }
0x4: {  	_ = 	snop  }
0x5: {  	_ = 	snop  }
0x6: {  	_ = 	snop  }
0x7: {  	_ = 	snop  }
__scs_overlays_trampoline_lowered:
0x8: {  	[smem:$0x3FAA] =	sst s0  }
0x9: {  	[smem:$0x3FAB] =	sst s1  }
0xa: {  	[smem:$0x3FAC] =	sst s2  }
0xb: {  	[smem:$0x3FAD] =	sst s3  }
0xc: {  	[smem:$0x3FAE] =	sst s4  }
0xd: {  	[smem:$0x3FAF] =	sst s5  }
0xe: {  	[smem:$0x3FB0] =	sst s6  }
0xf: {  	[smem:$0x3FB1] =	sst s7  }
0x10: {  	[smem:$0x3FB2] =	sst s8  }
0x11: {  	[smem:$0x3FB3] =	sst s9;
	s0 =	simm.s32 @!p0 $0x0  }
0x12: {  	s1 =	sld [smem:$0x3F99];
	s0 =	simm.s32 @p0 $0x1  }
0x13: {  	[smem:$0x3FB4] =	sst s0;
	s0 =	simm.s32 @!p1 $0x0  }
0x14: {  	s2 =	sld [smem:$0x3F98];
	s0 =	simm.s32 @p1 $0x1  }
0x15: {  	[smem:$0x3FB5] =	sst s0;
	s0 =	simm.s32 @!p2 $0x0  }
0x16: {  	s3 =	sld [smem:$0x3FDB];
	s0 =	simm.s32 @p2 $0x1  }
0x17: {  	s4 =	simm.s32 $0x1BF5;
	[smem:$0x3FB7] =	sst s0  }
0x18: {  	s0 =	sld [smem:$0x3F9A];
	_ =	swait.ge [sflag:s4], $0x0  }
0x19: {  	s7 =	sld [smem:$0x3F9B]  }
0x1a: {  	s8 =	sadd.s32 $0xFFFFE003, lr  }
0x1b: {  	s9 =	sadd.s32 $0xFFFFFEF7, lr;
	s5 =	simm.s32 $0xFFFFFFFF;
	p2 =	slt.u32 s8, $0xFFFFF086  }
0x1c: {  	p1 =	slt.u32 s9, $0xF7A;
	s5 =	simm.s32 @!p2 $0x0  }
0x1d: {  	s5 =	simm.s32 @p1 $0x1;
	p0 =	seq.s32 s7, s2  }
0x1e: {  	s7 =	smul.u32 @!p0 $0xF7A, s2;
	p2 =	seq.s32 @!p0 s5, $0x0  }
0x1f: {  	s9 =	smul.u32 $0xF7A, s1;
	s8 =	simm.s32 @!p0 $0x1BF5;
	p2 =	por !p2, p0  }
0x20: {  	[sflag:s8] =	ssyncset.s32 @!p0 $0xFFFFF086;
	s6 =	sadd.s32 @!p0 s3, s7;
	s7 =	simm.s32 @!p0 $0x108  }
0x21: {  	s3 =	sadd.s32 s3, s9;
	s6 =	sadd.s32 @!p0 $0x88, s6;
	s7 =	simm.s32 @p2 $0x1082  }
0x22: {  	[simem:s7], [sflag:s8] =	dma.local @!p0 [hbm:s6], $0xF7A  }
0x23: {  	s9 =	sor.u32 $0xD0000000, s2;
	s6 =	simm.s32 $0x108;
	_ =	swait.ge @!p0 [sflag:s8], $0x0  }
0x24: {  	s3 =	sadd.s32 $0x88, s3;
	s6 =	simm.s32 @!p1 $0x1082;
	[sflag:s4] =	ssyncset.s32 $0xFFFFF086  }
0x25: {  	[simem:s6], [sflag:s4] =	dma.local [hbm:s3], $0xF7A  }
0x26: {  	[smem:$0x3F9B] =	sst s1;
	(tag) =	ssettag s2;
	_ =	strace s9  }
0x27: {  	s1 =	sld [smem:$0x3FAB]  }
0x28: {  	s2 =	sld [smem:$0x3FAC]  }
0x29: {  	s4 =	sld [smem:$0x3FAE]  }
0x2a: {  	p0 =	seq.s32 s5, $0x0;
	s5 =	sld [smem:$0x3FAF]  }
0x2b: {  	s6 =	sld [smem:$0x3FB0]  }
0x2c: {  	s7 =	sld [smem:$0x3FB1]  }
0x2d: {  	s3 =	simm.s32 $0x108;
	s8 =	sld [smem:$0x3FB2]  }
0x2e: {  	s3 =	simm.s32 @!p0 $0x1082;
	s9 =	sld [smem:$0x3FB3]  }
0x2f: {  	lr =	sadd.s32 s0, s3;
	s0 =	sld [smem:$0x3FAA]  }
0x30: {  	s3 =	sld [smem:$0x3FAD]  }
0x31: {  	[smem:$0x3FB6] =	sst s10  }
0x32: {  	s10 =	sld [smem:$0x3FB4];
	_ =	sdelay $0x3  }
0x33: {  	p0 =	seq.s32 s10, $0x1;
	s10 =	sld [smem:$0x3FB6];
	_ =	sdelay $0x3  }
0x34: {  	[smem:$0x3FB6] =	sst s10  }
0x35: {  	s10 =	sld [smem:$0x3FB5];
	_ =	sdelay $0x3  }
0x36: {  	p1 =	seq.s32 s10, $0x1;
	s10 =	sld [smem:$0x3FB6];
	_ =	sdelay $0x3  }
0x37: {  	[smem:$0x3FB6] =	sst s10  }
0x38: {  	s10 =	sld [smem:$0x3FB7]  }
0x39: {  	_ = 	snop;
	(pc) =	sbr.ind lr, $3  }
0x3a: {  	_ = 	snop  }
0x3b: {  	_ = 	snop  }
0x3c: {  	p2 =	seq.s32 s10, $0x1;
	s10 =	sld [smem:$0x3FB6]  }
0x3d: {  	_ =	shalt  }
0x3e: {  	_ =	shalt  }
0x3f: {  	_ =	shalt  }
0x40: {  	_ =	shalt  }
0x41: {  	_ =	shalt  }
0x42: {  	_ =	shalt  }
0x43: {  	_ =	shalt  }
0x44: {  	_ =	shalt  }
0x45: {  	_ =	shalt  }
0x46: {  	_ =	shalt  }
0x47: {  	_ =	shalt  }
0x48: {  	_ =	shalt  }
0x49: {  	_ =	shalt  }
0x4a: {  	_ =	shalt  }
0x4b: {  	_ =	shalt  }
0x4c: {  	_ =	shalt  }
0x4d: {  	_ =	shalt  }
0x4e: {  	_ =	shalt  }
0x4f: {  	_ =	shalt  }
0x50: {  	_ =	shalt  }
0x51: {  	_ =	shalt  }
0x52: {  	_ =	shalt  }
0x53: {  	_ =	shalt  }
0x54: {  	_ =	shalt  }
0x55: {  	_ =	shalt  }
0x56: {  	_ =	shalt  }
0x57: {  	_ =	shalt  }
0x58: {  	_ =	shalt  }
0x59: {  	_ =	shalt  }
0x5a: {  	_ =	shalt  }
0x5b: {  	_ =	shalt  }
0x5c: {  	_ =	shalt  }
0x5d: {  	_ =	shalt  }
0x5e: {  	_ =	shalt  }
0x5f: {  	_ =	shalt  }
0x60: {  	_ =	shalt  }
0x61: {  	_ =	shalt  }
0x62: {  	_ =	shalt  }
0x63: {  	_ =	shalt  }
0x64: {  	_ =	shalt  }
0x65: {  	_ =	shalt  }
0x66: {  	_ =	shalt  }
0x67: {  	_ =	shalt  }
0x68: {  	_ =	shalt  }
0x69: {  	_ =	shalt  }
0x6a: {  	_ =	shalt  }
0x6b: {  	_ =	shalt  }
0x6c: {  	_ =	shalt  }
0x6d: {  	_ =	shalt  }
0x6e: {  	_ =	shalt  }
0x6f: {  	_ =	shalt  }
0x70: {  	_ =	shalt  }
0x71: {  	_ =	shalt  }
0x72: {  	_ =	shalt  }
0x73: {  	_ =	shalt  }
0x74: {  	_ =	shalt  }
0x75: {  	_ =	shalt  }
0x76: {  	_ =	shalt  }
0x77: {  	_ =	shalt  }
0x78: {  	_ =	shalt  }
0x79: {  	_ =	shalt  }
0x7a: {  	_ =	shalt  }
0x7b: {  	_ =	shalt  }
0x7c: {  	_ =	shalt  }
0x7d: {  	_ =	shalt  }
0x7e: {  	_ =	shalt  }
0x7f: {  	_ =	shalt  }
0x80: {  	_ =	shalt  }
0x81: {  	_ =	shalt  }
0x82: {  	_ =	shalt  }
0x83: {  	_ =	shalt  }
0x84: {  	_ =	shalt  }
0x85: {  	_ =	shalt  }
0x86: {  	_ =	shalt  }
0x87: {  	_ =	shalt  }
.Lfunc_end0:
.L_simem_size_0:
called_computation.2_lowered:
.L_overlay_start_0:
0x88: {  	s2 =	sld [smem:$0x3FD9]  }
0x89: {  	s3 =	sld [smem:$0x3FFE];
	_ =	sdelay $0x1  }
0x8a: {  	s1 =	srdreg.scid  }
0x8b: {  	s0 =	sand.u32 $0x1, s1  }
0x8c: {  	s16 =	sshll.u32 s0, $0xA;
	s2 =	sadd.s32 s3, s2  }
0x8d: {  	s2 =	sadd.s32 s2, s16  }
0x8e: {  	[smem:$0x3FC2] =	sst s2  }
0x8f: {  	_ = 	snop  }
0x90: {  	(tm) =	ssettm $0x1  }
0x91: {  	s17 =	sld [smem:$0x3FFB];
	_ =	sdelay $0x3  }
0x92: {  	_ =	strace s17  }
0x93: {  	s2 =	sld [smem:$0x3FFC];
	_ =	sdelay $0x3  }
0x94: {  	_ =	strace s2  }
0x95: {  	s2 =	sld [smem:$0x3FFD];
	_ =	sdelay $0x3  }
0x96: {  	_ =	strace s2  }
0x97: {  	_ =	strace $0x8FFFFFFF  }
0x98: {  	s18 =	sld [smem:$0x3FDB];
	_ =	sdelay $0x1  }
0x99: {  	s19 =	simm.s32 $_scs_section_size  }
0x9a: {  	s4 =	simm.s32 $_size__tile_overlayer_lowered;
	s5 =	simm.s32 $_tile_overlayer_lowered  }
0x9b: {  	s22 =	simm.s32 $0x1BFF;
	s21 =	sshll.u32 s5, $0x1;
	s2 =	sadd.s32 s19, s18  }
0x9c: {  	s6 =	simm.s32 $0x0;
	s20 =	sshll.u32 s4, $0x1;
	s4 =	sadd.s32 s21, s2  }
0x9d: {  	[timem:s6], [sflag:s22] =	dma.local [hbm:s4], s20  }
0x9e: {  	_ =	swait.ge [sflag:s22], s20  }
0x9f: {  	s3 =	ssub.s32 $0x0, s20;
	[sflag:s22] =	ssyncset.done $0x0  }
0xa0: {  	[sflag:s22] =	ssyncadd.s32 s3;
	_ =	sdelay $0x1  }
0xa1: {  	s23 =	simm.s32 $0x1B8B  }
0xa2: {  	_ =	swait.ge [sflag:s23], $0x1  }
0xa3: {  	[sflag:s23] =	ssyncset.done $0x0  }
0xa4: {  	s25 =	simm.s32 $0x1B8E;
	s24 =	sld [smem:$0x3FFE];
	[sflag:s23] =	ssyncadd.s32 $0xFFFFFFFF  }
0xa5: {  	s26 =	simm.s32 $execute0_lowered;
	[smem:$0x3FD2] =	sst s25  }
0xa6: {  	s4 =	sshll.u32 s26, $0x1;
	_ =	strace $0x8000004C;
	[dreg:$0x1] =	wrdreg $0xFFFFFFFF  }
0xa7: {  	s28 =	simm.s32 $_size_execute0_lowered;
	s2 =	sadd.s32 s2, s4;
	[dreg:$0x0] =	wrdreg $0x0  }
0xa8: {  	s4 =	sshll.u32 s28, $0x1;
	[dreg:$0x2] =	wrdreg s2  }
0xa9: {  	[dreg:$0x3] =	wrdreg s4  }
0xaa: {  	[dreg:$0x4] =	wrdreg $0xC0  }
0xab: {  	_ =	task [dreg:s6], $0x5FFFF  }
0xac: {  	[dreg:$0x1] =	wrdreg $0xFFFFFFFF  }
0xad: {  	[dreg:$0x0] =	wrdreg $0x60  }
0xae: {  	[dreg:$0x2] =	wrdreg s24  }
0xaf: {  	[dreg:$0x3] =	wrdreg $0x0  }
0xb0: {  	[dreg:$0x4] =	wrdreg $0x9  }
0xb1: {  	_ =	task.clear_ibuf [dreg:s6], $0x5FFFF;
	_ =	strace $0x9000004C  }
0xb2: {  	s29 =	simm.s32 $0x9;
	_ =	strace $0x8000004E  }
0xb3: {  	_ =	swait.ge [sflag:s29], $0x1  }
0xb4: {  	[sflag:s29] =	ssyncadd.s32 $0xFFFFFFFF  }
0xb5: {  	_ =	strace $0x9000004E  }
0xb6: {  	_ =	sfence  }
0xb7: {  	s30 =	sld [smem:$0x0];
	_ =	sdelay $0x2  }
0xb8: {  	s31 =	sshll.u32 s1, $0xD;
	s1 =	sshrl.u32 s1, $0x2  }
0xb9: {  	s3 =	sand.u32 $0x4000, s31;
	s1 =	sadd.s32 s1, s30  }
0xba: {  	s0 =	sor.u32 s3, s0;
	s1 =	sshll.u32 s1, $0x11  }
0xbb: {  	s0 =	sor.u32 s1, s0  }
0xbc: {  	s0 =	sadd.s32 $0x8F2B, s0  }
0xbd: {  	[sflag:s0] =	ssyncadd.remote.s32 $0x1  }
0xbe: {  	_ =	sfence.sel $0xFFFF  }
0xbf: {  	[dreg:$0x0] =	wrdreg $0xFFFFFFFF;
	(pc) =	sbr.abs _section_cstart, $3  }
0xc0: {  	[dreg:$0x1] =	wrdreg $0xFFFFFFFF  }
0xc1: {  	_ =	task.clear_ibuf [dreg:s6], $0x2FFFF;
	_ =	strace $0x9FFFFFFF  }
0xc2: {  	(tm) =	ssettm $0x7FFFFFFF  }
0xc3: {  	_ =	shalt  }
tec
execute0_lowered:
.L_overlay_start_1:
0x0: {  	(tag) =	ssettag $0x1  }
0x1: {  	s0 =	rddreg [dreg:$0x0]  }
0x2: {  	s2 =	rddreg [dreg:$0x1]  }
0x3: {  	s1 =	simm.s32 $0x0;
	s7 =	srdreg.scid;
	s9 =	stileid.u32  }
0x4: {  	s26 =	simm.s32 $0xC800;
	s29 =	simm.s32 $0x12000;
	s30 =	simm.s32 $0x12800  }
0x5: {  	s31 =	simm.s32 $0x13000;
	s13 =	simm.s32 $0x15800;
	s15 =	simm.s32 $0x16000  }
0x6: {  	s11 =	simm.s32 $0x18000;
	s12 =	simm.s32 $0x18800;
	s14 =	simm.s32 $0x1A000  }
0x7: {  	s16 =	simm.s32 $0x1A800;
	s17 =	simm.s32 $0x1B000;
	s18 =	simm.s32 $0x1B800  }
0x8: {  	s28 =	simm.s32 $0x0;
	[smem:$0x7FF] =	sst s1;
	s5 =	sadd.s32 $0x57C00, s0  }
0x9: {  	s6 =	sadd.s32 $0x2600, s0;
	s3 =	sadd.s32 $0x7600, s0;
	s4 =	sadd.s32 $0x5CC00, s0  }
0xa: {  	s7 =	sand.u32 $0x1, s7;
	s8 =	sadd.s32 $0xACC00, s0;
	s10 =	smul.u32 $0x2800, s9  }
0xb: {  	s0 =	sadd.s32 $0xD4C00, s0;
	_ =	strace $0x8000004D;
	[dreg:$0x3] =	wrdreg s8  }
0xc: {  	s9 =	sand.u32 $0x7, s9;
	s19 =	ssub.s32 $0x2, s7;
	[dreg:$0x5] =	wrdreg s0  }
0xd: {  	s9 =	smul.u32 $0x50000, s9;
	p0 =	seq.s32 s7, $0x1;
	s7 =	simm.s32 $0x14800  }
0xe: {  	s20 =	sshrl.u32 s19, $0x1;
	[dreg:$0x4] =	wrdreg s10;
	s21 =	sshrl.u32 s10, $0x3  }
0xf: {  	s10 =	simm.s32 $0x17800;
	s0 =	ssub.s32 s19, s20;
	s22 =	sadd.s32 s5, s21  }
0x10: {  	s23 =	sadd.s32 $0x280, s21;
	s8 =	sadd.s32 s6, s21;
	s24 =	sshrl.u32 s9, $0x2  }
0x11: {  	s9 =	simm.s32 $0x17000;
	s19 =	simm.s32 $0x1C000;
	[dreg:$0x6] =	wrdreg s22  }
0x12: {  	s20 =	simm.s32 $0x1;
	s21 =	simm.s32 $0x2;
	[dreg:$0x7] =	wrdreg s8  }
0x13: {  	s5 =	sadd.s32 s5, s23;
	s6 =	sadd.s32 s6, s23;
	s2 =	sadd.s32 s24, s2  }
.Ltmp0:
0x14: {  	s0 =	smax.u32 s0, $0x1;
	[dreg:$0x8] =	wrdreg s5;
	(pc) =	sbr.rel .LBB2_1-.Ltmp0, $4  }
0x15: {  	s24 =	simm.s32 $0xA000;
	s23 =	simm.s32 $0x3;
	[dreg:$0x9] =	wrdreg s6  }
0x16: {  	v3 =	vlaneseq.u32;
	s8 =	simm.s32 $0x16800;
	[dreg:$0xa] =	wrdreg s0;
	s25 =	sshrl.u32 s2, $0x3  }
0x17: {  	vm0 =	vmmov $0xffff;
	v1 =	vshrl.u32 v3, $0x3;
	v0 =	vand.u32 $0x7, v3;
	s0 =	simm.s32 $0x13800;
	s5 =	simm.s32 $0x14000;
	s2 =	simm.s32 $0x15000  }
0x18: {  	v3 =	vor.u32 $0x8, v3;
	v1 =	vmul.u32 $0x8, v1;
	v2 =	vor.u32 $0x8, v0;
	s6 =	simm.s32 $0x19800;
	[dreg:$0xb] =	wrdreg s25;
	s25 =	simm.s32 $0x19000  }
.LBB2_19:
0x19: {  	s22 =	rddreg [dreg:$0x5]  }
0x1a: {  	s28 =	rddreg [dreg:$0xc]  }
.LBB2_20:
0x1b: {  	s23 =	stileid.u32  }
0x1c: {  	s24 =	rddreg [dreg:$0x4];
	[bflag:$0x0] =	sbarrier.arrive $0xFFFF;
	s23 =	sshll.u32 s23, $0x6  }
0x1d: {  	s22 =	sadd.s32 s22, s24;
	s24 =	rddreg [dreg:$0xb];
	s23 =	sor.u32 $0x1C03, s23  }
0x1e: {  	[hbm:s22], [sflag:s23] =	dma.local [spmem:s24], $0x2800  }
0x1f: {  	s23 =	simm.s32 $0x3  }
0x20: {  	_ =	swait.ge [sflag:s23], $0x2800  }
0x21: {  	s28 =	sadd.s32 $0x1, s28;
	s24 =	rddreg [dreg:$0xa]  }
0x22: {  	p1 =	sne.s32 s28, s24  }
.Ltmp1:
0x23: {  	_ = 	snop;
	(pc) =	sbr.rel @!p1 .LBB2_21-.Ltmp1, $3  }
0x24: {  	_ =	sdelay $0x1  }
0x25: {  	[sflag:s23] =	ssyncset.done $0x0  }
0x26: {  	[sflag:s23] =	ssyncadd.s32 $0xFFFFD800;
	s24 =	simm.s32 $0xA000  }
.LBB2_1:
0x27: {  	[dreg:$0xc] =	wrdreg s28  }
0x28: {  	[bflag:$0x0] =	sbarrier.arrive $0xFFFF  }
0x29: {  	s22 =	rddreg [dreg:$0x6]  }
0x2a: {  	[tilespmem:s24], [sflag:$0x3] =	stream.linear.gather [hbm4b:s22+s1], $0x1400, $0x38;
	[tilespmem:$0x1C800] =	vst v63  }
0x2b: {  	_ =	swait.ge [sflag:s23], $0x1400  }
0x2c: {  	[sflag:s23] =	ssyncset.done $0x0  }
0x2d: {  	s28 =	simm.s32 $0xB400;
	s24 =	rddreg [dreg:$0x7];
	[sflag:s23] =	ssyncadd.s32 $0xFFFFEC00  }
0x2e: {  	[tilespmem:s28], [sflag:$0x3] =	stream.linear.gather [hbm4b:s24+s1], $0x1400, $0x38;
	[tilespmem:$0x1C800] =	vst v63  }
0x2f: {  	_ =	swait.ge [sflag:s23], $0x1400  }
0x30: {  	[sflag:s23] =	ssyncset.done $0x0  }
0x31: {  	[sflag:s23] =	ssyncadd.s32 $0xFFFFEC00  }
0x32: {  	v4 =	vld [tilespmem:$0xA000];
	_ =	sdelay $0x4  }
0x33: {  	v5 =	vshll.u32 v4, $0x1  }
.Ltmp2:
0x34: {  	v4 =	vand.u32 $0x7, v4;
	v5 =	vand.u32 $0xFFFFFFF0, v5;
	(pc) =	sbr.rel @!p0 .LBB2_2-.Ltmp2, $3  }
0x35: {  	v5 =	vor.u32 v4, v5  }
0x36: {  	v4 =	vperm.xlane v5, v0;
	v5 =	vperm.xlane v5, v2;
	_ =	sdelay $0x1  }
0x37: {  	s22 =	simm.s32 $0x0;
	v4 =	vadd.s32 v1, v4;
	v5 =	vadd.s32 v1, v5  }
0x38: {  	_ =	sdelay $0x3  }
0x39: {  	[tilespmem:s26], [sflag:$0x1] =	stream.indirect_vreg.gather [hbm4b:s4+s22], $0x80, v4, vm0, $0xb8;
	[tilespmem:$0x1C800] =	vst v63  }
0x3a: {  	s24 =	simm.s32 $0xD000  }
0x3b: {  	[tilespmem:s24], [sflag:$0x1] =	stream.indirect_vreg.gather [hbm4b:s4+s22], $0x80, v5, vm0, $0xb8;
	[tilespmem:$0x1C800] =	vst v63  }
0x3c: {  	v4 =	vld [tilespmem:$0xA010];
	_ =	sdelay $0x4  }
0x3d: {  	v5 =	vshll.u32 v4, $0x1  }
0x3e: {  	v4 =	vand.u32 $0x7, v4;
	v5 =	vand.u32 $0xFFFFFFF0, v5  }
0x3f: {  	v4 =	vor.u32 v4, v5  }
0x40: {  	v5 =	vperm.xlane v4, v0;
	_ =	sdelay $0x1  }
0x41: {  	v4 =	vperm.xlane v4, v2;
	v5 =	vadd.s32 v1, v5;
	_ =	sdelay $0x1  }
0x42: {  	v4 =	vadd.s32 v1, v4;
	_ =	sdelay $0x1  }
0x43: {  	s23 =	simm.s32 $0xD800  }
0x44: {  	[tilespmem:s23], [sflag:$0x1] =	stream.indirect_vreg.gather [hbm4b:s4+s22], $0x80, v5, vm0, $0xb8;
	[tilespmem:$0x1C800] =	vst v63  }
0x45: {  	s28 =	simm.s32 $0xE000  }
0x46: {  	[tilespmem:s28], [sflag:$0x1] =	stream.indirect_vreg.gather [hbm4b:s4+s22], $0x80, v4, vm0, $0xb8;
	[tilespmem:$0x1C800] =	vst v63  }
0x47: {  	v4 =	vld [tilespmem:$0xA020];
	_ =	sdelay $0x4  }
0x48: {  	v5 =	vshll.u32 v4, $0x1  }
0x49: {  	v4 =	vand.u32 $0x7, v4;
	v5 =	vand.u32 $0xFFFFFFF0, v5  }
0x4a: {  	v4 =	vor.u32 v4, v5  }
0x4b: {  	v5 =	vperm.xlane v4, v0;
	_ =	sdelay $0x1  }
0x4c: {  	v4 =	vperm.xlane v4, v2;
	v5 =	vadd.s32 v1, v5;
	_ =	sdelay $0x1  }
0x4d: {  	v4 =	vadd.s32 v1, v4;
	_ =	sdelay $0x1  }
0x4e: {  	s28 =	simm.s32 $0xE800  }
0x4f: {  	[tilespmem:s28], [sflag:$0x1] =	stream.indirect_vreg.gather [hbm4b:s4+s22], $0x80, v5, vm0, $0xb8;
	[tilespmem:$0x1C800] =	vst v63  }
0x50: {  	s28 =	simm.s32 $0xF000  }
0x51: {  	[tilespmem:s28], [sflag:$0x1] =	stream.indirect_vreg.gather [hbm4b:s4+s22], $0x80, v4, vm0, $0xb8;
	[tilespmem:$0x1C800] =	vst v63  }
0x52: {  	v4 =	vld [tilespmem:$0xA030];
	_ =	sdelay $0x4  }
0x53: {  	v5 =	vshll.u32 v4, $0x1  }
0x54: {  	v4 =	vand.u32 $0x7, v4;
	v5 =	vand.u32 $0xFFFFFFF0, v5  }
0x55: {  	v4 =	vor.u32 v4, v5  }
0x56: {  	v5 =	vperm.xlane v4, v0;
	_ =	sdelay $0x1  }
0x57: {  	v4 =	vperm.xlane v4, v2;
	v5 =	vadd.s32 v1, v5;
	_ =	sdelay $0x1  }
0x58: {  	v4 =	vadd.s32 v1, v4;
	_ =	sdelay $0x1  }
0x59: {  	s28 =	simm.s32 $0xF800  }
0x5a: {  	[tilespmem:s28], [sflag:$0x1] =	stream.indirect_vreg.gather [hbm4b:s4+s22], $0x80, v5, vm0, $0xb8;
	[tilespmem:$0x1C800] =	vst v63  }
0x5b: {  	s28 =	simm.s32 $0x10000  }
0x5c: {  	[tilespmem:s28], [sflag:$0x1] =	stream.indirect_vreg.gather [hbm4b:s4+s22], $0x80, v4, vm0, $0xb8;
	[tilespmem:$0x1C800] =	vst v63  }
0x5d: {  	v4 =	vld [tilespmem:$0xA040];
	_ =	sdelay $0x4  }
0x5e: {  	v5 =	vshll.u32 v4, $0x1  }
0x5f: {  	v4 =	vand.u32 $0x7, v4;
	v5 =	vand.u32 $0xFFFFFFF0, v5  }
0x60: {  	v4 =	vor.u32 v4, v5  }
0x61: {  	v5 =	vperm.xlane v4, v0;
	_ =	sdelay $0x1  }
0x62: {  	v4 =	vperm.xlane v4, v2;
	v5 =	vadd.s32 v1, v5;
	_ =	sdelay $0x1  }
0x63: {  	v4 =	vadd.s32 v1, v4;
	_ =	sdelay $0x1  }
0x64: {  	s28 =	simm.s32 $0x10800  }
0x65: {  	[tilespmem:s28], [sflag:$0x1] =	stream.indirect_vreg.gather [hbm4b:s4+s22], $0x80, v5, vm0, $0xb8;
	[tilespmem:$0x1C800] =	vst v63  }
0x66: {  	s28 =	simm.s32 $0x11000  }
0x67: {  	[tilespmem:s28], [sflag:$0x1] =	stream.indirect_vreg.gather [hbm4b:s4+s22], $0x80, v4, vm0, $0xb8;
	[tilespmem:$0x1C800] =	vst v63  }
0x68: {  	v4 =	vld [tilespmem:$0xA050];
	_ =	sdelay $0x4  }
0x69: {  	v5 =	vshll.u32 v4, $0x1  }
0x6a: {  	v4 =	vand.u32 $0x7, v4;
	v5 =	vand.u32 $0xFFFFFFF0, v5  }
0x6b: {  	v4 =	vor.u32 v4, v5  }
0x6c: {  	v5 =	vperm.xlane v4, v0;
	_ =	sdelay $0x1  }
0x6d: {  	v4 =	vperm.xlane v4, v2;
	v5 =	vadd.s32 v1, v5;
	_ =	sdelay $0x1  }
0x6e: {  	v4 =	vadd.s32 v1, v4;
	_ =	sdelay $0x1  }
0x6f: {  	s28 =	simm.s32 $0x11800  }
0x70: {  	[tilespmem:s28], [sflag:$0x1] =	stream.indirect_vreg.gather [hbm4b:s4+s22], $0x80, v5, vm0, $0xb8;
	[tilespmem:$0x1C800] =	vst v63  }
0x71: {  	_ = 	snop  }
0x72: {  	[tilespmem:s29], [sflag:$0x1] =	stream.indirect_vreg.gather [hbm4b:s4+s22], $0x80, v4, vm0, $0xb8;
	[tilespmem:$0x1C800] =	vst v63  }
0x73: {  	v4 =	vld [tilespmem:$0xA060];
	_ =	sdelay $0x4  }
0x74: {  	v5 =	vshll.u32 v4, $0x1  }
0x75: {  	v4 =	vand.u32 $0x7, v4;
	v5 =	vand.u32 $0xFFFFFFF0, v5  }
0x76: {  	v4 =	vor.u32 v4, v5  }
0x77: {  	v5 =	vperm.xlane v4, v0;
	_ =	sdelay $0x1  }
0x78: {  	v4 =	vperm.xlane v4, v2;
	v5 =	vadd.s32 v1, v5;
	_ =	sdelay $0x1  }
0x79: {  	v4 =	vadd.s32 v1, v4;
	_ =	sdelay $0x2  }
0x7a: {  	[tilespmem:s30], [sflag:$0x1] =	stream.indirect_vreg.gather [hbm4b:s4+s22], $0x80, v5, vm0, $0xb8;
	[tilespmem:$0x1C800] =	vst v63  }
0x7b: {  	_ = 	snop  }
0x7c: {  	[tilespmem:s31], [sflag:$0x1] =	stream.indirect_vreg.gather [hbm4b:s4+s22], $0x80, v4, vm0, $0xb8;
	[tilespmem:$0x1C800] =	vst v63  }
0x7d: {  	v4 =	vld [tilespmem:$0xA070];
	_ =	sdelay $0x4  }
0x7e: {  	v5 =	vshll.u32 v4, $0x1  }
0x7f: {  	v4 =	vand.u32 $0x7, v4;
	v5 =	vand.u32 $0xFFFFFFF0, v5  }
0x80: {  	v4 =	vor.u32 v4, v5  }
0x81: {  	v5 =	vperm.xlane v4, v0;
	_ =	sdelay $0x1  }
0x82: {  	v4 =	vperm.xlane v4, v2;
	v5 =	vadd.s32 v1, v5;
	_ =	sdelay $0x1  }
0x83: {  	v4 =	vadd.s32 v1, v4  }
.Ltmp3:
0x84: {  	_ = 	snop;
	(pc) =	sbr.rel .LBB2_12-.Ltmp3, $4  }
0x85: {  	_ = 	snop  }
0x86: {  	[tilespmem:s0], [sflag:$0x1] =	stream.indirect_vreg.gather [hbm4b:s4+s22], $0x80, v5, vm0, $0xb8;
	[tilespmem:$0x1C800] =	vst v63  }
0x87: {  	_ = 	snop  }
0x88: {  	[tilespmem:s5], [sflag:$0x1] =	stream.indirect_vreg.gather [hbm4b:s4+s22], $0x80, v4, vm0, $0xb8;
	[tilespmem:$0x1C800] =	vst v63  }
.LBB2_14:
0x89: {  	s22 =	sadd.s32 $0x400, s22  }
0x8a: {  	p1 =	sne.s32 s22, $0x5000  }
.Ltmp4:
0x8b: {  	_ = 	snop;
	(pc) =	sbr.rel @!p1 .LBB2_15-.Ltmp4, $4  }
0x8c: {  	_ = 	snop  }
0x8d: {  	_ =	swait.ge [sflag:s21], $0x8000  }
0x8e: {  	[sflag:s21] =	ssyncset.done $0x0  }
0x8f: {  	[sflag:s21] =	ssyncadd.s32 $0xFFFF8000  }
.LBB2_12:
0x90: {  	s23 =	sshra.s32 s22, $0x2  }
0x91: {  	v4 =	vld [tilespmem:s23+$0xA080];
	_ =	sdelay $0x4  }
0x92: {  	v5 =	vshll.u32 v4, $0x1  }
0x93: {  	v4 =	vand.u32 $0x7, v4;
	v5 =	vand.u32 $0xFFFFFFF0, v5  }
0x94: {  	v4 =	vor.u32 v4, v5  }
0x95: {  	v5 =	vperm.xlane v4, v0;
	_ =	sdelay $0x1  }
0x96: {  	v4 =	vperm.xlane v4, v3;
	v5 =	vadd.s32 v1, v5;
	_ =	sdelay $0x1  }
0x97: {  	v4 =	vadd.s32 v1, v4;
	_ =	sdelay $0x2  }
0x98: {  	[tilespmem:s7], [sflag:$0x2] =	stream.indirect_vreg.gather [hbm4b:s4+s1], $0x80, v5, vm0, $0xb8;
	[tilespmem:$0x1C800] =	vst v63  }
0x99: {  	_ = 	snop  }
0x9a: {  	[tilespmem:s2], [sflag:$0x2] =	stream.indirect_vreg.gather [hbm4b:s4+s1], $0x80, v4, vm0, $0xb8;
	[tilespmem:$0x1C800] =	vst v63  }
0x9b: {  	v4 =	vld [tilespmem:s23+$0xA090];
	_ =	sdelay $0x4  }
0x9c: {  	v5 =	vshll.u32 v4, $0x1  }
0x9d: {  	v4 =	vand.u32 $0x7, v4;
	v5 =	vand.u32 $0xFFFFFFF0, v5  }
0x9e: {  	v4 =	vor.u32 v4, v5  }
0x9f: {  	v5 =	vperm.xlane v4, v0;
	_ =	sdelay $0x1  }
0xa0: {  	v4 =	vperm.xlane v4, v3;
	v5 =	vadd.s32 v1, v5;
	_ =	sdelay $0x1  }
0xa1: {  	v4 =	vadd.s32 v1, v4;
	_ =	sdelay $0x2  }
0xa2: {  	[tilespmem:s13], [sflag:$0x2] =	stream.indirect_vreg.gather [hbm4b:s4+s1], $0x80, v5, vm0, $0xb8;
	[tilespmem:$0x1C800] =	vst v63  }
0xa3: {  	_ = 	snop  }
0xa4: {  	[tilespmem:s15], [sflag:$0x2] =	stream.indirect_vreg.gather [hbm4b:s4+s1], $0x80, v4, vm0, $0xb8;
	[tilespmem:$0x1C800] =	vst v63  }
0xa5: {  	v4 =	vld [tilespmem:s23+$0xA0A0];
	_ =	sdelay $0x4  }
0xa6: {  	v5 =	vshll.u32 v4, $0x1  }
0xa7: {  	v4 =	vand.u32 $0x7, v4;
	v5 =	vand.u32 $0xFFFFFFF0, v5  }
0xa8: {  	v4 =	vor.u32 v4, v5  }
0xa9: {  	v5 =	vperm.xlane v4, v0;
	_ =	sdelay $0x1  }
0xaa: {  	v4 =	vperm.xlane v4, v3;
	v5 =	vadd.s32 v1, v5;
	_ =	sdelay $0x1  }
0xab: {  	v4 =	vadd.s32 v1, v4;
	_ =	sdelay $0x2  }
0xac: {  	[tilespmem:s8], [sflag:$0x2] =	stream.indirect_vreg.gather [hbm4b:s4+s1], $0x80, v5, vm0, $0xb8;
	[tilespmem:$0x1C800] =	vst v63  }
0xad: {  	_ = 	snop  }
0xae: {  	[tilespmem:s9], [sflag:$0x2] =	stream.indirect_vreg.gather [hbm4b:s4+s1], $0x80, v4, vm0, $0xb8;
	[tilespmem:$0x1C800] =	vst v63  }
0xaf: {  	v4 =	vld [tilespmem:s23+$0xA0B0];
	_ =	sdelay $0x4  }
0xb0: {  	v5 =	vshll.u32 v4, $0x1  }
0xb1: {  	v4 =	vand.u32 $0x7, v4;
	v5 =	vand.u32 $0xFFFFFFF0, v5  }
0xb2: {  	v4 =	vor.u32 v4, v5  }
0xb3: {  	v5 =	vperm.xlane v4, v0;
	_ =	sdelay $0x1  }
0xb4: {  	v4 =	vperm.xlane v4, v3;
	v5 =	vadd.s32 v1, v5;
	_ =	sdelay $0x1  }
0xb5: {  	v4 =	vadd.s32 v1, v4;
	_ =	sdelay $0x2  }
0xb6: {  	[tilespmem:s10], [sflag:$0x2] =	stream.indirect_vreg.gather [hbm4b:s4+s1], $0x80, v5, vm0, $0xb8;
	[tilespmem:$0x1C800] =	vst v63  }
0xb7: {  	_ = 	snop  }
0xb8: {  	[tilespmem:s11], [sflag:$0x2] =	stream.indirect_vreg.gather [hbm4b:s4+s1], $0x80, v4, vm0, $0xb8;
	[tilespmem:$0x1C800] =	vst v63  }
0xb9: {  	v4 =	vld [tilespmem:s23+$0xA0C0];
	_ =	sdelay $0x4  }
0xba: {  	v5 =	vshll.u32 v4, $0x1  }
0xbb: {  	v4 =	vand.u32 $0x7, v4;
	v5 =	vand.u32 $0xFFFFFFF0, v5  }
0xbc: {  	v4 =	vor.u32 v4, v5  }
0xbd: {  	v5 =	vperm.xlane v4, v0;
	_ =	sdelay $0x1  }
0xbe: {  	v4 =	vperm.xlane v4, v3;
	v5 =	vadd.s32 v1, v5;
	_ =	sdelay $0x1  }
0xbf: {  	v4 =	vadd.s32 v1, v4;
	_ =	sdelay $0x2  }
0xc0: {  	[tilespmem:s12], [sflag:$0x2] =	stream.indirect_vreg.gather [hbm4b:s4+s1], $0x80, v5, vm0, $0xb8;
	[tilespmem:$0x1C800] =	vst v63  }
0xc1: {  	_ = 	snop  }
0xc2: {  	[tilespmem:s25], [sflag:$0x2] =	stream.indirect_vreg.gather [hbm4b:s4+s1], $0x80, v4, vm0, $0xb8;
	[tilespmem:$0x1C800] =	vst v63  }
0xc3: {  	v4 =	vld [tilespmem:s23+$0xA0D0];
	_ =	sdelay $0x4  }
0xc4: {  	v5 =	vshll.u32 v4, $0x1  }
0xc5: {  	v4 =	vand.u32 $0x7, v4;
	v5 =	vand.u32 $0xFFFFFFF0, v5  }
0xc6: {  	v4 =	vor.u32 v4, v5  }
0xc7: {  	v5 =	vperm.xlane v4, v0;
	_ =	sdelay $0x1  }
0xc8: {  	v4 =	vperm.xlane v4, v3;
	v5 =	vadd.s32 v1, v5;
	_ =	sdelay $0x1  }
0xc9: {  	v4 =	vadd.s32 v1, v4;
	_ =	sdelay $0x2  }
0xca: {  	[tilespmem:s6], [sflag:$0x2] =	stream.indirect_vreg.gather [hbm4b:s4+s1], $0x80, v5, vm0, $0xb8;
	[tilespmem:$0x1C800] =	vst v63  }
0xcb: {  	_ = 	snop  }
0xcc: {  	[tilespmem:s14], [sflag:$0x2] =	stream.indirect_vreg.gather [hbm4b:s4+s1], $0x80, v4, vm0, $0xb8;
	[tilespmem:$0x1C800] =	vst v63  }
0xcd: {  	v4 =	vld [tilespmem:s23+$0xA0E0];
	_ =	sdelay $0x4  }
0xce: {  	v5 =	vshll.u32 v4, $0x1  }
0xcf: {  	v4 =	vand.u32 $0x7, v4;
	v5 =	vand.u32 $0xFFFFFFF0, v5  }
0xd0: {  	v4 =	vor.u32 v4, v5  }
0xd1: {  	v5 =	vperm.xlane v4, v0;
	_ =	sdelay $0x1  }
0xd2: {  	v4 =	vperm.xlane v4, v3;
	v5 =	vadd.s32 v1, v5;
	_ =	sdelay $0x1  }
0xd3: {  	v4 =	vadd.s32 v1, v4;
	_ =	sdelay $0x2  }
0xd4: {  	[tilespmem:s16], [sflag:$0x2] =	stream.indirect_vreg.gather [hbm4b:s4+s1], $0x80, v5, vm0, $0xb8;
	[tilespmem:$0x1C800] =	vst v63  }
0xd5: {  	_ = 	snop  }
0xd6: {  	[tilespmem:s17], [sflag:$0x2] =	stream.indirect_vreg.gather [hbm4b:s4+s1], $0x80, v4, vm0, $0xb8;
	[tilespmem:$0x1C800] =	vst v63  }
0xd7: {  	v4 =	vld [tilespmem:s23+$0xA0F0];
	_ =	sdelay $0x4  }
0xd8: {  	v5 =	vshll.u32 v4, $0x1  }
0xd9: {  	v4 =	vand.u32 $0x7, v4;
	v5 =	vand.u32 $0xFFFFFFF0, v5  }
0xda: {  	v4 =	vor.u32 v4, v5  }
0xdb: {  	v5 =	vperm.xlane v4, v0;
	_ =	sdelay $0x1  }
0xdc: {  	v4 =	vperm.xlane v4, v3;
	v5 =	vadd.s32 v1, v5;
	_ =	sdelay $0x1  }
0xdd: {  	v4 =	vadd.s32 v1, v4;
	_ =	sdelay $0x1  }
0xde: {  	p1 =	seq.s32 s22, $0x4C00  }
0xdf: {  	[tilespmem:s18], [sflag:$0x2] =	stream.indirect_vreg.gather [hbm4b:s4+s1], $0x80, v5, vm0, $0xb8;
	[tilespmem:$0x1C800] =	vst v63  }
.Ltmp5:
0xe0: {  	_ = 	snop;
	(pc) =	sbr.rel @p1 .LBB2_14-.Ltmp5, $4  }
0xe1: {  	[tilespmem:s19], [sflag:$0x2] =	stream.indirect_vreg.gather [hbm4b:s4+s1], $0x80, v4, vm0, $0xb8;
	[tilespmem:$0x1C800] =	vst v63  }
0xe2: {  	_ =	swait.ge [sflag:s20], $0x8000  }
0xe3: {  	[sflag:s20] =	ssyncset.done $0x0  }
0xe4: {  	[sflag:s20] =	ssyncadd.s32 $0xFFFF8000  }
0xe5: {  	v4 =	vld [tilespmem:s23+$0xA100];
	_ =	sdelay $0x4  }
0xe6: {  	v5 =	vshll.u32 v4, $0x1  }
0xe7: {  	v4 =	vand.u32 $0x7, v4;
	v5 =	vand.u32 $0xFFFFFFF0, v5  }
0xe8: {  	v4 =	vor.u32 v4, v5  }
0xe9: {  	v5 =	vperm.xlane v4, v0;
	_ =	sdelay $0x1  }
0xea: {  	v4 =	vperm.xlane v4, v3;
	v5 =	vadd.s32 v1, v5;
	_ =	sdelay $0x1  }
0xeb: {  	v4 =	vadd.s32 v1, v4;
	_ =	sdelay $0x2  }
0xec: {  	[tilespmem:s26], [sflag:$0x1] =	stream.indirect_vreg.gather [hbm4b:s4+s1], $0x80, v5, vm0, $0xb8;
	[tilespmem:$0x1C800] =	vst v63  }
0xed: {  	_ = 	snop  }
0xee: {  	[tilespmem:s24], [sflag:$0x1] =	stream.indirect_vreg.gather [hbm4b:s4+s1], $0x80, v4, vm0, $0xb8;
	[tilespmem:$0x1C800] =	vst v63  }
0xef: {  	v4 =	vld [tilespmem:s23+$0xA110];
	_ =	sdelay $0x4  }
0xf0: {  	v5 =	vshll.u32 v4, $0x1  }
0xf1: {  	v4 =	vand.u32 $0x7, v4;
	v5 =	vand.u32 $0xFFFFFFF0, v5  }
0xf2: {  	v4 =	vor.u32 v4, v5  }
0xf3: {  	v5 =	vperm.xlane v4, v0;
	_ =	sdelay $0x1  }
0xf4: {  	v4 =	vperm.xlane v4, v3;
	v5 =	vadd.s32 v1, v5;
	_ =	sdelay $0x1  }
0xf5: {  	v4 =	vadd.s32 v1, v4;
	_ =	sdelay $0x1  }
0xf6: {  	s28 =	simm.s32 $0xD800  }
0xf7: {  	[tilespmem:s28], [sflag:$0x1] =	stream.indirect_vreg.gather [hbm4b:s4+s1], $0x80, v5, vm0, $0xb8;
	[tilespmem:$0x1C800] =	vst v63  }
0xf8: {  	s28 =	simm.s32 $0xE000  }
0xf9: {  	[tilespmem:s28], [sflag:$0x1] =	stream.indirect_vreg.gather [hbm4b:s4+s1], $0x80, v4, vm0, $0xb8;
	[tilespmem:$0x1C800] =	vst v63  }
0xfa: {  	v4 =	vld [tilespmem:s23+$0xA120];
	_ =	sdelay $0x4  }
0xfb: {  	v5 =	vshll.u32 v4, $0x1  }
0xfc: {  	v4 =	vand.u32 $0x7, v4;
	v5 =	vand.u32 $0xFFFFFFF0, v5  }
0xfd: {  	v4 =	vor.u32 v4, v5  }
0xfe: {  	v5 =	vperm.xlane v4, v0;
	_ =	sdelay $0x1  }
0xff: {  	v4 =	vperm.xlane v4, v3;
	v5 =	vadd.s32 v1, v5;
	_ =	sdelay $0x1  }
0x100: {  	v4 =	vadd.s32 v1, v4;
	_ =	sdelay $0x1  }
0x101: {  	s28 =	simm.s32 $0xE800  }
0x102: {  	[tilespmem:s28], [sflag:$0x1] =	stream.indirect_vreg.gather [hbm4b:s4+s1], $0x80, v5, vm0, $0xb8;
	[tilespmem:$0x1C800] =	vst v63  }
0x103: {  	s28 =	simm.s32 $0xF000  }
0x104: {  	[tilespmem:s28], [sflag:$0x1] =	stream.indirect_vreg.gather [hbm4b:s4+s1], $0x80, v4, vm0, $0xb8;
	[tilespmem:$0x1C800] =	vst v63  }
0x105: {  	v4 =	vld [tilespmem:s23+$0xA130];
	_ =	sdelay $0x4  }
0x106: {  	v5 =	vshll.u32 v4, $0x1  }
0x107: {  	v4 =	vand.u32 $0x7, v4;
	v5 =	vand.u32 $0xFFFFFFF0, v5  }
0x108: {  	v4 =	vor.u32 v4, v5  }
0x109: {  	v5 =	vperm.xlane v4, v0;
	_ =	sdelay $0x1  }
0x10a: {  	v4 =	vperm.xlane v4, v3;
	v5 =	vadd.s32 v1, v5;
	_ =	sdelay $0x1  }
0x10b: {  	v4 =	vadd.s32 v1, v4;
	_ =	sdelay $0x1  }
0x10c: {  	s28 =	simm.s32 $0xF800  }
0x10d: {  	[tilespmem:s28], [sflag:$0x1] =	stream.indirect_vreg.gather [hbm4b:s4+s1], $0x80, v5, vm0, $0xb8;
	[tilespmem:$0x1C800] =	vst v63  }
0x10e: {  	s28 =	simm.s32 $0x10000  }
0x10f: {  	[tilespmem:s28], [sflag:$0x1] =	stream.indirect_vreg.gather [hbm4b:s4+s1], $0x80, v4, vm0, $0xb8;
	[tilespmem:$0x1C800] =	vst v63  }
0x110: {  	v4 =	vld [tilespmem:s23+$0xA140];
	_ =	sdelay $0x4  }
0x111: {  	v5 =	vshll.u32 v4, $0x1  }
0x112: {  	v4 =	vand.u32 $0x7, v4;
	v5 =	vand.u32 $0xFFFFFFF0, v5  }
0x113: {  	v4 =	vor.u32 v4, v5  }
0x114: {  	v5 =	vperm.xlane v4, v0;
	_ =	sdelay $0x1  }
0x115: {  	v4 =	vperm.xlane v4, v3;
	v5 =	vadd.s32 v1, v5;
	_ =	sdelay $0x1  }
0x116: {  	v4 =	vadd.s32 v1, v4;
	_ =	sdelay $0x1  }
0x117: {  	s28 =	simm.s32 $0x10800  }
0x118: {  	[tilespmem:s28], [sflag:$0x1] =	stream.indirect_vreg.gather [hbm4b:s4+s1], $0x80, v5, vm0, $0xb8;
	[tilespmem:$0x1C800] =	vst v63  }
0x119: {  	s28 =	simm.s32 $0x11000  }
0x11a: {  	[tilespmem:s28], [sflag:$0x1] =	stream.indirect_vreg.gather [hbm4b:s4+s1], $0x80, v4, vm0, $0xb8;
	[tilespmem:$0x1C800] =	vst v63  }
0x11b: {  	v4 =	vld [tilespmem:s23+$0xA150];
	_ =	sdelay $0x4  }
0x11c: {  	v5 =	vshll.u32 v4, $0x1  }
0x11d: {  	v4 =	vand.u32 $0x7, v4;
	v5 =	vand.u32 $0xFFFFFFF0, v5  }
0x11e: {  	v4 =	vor.u32 v4, v5  }
0x11f: {  	v5 =	vperm.xlane v4, v0;
	_ =	sdelay $0x1  }
0x120: {  	v4 =	vperm.xlane v4, v3;
	v5 =	vadd.s32 v1, v5;
	_ =	sdelay $0x1  }
0x121: {  	v4 =	vadd.s32 v1, v4;
	_ =	sdelay $0x1  }
0x122: {  	s28 =	simm.s32 $0x11800  }
0x123: {  	[tilespmem:s28], [sflag:$0x1] =	stream.indirect_vreg.gather [hbm4b:s4+s1], $0x80, v5, vm0, $0xb8;
	[tilespmem:$0x1C800] =	vst v63  }
0x124: {  	_ = 	snop  }
0x125: {  	[tilespmem:s29], [sflag:$0x1] =	stream.indirect_vreg.gather [hbm4b:s4+s1], $0x80, v4, vm0, $0xb8;
	[tilespmem:$0x1C800] =	vst v63  }
0x126: {  	v4 =	vld [tilespmem:s23+$0xA160];
	_ =	sdelay $0x4  }
0x127: {  	v5 =	vshll.u32 v4, $0x1  }
0x128: {  	v4 =	vand.u32 $0x7, v4;
	v5 =	vand.u32 $0xFFFFFFF0, v5  }
0x129: {  	v4 =	vor.u32 v4, v5  }
0x12a: {  	v5 =	vperm.xlane v4, v0;
	_ =	sdelay $0x1  }
0x12b: {  	v4 =	vperm.xlane v4, v3;
	v5 =	vadd.s32 v1, v5;
	_ =	sdelay $0x1  }
0x12c: {  	v4 =	vadd.s32 v1, v4;
	_ =	sdelay $0x2  }
0x12d: {  	[tilespmem:s30], [sflag:$0x1] =	stream.indirect_vreg.gather [hbm4b:s4+s1], $0x80, v5, vm0, $0xb8;
	[tilespmem:$0x1C800] =	vst v63  }
0x12e: {  	_ = 	snop  }
0x12f: {  	[tilespmem:s31], [sflag:$0x1] =	stream.indirect_vreg.gather [hbm4b:s4+s1], $0x80, v4, vm0, $0xb8;
	[tilespmem:$0x1C800] =	vst v63  }
0x130: {  	v4 =	vld [tilespmem:s23+$0xA170];
	_ =	sdelay $0x4  }
0x131: {  	v5 =	vshll.u32 v4, $0x1  }
0x132: {  	v4 =	vand.u32 $0x7, v4;
	v5 =	vand.u32 $0xFFFFFFF0, v5  }
0x133: {  	v4 =	vor.u32 v4, v5  }
0x134: {  	v5 =	vperm.xlane v4, v0;
	_ =	sdelay $0x1  }
0x135: {  	v4 =	vperm.xlane v4, v3;
	v5 =	vadd.s32 v1, v5;
	_ =	sdelay $0x1  }
0x136: {  	v4 =	vadd.s32 v1, v4  }
.Ltmp6:
0x137: {  	_ = 	snop;
	(pc) =	sbr.rel .LBB2_14-.Ltmp6, $4  }
0x138: {  	_ = 	snop  }
0x139: {  	[tilespmem:s0], [sflag:$0x1] =	stream.indirect_vreg.gather [hbm4b:s4+s1], $0x80, v5, vm0, $0xb8;
	[tilespmem:$0x1C800] =	vst v63  }
0x13a: {  	_ = 	snop  }
0x13b: {  	[tilespmem:s5], [sflag:$0x1] =	stream.indirect_vreg.gather [hbm4b:s4+s1], $0x80, v4, vm0, $0xb8;
	[tilespmem:$0x1C800] =	vst v63  }
.LBB2_2:
0x13c: {  	_ =	sdelay $0x3  }
0x13d: {  	[tilespmem:s26], [sflag:$0x1] =	stream.indirect_vreg.gather [hbm4b:s3+s22], $0x80, v4, vm0, $0xb8;
	[tilespmem:$0x1C800] =	vst v63  }
0x13e: {  	s24 =	simm.s32 $0xD000  }
0x13f: {  	[tilespmem:s24], [sflag:$0x1] =	stream.indirect_vreg.gather [hbm4b:s3+s22], $0x80, v5, vm0, $0xb8;
	[tilespmem:$0x1C800] =	vst v63  }
0x140: {  	v4 =	vld [tilespmem:$0xA010];
	_ =	sdelay $0x4  }
0x141: {  	v5 =	vshll.u32 v4, $0x1  }
0x142: {  	v4 =	vand.u32 $0x7, v4;
	v5 =	vand.u32 $0xFFFFFFF0, v5  }
0x143: {  	v4 =	vor.u32 v4, v5  }
0x144: {  	v5 =	vperm.xlane v4, v0;
	_ =	sdelay $0x1  }
0x145: {  	v4 =	vperm.xlane v4, v2;
	v5 =	vadd.s32 v1, v5;
	_ =	sdelay $0x1  }
0x146: {  	v4 =	vadd.s32 v1, v4;
	_ =	sdelay $0x1  }
0x147: {  	s23 =	simm.s32 $0xD800  }
0x148: {  	[tilespmem:s23], [sflag:$0x1] =	stream.indirect_vreg.gather [hbm4b:s3+s22], $0x80, v5, vm0, $0xb8;
	[tilespmem:$0x1C800] =	vst v63  }
0x149: {  	s28 =	simm.s32 $0xE000  }
0x14a: {  	[tilespmem:s28], [sflag:$0x1] =	stream.indirect_vreg.gather [hbm4b:s3+s22], $0x80, v4, vm0, $0xb8;
	[tilespmem:$0x1C800] =	vst v63  }
0x14b: {  	v4 =	vld [tilespmem:$0xA020];
	_ =	sdelay $0x4  }
0x14c: {  	v5 =	vshll.u32 v4, $0x1  }
0x14d: {  	v4 =	vand.u32 $0x7, v4;
	v5 =	vand.u32 $0xFFFFFFF0, v5  }
0x14e: {  	v4 =	vor.u32 v4, v5  }
0x14f: {  	v5 =	vperm.xlane v4, v0;
	_ =	sdelay $0x1  }
0x150: {  	v4 =	vperm.xlane v4, v2;
	v5 =	vadd.s32 v1, v5;
	_ =	sdelay $0x1  }
0x151: {  	v4 =	vadd.s32 v1, v4;
	_ =	sdelay $0x1  }
0x152: {  	s28 =	simm.s32 $0xE800  }
0x153: {  	[tilespmem:s28], [sflag:$0x1] =	stream.indirect_vreg.gather [hbm4b:s3+s22], $0x80, v5, vm0, $0xb8;
	[tilespmem:$0x1C800] =	vst v63  }
0x154: {  	s28 =	simm.s32 $0xF000  }
0x155: {  	[tilespmem:s28], [sflag:$0x1] =	stream.indirect_vreg.gather [hbm4b:s3+s22], $0x80, v4, vm0, $0xb8;
	[tilespmem:$0x1C800] =	vst v63  }
0x156: {  	v4 =	vld [tilespmem:$0xA030];
	_ =	sdelay $0x4  }
0x157: {  	v5 =	vshll.u32 v4, $0x1  }
0x158: {  	v4 =	vand.u32 $0x7, v4;
	v5 =	vand.u32 $0xFFFFFFF0, v5  }
0x159: {  	v4 =	vor.u32 v4, v5  }
0x15a: {  	v5 =	vperm.xlane v4, v0;
	_ =	sdelay $0x1  }
0x15b: {  	v4 =	vperm.xlane v4, v2;
	v5 =	vadd.s32 v1, v5;
	_ =	sdelay $0x1  }
0x15c: {  	v4 =	vadd.s32 v1, v4;
	_ =	sdelay $0x1  }
0x15d: {  	s28 =	simm.s32 $0xF800  }
0x15e: {  	[tilespmem:s28], [sflag:$0x1] =	stream.indirect_vreg.gather [hbm4b:s3+s22], $0x80, v5, vm0, $0xb8;
	[tilespmem:$0x1C800] =	vst v63  }
0x15f: {  	s28 =	simm.s32 $0x10000  }
0x160: {  	[tilespmem:s28], [sflag:$0x1] =	stream.indirect_vreg.gather [hbm4b:s3+s22], $0x80, v4, vm0, $0xb8;
	[tilespmem:$0x1C800] =	vst v63  }
0x161: {  	v4 =	vld [tilespmem:$0xA040];
	_ =	sdelay $0x4  }
0x162: {  	v5 =	vshll.u32 v4, $0x1  }
0x163: {  	v4 =	vand.u32 $0x7, v4;
	v5 =	vand.u32 $0xFFFFFFF0, v5  }
0x164: {  	v4 =	vor.u32 v4, v5  }
0x165: {  	v5 =	vperm.xlane v4, v0;
	_ =	sdelay $0x1  }
0x166: {  	v4 =	vperm.xlane v4, v2;
	v5 =	vadd.s32 v1, v5;
	_ =	sdelay $0x1  }
0x167: {  	v4 =	vadd.s32 v1, v4;
	_ =	sdelay $0x1  }
0x168: {  	s28 =	simm.s32 $0x10800  }
0x169: {  	[tilespmem:s28], [sflag:$0x1] =	stream.indirect_vreg.gather [hbm4b:s3+s22], $0x80, v5, vm0, $0xb8;
	[tilespmem:$0x1C800] =	vst v63  }
0x16a: {  	s28 =	simm.s32 $0x11000  }
0x16b: {  	[tilespmem:s28], [sflag:$0x1] =	stream.indirect_vreg.gather [hbm4b:s3+s22], $0x80, v4, vm0, $0xb8;
	[tilespmem:$0x1C800] =	vst v63  }
0x16c: {  	v4 =	vld [tilespmem:$0xA050];
	_ =	sdelay $0x4  }
0x16d: {  	v5 =	vshll.u32 v4, $0x1  }
0x16e: {  	v4 =	vand.u32 $0x7, v4;
	v5 =	vand.u32 $0xFFFFFFF0, v5  }
0x16f: {  	v4 =	vor.u32 v4, v5  }
0x170: {  	v5 =	vperm.xlane v4, v0;
	_ =	sdelay $0x1  }
0x171: {  	v4 =	vperm.xlane v4, v2;
	v5 =	vadd.s32 v1, v5;
	_ =	sdelay $0x1  }
0x172: {  	v4 =	vadd.s32 v1, v4;
	_ =	sdelay $0x1  }
0x173: {  	s28 =	simm.s32 $0x11800  }
0x174: {  	[tilespmem:s28], [sflag:$0x1] =	stream.indirect_vreg.gather [hbm4b:s3+s22], $0x80, v5, vm0, $0xb8;
	[tilespmem:$0x1C800] =	vst v63  }
0x175: {  	_ = 	snop  }
0x176: {  	[tilespmem:s29], [sflag:$0x1] =	stream.indirect_vreg.gather [hbm4b:s3+s22], $0x80, v4, vm0, $0xb8;
	[tilespmem:$0x1C800] =	vst v63  }
0x177: {  	v4 =	vld [tilespmem:$0xA060];
	_ =	sdelay $0x4  }
0x178: {  	v5 =	vshll.u32 v4, $0x1  }
0x179: {  	v4 =	vand.u32 $0x7, v4;
	v5 =	vand.u32 $0xFFFFFFF0, v5  }
0x17a: {  	v4 =	vor.u32 v4, v5  }
0x17b: {  	v5 =	vperm.xlane v4, v0;
	_ =	sdelay $0x1  }
0x17c: {  	v4 =	vperm.xlane v4, v2;
	v5 =	vadd.s32 v1, v5;
	_ =	sdelay $0x1  }
0x17d: {  	v4 =	vadd.s32 v1, v4;
	_ =	sdelay $0x2  }
0x17e: {  	[tilespmem:s30], [sflag:$0x1] =	stream.indirect_vreg.gather [hbm4b:s3+s22], $0x80, v5, vm0, $0xb8;
	[tilespmem:$0x1C800] =	vst v63  }
0x17f: {  	_ = 	snop  }
0x180: {  	[tilespmem:s31], [sflag:$0x1] =	stream.indirect_vreg.gather [hbm4b:s3+s22], $0x80, v4, vm0, $0xb8;
	[tilespmem:$0x1C800] =	vst v63  }
0x181: {  	v4 =	vld [tilespmem:$0xA070];
	_ =	sdelay $0x4  }
0x182: {  	v5 =	vshll.u32 v4, $0x1  }
0x183: {  	v4 =	vand.u32 $0x7, v4;
	v5 =	vand.u32 $0xFFFFFFF0, v5  }
0x184: {  	v4 =	vor.u32 v4, v5  }
0x185: {  	v5 =	vperm.xlane v4, v0;
	_ =	sdelay $0x1  }
0x186: {  	v4 =	vperm.xlane v4, v2;
	v5 =	vadd.s32 v1, v5;
	_ =	sdelay $0x1  }
0x187: {  	v4 =	vadd.s32 v1, v4  }
.Ltmp7:
0x188: {  	_ = 	snop;
	(pc) =	sbr.rel .LBB2_3-.Ltmp7, $4  }
0x189: {  	_ = 	snop  }
0x18a: {  	[tilespmem:s0], [sflag:$0x1] =	stream.indirect_vreg.gather [hbm4b:s3+s22], $0x80, v5, vm0, $0xb8;
	[tilespmem:$0x1C800] =	vst v63  }
0x18b: {  	_ = 	snop  }
0x18c: {  	[tilespmem:s5], [sflag:$0x1] =	stream.indirect_vreg.gather [hbm4b:s3+s22], $0x80, v4, vm0, $0xb8;
	[tilespmem:$0x1C800] =	vst v63  }
.LBB2_5:
0x18d: {  	s22 =	sadd.s32 $0x400, s22  }
0x18e: {  	p1 =	sne.s32 s22, $0x5000  }
.Ltmp8:
0x18f: {  	_ = 	snop;
	(pc) =	sbr.rel @!p1 .LBB2_6-.Ltmp8, $4  }
0x190: {  	_ = 	snop  }
0x191: {  	_ =	swait.ge [sflag:s21], $0x8000  }
0x192: {  	[sflag:s21] =	ssyncset.done $0x0  }
0x193: {  	[sflag:s21] =	ssyncadd.s32 $0xFFFF8000  }
.LBB2_3:
0x194: {  	s23 =	sshra.s32 s22, $0x2  }
0x195: {  	v4 =	vld [tilespmem:s23+$0xA080];
	_ =	sdelay $0x4  }
0x196: {  	v5 =	vshll.u32 v4, $0x1  }
0x197: {  	v4 =	vand.u32 $0x7, v4;
	v5 =	vand.u32 $0xFFFFFFF0, v5  }
0x198: {  	v4 =	vor.u32 v4, v5  }
0x199: {  	v5 =	vperm.xlane v4, v0;
	_ =	sdelay $0x1  }
0x19a: {  	v4 =	vperm.xlane v4, v3;
	v5 =	vadd.s32 v1, v5;
	_ =	sdelay $0x1  }
0x19b: {  	v4 =	vadd.s32 v1, v4;
	_ =	sdelay $0x2  }
0x19c: {  	[tilespmem:s7], [sflag:$0x2] =	stream.indirect_vreg.gather [hbm4b:s3+s1], $0x80, v5, vm0, $0xb8;
	[tilespmem:$0x1C800] =	vst v63  }
0x19d: {  	_ = 	snop  }
0x19e: {  	[tilespmem:s2], [sflag:$0x2] =	stream.indirect_vreg.gather [hbm4b:s3+s1], $0x80, v4, vm0, $0xb8;
	[tilespmem:$0x1C800] =	vst v63  }
0x19f: {  	v4 =	vld [tilespmem:s23+$0xA090];
	_ =	sdelay $0x4  }
0x1a0: {  	v5 =	vshll.u32 v4, $0x1  }
0x1a1: {  	v4 =	vand.u32 $0x7, v4;
	v5 =	vand.u32 $0xFFFFFFF0, v5  }
0x1a2: {  	v4 =	vor.u32 v4, v5  }
0x1a3: {  	v5 =	vperm.xlane v4, v0;
	_ =	sdelay $0x1  }
0x1a4: {  	v4 =	vperm.xlane v4, v3;
	v5 =	vadd.s32 v1, v5;
	_ =	sdelay $0x1  }
0x1a5: {  	v4 =	vadd.s32 v1, v4;
	_ =	sdelay $0x2  }
0x1a6: {  	[tilespmem:s13], [sflag:$0x2] =	stream.indirect_vreg.gather [hbm4b:s3+s1], $0x80, v5, vm0, $0xb8;
	[tilespmem:$0x1C800] =	vst v63  }
0x1a7: {  	_ = 	snop  }
0x1a8: {  	[tilespmem:s15], [sflag:$0x2] =	stream.indirect_vreg.gather [hbm4b:s3+s1], $0x80, v4, vm0, $0xb8;
	[tilespmem:$0x1C800] =	vst v63  }
0x1a9: {  	v4 =	vld [tilespmem:s23+$0xA0A0];
	_ =	sdelay $0x4  }
0x1aa: {  	v5 =	vshll.u32 v4, $0x1  }
0x1ab: {  	v4 =	vand.u32 $0x7, v4;
	v5 =	vand.u32 $0xFFFFFFF0, v5  }
0x1ac: {  	v4 =	vor.u32 v4, v5  }
0x1ad: {  	v5 =	vperm.xlane v4, v0;
	_ =	sdelay $0x1  }
0x1ae: {  	v4 =	vperm.xlane v4, v3;
	v5 =	vadd.s32 v1, v5;
	_ =	sdelay $0x1  }
0x1af: {  	v4 =	vadd.s32 v1, v4;
	_ =	sdelay $0x2  }
0x1b0: {  	[tilespmem:s8], [sflag:$0x2] =	stream.indirect_vreg.gather [hbm4b:s3+s1], $0x80, v5, vm0, $0xb8;
	[tilespmem:$0x1C800] =	vst v63  }
0x1b1: {  	_ = 	snop  }
0x1b2: {  	[tilespmem:s9], [sflag:$0x2] =	stream.indirect_vreg.gather [hbm4b:s3+s1], $0x80, v4, vm0, $0xb8;
	[tilespmem:$0x1C800] =	vst v63  }
0x1b3: {  	v4 =	vld [tilespmem:s23+$0xA0B0];
	_ =	sdelay $0x4  }
0x1b4: {  	v5 =	vshll.u32 v4, $0x1  }
0x1b5: {  	v4 =	vand.u32 $0x7, v4;
	v5 =	vand.u32 $0xFFFFFFF0, v5  }
0x1b6: {  	v4 =	vor.u32 v4, v5  }
0x1b7: {  	v5 =	vperm.xlane v4, v0;
	_ =	sdelay $0x1  }
0x1b8: {  	v4 =	vperm.xlane v4, v3;
	v5 =	vadd.s32 v1, v5;
	_ =	sdelay $0x1  }
0x1b9: {  	v4 =	vadd.s32 v1, v4;
	_ =	sdelay $0x2  }
0x1ba: {  	[tilespmem:s10], [sflag:$0x2] =	stream.indirect_vreg.gather [hbm4b:s3+s1], $0x80, v5, vm0, $0xb8;
	[tilespmem:$0x1C800] =	vst v63  }
0x1bb: {  	_ = 	snop  }
0x1bc: {  	[tilespmem:s11], [sflag:$0x2] =	stream.indirect_vreg.gather [hbm4b:s3+s1], $0x80, v4, vm0, $0xb8;
	[tilespmem:$0x1C800] =	vst v63  }
0x1bd: {  	v4 =	vld [tilespmem:s23+$0xA0C0];
	_ =	sdelay $0x4  }
0x1be: {  	v5 =	vshll.u32 v4, $0x1  }
0x1bf: {  	v4 =	vand.u32 $0x7, v4;
	v5 =	vand.u32 $0xFFFFFFF0, v5  }
0x1c0: {  	v4 =	vor.u32 v4, v5  }
0x1c1: {  	v5 =	vperm.xlane v4, v0;
	_ =	sdelay $0x1  }
0x1c2: {  	v4 =	vperm.xlane v4, v3;
	v5 =	vadd.s32 v1, v5;
	_ =	sdelay $0x1  }
0x1c3: {  	v4 =	vadd.s32 v1, v4;
	_ =	sdelay $0x2  }
0x1c4: {  	[tilespmem:s12], [sflag:$0x2] =	stream.indirect_vreg.gather [hbm4b:s3+s1], $0x80, v5, vm0, $0xb8;
	[tilespmem:$0x1C800] =	vst v63  }
0x1c5: {  	_ = 	snop  }
0x1c6: {  	[tilespmem:s25], [sflag:$0x2] =	stream.indirect_vreg.gather [hbm4b:s3+s1], $0x80, v4, vm0, $0xb8;
	[tilespmem:$0x1C800] =	vst v63  }
0x1c7: {  	v4 =	vld [tilespmem:s23+$0xA0D0];
	_ =	sdelay $0x4  }
0x1c8: {  	v5 =	vshll.u32 v4, $0x1  }
0x1c9: {  	v4 =	vand.u32 $0x7, v4;
	v5 =	vand.u32 $0xFFFFFFF0, v5  }
0x1ca: {  	v4 =	vor.u32 v4, v5  }
0x1cb: {  	v5 =	vperm.xlane v4, v0;
	_ =	sdelay $0x1  }
0x1cc: {  	v4 =	vperm.xlane v4, v3;
	v5 =	vadd.s32 v1, v5;
	_ =	sdelay $0x1  }
0x1cd: {  	v4 =	vadd.s32 v1, v4;
	_ =	sdelay $0x2  }
0x1ce: {  	[tilespmem:s6], [sflag:$0x2] =	stream.indirect_vreg.gather [hbm4b:s3+s1], $0x80, v5, vm0, $0xb8;
	[tilespmem:$0x1C800] =	vst v63  }
0x1cf: {  	_ = 	snop  }
0x1d0: {  	[tilespmem:s14], [sflag:$0x2] =	stream.indirect_vreg.gather [hbm4b:s3+s1], $0x80, v4, vm0, $0xb8;
	[tilespmem:$0x1C800] =	vst v63  }
0x1d1: {  	v4 =	vld [tilespmem:s23+$0xA0E0];
	_ =	sdelay $0x4  }
0x1d2: {  	v5 =	vshll.u32 v4, $0x1  }
0x1d3: {  	v4 =	vand.u32 $0x7, v4;
	v5 =	vand.u32 $0xFFFFFFF0, v5  }
0x1d4: {  	v4 =	vor.u32 v4, v5  }
0x1d5: {  	v5 =	vperm.xlane v4, v0;
	_ =	sdelay $0x1  }
0x1d6: {  	v4 =	vperm.xlane v4, v3;
	v5 =	vadd.s32 v1, v5;
	_ =	sdelay $0x1  }
0x1d7: {  	v4 =	vadd.s32 v1, v4;
	_ =	sdelay $0x2  }
0x1d8: {  	[tilespmem:s16], [sflag:$0x2] =	stream.indirect_vreg.gather [hbm4b:s3+s1], $0x80, v5, vm0, $0xb8;
	[tilespmem:$0x1C800] =	vst v63  }
0x1d9: {  	_ = 	snop  }
0x1da: {  	[tilespmem:s17], [sflag:$0x2] =	stream.indirect_vreg.gather [hbm4b:s3+s1], $0x80, v4, vm0, $0xb8;
	[tilespmem:$0x1C800] =	vst v63  }
0x1db: {  	v4 =	vld [tilespmem:s23+$0xA0F0];
	_ =	sdelay $0x4  }
0x1dc: {  	v5 =	vshll.u32 v4, $0x1  }
0x1dd: {  	v4 =	vand.u32 $0x7, v4;
	v5 =	vand.u32 $0xFFFFFFF0, v5  }
0x1de: {  	v4 =	vor.u32 v4, v5  }
0x1df: {  	v5 =	vperm.xlane v4, v0;
	_ =	sdelay $0x1  }
0x1e0: {  	v4 =	vperm.xlane v4, v3;
	v5 =	vadd.s32 v1, v5;
	_ =	sdelay $0x1  }
0x1e1: {  	v4 =	vadd.s32 v1, v4;
	_ =	sdelay $0x1  }
0x1e2: {  	p1 =	seq.s32 s22, $0x4C00  }
0x1e3: {  	[tilespmem:s18], [sflag:$0x2] =	stream.indirect_vreg.gather [hbm4b:s3+s1], $0x80, v5, vm0, $0xb8;
	[tilespmem:$0x1C800] =	vst v63  }
.Ltmp9:
0x1e4: {  	_ = 	snop;
	(pc) =	sbr.rel @p1 .LBB2_5-.Ltmp9, $4  }
0x1e5: {  	[tilespmem:s19], [sflag:$0x2] =	stream.indirect_vreg.gather [hbm4b:s3+s1], $0x80, v4, vm0, $0xb8;
	[tilespmem:$0x1C800] =	vst v63  }
0x1e6: {  	_ =	swait.ge [sflag:s20], $0x8000  }
0x1e7: {  	[sflag:s20] =	ssyncset.done $0x0  }
0x1e8: {  	[sflag:s20] =	ssyncadd.s32 $0xFFFF8000  }
0x1e9: {  	v4 =	vld [tilespmem:s23+$0xA100];
	_ =	sdelay $0x4  }
0x1ea: {  	v5 =	vshll.u32 v4, $0x1  }
0x1eb: {  	v4 =	vand.u32 $0x7, v4;
	v5 =	vand.u32 $0xFFFFFFF0, v5  }
0x1ec: {  	v4 =	vor.u32 v4, v5  }
0x1ed: {  	v5 =	vperm.xlane v4, v0;
	_ =	sdelay $0x1  }
0x1ee: {  	v4 =	vperm.xlane v4, v3;
	v5 =	vadd.s32 v1, v5;
	_ =	sdelay $0x1  }
0x1ef: {  	v4 =	vadd.s32 v1, v4;
	_ =	sdelay $0x2  }
0x1f0: {  	[tilespmem:s26], [sflag:$0x1] =	stream.indirect_vreg.gather [hbm4b:s3+s1], $0x80, v5, vm0, $0xb8;
	[tilespmem:$0x1C800] =	vst v63  }
0x1f1: {  	_ = 	snop  }
0x1f2: {  	[tilespmem:s24], [sflag:$0x1] =	stream.indirect_vreg.gather [hbm4b:s3+s1], $0x80, v4, vm0, $0xb8;
	[tilespmem:$0x1C800] =	vst v63  }
0x1f3: {  	v4 =	vld [tilespmem:s23+$0xA110];
	_ =	sdelay $0x4  }
0x1f4: {  	v5 =	vshll.u32 v4, $0x1  }
0x1f5: {  	v4 =	vand.u32 $0x7, v4;
	v5 =	vand.u32 $0xFFFFFFF0, v5  }
0x1f6: {  	v4 =	vor.u32 v4, v5  }
0x1f7: {  	v5 =	vperm.xlane v4, v0;
	_ =	sdelay $0x1  }
0x1f8: {  	v4 =	vperm.xlane v4, v3;
	v5 =	vadd.s32 v1, v5;
	_ =	sdelay $0x1  }
0x1f9: {  	v4 =	vadd.s32 v1, v4;
	_ =	sdelay $0x1  }
0x1fa: {  	s28 =	simm.s32 $0xD800  }
0x1fb: {  	[tilespmem:s28], [sflag:$0x1] =	stream.indirect_vreg.gather [hbm4b:s3+s1], $0x80, v5, vm0, $0xb8;
	[tilespmem:$0x1C800] =	vst v63  }
0x1fc: {  	s28 =	simm.s32 $0xE000  }
0x1fd: {  	[tilespmem:s28], [sflag:$0x1] =	stream.indirect_vreg.gather [hbm4b:s3+s1], $0x80, v4, vm0, $0xb8;
	[tilespmem:$0x1C800] =	vst v63  }
0x1fe: {  	v4 =	vld [tilespmem:s23+$0xA120];
	_ =	sdelay $0x4  }
0x1ff: {  	v5 =	vshll.u32 v4, $0x1  }
0x200: {  	v4 =	vand.u32 $0x7, v4;
	v5 =	vand.u32 $0xFFFFFFF0, v5  }
0x201: {  	v4 =	vor.u32 v4, v5  }
0x202: {  	v5 =	vperm.xlane v4, v0;
	_ =	sdelay $0x1  }
0x203: {  	v4 =	vperm.xlane v4, v3;
	v5 =	vadd.s32 v1, v5;
	_ =	sdelay $0x1  }
0x204: {  	v4 =	vadd.s32 v1, v4;
	_ =	sdelay $0x1  }
0x205: {  	s28 =	simm.s32 $0xE800  }
0x206: {  	[tilespmem:s28], [sflag:$0x1] =	stream.indirect_vreg.gather [hbm4b:s3+s1], $0x80, v5, vm0, $0xb8;
	[tilespmem:$0x1C800] =	vst v63  }
0x207: {  	s28 =	simm.s32 $0xF000  }
0x208: {  	[tilespmem:s28], [sflag:$0x1] =	stream.indirect_vreg.gather [hbm4b:s3+s1], $0x80, v4, vm0, $0xb8;
	[tilespmem:$0x1C800] =	vst v63  }
0x209: {  	v4 =	vld [tilespmem:s23+$0xA130];
	_ =	sdelay $0x4  }
0x20a: {  	v5 =	vshll.u32 v4, $0x1  }
0x20b: {  	v4 =	vand.u32 $0x7, v4;
	v5 =	vand.u32 $0xFFFFFFF0, v5  }
0x20c: {  	v4 =	vor.u32 v4, v5  }
0x20d: {  	v5 =	vperm.xlane v4, v0;
	_ =	sdelay $0x1  }
0x20e: {  	v4 =	vperm.xlane v4, v3;
	v5 =	vadd.s32 v1, v5;
	_ =	sdelay $0x1  }
0x20f: {  	v4 =	vadd.s32 v1, v4;
	_ =	sdelay $0x1  }
0x210: {  	s28 =	simm.s32 $0xF800  }
0x211: {  	[tilespmem:s28], [sflag:$0x1] =	stream.indirect_vreg.gather [hbm4b:s3+s1], $0x80, v5, vm0, $0xb8;
	[tilespmem:$0x1C800] =	vst v63  }
0x212: {  	s28 =	simm.s32 $0x10000  }
0x213: {  	[tilespmem:s28], [sflag:$0x1] =	stream.indirect_vreg.gather [hbm4b:s3+s1], $0x80, v4, vm0, $0xb8;
	[tilespmem:$0x1C800] =	vst v63  }
0x214: {  	v4 =	vld [tilespmem:s23+$0xA140];
	_ =	sdelay $0x4  }
0x215: {  	v5 =	vshll.u32 v4, $0x1  }
0x216: {  	v4 =	vand.u32 $0x7, v4;
	v5 =	vand.u32 $0xFFFFFFF0, v5  }
0x217: {  	v4 =	vor.u32 v4, v5  }
0x218: {  	v5 =	vperm.xlane v4, v0;
	_ =	sdelay $0x1  }
0x219: {  	v4 =	vperm.xlane v4, v3;
	v5 =	vadd.s32 v1, v5;
	_ =	sdelay $0x1  }
0x21a: {  	v4 =	vadd.s32 v1, v4;
	_ =	sdelay $0x1  }
0x21b: {  	s28 =	simm.s32 $0x10800  }
0x21c: {  	[tilespmem:s28], [sflag:$0x1] =	stream.indirect_vreg.gather [hbm4b:s3+s1], $0x80, v5, vm0, $0xb8;
	[tilespmem:$0x1C800] =	vst v63  }
0x21d: {  	s28 =	simm.s32 $0x11000  }
0x21e: {  	[tilespmem:s28], [sflag:$0x1] =	stream.indirect_vreg.gather [hbm4b:s3+s1], $0x80, v4, vm0, $0xb8;
	[tilespmem:$0x1C800] =	vst v63  }
0x21f: {  	v4 =	vld [tilespmem:s23+$0xA150];
	_ =	sdelay $0x4  }
0x220: {  	v5 =	vshll.u32 v4, $0x1  }
0x221: {  	v4 =	vand.u32 $0x7, v4;
	v5 =	vand.u32 $0xFFFFFFF0, v5  }
0x222: {  	v4 =	vor.u32 v4, v5  }
0x223: {  	v5 =	vperm.xlane v4, v0;
	_ =	sdelay $0x1  }
0x224: {  	v4 =	vperm.xlane v4, v3;
	v5 =	vadd.s32 v1, v5;
	_ =	sdelay $0x1  }
0x225: {  	v4 =	vadd.s32 v1, v4;
	_ =	sdelay $0x1  }
0x226: {  	s28 =	simm.s32 $0x11800  }
0x227: {  	[tilespmem:s28], [sflag:$0x1] =	stream.indirect_vreg.gather [hbm4b:s3+s1], $0x80, v5, vm0, $0xb8;
	[tilespmem:$0x1C800] =	vst v63  }
0x228: {  	_ = 	snop  }
0x229: {  	[tilespmem:s29], [sflag:$0x1] =	stream.indirect_vreg.gather [hbm4b:s3+s1], $0x80, v4, vm0, $0xb8;
	[tilespmem:$0x1C800] =	vst v63  }
0x22a: {  	v4 =	vld [tilespmem:s23+$0xA160];
	_ =	sdelay $0x4  }
0x22b: {  	v5 =	vshll.u32 v4, $0x1  }
0x22c: {  	v4 =	vand.u32 $0x7, v4;
	v5 =	vand.u32 $0xFFFFFFF0, v5  }
0x22d: {  	v4 =	vor.u32 v4, v5  }
0x22e: {  	v5 =	vperm.xlane v4, v0;
	_ =	sdelay $0x1  }
0x22f: {  	v4 =	vperm.xlane v4, v3;
	v5 =	vadd.s32 v1, v5;
	_ =	sdelay $0x1  }
0x230: {  	v4 =	vadd.s32 v1, v4;
	_ =	sdelay $0x2  }
0x231: {  	[tilespmem:s30], [sflag:$0x1] =	stream.indirect_vreg.gather [hbm4b:s3+s1], $0x80, v5, vm0, $0xb8;
	[tilespmem:$0x1C800] =	vst v63  }
0x232: {  	_ = 	snop  }
0x233: {  	[tilespmem:s31], [sflag:$0x1] =	stream.indirect_vreg.gather [hbm4b:s3+s1], $0x80, v4, vm0, $0xb8;
	[tilespmem:$0x1C800] =	vst v63  }
0x234: {  	v4 =	vld [tilespmem:s23+$0xA170];
	_ =	sdelay $0x4  }
0x235: {  	v5 =	vshll.u32 v4, $0x1  }
0x236: {  	v4 =	vand.u32 $0x7, v4;
	v5 =	vand.u32 $0xFFFFFFF0, v5  }
0x237: {  	v4 =	vor.u32 v4, v5  }
0x238: {  	v5 =	vperm.xlane v4, v0;
	_ =	sdelay $0x1  }
0x239: {  	v4 =	vperm.xlane v4, v3;
	v5 =	vadd.s32 v1, v5;
	_ =	sdelay $0x1  }
0x23a: {  	v4 =	vadd.s32 v1, v4  }
.Ltmp10:
0x23b: {  	_ = 	snop;
	(pc) =	sbr.rel .LBB2_5-.Ltmp10, $4  }
0x23c: {  	_ = 	snop  }
0x23d: {  	[tilespmem:s0], [sflag:$0x1] =	stream.indirect_vreg.gather [hbm4b:s3+s1], $0x80, v5, vm0, $0xb8;
	[tilespmem:$0x1C800] =	vst v63  }
0x23e: {  	_ = 	snop  }
0x23f: {  	[tilespmem:s5], [sflag:$0x1] =	stream.indirect_vreg.gather [hbm4b:s3+s1], $0x80, v4, vm0, $0xb8;
	[tilespmem:$0x1C800] =	vst v63  }
.LBB2_15:
0x240: {  	s22 =	simm.s32 $0x0;
	s23 =	rddreg [dreg:$0x8];
	s24 =	simm.s32 $0xA000  }
0x241: {  	[tilespmem:s24], [sflag:$0x3] =	stream.linear.gather [hbm4b:s23+s22], $0x1400, $0x38;
	[tilespmem:$0x1C800] =	vst v63  }
0x242: {  	s24 =	simm.s32 $0x3  }
0x243: {  	_ =	swait.ge [sflag:s24], $0x1400  }
0x244: {  	[sflag:s24] =	ssyncset.done $0x0  }
0x245: {  	s26 =	simm.s32 $0xB400;
	s28 =	rddreg [dreg:$0x9];
	[sflag:s24] =	ssyncadd.s32 $0xFFFFEC00  }
0x246: {  	[tilespmem:s26], [sflag:$0x3] =	stream.linear.gather [hbm4b:s28+s22], $0x1400, $0x38;
	[tilespmem:$0x1C800] =	vst v63  }
0x247: {  	_ =	swait.ge [sflag:s24], $0x1400  }
0x248: {  	[sflag:s24] =	ssyncset.done $0x0  }
0x249: {  	[sflag:s24] =	ssyncadd.s32 $0xFFFFEC00  }
0x24a: {  	v4 =	vld [tilespmem:$0xA000];
	_ =	sdelay $0x4  }
0x24b: {  	v5 =	vshll.u32 v4, $0x1  }
0x24c: {  	v4 =	vand.u32 $0x7, v4;
	v5 =	vand.u32 $0xFFFFFFF0, v5  }
0x24d: {  	v4 =	vor.u32 v4, v5  }
0x24e: {  	v5 =	vperm.xlane v4, v0;
	_ =	sdelay $0x1  }
0x24f: {  	v4 =	vperm.xlane v4, v3;
	v5 =	vadd.s32 v1, v5;
	_ =	sdelay $0x1  }
0x250: {  	v4 =	vadd.s32 v1, v4;
	_ =	sdelay $0x1  }
0x251: {  	s26 =	simm.s32 $0xC800  }
0x252: {  	[tilespmem:s26], [sflag:$0x1] =	stream.indirect_vreg.gather [hbm4b:s4+s22], $0x80, v5, vm0, $0xb8;
	[tilespmem:$0x1C800] =	vst v63  }
0x253: {  	s24 =	simm.s32 $0xD000  }
0x254: {  	[tilespmem:s24], [sflag:$0x1] =	stream.indirect_vreg.gather [hbm4b:s4+s22], $0x80, v4, vm0, $0xb8;
	[tilespmem:$0x1C800] =	vst v63  }
0x255: {  	v4 =	vld [tilespmem:$0xA010];
	_ =	sdelay $0x4  }
0x256: {  	v5 =	vshll.u32 v4, $0x1  }
0x257: {  	v4 =	vand.u32 $0x7, v4;
	v5 =	vand.u32 $0xFFFFFFF0, v5  }
0x258: {  	v4 =	vor.u32 v4, v5  }
0x259: {  	v5 =	vperm.xlane v4, v0;
	_ =	sdelay $0x1  }
0x25a: {  	v4 =	vperm.xlane v4, v3;
	v5 =	vadd.s32 v1, v5;
	_ =	sdelay $0x1  }
0x25b: {  	v4 =	vadd.s32 v1, v4;
	_ =	sdelay $0x1  }
0x25c: {  	s28 =	simm.s32 $0xD800  }
0x25d: {  	[tilespmem:s28], [sflag:$0x1] =	stream.indirect_vreg.gather [hbm4b:s4+s22], $0x80, v5, vm0, $0xb8;
	[tilespmem:$0x1C800] =	vst v63  }
0x25e: {  	s28 =	simm.s32 $0xE000  }
0x25f: {  	[tilespmem:s28], [sflag:$0x1] =	stream.indirect_vreg.gather [hbm4b:s4+s22], $0x80, v4, vm0, $0xb8;
	[tilespmem:$0x1C800] =	vst v63  }
0x260: {  	v4 =	vld [tilespmem:$0xA020];
	_ =	sdelay $0x4  }
0x261: {  	v5 =	vshll.u32 v4, $0x1  }
0x262: {  	v4 =	vand.u32 $0x7, v4;
	v5 =	vand.u32 $0xFFFFFFF0, v5  }
0x263: {  	v4 =	vor.u32 v4, v5  }
0x264: {  	v5 =	vperm.xlane v4, v0;
	_ =	sdelay $0x1  }
0x265: {  	v4 =	vperm.xlane v4, v3;
	v5 =	vadd.s32 v1, v5;
	_ =	sdelay $0x1  }
0x266: {  	v4 =	vadd.s32 v1, v4;
	_ =	sdelay $0x1  }
0x267: {  	s28 =	simm.s32 $0xE800  }
0x268: {  	[tilespmem:s28], [sflag:$0x1] =	stream.indirect_vreg.gather [hbm4b:s4+s22], $0x80, v5, vm0, $0xb8;
	[tilespmem:$0x1C800] =	vst v63  }
0x269: {  	s28 =	simm.s32 $0xF000  }
0x26a: {  	[tilespmem:s28], [sflag:$0x1] =	stream.indirect_vreg.gather [hbm4b:s4+s22], $0x80, v4, vm0, $0xb8;
	[tilespmem:$0x1C800] =	vst v63  }
0x26b: {  	v4 =	vld [tilespmem:$0xA030];
	_ =	sdelay $0x4  }
0x26c: {  	v5 =	vshll.u32 v4, $0x1  }
0x26d: {  	v4 =	vand.u32 $0x7, v4;
	v5 =	vand.u32 $0xFFFFFFF0, v5  }
0x26e: {  	v4 =	vor.u32 v4, v5  }
0x26f: {  	v5 =	vperm.xlane v4, v0;
	_ =	sdelay $0x1  }
0x270: {  	v4 =	vperm.xlane v4, v3;
	v5 =	vadd.s32 v1, v5;
	_ =	sdelay $0x1  }
0x271: {  	v4 =	vadd.s32 v1, v4;
	_ =	sdelay $0x1  }
0x272: {  	s28 =	simm.s32 $0xF800  }
0x273: {  	[tilespmem:s28], [sflag:$0x1] =	stream.indirect_vreg.gather [hbm4b:s4+s22], $0x80, v5, vm0, $0xb8;
	[tilespmem:$0x1C800] =	vst v63  }
0x274: {  	s28 =	simm.s32 $0x10000  }
0x275: {  	[tilespmem:s28], [sflag:$0x1] =	stream.indirect_vreg.gather [hbm4b:s4+s22], $0x80, v4, vm0, $0xb8;
	[tilespmem:$0x1C800] =	vst v63  }
0x276: {  	v4 =	vld [tilespmem:$0xA040];
	_ =	sdelay $0x4  }
0x277: {  	v5 =	vshll.u32 v4, $0x1  }
0x278: {  	v4 =	vand.u32 $0x7, v4;
	v5 =	vand.u32 $0xFFFFFFF0, v5  }
0x279: {  	v4 =	vor.u32 v4, v5  }
0x27a: {  	v5 =	vperm.xlane v4, v0;
	_ =	sdelay $0x1  }
0x27b: {  	v4 =	vperm.xlane v4, v3;
	v5 =	vadd.s32 v1, v5;
	_ =	sdelay $0x1  }
0x27c: {  	v4 =	vadd.s32 v1, v4;
	_ =	sdelay $0x1  }
0x27d: {  	s28 =	simm.s32 $0x10800  }
0x27e: {  	[tilespmem:s28], [sflag:$0x1] =	stream.indirect_vreg.gather [hbm4b:s4+s22], $0x80, v5, vm0, $0xb8;
	[tilespmem:$0x1C800] =	vst v63  }
0x27f: {  	s28 =	simm.s32 $0x11000  }
0x280: {  	[tilespmem:s28], [sflag:$0x1] =	stream.indirect_vreg.gather [hbm4b:s4+s22], $0x80, v4, vm0, $0xb8;
	[tilespmem:$0x1C800] =	vst v63  }
0x281: {  	v4 =	vld [tilespmem:$0xA050];
	_ =	sdelay $0x4  }
0x282: {  	v5 =	vshll.u32 v4, $0x1  }
0x283: {  	v4 =	vand.u32 $0x7, v4;
	v5 =	vand.u32 $0xFFFFFFF0, v5  }
0x284: {  	v4 =	vor.u32 v4, v5  }
0x285: {  	v5 =	vperm.xlane v4, v0;
	_ =	sdelay $0x1  }
0x286: {  	v4 =	vperm.xlane v4, v3;
	v5 =	vadd.s32 v1, v5;
	_ =	sdelay $0x1  }
0x287: {  	v4 =	vadd.s32 v1, v4;
	_ =	sdelay $0x1  }
0x288: {  	s28 =	simm.s32 $0x11800  }
0x289: {  	[tilespmem:s28], [sflag:$0x1] =	stream.indirect_vreg.gather [hbm4b:s4+s22], $0x80, v5, vm0, $0xb8;
	[tilespmem:$0x1C800] =	vst v63  }
0x28a: {  	_ = 	snop  }
0x28b: {  	[tilespmem:s29], [sflag:$0x1] =	stream.indirect_vreg.gather [hbm4b:s4+s22], $0x80, v4, vm0, $0xb8;
	[tilespmem:$0x1C800] =	vst v63  }
0x28c: {  	v4 =	vld [tilespmem:$0xA060];
	_ =	sdelay $0x4  }
0x28d: {  	v5 =	vshll.u32 v4, $0x1  }
0x28e: {  	v4 =	vand.u32 $0x7, v4;
	v5 =	vand.u32 $0xFFFFFFF0, v5  }
0x28f: {  	v4 =	vor.u32 v4, v5  }
0x290: {  	v5 =	vperm.xlane v4, v0;
	_ =	sdelay $0x1  }
0x291: {  	v4 =	vperm.xlane v4, v3;
	v5 =	vadd.s32 v1, v5;
	_ =	sdelay $0x1  }
0x292: {  	v4 =	vadd.s32 v1, v4;
	_ =	sdelay $0x2  }
0x293: {  	[tilespmem:s30], [sflag:$0x1] =	stream.indirect_vreg.gather [hbm4b:s4+s22], $0x80, v5, vm0, $0xb8;
	[tilespmem:$0x1C800] =	vst v63  }
0x294: {  	_ = 	snop  }
0x295: {  	[tilespmem:s31], [sflag:$0x1] =	stream.indirect_vreg.gather [hbm4b:s4+s22], $0x80, v4, vm0, $0xb8;
	[tilespmem:$0x1C800] =	vst v63  }
0x296: {  	v4 =	vld [tilespmem:$0xA070];
	_ =	sdelay $0x4  }
0x297: {  	v5 =	vshll.u32 v4, $0x1  }
0x298: {  	v4 =	vand.u32 $0x7, v4;
	v5 =	vand.u32 $0xFFFFFFF0, v5  }
0x299: {  	v4 =	vor.u32 v4, v5  }
0x29a: {  	v5 =	vperm.xlane v4, v0;
	_ =	sdelay $0x1  }
0x29b: {  	v4 =	vperm.xlane v4, v3;
	v5 =	vadd.s32 v1, v5;
	_ =	sdelay $0x1  }
0x29c: {  	v4 =	vadd.s32 v1, v4  }
.Ltmp11:
0x29d: {  	_ = 	snop;
	(pc) =	sbr.rel .LBB2_16-.Ltmp11, $4  }
0x29e: {  	_ = 	snop  }
0x29f: {  	[tilespmem:s0], [sflag:$0x1] =	stream.indirect_vreg.gather [hbm4b:s4+s22], $0x80, v5, vm0, $0xb8;
	[tilespmem:$0x1C800] =	vst v63  }
0x2a0: {  	_ = 	snop  }
0x2a1: {  	[tilespmem:s5], [sflag:$0x1] =	stream.indirect_vreg.gather [hbm4b:s4+s22], $0x80, v4, vm0, $0xb8;
	[tilespmem:$0x1C800] =	vst v63  }
.LBB2_18:
0x2a2: {  	s22 =	sadd.s32 $0x400, s22  }
0x2a3: {  	p1 =	sne.s32 s22, $0x5000  }
.Ltmp12:
0x2a4: {  	_ = 	snop;
	(pc) =	sbr.rel @!p1 .LBB2_19-.Ltmp12, $4  }
0x2a5: {  	_ = 	snop  }
0x2a6: {  	_ =	swait.ge [sflag:s21], $0x8000  }
0x2a7: {  	[sflag:s21] =	ssyncset.done $0x0  }
0x2a8: {  	[sflag:s21] =	ssyncadd.s32 $0xFFFF8000  }
.LBB2_16:
0x2a9: {  	s23 =	sshra.s32 s22, $0x2  }
0x2aa: {  	v4 =	vld [tilespmem:s23+$0xA080];
	_ =	sdelay $0x4  }
0x2ab: {  	v5 =	vshll.u32 v4, $0x1  }
0x2ac: {  	v4 =	vand.u32 $0x7, v4;
	v5 =	vand.u32 $0xFFFFFFF0, v5  }
0x2ad: {  	v4 =	vor.u32 v4, v5  }
0x2ae: {  	v5 =	vperm.xlane v4, v0;
	_ =	sdelay $0x1  }
0x2af: {  	v4 =	vperm.xlane v4, v3;
	v5 =	vadd.s32 v1, v5;
	_ =	sdelay $0x1  }
0x2b0: {  	v4 =	vadd.s32 v1, v4;
	_ =	sdelay $0x2  }
0x2b1: {  	[tilespmem:s7], [sflag:$0x2] =	stream.indirect_vreg.gather [hbm4b:s4+s1], $0x80, v5, vm0, $0xb8;
	[tilespmem:$0x1C800] =	vst v63  }
0x2b2: {  	_ = 	snop  }
0x2b3: {  	[tilespmem:s2], [sflag:$0x2] =	stream.indirect_vreg.gather [hbm4b:s4+s1], $0x80, v4, vm0, $0xb8;
	[tilespmem:$0x1C800] =	vst v63  }
0x2b4: {  	v4 =	vld [tilespmem:s23+$0xA090];
	_ =	sdelay $0x4  }
0x2b5: {  	v5 =	vshll.u32 v4, $0x1  }
0x2b6: {  	v4 =	vand.u32 $0x7, v4;
	v5 =	vand.u32 $0xFFFFFFF0, v5  }
0x2b7: {  	v4 =	vor.u32 v4, v5  }
0x2b8: {  	v5 =	vperm.xlane v4, v0;
	_ =	sdelay $0x1  }
0x2b9: {  	v4 =	vperm.xlane v4, v3;
	v5 =	vadd.s32 v1, v5;
	_ =	sdelay $0x1  }
0x2ba: {  	v4 =	vadd.s32 v1, v4;
	_ =	sdelay $0x2  }
0x2bb: {  	[tilespmem:s13], [sflag:$0x2] =	stream.indirect_vreg.gather [hbm4b:s4+s1], $0x80, v5, vm0, $0xb8;
	[tilespmem:$0x1C800] =	vst v63  }
0x2bc: {  	_ = 	snop  }
0x2bd: {  	[tilespmem:s15], [sflag:$0x2] =	stream.indirect_vreg.gather [hbm4b:s4+s1], $0x80, v4, vm0, $0xb8;
	[tilespmem:$0x1C800] =	vst v63  }
0x2be: {  	v4 =	vld [tilespmem:s23+$0xA0A0];
	_ =	sdelay $0x4  }
0x2bf: {  	v5 =	vshll.u32 v4, $0x1  }
0x2c0: {  	v4 =	vand.u32 $0x7, v4;
	v5 =	vand.u32 $0xFFFFFFF0, v5  }
0x2c1: {  	v4 =	vor.u32 v4, v5  }
0x2c2: {  	v5 =	vperm.xlane v4, v0;
	_ =	sdelay $0x1  }
0x2c3: {  	v4 =	vperm.xlane v4, v3;
	v5 =	vadd.s32 v1, v5;
	_ =	sdelay $0x1  }
0x2c4: {  	v4 =	vadd.s32 v1, v4;
	_ =	sdelay $0x2  }
0x2c5: {  	[tilespmem:s8], [sflag:$0x2] =	stream.indirect_vreg.gather [hbm4b:s4+s1], $0x80, v5, vm0, $0xb8;
	[tilespmem:$0x1C800] =	vst v63  }
0x2c6: {  	_ = 	snop  }
0x2c7: {  	[tilespmem:s9], [sflag:$0x2] =	stream.indirect_vreg.gather [hbm4b:s4+s1], $0x80, v4, vm0, $0xb8;
	[tilespmem:$0x1C800] =	vst v63  }
0x2c8: {  	v4 =	vld [tilespmem:s23+$0xA0B0];
	_ =	sdelay $0x4  }
0x2c9: {  	v5 =	vshll.u32 v4, $0x1  }
0x2ca: {  	v4 =	vand.u32 $0x7, v4;
	v5 =	vand.u32 $0xFFFFFFF0, v5  }
0x2cb: {  	v4 =	vor.u32 v4, v5  }
0x2cc: {  	v5 =	vperm.xlane v4, v0;
	_ =	sdelay $0x1  }
0x2cd: {  	v4 =	vperm.xlane v4, v3;
	v5 =	vadd.s32 v1, v5;
	_ =	sdelay $0x1  }
0x2ce: {  	v4 =	vadd.s32 v1, v4;
	_ =	sdelay $0x2  }
0x2cf: {  	[tilespmem:s10], [sflag:$0x2] =	stream.indirect_vreg.gather [hbm4b:s4+s1], $0x80, v5, vm0, $0xb8;
	[tilespmem:$0x1C800] =	vst v63  }
0x2d0: {  	_ = 	snop  }
0x2d1: {  	[tilespmem:s11], [sflag:$0x2] =	stream.indirect_vreg.gather [hbm4b:s4+s1], $0x80, v4, vm0, $0xb8;
	[tilespmem:$0x1C800] =	vst v63  }
0x2d2: {  	v4 =	vld [tilespmem:s23+$0xA0C0];
	_ =	sdelay $0x4  }
0x2d3: {  	v5 =	vshll.u32 v4, $0x1  }
0x2d4: {  	v4 =	vand.u32 $0x7, v4;
	v5 =	vand.u32 $0xFFFFFFF0, v5  }
0x2d5: {  	v4 =	vor.u32 v4, v5  }
0x2d6: {  	v5 =	vperm.xlane v4, v0;
	_ =	sdelay $0x1  }
0x2d7: {  	v4 =	vperm.xlane v4, v3;
	v5 =	vadd.s32 v1, v5;
	_ =	sdelay $0x1  }
0x2d8: {  	v4 =	vadd.s32 v1, v4;
	_ =	sdelay $0x2  }
0x2d9: {  	[tilespmem:s12], [sflag:$0x2] =	stream.indirect_vreg.gather [hbm4b:s4+s1], $0x80, v5, vm0, $0xb8;
	[tilespmem:$0x1C800] =	vst v63  }
0x2da: {  	_ = 	snop  }
0x2db: {  	[tilespmem:s25], [sflag:$0x2] =	stream.indirect_vreg.gather [hbm4b:s4+s1], $0x80, v4, vm0, $0xb8;
	[tilespmem:$0x1C800] =	vst v63  }
0x2dc: {  	v4 =	vld [tilespmem:s23+$0xA0D0];
	_ =	sdelay $0x4  }
0x2dd: {  	v5 =	vshll.u32 v4, $0x1  }
0x2de: {  	v4 =	vand.u32 $0x7, v4;
	v5 =	vand.u32 $0xFFFFFFF0, v5  }
0x2df: {  	v4 =	vor.u32 v4, v5  }
0x2e0: {  	v5 =	vperm.xlane v4, v0;
	_ =	sdelay $0x1  }
0x2e1: {  	v4 =	vperm.xlane v4, v3;
	v5 =	vadd.s32 v1, v5;
	_ =	sdelay $0x1  }
0x2e2: {  	v4 =	vadd.s32 v1, v4;
	_ =	sdelay $0x2  }
0x2e3: {  	[tilespmem:s6], [sflag:$0x2] =	stream.indirect_vreg.gather [hbm4b:s4+s1], $0x80, v5, vm0, $0xb8;
	[tilespmem:$0x1C800] =	vst v63  }
0x2e4: {  	_ = 	snop  }
0x2e5: {  	[tilespmem:s14], [sflag:$0x2] =	stream.indirect_vreg.gather [hbm4b:s4+s1], $0x80, v4, vm0, $0xb8;
	[tilespmem:$0x1C800] =	vst v63  }
0x2e6: {  	v4 =	vld [tilespmem:s23+$0xA0E0];
	_ =	sdelay $0x4  }
0x2e7: {  	v5 =	vshll.u32 v4, $0x1  }
0x2e8: {  	v4 =	vand.u32 $0x7, v4;
	v5 =	vand.u32 $0xFFFFFFF0, v5  }
0x2e9: {  	v4 =	vor.u32 v4, v5  }
0x2ea: {  	v5 =	vperm.xlane v4, v0;
	_ =	sdelay $0x1  }
0x2eb: {  	v4 =	vperm.xlane v4, v3;
	v5 =	vadd.s32 v1, v5;
	_ =	sdelay $0x1  }
0x2ec: {  	v4 =	vadd.s32 v1, v4;
	_ =	sdelay $0x2  }
0x2ed: {  	[tilespmem:s16], [sflag:$0x2] =	stream.indirect_vreg.gather [hbm4b:s4+s1], $0x80, v5, vm0, $0xb8;
	[tilespmem:$0x1C800] =	vst v63  }
0x2ee: {  	_ = 	snop  }
0x2ef: {  	[tilespmem:s17], [sflag:$0x2] =	stream.indirect_vreg.gather [hbm4b:s4+s1], $0x80, v4, vm0, $0xb8;
	[tilespmem:$0x1C800] =	vst v63  }
0x2f0: {  	v4 =	vld [tilespmem:s23+$0xA0F0];
	_ =	sdelay $0x4  }
0x2f1: {  	v5 =	vshll.u32 v4, $0x1  }
0x2f2: {  	v4 =	vand.u32 $0x7, v4;
	v5 =	vand.u32 $0xFFFFFFF0, v5  }
0x2f3: {  	v4 =	vor.u32 v4, v5  }
0x2f4: {  	v5 =	vperm.xlane v4, v0;
	_ =	sdelay $0x1  }
0x2f5: {  	v4 =	vperm.xlane v4, v3;
	v5 =	vadd.s32 v1, v5;
	_ =	sdelay $0x1  }
0x2f6: {  	v4 =	vadd.s32 v1, v4;
	_ =	sdelay $0x1  }
0x2f7: {  	p1 =	seq.s32 s22, $0x4C00  }
0x2f8: {  	[tilespmem:s18], [sflag:$0x2] =	stream.indirect_vreg.gather [hbm4b:s4+s1], $0x80, v5, vm0, $0xb8;
	[tilespmem:$0x1C800] =	vst v63  }
.Ltmp13:
0x2f9: {  	_ = 	snop;
	(pc) =	sbr.rel @p1 .LBB2_18-.Ltmp13, $4  }
0x2fa: {  	[tilespmem:s19], [sflag:$0x2] =	stream.indirect_vreg.gather [hbm4b:s4+s1], $0x80, v4, vm0, $0xb8;
	[tilespmem:$0x1C800] =	vst v63  }
0x2fb: {  	_ =	swait.ge [sflag:s20], $0x8000  }
0x2fc: {  	[sflag:s20] =	ssyncset.done $0x0  }
0x2fd: {  	[sflag:s20] =	ssyncadd.s32 $0xFFFF8000  }
0x2fe: {  	v4 =	vld [tilespmem:s23+$0xA100];
	_ =	sdelay $0x4  }
0x2ff: {  	v5 =	vshll.u32 v4, $0x1  }
0x300: {  	v4 =	vand.u32 $0x7, v4;
	v5 =	vand.u32 $0xFFFFFFF0, v5  }
0x301: {  	v4 =	vor.u32 v4, v5  }
0x302: {  	v5 =	vperm.xlane v4, v0;
	_ =	sdelay $0x1  }
0x303: {  	v4 =	vperm.xlane v4, v3;
	v5 =	vadd.s32 v1, v5;
	_ =	sdelay $0x1  }
0x304: {  	v4 =	vadd.s32 v1, v4;
	_ =	sdelay $0x2  }
0x305: {  	[tilespmem:s26], [sflag:$0x1] =	stream.indirect_vreg.gather [hbm4b:s4+s1], $0x80, v5, vm0, $0xb8;
	[tilespmem:$0x1C800] =	vst v63  }
0x306: {  	_ = 	snop  }
0x307: {  	[tilespmem:s24], [sflag:$0x1] =	stream.indirect_vreg.gather [hbm4b:s4+s1], $0x80, v4, vm0, $0xb8;
	[tilespmem:$0x1C800] =	vst v63  }
0x308: {  	v4 =	vld [tilespmem:s23+$0xA110];
	_ =	sdelay $0x4  }
0x309: {  	v5 =	vshll.u32 v4, $0x1  }
0x30a: {  	v4 =	vand.u32 $0x7, v4;
	v5 =	vand.u32 $0xFFFFFFF0, v5  }
0x30b: {  	v4 =	vor.u32 v4, v5  }
0x30c: {  	v5 =	vperm.xlane v4, v0;
	_ =	sdelay $0x1  }
0x30d: {  	v4 =	vperm.xlane v4, v3;
	v5 =	vadd.s32 v1, v5;
	_ =	sdelay $0x1  }
0x30e: {  	v4 =	vadd.s32 v1, v4;
	_ =	sdelay $0x1  }
0x30f: {  	s28 =	simm.s32 $0xD800  }
0x310: {  	[tilespmem:s28], [sflag:$0x1] =	stream.indirect_vreg.gather [hbm4b:s4+s1], $0x80, v5, vm0, $0xb8;
	[tilespmem:$0x1C800] =	vst v63  }
0x311: {  	s28 =	simm.s32 $0xE000  }
0x312: {  	[tilespmem:s28], [sflag:$0x1] =	stream.indirect_vreg.gather [hbm4b:s4+s1], $0x80, v4, vm0, $0xb8;
	[tilespmem:$0x1C800] =	vst v63  }
0x313: {  	v4 =	vld [tilespmem:s23+$0xA120];
	_ =	sdelay $0x4  }
0x314: {  	v5 =	vshll.u32 v4, $0x1  }
0x315: {  	v4 =	vand.u32 $0x7, v4;
	v5 =	vand.u32 $0xFFFFFFF0, v5  }
0x316: {  	v4 =	vor.u32 v4, v5  }
0x317: {  	v5 =	vperm.xlane v4, v0;
	_ =	sdelay $0x1  }
0x318: {  	v4 =	vperm.xlane v4, v3;
	v5 =	vadd.s32 v1, v5;
	_ =	sdelay $0x1  }
0x319: {  	v4 =	vadd.s32 v1, v4;
	_ =	sdelay $0x1  }
0x31a: {  	s28 =	simm.s32 $0xE800  }
0x31b: {  	[tilespmem:s28], [sflag:$0x1] =	stream.indirect_vreg.gather [hbm4b:s4+s1], $0x80, v5, vm0, $0xb8;
	[tilespmem:$0x1C800] =	vst v63  }
0x31c: {  	s28 =	simm.s32 $0xF000  }
0x31d: {  	[tilespmem:s28], [sflag:$0x1] =	stream.indirect_vreg.gather [hbm4b:s4+s1], $0x80, v4, vm0, $0xb8;
	[tilespmem:$0x1C800] =	vst v63  }
0x31e: {  	v4 =	vld [tilespmem:s23+$0xA130];
	_ =	sdelay $0x4  }
0x31f: {  	v5 =	vshll.u32 v4, $0x1  }
0x320: {  	v4 =	vand.u32 $0x7, v4;
	v5 =	vand.u32 $0xFFFFFFF0, v5  }
0x321: {  	v4 =	vor.u32 v4, v5  }
0x322: {  	v5 =	vperm.xlane v4, v0;
	_ =	sdelay $0x1  }
0x323: {  	v4 =	vperm.xlane v4, v3;
	v5 =	vadd.s32 v1, v5;
	_ =	sdelay $0x1  }
0x324: {  	v4 =	vadd.s32 v1, v4;
	_ =	sdelay $0x1  }
0x325: {  	s28 =	simm.s32 $0xF800  }
0x326: {  	[tilespmem:s28], [sflag:$0x1] =	stream.indirect_vreg.gather [hbm4b:s4+s1], $0x80, v5, vm0, $0xb8;
	[tilespmem:$0x1C800] =	vst v63  }
0x327: {  	s28 =	simm.s32 $0x10000  }
0x328: {  	[tilespmem:s28], [sflag:$0x1] =	stream.indirect_vreg.gather [hbm4b:s4+s1], $0x80, v4, vm0, $0xb8;
	[tilespmem:$0x1C800] =	vst v63  }
0x329: {  	v4 =	vld [tilespmem:s23+$0xA140];
	_ =	sdelay $0x4  }
0x32a: {  	v5 =	vshll.u32 v4, $0x1  }
0x32b: {  	v4 =	vand.u32 $0x7, v4;
	v5 =	vand.u32 $0xFFFFFFF0, v5  }
0x32c: {  	v4 =	vor.u32 v4, v5  }
0x32d: {  	v5 =	vperm.xlane v4, v0;
	_ =	sdelay $0x1  }
0x32e: {  	v4 =	vperm.xlane v4, v3;
	v5 =	vadd.s32 v1, v5;
	_ =	sdelay $0x1  }
0x32f: {  	v4 =	vadd.s32 v1, v4;
	_ =	sdelay $0x1  }
0x330: {  	s28 =	simm.s32 $0x10800  }
0x331: {  	[tilespmem:s28], [sflag:$0x1] =	stream.indirect_vreg.gather [hbm4b:s4+s1], $0x80, v5, vm0, $0xb8;
	[tilespmem:$0x1C800] =	vst v63  }
0x332: {  	s28 =	simm.s32 $0x11000  }
0x333: {  	[tilespmem:s28], [sflag:$0x1] =	stream.indirect_vreg.gather [hbm4b:s4+s1], $0x80, v4, vm0, $0xb8;
	[tilespmem:$0x1C800] =	vst v63  }
0x334: {  	v4 =	vld [tilespmem:s23+$0xA150];
	_ =	sdelay $0x4  }
0x335: {  	v5 =	vshll.u32 v4, $0x1  }
0x336: {  	v4 =	vand.u32 $0x7, v4;
	v5 =	vand.u32 $0xFFFFFFF0, v5  }
0x337: {  	v4 =	vor.u32 v4, v5  }
0x338: {  	v5 =	vperm.xlane v4, v0;
	_ =	sdelay $0x1  }
0x339: {  	v4 =	vperm.xlane v4, v3;
	v5 =	vadd.s32 v1, v5;
	_ =	sdelay $0x1  }
0x33a: {  	v4 =	vadd.s32 v1, v4;
	_ =	sdelay $0x1  }
0x33b: {  	s28 =	simm.s32 $0x11800  }
0x33c: {  	[tilespmem:s28], [sflag:$0x1] =	stream.indirect_vreg.gather [hbm4b:s4+s1], $0x80, v5, vm0, $0xb8;
	[tilespmem:$0x1C800] =	vst v63  }
0x33d: {  	_ = 	snop  }
0x33e: {  	[tilespmem:s29], [sflag:$0x1] =	stream.indirect_vreg.gather [hbm4b:s4+s1], $0x80, v4, vm0, $0xb8;
	[tilespmem:$0x1C800] =	vst v63  }
0x33f: {  	v4 =	vld [tilespmem:s23+$0xA160];
	_ =	sdelay $0x4  }
0x340: {  	v5 =	vshll.u32 v4, $0x1  }
0x341: {  	v4 =	vand.u32 $0x7, v4;
	v5 =	vand.u32 $0xFFFFFFF0, v5  }
0x342: {  	v4 =	vor.u32 v4, v5  }
0x343: {  	v5 =	vperm.xlane v4, v0;
	_ =	sdelay $0x1  }
0x344: {  	v4 =	vperm.xlane v4, v3;
	v5 =	vadd.s32 v1, v5;
	_ =	sdelay $0x1  }
0x345: {  	v4 =	vadd.s32 v1, v4;
	_ =	sdelay $0x2  }
0x346: {  	[tilespmem:s30], [sflag:$0x1] =	stream.indirect_vreg.gather [hbm4b:s4+s1], $0x80, v5, vm0, $0xb8;
	[tilespmem:$0x1C800] =	vst v63  }
0x347: {  	_ = 	snop  }
0x348: {  	[tilespmem:s31], [sflag:$0x1] =	stream.indirect_vreg.gather [hbm4b:s4+s1], $0x80, v4, vm0, $0xb8;
	[tilespmem:$0x1C800] =	vst v63  }
0x349: {  	v4 =	vld [tilespmem:s23+$0xA170];
	_ =	sdelay $0x4  }
0x34a: {  	v5 =	vshll.u32 v4, $0x1  }
0x34b: {  	v4 =	vand.u32 $0x7, v4;
	v5 =	vand.u32 $0xFFFFFFF0, v5  }
0x34c: {  	v4 =	vor.u32 v4, v5  }
0x34d: {  	v5 =	vperm.xlane v4, v0;
	_ =	sdelay $0x1  }
0x34e: {  	v4 =	vperm.xlane v4, v3;
	v5 =	vadd.s32 v1, v5;
	_ =	sdelay $0x1  }
0x34f: {  	v4 =	vadd.s32 v1, v4  }
.Ltmp14:
0x350: {  	_ = 	snop;
	(pc) =	sbr.rel .LBB2_18-.Ltmp14, $4  }
0x351: {  	_ = 	snop  }
0x352: {  	[tilespmem:s0], [sflag:$0x1] =	stream.indirect_vreg.gather [hbm4b:s4+s1], $0x80, v5, vm0, $0xb8;
	[tilespmem:$0x1C800] =	vst v63  }
0x353: {  	_ = 	snop  }
0x354: {  	[tilespmem:s5], [sflag:$0x1] =	stream.indirect_vreg.gather [hbm4b:s4+s1], $0x80, v4, vm0, $0xb8;
	[tilespmem:$0x1C800] =	vst v63  }
.LBB2_6:
0x355: {  	s22 =	simm.s32 $0x0;
	s23 =	rddreg [dreg:$0x8];
	s24 =	simm.s32 $0xA000  }
0x356: {  	[tilespmem:s24], [sflag:$0x3] =	stream.linear.gather [hbm4b:s23+s22], $0x1400, $0x38;
	[tilespmem:$0x1C800] =	vst v63  }
0x357: {  	s24 =	simm.s32 $0x3  }
0x358: {  	_ =	swait.ge [sflag:s24], $0x1400  }
0x359: {  	[sflag:s24] =	ssyncset.done $0x0  }
0x35a: {  	s26 =	simm.s32 $0xB400;
	s28 =	rddreg [dreg:$0x9];
	[sflag:s24] =	ssyncadd.s32 $0xFFFFEC00  }
0x35b: {  	[tilespmem:s26], [sflag:$0x3] =	stream.linear.gather [hbm4b:s28+s22], $0x1400, $0x38;
	[tilespmem:$0x1C800] =	vst v63  }
0x35c: {  	_ =	swait.ge [sflag:s24], $0x1400  }
0x35d: {  	[sflag:s24] =	ssyncset.done $0x0  }
0x35e: {  	[sflag:s24] =	ssyncadd.s32 $0xFFFFEC00  }
0x35f: {  	v4 =	vld [tilespmem:$0xA000];
	_ =	sdelay $0x4  }
0x360: {  	v5 =	vshll.u32 v4, $0x1  }
0x361: {  	v4 =	vand.u32 $0x7, v4;
	v5 =	vand.u32 $0xFFFFFFF0, v5  }
0x362: {  	v4 =	vor.u32 v4, v5  }
0x363: {  	v5 =	vperm.xlane v4, v0;
	_ =	sdelay $0x1  }
0x364: {  	v4 =	vperm.xlane v4, v3;
	v5 =	vadd.s32 v1, v5;
	_ =	sdelay $0x1  }
0x365: {  	v4 =	vadd.s32 v1, v4;
	_ =	sdelay $0x1  }
0x366: {  	s26 =	simm.s32 $0xC800  }
0x367: {  	[tilespmem:s26], [sflag:$0x1] =	stream.indirect_vreg.gather [hbm4b:s3+s22], $0x80, v5, vm0, $0xb8;
	[tilespmem:$0x1C800] =	vst v63  }
0x368: {  	s24 =	simm.s32 $0xD000  }
0x369: {  	[tilespmem:s24], [sflag:$0x1] =	stream.indirect_vreg.gather [hbm4b:s3+s22], $0x80, v4, vm0, $0xb8;
	[tilespmem:$0x1C800] =	vst v63  }
0x36a: {  	v4 =	vld [tilespmem:$0xA010];
	_ =	sdelay $0x4  }
0x36b: {  	v5 =	vshll.u32 v4, $0x1  }
0x36c: {  	v4 =	vand.u32 $0x7, v4;
	v5 =	vand.u32 $0xFFFFFFF0, v5  }
0x36d: {  	v4 =	vor.u32 v4, v5  }
0x36e: {  	v5 =	vperm.xlane v4, v0;
	_ =	sdelay $0x1  }
0x36f: {  	v4 =	vperm.xlane v4, v3;
	v5 =	vadd.s32 v1, v5;
	_ =	sdelay $0x1  }
0x370: {  	v4 =	vadd.s32 v1, v4;
	_ =	sdelay $0x1  }
0x371: {  	s28 =	simm.s32 $0xD800  }
0x372: {  	[tilespmem:s28], [sflag:$0x1] =	stream.indirect_vreg.gather [hbm4b:s3+s22], $0x80, v5, vm0, $0xb8;
	[tilespmem:$0x1C800] =	vst v63  }
0x373: {  	s28 =	simm.s32 $0xE000  }
0x374: {  	[tilespmem:s28], [sflag:$0x1] =	stream.indirect_vreg.gather [hbm4b:s3+s22], $0x80, v4, vm0, $0xb8;
	[tilespmem:$0x1C800] =	vst v63  }
0x375: {  	v4 =	vld [tilespmem:$0xA020];
	_ =	sdelay $0x4  }
0x376: {  	v5 =	vshll.u32 v4, $0x1  }
0x377: {  	v4 =	vand.u32 $0x7, v4;
	v5 =	vand.u32 $0xFFFFFFF0, v5  }
0x378: {  	v4 =	vor.u32 v4, v5  }
0x379: {  	v5 =	vperm.xlane v4, v0;
	_ =	sdelay $0x1  }
0x37a: {  	v4 =	vperm.xlane v4, v3;
	v5 =	vadd.s32 v1, v5;
	_ =	sdelay $0x1  }
0x37b: {  	v4 =	vadd.s32 v1, v4;
	_ =	sdelay $0x1  }
0x37c: {  	s28 =	simm.s32 $0xE800  }
0x37d: {  	[tilespmem:s28], [sflag:$0x1] =	stream.indirect_vreg.gather [hbm4b:s3+s22], $0x80, v5, vm0, $0xb8;
	[tilespmem:$0x1C800] =	vst v63  }
0x37e: {  	s28 =	simm.s32 $0xF000  }
0x37f: {  	[tilespmem:s28], [sflag:$0x1] =	stream.indirect_vreg.gather [hbm4b:s3+s22], $0x80, v4, vm0, $0xb8;
	[tilespmem:$0x1C800] =	vst v63  }
0x380: {  	v4 =	vld [tilespmem:$0xA030];
	_ =	sdelay $0x4  }
0x381: {  	v5 =	vshll.u32 v4, $0x1  }
0x382: {  	v4 =	vand.u32 $0x7, v4;
	v5 =	vand.u32 $0xFFFFFFF0, v5  }
0x383: {  	v4 =	vor.u32 v4, v5  }
0x384: {  	v5 =	vperm.xlane v4, v0;
	_ =	sdelay $0x1  }
0x385: {  	v4 =	vperm.xlane v4, v3;
	v5 =	vadd.s32 v1, v5;
	_ =	sdelay $0x1  }
0x386: {  	v4 =	vadd.s32 v1, v4;
	_ =	sdelay $0x1  }
0x387: {  	s28 =	simm.s32 $0xF800  }
0x388: {  	[tilespmem:s28], [sflag:$0x1] =	stream.indirect_vreg.gather [hbm4b:s3+s22], $0x80, v5, vm0, $0xb8;
	[tilespmem:$0x1C800] =	vst v63  }
0x389: {  	s28 =	simm.s32 $0x10000  }
0x38a: {  	[tilespmem:s28], [sflag:$0x1] =	stream.indirect_vreg.gather [hbm4b:s3+s22], $0x80, v4, vm0, $0xb8;
	[tilespmem:$0x1C800] =	vst v63  }
0x38b: {  	v4 =	vld [tilespmem:$0xA040];
	_ =	sdelay $0x4  }
0x38c: {  	v5 =	vshll.u32 v4, $0x1  }
0x38d: {  	v4 =	vand.u32 $0x7, v4;
	v5 =	vand.u32 $0xFFFFFFF0, v5  }
0x38e: {  	v4 =	vor.u32 v4, v5  }
0x38f: {  	v5 =	vperm.xlane v4, v0;
	_ =	sdelay $0x1  }
0x390: {  	v4 =	vperm.xlane v4, v3;
	v5 =	vadd.s32 v1, v5;
	_ =	sdelay $0x1  }
0x391: {  	v4 =	vadd.s32 v1, v4;
	_ =	sdelay $0x1  }
0x392: {  	s28 =	simm.s32 $0x10800  }
0x393: {  	[tilespmem:s28], [sflag:$0x1] =	stream.indirect_vreg.gather [hbm4b:s3+s22], $0x80, v5, vm0, $0xb8;
	[tilespmem:$0x1C800] =	vst v63  }
0x394: {  	s28 =	simm.s32 $0x11000  }
0x395: {  	[tilespmem:s28], [sflag:$0x1] =	stream.indirect_vreg.gather [hbm4b:s3+s22], $0x80, v4, vm0, $0xb8;
	[tilespmem:$0x1C800] =	vst v63  }
0x396: {  	v4 =	vld [tilespmem:$0xA050];
	_ =	sdelay $0x4  }
0x397: {  	v5 =	vshll.u32 v4, $0x1  }
0x398: {  	v4 =	vand.u32 $0x7, v4;
	v5 =	vand.u32 $0xFFFFFFF0, v5  }
0x399: {  	v4 =	vor.u32 v4, v5  }
0x39a: {  	v5 =	vperm.xlane v4, v0;
	_ =	sdelay $0x1  }
0x39b: {  	v4 =	vperm.xlane v4, v3;
	v5 =	vadd.s32 v1, v5;
	_ =	sdelay $0x1  }
0x39c: {  	v4 =	vadd.s32 v1, v4;
	_ =	sdelay $0x1  }
0x39d: {  	s28 =	simm.s32 $0x11800  }
0x39e: {  	[tilespmem:s28], [sflag:$0x1] =	stream.indirect_vreg.gather [hbm4b:s3+s22], $0x80, v5, vm0, $0xb8;
	[tilespmem:$0x1C800] =	vst v63  }
0x39f: {  	_ = 	snop  }
0x3a0: {  	[tilespmem:s29], [sflag:$0x1] =	stream.indirect_vreg.gather [hbm4b:s3+s22], $0x80, v4, vm0, $0xb8;
	[tilespmem:$0x1C800] =	vst v63  }
0x3a1: {  	v4 =	vld [tilespmem:$0xA060];
	_ =	sdelay $0x4  }
0x3a2: {  	v5 =	vshll.u32 v4, $0x1  }
0x3a3: {  	v4 =	vand.u32 $0x7, v4;
	v5 =	vand.u32 $0xFFFFFFF0, v5  }
0x3a4: {  	v4 =	vor.u32 v4, v5  }
0x3a5: {  	v5 =	vperm.xlane v4, v0;
	_ =	sdelay $0x1  }
0x3a6: {  	v4 =	vperm.xlane v4, v3;
	v5 =	vadd.s32 v1, v5;
	_ =	sdelay $0x1  }
0x3a7: {  	v4 =	vadd.s32 v1, v4;
	_ =	sdelay $0x2  }
0x3a8: {  	[tilespmem:s30], [sflag:$0x1] =	stream.indirect_vreg.gather [hbm4b:s3+s22], $0x80, v5, vm0, $0xb8;
	[tilespmem:$0x1C800] =	vst v63  }
0x3a9: {  	_ = 	snop  }
0x3aa: {  	[tilespmem:s31], [sflag:$0x1] =	stream.indirect_vreg.gather [hbm4b:s3+s22], $0x80, v4, vm0, $0xb8;
	[tilespmem:$0x1C800] =	vst v63  }
0x3ab: {  	v4 =	vld [tilespmem:$0xA070];
	_ =	sdelay $0x4  }
0x3ac: {  	v5 =	vshll.u32 v4, $0x1  }
0x3ad: {  	v4 =	vand.u32 $0x7, v4;
	v5 =	vand.u32 $0xFFFFFFF0, v5  }
0x3ae: {  	v4 =	vor.u32 v4, v5  }
0x3af: {  	v5 =	vperm.xlane v4, v0;
	_ =	sdelay $0x1  }
0x3b0: {  	v4 =	vperm.xlane v4, v3;
	v5 =	vadd.s32 v1, v5;
	_ =	sdelay $0x1  }
0x3b1: {  	v4 =	vadd.s32 v1, v4  }
.Ltmp15:
0x3b2: {  	_ = 	snop;
	(pc) =	sbr.rel .LBB2_7-.Ltmp15, $4  }
0x3b3: {  	_ = 	snop  }
0x3b4: {  	[tilespmem:s0], [sflag:$0x1] =	stream.indirect_vreg.gather [hbm4b:s3+s22], $0x80, v5, vm0, $0xb8;
	[tilespmem:$0x1C800] =	vst v63  }
0x3b5: {  	_ = 	snop  }
0x3b6: {  	[tilespmem:s5], [sflag:$0x1] =	stream.indirect_vreg.gather [hbm4b:s3+s22], $0x80, v4, vm0, $0xb8;
	[tilespmem:$0x1C800] =	vst v63  }
.LBB2_9:
0x3b7: {  	s22 =	sadd.s32 $0x400, s22  }
0x3b8: {  	p1 =	seq.s32 s22, $0x5000  }
.Ltmp16:
0x3b9: {  	_ = 	snop;
	(pc) =	sbr.rel @p1 .LBB2_10-.Ltmp16, $4  }
0x3ba: {  	_ = 	snop  }
0x3bb: {  	_ =	swait.ge [sflag:s21], $0x8000  }
0x3bc: {  	[sflag:s21] =	ssyncset.done $0x0  }
0x3bd: {  	[sflag:s21] =	ssyncadd.s32 $0xFFFF8000  }
.LBB2_7:
0x3be: {  	s23 =	sshra.s32 s22, $0x2  }
0x3bf: {  	v4 =	vld [tilespmem:s23+$0xA080];
	_ =	sdelay $0x4  }
0x3c0: {  	v5 =	vshll.u32 v4, $0x1  }
0x3c1: {  	v4 =	vand.u32 $0x7, v4;
	v5 =	vand.u32 $0xFFFFFFF0, v5  }
0x3c2: {  	v4 =	vor.u32 v4, v5  }
0x3c3: {  	v5 =	vperm.xlane v4, v0;
	_ =	sdelay $0x1  }
0x3c4: {  	v4 =	vperm.xlane v4, v3;
	v5 =	vadd.s32 v1, v5;
	_ =	sdelay $0x1  }
0x3c5: {  	v4 =	vadd.s32 v1, v4;
	_ =	sdelay $0x2  }
0x3c6: {  	[tilespmem:s7], [sflag:$0x2] =	stream.indirect_vreg.gather [hbm4b:s3+s1], $0x80, v5, vm0, $0xb8;
	[tilespmem:$0x1C800] =	vst v63  }
0x3c7: {  	_ = 	snop  }
0x3c8: {  	[tilespmem:s2], [sflag:$0x2] =	stream.indirect_vreg.gather [hbm4b:s3+s1], $0x80, v4, vm0, $0xb8;
	[tilespmem:$0x1C800] =	vst v63  }
0x3c9: {  	v4 =	vld [tilespmem:s23+$0xA090];
	_ =	sdelay $0x4  }
0x3ca: {  	v5 =	vshll.u32 v4, $0x1  }
0x3cb: {  	v4 =	vand.u32 $0x7, v4;
	v5 =	vand.u32 $0xFFFFFFF0, v5  }
0x3cc: {  	v4 =	vor.u32 v4, v5  }
0x3cd: {  	v5 =	vperm.xlane v4, v0;
	_ =	sdelay $0x1  }
0x3ce: {  	v4 =	vperm.xlane v4, v3;
	v5 =	vadd.s32 v1, v5;
	_ =	sdelay $0x1  }
0x3cf: {  	v4 =	vadd.s32 v1, v4;
	_ =	sdelay $0x2  }
0x3d0: {  	[tilespmem:s13], [sflag:$0x2] =	stream.indirect_vreg.gather [hbm4b:s3+s1], $0x80, v5, vm0, $0xb8;
	[tilespmem:$0x1C800] =	vst v63  }
0x3d1: {  	_ = 	snop  }
0x3d2: {  	[tilespmem:s15], [sflag:$0x2] =	stream.indirect_vreg.gather [hbm4b:s3+s1], $0x80, v4, vm0, $0xb8;
	[tilespmem:$0x1C800] =	vst v63  }
0x3d3: {  	v4 =	vld [tilespmem:s23+$0xA0A0];
	_ =	sdelay $0x4  }
0x3d4: {  	v5 =	vshll.u32 v4, $0x1  }
0x3d5: {  	v4 =	vand.u32 $0x7, v4;
	v5 =	vand.u32 $0xFFFFFFF0, v5  }
0x3d6: {  	v4 =	vor.u32 v4, v5  }
0x3d7: {  	v5 =	vperm.xlane v4, v0;
	_ =	sdelay $0x1  }
0x3d8: {  	v4 =	vperm.xlane v4, v3;
	v5 =	vadd.s32 v1, v5;
	_ =	sdelay $0x1  }
0x3d9: {  	v4 =	vadd.s32 v1, v4;
	_ =	sdelay $0x2  }
0x3da: {  	[tilespmem:s8], [sflag:$0x2] =	stream.indirect_vreg.gather [hbm4b:s3+s1], $0x80, v5, vm0, $0xb8;
	[tilespmem:$0x1C800] =	vst v63  }
0x3db: {  	_ = 	snop  }
0x3dc: {  	[tilespmem:s9], [sflag:$0x2] =	stream.indirect_vreg.gather [hbm4b:s3+s1], $0x80, v4, vm0, $0xb8;
	[tilespmem:$0x1C800] =	vst v63  }
0x3dd: {  	v4 =	vld [tilespmem:s23+$0xA0B0];
	_ =	sdelay $0x4  }
0x3de: {  	v5 =	vshll.u32 v4, $0x1  }
0x3df: {  	v4 =	vand.u32 $0x7, v4;
	v5 =	vand.u32 $0xFFFFFFF0, v5  }
0x3e0: {  	v4 =	vor.u32 v4, v5  }
0x3e1: {  	v5 =	vperm.xlane v4, v0;
	_ =	sdelay $0x1  }
0x3e2: {  	v4 =	vperm.xlane v4, v3;
	v5 =	vadd.s32 v1, v5;
	_ =	sdelay $0x1  }
0x3e3: {  	v4 =	vadd.s32 v1, v4;
	_ =	sdelay $0x2  }
0x3e4: {  	[tilespmem:s10], [sflag:$0x2] =	stream.indirect_vreg.gather [hbm4b:s3+s1], $0x80, v5, vm0, $0xb8;
	[tilespmem:$0x1C800] =	vst v63  }
0x3e5: {  	_ = 	snop  }
0x3e6: {  	[tilespmem:s11], [sflag:$0x2] =	stream.indirect_vreg.gather [hbm4b:s3+s1], $0x80, v4, vm0, $0xb8;
	[tilespmem:$0x1C800] =	vst v63  }
0x3e7: {  	v4 =	vld [tilespmem:s23+$0xA0C0];
	_ =	sdelay $0x4  }
0x3e8: {  	v5 =	vshll.u32 v4, $0x1  }
0x3e9: {  	v4 =	vand.u32 $0x7, v4;
	v5 =	vand.u32 $0xFFFFFFF0, v5  }
0x3ea: {  	v4 =	vor.u32 v4, v5  }
0x3eb: {  	v5 =	vperm.xlane v4, v0;
	_ =	sdelay $0x1  }
0x3ec: {  	v4 =	vperm.xlane v4, v3;
	v5 =	vadd.s32 v1, v5;
	_ =	sdelay $0x1  }
0x3ed: {  	v4 =	vadd.s32 v1, v4;
	_ =	sdelay $0x2  }
0x3ee: {  	[tilespmem:s12], [sflag:$0x2] =	stream.indirect_vreg.gather [hbm4b:s3+s1], $0x80, v5, vm0, $0xb8;
	[tilespmem:$0x1C800] =	vst v63  }
0x3ef: {  	_ = 	snop  }
0x3f0: {  	[tilespmem:s25], [sflag:$0x2] =	stream.indirect_vreg.gather [hbm4b:s3+s1], $0x80, v4, vm0, $0xb8;
	[tilespmem:$0x1C800] =	vst v63  }
0x3f1: {  	v4 =	vld [tilespmem:s23+$0xA0D0];
	_ =	sdelay $0x4  }
0x3f2: {  	v5 =	vshll.u32 v4, $0x1  }
0x3f3: {  	v4 =	vand.u32 $0x7, v4;
	v5 =	vand.u32 $0xFFFFFFF0, v5  }
0x3f4: {  	v4 =	vor.u32 v4, v5  }
0x3f5: {  	v5 =	vperm.xlane v4, v0;
	_ =	sdelay $0x1  }
0x3f6: {  	v4 =	vperm.xlane v4, v3;
	v5 =	vadd.s32 v1, v5;
	_ =	sdelay $0x1  }
0x3f7: {  	v4 =	vadd.s32 v1, v4;
	_ =	sdelay $0x2  }
0x3f8: {  	[tilespmem:s6], [sflag:$0x2] =	stream.indirect_vreg.gather [hbm4b:s3+s1], $0x80, v5, vm0, $0xb8;
	[tilespmem:$0x1C800] =	vst v63  }
0x3f9: {  	_ = 	snop  }
0x3fa: {  	[tilespmem:s14], [sflag:$0x2] =	stream.indirect_vreg.gather [hbm4b:s3+s1], $0x80, v4, vm0, $0xb8;
	[tilespmem:$0x1C800] =	vst v63  }
0x3fb: {  	v4 =	vld [tilespmem:s23+$0xA0E0];
	_ =	sdelay $0x4  }
0x3fc: {  	v5 =	vshll.u32 v4, $0x1  }
0x3fd: {  	v4 =	vand.u32 $0x7, v4;
	v5 =	vand.u32 $0xFFFFFFF0, v5  }
0x3fe: {  	v4 =	vor.u32 v4, v5  }
0x3ff: {  	v5 =	vperm.xlane v4, v0;
	_ =	sdelay $0x1  }
0x400: {  	v4 =	vperm.xlane v4, v3;
	v5 =	vadd.s32 v1, v5;
	_ =	sdelay $0x1  }
0x401: {  	v4 =	vadd.s32 v1, v4;
	_ =	sdelay $0x2  }
0x402: {  	[tilespmem:s16], [sflag:$0x2] =	stream.indirect_vreg.gather [hbm4b:s3+s1], $0x80, v5, vm0, $0xb8;
	[tilespmem:$0x1C800] =	vst v63  }
0x403: {  	_ = 	snop  }
0x404: {  	[tilespmem:s17], [sflag:$0x2] =	stream.indirect_vreg.gather [hbm4b:s3+s1], $0x80, v4, vm0, $0xb8;
	[tilespmem:$0x1C800] =	vst v63  }
0x405: {  	v4 =	vld [tilespmem:s23+$0xA0F0];
	_ =	sdelay $0x4  }
0x406: {  	v5 =	vshll.u32 v4, $0x1  }
0x407: {  	v4 =	vand.u32 $0x7, v4;
	v5 =	vand.u32 $0xFFFFFFF0, v5  }
0x408: {  	v4 =	vor.u32 v4, v5  }
0x409: {  	v5 =	vperm.xlane v4, v0;
	_ =	sdelay $0x1  }
0x40a: {  	v4 =	vperm.xlane v4, v3;
	v5 =	vadd.s32 v1, v5;
	_ =	sdelay $0x1  }
0x40b: {  	v4 =	vadd.s32 v1, v4;
	_ =	sdelay $0x1  }
0x40c: {  	p1 =	seq.s32 s22, $0x4C00  }
0x40d: {  	[tilespmem:s18], [sflag:$0x2] =	stream.indirect_vreg.gather [hbm4b:s3+s1], $0x80, v5, vm0, $0xb8;
	[tilespmem:$0x1C800] =	vst v63  }
.Ltmp17:
0x40e: {  	_ = 	snop;
	(pc) =	sbr.rel @p1 .LBB2_9-.Ltmp17, $4  }
0x40f: {  	[tilespmem:s19], [sflag:$0x2] =	stream.indirect_vreg.gather [hbm4b:s3+s1], $0x80, v4, vm0, $0xb8;
	[tilespmem:$0x1C800] =	vst v63  }
0x410: {  	_ =	swait.ge [sflag:s20], $0x8000  }
0x411: {  	[sflag:s20] =	ssyncset.done $0x0  }
0x412: {  	[sflag:s20] =	ssyncadd.s32 $0xFFFF8000  }
0x413: {  	v4 =	vld [tilespmem:s23+$0xA100];
	_ =	sdelay $0x4  }
0x414: {  	v5 =	vshll.u32 v4, $0x1  }
0x415: {  	v4 =	vand.u32 $0x7, v4;
	v5 =	vand.u32 $0xFFFFFFF0, v5  }
0x416: {  	v4 =	vor.u32 v4, v5  }
0x417: {  	v5 =	vperm.xlane v4, v0;
	_ =	sdelay $0x1  }
0x418: {  	v4 =	vperm.xlane v4, v3;
	v5 =	vadd.s32 v1, v5;
	_ =	sdelay $0x1  }
0x419: {  	v4 =	vadd.s32 v1, v4;
	_ =	sdelay $0x2  }
0x41a: {  	[tilespmem:s26], [sflag:$0x1] =	stream.indirect_vreg.gather [hbm4b:s3+s1], $0x80, v5, vm0, $0xb8;
	[tilespmem:$0x1C800] =	vst v63  }
0x41b: {  	_ = 	snop  }
0x41c: {  	[tilespmem:s24], [sflag:$0x1] =	stream.indirect_vreg.gather [hbm4b:s3+s1], $0x80, v4, vm0, $0xb8;
	[tilespmem:$0x1C800] =	vst v63  }
0x41d: {  	v4 =	vld [tilespmem:s23+$0xA110];
	_ =	sdelay $0x4  }
0x41e: {  	v5 =	vshll.u32 v4, $0x1  }
0x41f: {  	v4 =	vand.u32 $0x7, v4;
	v5 =	vand.u32 $0xFFFFFFF0, v5  }
0x420: {  	v4 =	vor.u32 v4, v5  }
0x421: {  	v5 =	vperm.xlane v4, v0;
	_ =	sdelay $0x1  }
0x422: {  	v4 =	vperm.xlane v4, v3;
	v5 =	vadd.s32 v1, v5;
	_ =	sdelay $0x1  }
0x423: {  	v4 =	vadd.s32 v1, v4;
	_ =	sdelay $0x1  }
0x424: {  	s28 =	simm.s32 $0xD800  }
0x425: {  	[tilespmem:s28], [sflag:$0x1] =	stream.indirect_vreg.gather [hbm4b:s3+s1], $0x80, v5, vm0, $0xb8;
	[tilespmem:$0x1C800] =	vst v63  }
0x426: {  	s28 =	simm.s32 $0xE000  }
0x427: {  	[tilespmem:s28], [sflag:$0x1] =	stream.indirect_vreg.gather [hbm4b:s3+s1], $0x80, v4, vm0, $0xb8;
	[tilespmem:$0x1C800] =	vst v63  }
0x428: {  	v4 =	vld [tilespmem:s23+$0xA120];
	_ =	sdelay $0x4  }
0x429: {  	v5 =	vshll.u32 v4, $0x1  }
0x42a: {  	v4 =	vand.u32 $0x7, v4;
	v5 =	vand.u32 $0xFFFFFFF0, v5  }
0x42b: {  	v4 =	vor.u32 v4, v5  }
0x42c: {  	v5 =	vperm.xlane v4, v0;
	_ =	sdelay $0x1  }
0x42d: {  	v4 =	vperm.xlane v4, v3;
	v5 =	vadd.s32 v1, v5;
	_ =	sdelay $0x1  }
0x42e: {  	v4 =	vadd.s32 v1, v4;
	_ =	sdelay $0x1  }
0x42f: {  	s28 =	simm.s32 $0xE800  }
0x430: {  	[tilespmem:s28], [sflag:$0x1] =	stream.indirect_vreg.gather [hbm4b:s3+s1], $0x80, v5, vm0, $0xb8;
	[tilespmem:$0x1C800] =	vst v63  }
0x431: {  	s28 =	simm.s32 $0xF000  }
0x432: {  	[tilespmem:s28], [sflag:$0x1] =	stream.indirect_vreg.gather [hbm4b:s3+s1], $0x80, v4, vm0, $0xb8;
	[tilespmem:$0x1C800] =	vst v63  }
0x433: {  	v4 =	vld [tilespmem:s23+$0xA130];
	_ =	sdelay $0x4  }
0x434: {  	v5 =	vshll.u32 v4, $0x1  }
0x435: {  	v4 =	vand.u32 $0x7, v4;
	v5 =	vand.u32 $0xFFFFFFF0, v5  }
0x436: {  	v4 =	vor.u32 v4, v5  }
0x437: {  	v5 =	vperm.xlane v4, v0;
	_ =	sdelay $0x1  }
0x438: {  	v4 =	vperm.xlane v4, v3;
	v5 =	vadd.s32 v1, v5;
	_ =	sdelay $0x1  }
0x439: {  	v4 =	vadd.s32 v1, v4;
	_ =	sdelay $0x1  }
0x43a: {  	s28 =	simm.s32 $0xF800  }
0x43b: {  	[tilespmem:s28], [sflag:$0x1] =	stream.indirect_vreg.gather [hbm4b:s3+s1], $0x80, v5, vm0, $0xb8;
	[tilespmem:$0x1C800] =	vst v63  }
0x43c: {  	s28 =	simm.s32 $0x10000  }
0x43d: {  	[tilespmem:s28], [sflag:$0x1] =	stream.indirect_vreg.gather [hbm4b:s3+s1], $0x80, v4, vm0, $0xb8;
	[tilespmem:$0x1C800] =	vst v63  }
0x43e: {  	v4 =	vld [tilespmem:s23+$0xA140];
	_ =	sdelay $0x4  }
0x43f: {  	v5 =	vshll.u32 v4, $0x1  }
0x440: {  	v4 =	vand.u32 $0x7, v4;
	v5 =	vand.u32 $0xFFFFFFF0, v5  }
0x441: {  	v4 =	vor.u32 v4, v5  }
0x442: {  	v5 =	vperm.xlane v4, v0;
	_ =	sdelay $0x1  }
0x443: {  	v4 =	vperm.xlane v4, v3;
	v5 =	vadd.s32 v1, v5;
	_ =	sdelay $0x1  }
0x444: {  	v4 =	vadd.s32 v1, v4;
	_ =	sdelay $0x1  }
0x445: {  	s28 =	simm.s32 $0x10800  }
0x446: {  	[tilespmem:s28], [sflag:$0x1] =	stream.indirect_vreg.gather [hbm4b:s3+s1], $0x80, v5, vm0, $0xb8;
	[tilespmem:$0x1C800] =	vst v63  }
0x447: {  	s28 =	simm.s32 $0x11000  }
0x448: {  	[tilespmem:s28], [sflag:$0x1] =	stream.indirect_vreg.gather [hbm4b:s3+s1], $0x80, v4, vm0, $0xb8;
	[tilespmem:$0x1C800] =	vst v63  }
0x449: {  	v4 =	vld [tilespmem:s23+$0xA150];
	_ =	sdelay $0x4  }
0x44a: {  	v5 =	vshll.u32 v4, $0x1  }
0x44b: {  	v4 =	vand.u32 $0x7, v4;
	v5 =	vand.u32 $0xFFFFFFF0, v5  }
0x44c: {  	v4 =	vor.u32 v4, v5  }
0x44d: {  	v5 =	vperm.xlane v4, v0;
	_ =	sdelay $0x1  }
0x44e: {  	v4 =	vperm.xlane v4, v3;
	v5 =	vadd.s32 v1, v5;
	_ =	sdelay $0x1  }
0x44f: {  	v4 =	vadd.s32 v1, v4;
	_ =	sdelay $0x1  }
0x450: {  	s28 =	simm.s32 $0x11800  }
0x451: {  	[tilespmem:s28], [sflag:$0x1] =	stream.indirect_vreg.gather [hbm4b:s3+s1], $0x80, v5, vm0, $0xb8;
	[tilespmem:$0x1C800] =	vst v63  }
0x452: {  	_ = 	snop  }
0x453: {  	[tilespmem:s29], [sflag:$0x1] =	stream.indirect_vreg.gather [hbm4b:s3+s1], $0x80, v4, vm0, $0xb8;
	[tilespmem:$0x1C800] =	vst v63  }
0x454: {  	v4 =	vld [tilespmem:s23+$0xA160];
	_ =	sdelay $0x4  }
0x455: {  	v5 =	vshll.u32 v4, $0x1  }
0x456: {  	v4 =	vand.u32 $0x7, v4;
	v5 =	vand.u32 $0xFFFFFFF0, v5  }
0x457: {  	v4 =	vor.u32 v4, v5  }
0x458: {  	v5 =	vperm.xlane v4, v0;
	_ =	sdelay $0x1  }
0x459: {  	v4 =	vperm.xlane v4, v3;
	v5 =	vadd.s32 v1, v5;
	_ =	sdelay $0x1  }
0x45a: {  	v4 =	vadd.s32 v1, v4;
	_ =	sdelay $0x2  }
0x45b: {  	[tilespmem:s30], [sflag:$0x1] =	stream.indirect_vreg.gather [hbm4b:s3+s1], $0x80, v5, vm0, $0xb8;
	[tilespmem:$0x1C800] =	vst v63  }
0x45c: {  	_ = 	snop  }
0x45d: {  	[tilespmem:s31], [sflag:$0x1] =	stream.indirect_vreg.gather [hbm4b:s3+s1], $0x80, v4, vm0, $0xb8;
	[tilespmem:$0x1C800] =	vst v63  }
0x45e: {  	v4 =	vld [tilespmem:s23+$0xA170];
	_ =	sdelay $0x4  }
0x45f: {  	v5 =	vshll.u32 v4, $0x1  }
0x460: {  	v4 =	vand.u32 $0x7, v4;
	v5 =	vand.u32 $0xFFFFFFF0, v5  }
0x461: {  	v4 =	vor.u32 v4, v5  }
0x462: {  	v5 =	vperm.xlane v4, v0;
	_ =	sdelay $0x1  }
0x463: {  	v4 =	vperm.xlane v4, v3;
	v5 =	vadd.s32 v1, v5;
	_ =	sdelay $0x1  }
0x464: {  	v4 =	vadd.s32 v1, v4  }
.Ltmp18:
0x465: {  	_ = 	snop;
	(pc) =	sbr.rel .LBB2_9-.Ltmp18, $4  }
0x466: {  	_ = 	snop  }
0x467: {  	[tilespmem:s0], [sflag:$0x1] =	stream.indirect_vreg.gather [hbm4b:s3+s1], $0x80, v5, vm0, $0xb8;
	[tilespmem:$0x1C800] =	vst v63  }
0x468: {  	_ = 	snop  }
0x469: {  	[tilespmem:s5], [sflag:$0x1] =	stream.indirect_vreg.gather [hbm4b:s3+s1], $0x80, v4, vm0, $0xb8;
	[tilespmem:$0x1C800] =	vst v63  }
.LBB2_10:
.Ltmp19:
0x46a: {  	(pc) =	sbr.rel .LBB2_20-.Ltmp19, $3  }
0x46b: {  	_ =	sdelay $0x1  }
0x46c: {  	s22 =	rddreg [dreg:$0x3]  }
0x46d: {  	s28 =	rddreg [dreg:$0xc]  }
.LBB2_21:
0x46e: {  	_ =	sfence.sel $0x180000  }
0x46f: {  	[bflag:$0x0] =	sbarrier.arrive $0xFFFF  }
0x470: {  	_ =	strace $0x9000004D  }
0x471: {  	s0 =	stileid.u32;
	[bflag:$0x2] =	sbarrier.arrive $0xFFFF  }
0x472: {  	p0 =	sne.s32 s0, $0x0;
	s0 =	rddreg [dreg:$0x2]  }
0x473: {  	s0 =	sadd.s32 @!p0 $0x100000, s0  }
0x474: {  	[sflag:s0] =	ssyncadd.tile.s32 @!p0 $0x1;
	_ =	shalt  }
.Lfunc_end2:
_tile_overlayer_lowered:
.L_overlay_start_2:
0x475: {  	(tag) =	ssettag $0x2  }
0x476: {  	s0 =	rddreg [dreg:$0x0];
	s2 =	stileid.u32  }
0x477: {  	s1 =	rddreg [dreg:$0x1];
	p0 =	sne.s32 s2, $0x0  }
0x478: {  	s3 =	rddreg [dreg:$0x2];
	[bflag:$0x3] =	sbarrier.arrive $0xFFFF;
	s2 =	simm.s32 @!p0 $0x1C03  }
0x479: {  	[timem:s3], [sflag:s2] =	dma.local @!p0 [hbm:s0], s1  }
0x47a: {  	s0 =	simm.s32 @!p0 $0x3  }
0x47b: {  	_ =	swait.ge @!p0 [sflag:s0], s1  }
0x47c: {  	s1 =	ssub.s32 @!p0 $0x0, s1;
	[sflag:s0] =	ssyncset.done @!p0 $0x0  }
0x47d: {  	[sflag:s0] =	ssyncadd.s32 @!p0 s1  }
0x47e: {  	[bflag:$0x3] =	sbarrier.arrive $0xFFFF  }
0x47f: {  	_ =	shalt  }

// kernel: kernel.8.cloned.1.call-start
scs
__scs_entry_jumppad:
0x0: {  	(pc) =	sbr.rel $0x88, $3  }
0x1: {  	(tag) =	ssettag $0x0;
	lr =	simm.s32 $0x1  }
0x2: {  	[smem:$0x3F9B] =	sst lr;
	_ =	strace $0xD0000000  }
0x3: {  	_ = 	snop  }
0x4: {  	_ = 	snop  }
0x5: {  	_ = 	snop  }
0x6: {  	_ = 	snop  }
0x7: {  	_ = 	snop  }
__scs_overlays_trampoline_lowered:
0x8: {  	[smem:$0x3FAA] =	sst s0  }
0x9: {  	[smem:$0x3FAB] =	sst s1  }
0xa: {  	[smem:$0x3FAC] =	sst s2  }
0xb: {  	[smem:$0x3FAD] =	sst s3  }
0xc: {  	[smem:$0x3FAE] =	sst s4  }
0xd: {  	[smem:$0x3FAF] =	sst s5  }
0xe: {  	[smem:$0x3FB0] =	sst s6  }
0xf: {  	[smem:$0x3FB1] =	sst s7  }
0x10: {  	[smem:$0x3FB2] =	sst s8  }
0x11: {  	[smem:$0x3FB3] =	sst s9;
	s0 =	simm.s32 @!p0 $0x0  }
0x12: {  	s1 =	sld [smem:$0x3F99];
	s0 =	simm.s32 @p0 $0x1  }
0x13: {  	[smem:$0x3FB4] =	sst s0;
	s0 =	simm.s32 @!p1 $0x0  }
0x14: {  	s2 =	sld [smem:$0x3F98];
	s0 =	simm.s32 @p1 $0x1  }
0x15: {  	[smem:$0x3FB5] =	sst s0;
	s0 =	simm.s32 @!p2 $0x0  }
0x16: {  	s3 =	sld [smem:$0x3FDB];
	s0 =	simm.s32 @p2 $0x1  }
0x17: {  	s4 =	simm.s32 $0x1BF5;
	[smem:$0x3FB7] =	sst s0  }
0x18: {  	s0 =	sld [smem:$0x3F9A];
	_ =	swait.ge [sflag:s4], $0x0  }
0x19: {  	s7 =	sld [smem:$0x3F9B]  }
0x1a: {  	s8 =	sadd.s32 $0xFFFFE003, lr  }
0x1b: {  	s9 =	sadd.s32 $0xFFFFFEF7, lr;
	s5 =	simm.s32 $0xFFFFFFFF;
	p2 =	slt.u32 s8, $0xFFFFF086  }
0x1c: {  	p1 =	slt.u32 s9, $0xF7A;
	s5 =	simm.s32 @!p2 $0x0  }
0x1d: {  	s5 =	simm.s32 @p1 $0x1;
	p0 =	seq.s32 s7, s2  }
0x1e: {  	s7 =	smul.u32 @!p0 $0xF7A, s2;
	p2 =	seq.s32 @!p0 s5, $0x0  }
0x1f: {  	s9 =	smul.u32 $0xF7A, s1;
	s8 =	simm.s32 @!p0 $0x1BF5;
	p2 =	por !p2, p0  }
0x20: {  	[sflag:s8] =	ssyncset.s32 @!p0 $0xFFFFF086;
	s6 =	sadd.s32 @!p0 s3, s7;
	s7 =	simm.s32 @!p0 $0x108  }
0x21: {  	s3 =	sadd.s32 s3, s9;
	s6 =	sadd.s32 @!p0 $0x88, s6;
	s7 =	simm.s32 @p2 $0x1082  }
0x22: {  	[simem:s7], [sflag:s8] =	dma.local @!p0 [hbm:s6], $0xF7A  }
0x23: {  	s9 =	sor.u32 $0xD0000000, s2;
	s6 =	simm.s32 $0x108;
	_ =	swait.ge @!p0 [sflag:s8], $0x0  }
0x24: {  	s3 =	sadd.s32 $0x88, s3;
	s6 =	simm.s32 @!p1 $0x1082;
	[sflag:s4] =	ssyncset.s32 $0xFFFFF086  }
0x25: {  	[simem:s6], [sflag:s4] =	dma.local [hbm:s3], $0xF7A  }
0x26: {  	[smem:$0x3F9B] =	sst s1;
	(tag) =	ssettag s2;
	_ =	strace s9  }
0x27: {  	s1 =	sld [smem:$0x3FAB]  }
0x28: {  	s2 =	sld [smem:$0x3FAC]  }
0x29: {  	s4 =	sld [smem:$0x3FAE]  }
0x2a: {  	p0 =	seq.s32 s5, $0x0;
	s5 =	sld [smem:$0x3FAF]  }
0x2b: {  	s6 =	sld [smem:$0x3FB0]  }
0x2c: {  	s7 =	sld [smem:$0x3FB1]  }
0x2d: {  	s3 =	simm.s32 $0x108;
	s8 =	sld [smem:$0x3FB2]  }
0x2e: {  	s3 =	simm.s32 @!p0 $0x1082;
	s9 =	sld [smem:$0x3FB3]  }
0x2f: {  	lr =	sadd.s32 s0, s3;
	s0 =	sld [smem:$0x3FAA]  }
0x30: {  	s3 =	sld [smem:$0x3FAD]  }
0x31: {  	[smem:$0x3FB6] =	sst s10  }
0x32: {  	s10 =	sld [smem:$0x3FB4];
	_ =	sdelay $0x3  }
0x33: {  	p0 =	seq.s32 s10, $0x1;
	s10 =	sld [smem:$0x3FB6];
	_ =	sdelay $0x3  }
0x34: {  	[smem:$0x3FB6] =	sst s10  }
0x35: {  	s10 =	sld [smem:$0x3FB5];
	_ =	sdelay $0x3  }
0x36: {  	p1 =	seq.s32 s10, $0x1;
	s10 =	sld [smem:$0x3FB6];
	_ =	sdelay $0x3  }
0x37: {  	[smem:$0x3FB6] =	sst s10  }
0x38: {  	s10 =	sld [smem:$0x3FB7]  }
0x39: {  	_ = 	snop;
	(pc) =	sbr.ind lr, $3  }
0x3a: {  	_ = 	snop  }
0x3b: {  	_ = 	snop  }
0x3c: {  	p2 =	seq.s32 s10, $0x1;
	s10 =	sld [smem:$0x3FB6]  }
0x3d: {  	_ =	shalt  }
0x3e: {  	_ =	shalt  }
0x3f: {  	_ =	shalt  }
0x40: {  	_ =	shalt  }
0x41: {  	_ =	shalt  }
0x42: {  	_ =	shalt  }
0x43: {  	_ =	shalt  }
0x44: {  	_ =	shalt  }
0x45: {  	_ =	shalt  }
0x46: {  	_ =	shalt  }
0x47: {  	_ =	shalt  }
0x48: {  	_ =	shalt  }
0x49: {  	_ =	shalt  }
0x4a: {  	_ =	shalt  }
0x4b: {  	_ =	shalt  }
0x4c: {  	_ =	shalt  }
0x4d: {  	_ =	shalt  }
0x4e: {  	_ =	shalt  }
0x4f: {  	_ =	shalt  }
0x50: {  	_ =	shalt  }
0x51: {  	_ =	shalt  }
0x52: {  	_ =	shalt  }
0x53: {  	_ =	shalt  }
0x54: {  	_ =	shalt  }
0x55: {  	_ =	shalt  }
0x56: {  	_ =	shalt  }
0x57: {  	_ =	shalt  }
0x58: {  	_ =	shalt  }
0x59: {  	_ =	shalt  }
0x5a: {  	_ =	shalt  }
0x5b: {  	_ =	shalt  }
0x5c: {  	_ =	shalt  }
0x5d: {  	_ =	shalt  }
0x5e: {  	_ =	shalt  }
0x5f: {  	_ =	shalt  }
0x60: {  	_ =	shalt  }
0x61: {  	_ =	shalt  }
0x62: {  	_ =	shalt  }
0x63: {  	_ =	shalt  }
0x64: {  	_ =	shalt  }
0x65: {  	_ =	shalt  }
0x66: {  	_ =	shalt  }
0x67: {  	_ =	shalt  }
0x68: {  	_ =	shalt  }
0x69: {  	_ =	shalt  }
0x6a: {  	_ =	shalt  }
0x6b: {  	_ =	shalt  }
0x6c: {  	_ =	shalt  }
0x6d: {  	_ =	shalt  }
0x6e: {  	_ =	shalt  }
0x6f: {  	_ =	shalt  }
0x70: {  	_ =	shalt  }
0x71: {  	_ =	shalt  }
0x72: {  	_ =	shalt  }
0x73: {  	_ =	shalt  }
0x74: {  	_ =	shalt  }
0x75: {  	_ =	shalt  }
0x76: {  	_ =	shalt  }
0x77: {  	_ =	shalt  }
0x78: {  	_ =	shalt  }
0x79: {  	_ =	shalt  }
0x7a: {  	_ =	shalt  }
0x7b: {  	_ =	shalt  }
0x7c: {  	_ =	shalt  }
0x7d: {  	_ =	shalt  }
0x7e: {  	_ =	shalt  }
0x7f: {  	_ =	shalt  }
0x80: {  	_ =	shalt  }
0x81: {  	_ =	shalt  }
0x82: {  	_ =	shalt  }
0x83: {  	_ =	shalt  }
0x84: {  	_ =	shalt  }
0x85: {  	_ =	shalt  }
0x86: {  	_ =	shalt  }
0x87: {  	_ =	shalt  }
.Lfunc_end0:
.L_simem_size_0:
called_computation_lowered:
.L_overlay_start_0:
0x88: {  	s2 =	sld [smem:$0x3FD9]  }
0x89: {  	s3 =	sld [smem:$0x3FFE];
	_ =	sdelay $0x1  }
0x8a: {  	s1 =	srdreg.scid  }
0x8b: {  	s0 =	sand.u32 $0x1, s1  }
0x8c: {  	s17 =	sshll.u32 s0, $0xA;
	s2 =	sadd.s32 s3, s2  }
0x8d: {  	s2 =	sadd.s32 s2, s17  }
0x8e: {  	[smem:$0x3FC2] =	sst s2  }
0x8f: {  	_ = 	snop  }
0x90: {  	s2 =	sld [smem:$0x3FD0];
	(tm) =	ssettm $0x1  }
0x91: {  	s18 =	sld [smem:$0x3FFB];
	_ =	sdelay $0x3  }
0x92: {  	_ =	strace s18  }
0x93: {  	s3 =	sld [smem:$0x3FFC];
	_ =	sdelay $0x3  }
0x94: {  	_ =	strace s3  }
0x95: {  	s3 =	sld [smem:$0x3FFD];
	_ =	sdelay $0x3  }
0x96: {  	_ =	strace s3  }
0x97: {  	_ =	strace $0x8FFFFFFF  }
0x98: {  	s19 =	sld [smem:$0x3FDB];
	_ =	sdelay $0x1  }
0x99: {  	s4 =	simm.s32 $_scs_section_size  }
0x9a: {  	s5 =	simm.s32 $_size__tile_overlayer_lowered;
	s6 =	simm.s32 $_tile_overlayer_lowered  }
0x9b: {  	s22 =	simm.s32 $0x1BFF;
	s21 =	sshll.u32 s6, $0x1;
	s3 =	sadd.s32 s4, s19  }
0x9c: {  	s7 =	simm.s32 $0x0;
	s20 =	sshll.u32 s5, $0x1;
	s5 =	sadd.s32 s21, s3  }
0x9d: {  	[timem:s7], [sflag:s22] =	dma.local [hbm:s5], s20  }
0x9e: {  	_ =	swait.ge [sflag:s22], s20  }
0x9f: {  	s4 =	ssub.s32 $0x0, s20;
	[sflag:s22] =	ssyncset.done $0x0  }
0xa0: {  	[sflag:s22] =	ssyncadd.s32 s4;
	_ =	sdelay $0x1  }
0xa1: {  	s23 =	simm.s32 $0x1B8B  }
0xa2: {  	_ =	swait.ge [sflag:s23], $0x1  }
0xa3: {  	[sflag:s23] =	ssyncset.done $0x0  }
0xa4: {  	s25 =	simm.s32 $0x1B8E;
	s24 =	sld [smem:$0x3FFE];
	[sflag:s23] =	ssyncadd.s32 $0xFFFFFFFF  }
0xa5: {  	s26 =	simm.s32 $execute0_lowered;
	[smem:$0x3FD2] =	sst s25  }
0xa6: {  	s5 =	sshll.u32 s26, $0x1;
	_ =	strace $0x80000046;
	[dreg:$0x1] =	wrdreg $0xFFFFFFFF  }
0xa7: {  	s28 =	simm.s32 $_size_execute0_lowered;
	s3 =	sadd.s32 s3, s5;
	[dreg:$0x0] =	wrdreg $0x0  }
0xa8: {  	s5 =	sshll.u32 s28, $0x1;
	[dreg:$0x2] =	wrdreg s3  }
0xa9: {  	[dreg:$0x3] =	wrdreg s5  }
0xaa: {  	[dreg:$0x4] =	wrdreg $0xC0  }
0xab: {  	_ =	task [dreg:s7], $0x5FFFF  }
0xac: {  	[dreg:$0x1] =	wrdreg $0xFFFFFFFF  }
0xad: {  	[dreg:$0x0] =	wrdreg $0x60  }
0xae: {  	[dreg:$0x2] =	wrdreg s24  }
0xaf: {  	[dreg:$0x3] =	wrdreg s2  }
0xb0: {  	[dreg:$0x4] =	wrdreg $0x9  }
0xb1: {  	_ =	task.clear_ibuf [dreg:s7], $0x5FFFF;
	_ =	strace $0x90000046  }
0xb2: {  	s29 =	simm.s32 $0x9;
	_ =	strace $0x80000048  }
0xb3: {  	_ =	swait.ge [sflag:s29], $0x1  }
0xb4: {  	[sflag:s29] =	ssyncadd.s32 $0xFFFFFFFF  }
0xb5: {  	_ =	strace $0x90000048  }
0xb6: {  	_ =	sfence  }
0xb7: {  	s30 =	sld [smem:$0x0];
	_ =	sdelay $0x2  }
0xb8: {  	s31 =	sshll.u32 s1, $0xD;
	s1 =	sshrl.u32 s1, $0x2  }
0xb9: {  	s3 =	sand.u32 $0x4000, s31;
	s1 =	sadd.s32 s1, s30  }
0xba: {  	s0 =	sor.u32 s3, s0;
	s1 =	sshll.u32 s1, $0x11  }
0xbb: {  	s0 =	sor.u32 s1, s0  }
0xbc: {  	s0 =	sadd.s32 $0x8F2B, s0  }
0xbd: {  	[sflag:s0] =	ssyncadd.remote.s32 $0x1  }
0xbe: {  	_ =	sfence.sel $0xFFFF  }
0xbf: {  	[dreg:$0x0] =	wrdreg $0xFFFFFFFF;
	(pc) =	sbr.abs _section_cstart, $3  }
0xc0: {  	[dreg:$0x1] =	wrdreg $0xFFFFFFFF  }
0xc1: {  	_ =	task.clear_ibuf [dreg:s7], $0x2FFFF;
	_ =	strace $0x9FFFFFFF  }
0xc2: {  	(tm) =	ssettm $0x7FFFFFFF  }
0xc3: {  	_ =	shalt  }
tec
execute0_lowered:
.L_overlay_start_1:
0x0: {  	(tag) =	ssettag $0x1  }
0x1: {  	s0 =	srdreg.scid;
	s3 =	rddreg [dreg:$0x0]  }
0x2: {  	s5 =	rddreg [dreg:$0x1];
	s1 =	stileid.u32  }
0x3: {  	s9 =	simm.s32 $0x80;
	s10 =	simm.s32 $0x400;
	s4 =	sand.u32 $0x1, s0  }
0x4: {  	s11 =	simm.s32 $0x0;
	s8 =	sshll.u32 s1, $0x7;
	s2 =	sshll.u32 s4, $0x4  }
0x5: {  	s0 =	rddreg [dreg:$0x2];
	s8 =	sand.u32 $0x380, s8;
	s6 =	sor.u32 s1, s2  }
0x6: {  	s2 =	simm.s32 $0x0;
	s7 =	smul.u32 $0x280, s6;
	s6 =	sshrl.u32 s6, $0x3  }
0x7: {  	s4 =	ssub.s32 $0x2, s4;
	[smem:$0x7FF] =	sst s2;
	s6 =	smul.u32 $0x14000, s6  }
0x8: {  	s31 =	sshrl.u32 s4, $0x1;
	_ =	strace $0x80000047;
	s7 =	sadd.s32 s7, s3  }
0x9: {  	s3 =	sadd.s32 $0x7600, s3;
	s6 =	sor.u32 s8, s6;
	s8 =	ssub.s32 s4, s31  }
0xa: {  	s4 =	sadd.s32 $0x2600, s7;
	s7 =	simm.s32 $0x1;
	s6 =	sshrl.u32 s6, $0x3  }
0xb: {  	v0 =	vimm.f32 $1.000000000e+00;
	s5 =	sadd.s32 s5, s6;
	s6 =	smax.u32 s8, $0x1;
	s8 =	simm.s32 $0x2800  }
.LBB2_1:
0xc: {  	[tilespmem:s2], [sflag:$0x1] =	stream.linear.gather [hbm4b:s3+s2], $0x2800, $0x38;
	[tilespmem:$0x3C00] =	vst v63  }
0xd: {  	_ =	swait.ge [sflag:s7], $0x2800  }
0xe: {  	[sflag:s7] =	ssyncset.done $0x0  }
0xf: {  	[sflag:s7] =	ssyncadd.s32 $0xFFFFD800  }
0x10: {  	[tilespmem:s8], [sflag:$0x1] =	stream.linear.gather [hbm4b:s4+s2], $0x1400, $0x38;
	[tilespmem:$0x3C00] =	vst v63  }
0x11: {  	_ =	swait.ge [sflag:s7], $0x1400  }
0x12: {  	[sflag:s7] =	ssyncset.done $0x0  }
0x13: {  	s13 =	simm.s32 $0x0;
	s12 =	simm.s32 $0x40;
	[sflag:s7] =	ssyncadd.s32 $0xFFFFEC00  }
.LBB2_2:
0x14: {  	p0 =	sne.s32 s12, $0x4FC0;
	v1 =	vld [tilespmem:s13+$0x2800];
	_ =	sdelay $0x3  }
.Ltmp0:
0x15: {  	(pc) =	sbr.rel @p0 .LBB2_2-.Ltmp0, $2  }
0x16: {  	_ =	sdelay $0x2  }
0x17: {  	s13 =	sshra.s32 s12, $0x2;
	s12 =	sadd.s32 $0x40, s12;
	[tilespmem:v1+s2+$0x0] =	vst.idx.add.f32.msk $0xffff, v0  }
0x18: {  	v1 =	vld [tilespmem:s13+$0x2800];
	_ =	sdelay $0x5  }
0x19: {  	s11 =	sadd.s32 $0x1, s11  }
0x1a: {  	p0 =	sne.s32 s11, s6  }
.Ltmp1:
0x1b: {  	[tilespmem:v1+s2+$0x0] =	vst.idx.add.f32.msk $0xffff, v0;
	(pc) =	sbr.rel @p0 .LBB2_1-.Ltmp1, $4  }
0x1c: {  	[hbm4b:s5+s9] =	stream.strided.scatter [tilespmem:s2], [sflag:$0x1], $0x2800, s10, s9, $0x38;
	[tilespmem:$0x3C00] =	vst v63  }
0x1d: {  	_ =	swait.ge [sflag:s7], $0x2800  }
0x1e: {  	[sflag:s7] =	ssyncset.done $0x0  }
0x1f: {  	[sflag:s7] =	ssyncadd.s32 $0xFFFFD800  }
0x20: {  	_ =	sfence.sel $0x180000  }
0x21: {  	[bflag:$0x0] =	sbarrier.arrive $0xFFFF  }
0x22: {  	p0 =	sne.s32 s1, $0x0;
	_ =	strace $0x90000047  }
0x23: {  	s0 =	sadd.s32 @!p0 $0x100000, s0;
	[bflag:$0x2] =	sbarrier.arrive $0xFFFF  }
0x24: {  	[sflag:s0] =	ssyncadd.tile.s32 @!p0 $0x1;
	_ =	shalt  }
.Lfunc_end2:
_tile_overlayer_lowered:
.L_overlay_start_2:
0x25: {  	(tag) =	ssettag $0x2  }
0x26: {  	s0 =	rddreg [dreg:$0x0];
	s2 =	stileid.u32  }
0x27: {  	s1 =	rddreg [dreg:$0x1];
	p0 =	sne.s32 s2, $0x0  }
0x28: {  	s3 =	rddreg [dreg:$0x2];
	[bflag:$0x3] =	sbarrier.arrive $0xFFFF;
	s2 =	simm.s32 @!p0 $0x1C01  }
0x29: {  	[timem:s3], [sflag:s2] =	dma.local @!p0 [hbm:s0], s1  }
0x2a: {  	s0 =	simm.s32 @!p0 $0x1  }
0x2b: {  	_ =	swait.ge @!p0 [sflag:s0], s1  }
0x2c: {  	s1 =	ssub.s32 @!p0 $0x0, s1;
	[sflag:s0] =	ssyncset.done @!p0 $0x0  }
0x2d: {  	[sflag:s0] =	ssyncadd.s32 @!p0 s1  }
0x2e: {  	[bflag:$0x3] =	sbarrier.arrive $0xFFFF  }
0x2f: {  	_ =	shalt  }

</sc_bundles>
